<compile_context>
chip_gen: v7x
topology: tpu7x:2x2x1
jax: 0.10.2.dev20260603
libtpu: 0.0.44.dev20260713+nightly
codegen_flags: <defaults>
</compile_context>

<pallas_src>
import functools
import math

import jax
import jax.numpy as jnp
from jax.experimental import pallas as pl
from jax.experimental.pallas import tpu as pltpu

N_NODES = 10000
N_EDGES = 160000
RATIO = 0.9




def _mm_body(x_ref, w_ref, o_ref):
    o_ref[...] = jnp.dot(x_ref[...], w_ref[...], preferred_element_type=jnp.float32)


def _pad_rows(x, bm):
    m = x.shape[0]
    mp = ((m + bm - 1) // bm) * bm
    if mp != m:
        x = jnp.pad(x, ((0, mp - m), (0, 0)))
    return x, mp


def _pick_bm(m):
    for bm in (2000, 1800, 1000, 904, 512):
        if m % bm == 0:
            return bm
    return None


def mm(x, W, bm=None):
    m, k = x.shape
    n = W.shape[1]
    if bm is None:
        bm = _pick_bm(m) or 1024
    xp, mp = _pad_rows(x, bm)
    out = pl.pallas_call(
        _mm_body,
        grid=(mp // bm,),
        in_specs=[
            pl.BlockSpec((bm, k), lambda i: (i, 0)),
            pl.BlockSpec((k, n), lambda i: (0, 0)),
        ],
        out_specs=pl.BlockSpec((bm, n), lambda i: (i, 0)),
        out_shape=jax.ShapeDtypeStruct((mp, n), jnp.float32),
    )(xp, W)
    return out[:m]


def _head_body(h_ref, w_ref, b_ref, o_ref, acc_ref, *, n_rows, n_cls):
    i = pl.program_id(0)
    nsteps = pl.num_programs(0)

    @pl.when(i == 0)
    def _():
        acc_ref[...] = jnp.zeros_like(acc_ref)

    acc_ref[...] += jnp.sum(h_ref[...], axis=0, keepdims=True)

    @pl.when(i == nsteps - 1)
    def _():
        g = acc_ref[...] / n_rows
        logits = jnp.dot(g, w_ref[...], preferred_element_type=jnp.float32)
        logits = logits + b_ref[...]
        col = jax.lax.broadcasted_iota(jnp.int32, logits.shape, 1)
        valid = col < n_cls
        neg = jnp.float32(-1e30)
        lm = jnp.where(valid, logits, neg)
        mx = jnp.max(lm)
        ex = jnp.where(valid, jnp.exp(lm - mx), 0.0)
        lse = jnp.log(jnp.sum(ex))
        o_ref[...] = lm - mx - lse


def head(h, Wlin, blin, bm=1024):
    m, k = h.shape
    n_cls = Wlin.shape[1]
    hp, mp = _pad_rows(h, bm)
    wp = jnp.zeros((k, 128), jnp.float32).at[:, :n_cls].set(Wlin)
    bp = jnp.zeros((1, 128), jnp.float32).at[0, :n_cls].set(blin)
    out = pl.pallas_call(
        functools.partial(_head_body, n_rows=m, n_cls=n_cls),
        grid=(mp // bm,),
        in_specs=[
            pl.BlockSpec((bm, k), lambda i: (i, 0)),
            pl.BlockSpec((k, 128), lambda i: (0, 0)),
            pl.BlockSpec((1, 128), lambda i: (0, 0)),
        ],
        out_specs=pl.BlockSpec((1, 128), lambda i: (0, 0)),
        out_shape=jax.ShapeDtypeStruct((1, 128), jnp.float32),
        scratch_shapes=[pltpu.VMEM((1, k), jnp.float32)],
    )(hp, wp, bp)
    return out[:, :n_cls]




def _gcn_conv(x, src, dst, w_edge, W, b, n):
    h = mm(x, W)
    loop = jnp.arange(n, dtype=src.dtype)
    src_c = jnp.concatenate([src, loop])
    dst_c = jnp.concatenate([dst, loop])
    w_c = jnp.concatenate([w_edge, jnp.ones((n,), x.dtype)])
    deg = jax.ops.segment_sum(w_c, dst_c, num_segments=n)
    dinv = jnp.where(deg > 0, 1.0 / jnp.sqrt(deg), 0.0)
    norm = dinv[src_c] * dinv[dst_c] * w_c
    out = jax.ops.segment_sum(h[src_c] * norm[:, None], dst_c, num_segments=n)
    return out + b


def _topk_pool(x, src, dst, w_edge, p, n):
    score = jnp.tanh((x @ p) / jnp.linalg.norm(p))
    k = int(math.ceil(RATIO * n))
    vals, perm = jax.lax.top_k(score, k)
    x_new = x[perm] * vals[:, None]
    mapping = (
        jnp.full((n,), -1, dtype=jnp.int32)
        .at[perm]
        .set(jnp.arange(k, dtype=jnp.int32))
    )
    ms = mapping[src]
    md = mapping[dst]
    valid = (ms >= 0) & (md >= 0) & (w_edge > 0)
    new_src = jnp.where(valid, ms, 0)
    new_dst = jnp.where(valid, md, 0)
    new_w = valid.astype(x.dtype)
    return x_new, new_src, new_dst, new_w, perm, k


def kernel(x, edge_index, W1, b1, W2, b2, W3, b3, p1, W4, b4, W5, b5, W6, b6, p2, Wlin, blin):
    src = edge_index[0]
    dst = edge_index[1]
    w_e = jnp.ones((N_EDGES,), jnp.float32)

    h = jax.nn.relu(_gcn_conv(x, src, dst, w_e, W1, b1, N_NODES))
    h = jax.nn.relu(_gcn_conv(h, src, dst, w_e, W2, b2, N_NODES))
    h = jax.nn.relu(_gcn_conv(h, src, dst, w_e, W3, b3, N_NODES))
    h, src, dst, w_e, perm1, n1 = _topk_pool(h, src, dst, w_e, p1, N_NODES)
    h = jax.nn.relu(_gcn_conv(h, src, dst, w_e, W4, b4, n1))
    h = jax.nn.relu(_gcn_conv(h, src, dst, w_e, W5, b5, n1))
    h = jax.nn.relu(_gcn_conv(h, src, dst, w_e, W6, b6, n1))
    h, src, dst, w_e, perm2, n2 = _topk_pool(h, src, dst, w_e, p2, n1)

    logits = head(h, Wlin, blin)
    return (logits, perm1, perm2)

# --- scband reference (transcript-rebuilt; emitter-appended) ---
"""Pipeline reference for scband-gnnpool-24696061952388 (READ-ONLY COPY).

The authoritative reference and input builder live on the scoring server;
editing this copy changes nothing except your own understanding.
"""

import jax, jax.numpy as jnp
import numpy as np
import math

N_NODES = 10000
N_EDGES = 160000
IN_CH = 128
OUT_CH = 10
RATIO = 0.9


def gcn_conv(x, src, dst, w_edge, W, b, n):
    # GCNConv with added self-loops and symmetric normalization; w_edge masks invalid edges.
    h = x @ W
    loop = jnp.arange(n, dtype=src.dtype)
    src_c = jnp.concatenate([src, loop])
    dst_c = jnp.concatenate([dst, loop])
    w_c = jnp.concatenate([w_edge, jnp.ones((n,), x.dtype)])
    deg = jax.ops.segment_sum(w_c, dst_c, num_segments=n)
    dinv = jnp.where(deg > 0, 1.0 / jnp.sqrt(deg), 0.0)
    norm = dinv[src_c] * dinv[dst_c] * w_c
    out = jax.ops.segment_sum(h[src_c] * norm[:, None], dst_c, num_segments=n)
    return out + b


def topk_pool(x, src, dst, w_edge, p, ratio, n):
    # PyG TopKPooling: score = tanh((x @ p)/||p||); keep top ceil(ratio*n); x' = x[perm]*score[perm]
    score = jnp.tanh((x @ p) / jnp.linalg.norm(p))
    k = int(math.ceil(ratio * n))
    vals, perm = jax.lax.top_k(score, k)
    x_new = x[perm] * vals[:, None]
    mapping = jnp.full((n,), -1, dtype=jnp.int32).at[perm].set(jnp.arange(k, dtype=jnp.int32))
    ms = mapping[src]
    md = mapping[dst]
    valid = (ms >= 0) & (md >= 0) & (w_edge > 0)
    new_src = jnp.where(valid, ms, 0)
    new_dst = jnp.where(valid, md, 0)
    new_w = valid.astype(x.dtype)
    return x_new, new_src, new_dst, new_w, perm, k


def setup_inputs(seed: int = 0):
    key = jax.random.key(seed)
    ks = jax.random.split(key, 24)

    def w(k, shape):
        return jax.random.normal(k, shape, dtype=jnp.float32) * 0.05

    inp = {}
    inp["x"] = jax.random.normal(ks[0], (N_NODES, IN_CH), dtype=jnp.float32)
    inp["edge_index"] = jax.random.randint(ks[1], (2, N_EDGES), 0, N_NODES, dtype=jnp.int32)
    inp["W1"] = w(ks[2], (IN_CH, 64));   inp["b1"] = w(ks[3], (64,))
    inp["W2"] = w(ks[4], (64, 128));     inp["b2"] = w(ks[5], (128,))
    inp["W3"] = w(ks[6], (128, 256));    inp["b3"] = w(ks[7], (256,))
    inp["p1"] = w(ks[8], (256,))
    inp["W4"] = w(ks[9], (256, 256));    inp["b4"] = w(ks[10], (256,))
    inp["W5"] = w(ks[11], (256, 512));   inp["b5"] = w(ks[12], (512,))
    inp["W6"] = w(ks[13], (512, 1024));  inp["b6"] = w(ks[14], (1024,))
    inp["p2"] = w(ks[15], (1024,))
    inp["Wlin"] = w(ks[16], (1024, OUT_CH)); inp["blin"] = w(ks[17], (OUT_CH,))
    return inp


def reference(x, edge_index, W1, b1, W2, b2, W3, b3, p1, W4, b4, W5, b5, W6, b6, p2, Wlin, blin):
    src = edge_index[0]
    dst = edge_index[1]
    w_e = jnp.ones((src.shape[0],), x.dtype)
    # dropout is identity in eval mode
    h = jax.nn.relu(gcn_conv(x, src, dst, w_e, W1, b1, N_NODES))
    h = jax.nn.relu(gcn_conv(h, src, dst, w_e, W2, b2, N_NODES))
    h = jax.nn.relu(gcn_conv(h, src, dst, w_e, W3, b3, N_NODES))
    h, src, dst, w_e, perm1, n1 = topk_pool(h, src, dst, w_e, p1, RATIO, N_NODES)
    h = jax.nn.relu(gcn_conv(h, src, dst, w_e, W4, b4, n1))
    h = jax.nn.relu(gcn_conv(h, src, dst, w_e, W5, b5, n1))
    h = jax.nn.relu(gcn_conv(h, src, dst, w_e, W6, b6, n1))
    h, src, dst, w_e, perm2, n2 = topk_pool(h, src, dst, w_e, p2, RATIO, n1)
    # global_mean_pool with batch=None -> single graph mean over kept nodes
    g = jnp.mean(h, axis=0, keepdims=True)
    logits = g @ Wlin + blin
    return (jax.nn.log_softmax(logits, axis=1), perm1, perm2)

if __name__ == "__main__":
    import jax
    _d = setup_inputs()
    print(jax.jit(kernel)(*tuple(_d.values())))

</pallas_src>

<mosaic_0001>
module attributes {stable_mosaic.version = 14 : i64} {
  func.func @_mm_body(%arg0: i32, %arg1: memref<2000x128xf32, #tpu.memory_space<vmem>>, %arg2: memref<128x64xf32, #tpu.memory_space<vmem>>, %arg3: memref<2000x64xf32, #tpu.memory_space<vmem>>) attributes {dimension_semantics = [#tpu.dimension_semantics<arbitrary>], iteration_bounds = array<i64: 5>, scalar_prefetch = 0 : i64, scratch_operands = 0 : i64, tpu.core_type = #tpu.core_type<tc>, window_params = [{transform_indices = @transform_0, window_bounds = array<i64: 2000, 128>}, {pipeline_mode = #tpu.pipeline_mode<synchronous>, transform_indices = @transform_1, window_bounds = array<i64: 128, 64>}, {transform_indices = @transform_2, window_bounds = array<i64: 2000, 64>}]} {
    %get3A = arith.constant 0 : index
    %get3A_0 = arith.constant 0 : index
    %get3A_1 = vector.load %arg1[%get3A, %get3A_0] : memref<2000x128xf32, #tpu.memory_space<vmem>>, vector<2000x128xf32>
    %get3A_2 = arith.constant 0 : index
    %get3A_3 = arith.constant 0 : index
    %get3A_4 = vector.load %arg2[%get3A_2, %get3A_3] : memref<128x64xf32, #tpu.memory_space<vmem>>, vector<128x64xf32>
    %dot_general3A = arith.constant dense<0.000000e+00> : vector<2000x64xf32>
    %dot_general3A_5 = tpu.matmul %get3A_1, %get3A_4, %dot_general3A {dimension_numbers = #tpu.dot_dimension_numbers<[1], [0], [0], [1], [0, 0, 1, 1], [], []>, transpose_lhs_hint = false} : vector<2000x128xf32>, vector<128x64xf32>, vector<2000x64xf32> -> vector<2000x64xf32>
    %swap3A = arith.constant 0 : index
    %swap3A_6 = arith.constant 0 : index
    %swap3A_7 = vector.load %arg3[%swap3A, %swap3A_6] : memref<2000x64xf32, #tpu.memory_space<vmem>>, vector<2000x64xf32>
    tpu.vector_store %arg3[%swap3A, %swap3A_6], %dot_general3A_5 {strides = array<i32>} : memref<2000x64xf32, #tpu.memory_space<vmem>>, vector<2000x64xf32>,
    return
  }
  func.func @transform_0(%arg0: i32) -> (i32, i32) {
    %c0_i32 = arith.constant 0 : i32
    %c0_i32_0 = arith.constant 0 : i32
    return %arg0, %c0_i32 : i32, i32
  }
  func.func @transform_1(%arg0: i32) -> (i32, i32) {
    %c0_i32 = arith.constant 0 : i32
    %c0_i32_0 = arith.constant 0 : i32
    %c0_i32_1 = arith.constant 0 : i32
    return %c0_i32, %c0_i32_0 : i32, i32
  }
  func.func @transform_2(%arg0: i32) -> (i32, i32) {
    %c0_i32 = arith.constant 0 : i32
    %c0_i32_0 = arith.constant 0 : i32
    return %arg0, %c0_i32 : i32, i32
  }
}

module attributes {stable_mosaic.version = 14 : i64} {
  func.func @_mm_body(%arg0: i32, %arg1: memref<2000x64xf32, #tpu.memory_space<vmem>>, %arg2: memref<64x128xf32, #tpu.memory_space<vmem>>, %arg3: memref<2000x128xf32, #tpu.memory_space<vmem>>) attributes {dimension_semantics = [#tpu.dimension_semantics<arbitrary>], iteration_bounds = array<i64: 5>, scalar_prefetch = 0 : i64, scratch_operands = 0 : i64, tpu.core_type = #tpu.core_type<tc>, window_params = [{transform_indices = @transform_0, window_bounds = array<i64: 2000, 64>}, {pipeline_mode = #tpu.pipeline_mode<synchronous>, transform_indices = @transform_1, window_bounds = array<i64: 64, 128>}, {transform_indices = @transform_2, window_bounds = array<i64: 2000, 128>}]} {
    %get3A = arith.constant 0 : index
    %get3A_0 = arith.constant 0 : index
    %get3A_1 = vector.load %arg1[%get3A, %get3A_0] : memref<2000x64xf32, #tpu.memory_space<vmem>>, vector<2000x64xf32>
    %get3A_2 = arith.constant 0 : index
    %get3A_3 = arith.constant 0 : index
    %get3A_4 = vector.load %arg2[%get3A_2, %get3A_3] : memref<64x128xf32, #tpu.memory_space<vmem>>, vector<64x128xf32>
    %dot_general3A = arith.constant dense<0.000000e+00> : vector<2000x128xf32>
    %dot_general3A_5 = tpu.matmul %get3A_1, %get3A_4, %dot_general3A {dimension_numbers = #tpu.dot_dimension_numbers<[1], [0], [0], [1], [0, 0, 1, 1], [], []>, transpose_lhs_hint = false} : vector<2000x64xf32>, vector<64x128xf32>, vector<2000x128xf32> -> vector<2000x128xf32>
    %swap3A = arith.constant 0 : index
    %swap3A_6 = arith.constant 0 : index
    %swap3A_7 = vector.load %arg3[%swap3A, %swap3A_6] : memref<2000x128xf32, #tpu.memory_space<vmem>>, vector<2000x128xf32>
    tpu.vector_store %arg3[%swap3A, %swap3A_6], %dot_general3A_5 {strides = array<i32>} : memref<2000x128xf32, #tpu.memory_space<vmem>>, vector<2000x128xf32>,
    return
  }
  func.func @transform_0(%arg0: i32) -> (i32, i32) {
    %c0_i32 = arith.constant 0 : i32
    %c0_i32_0 = arith.constant 0 : i32
    return %arg0, %c0_i32 : i32, i32
  }
  func.func @transform_1(%arg0: i32) -> (i32, i32) {
    %c0_i32 = arith.constant 0 : i32
    %c0_i32_0 = arith.constant 0 : i32
    %c0_i32_1 = arith.constant 0 : i32
    return %c0_i32, %c0_i32_0 : i32, i32
  }
  func.func @transform_2(%arg0: i32) -> (i32, i32) {
    %c0_i32 = arith.constant 0 : i32
    %c0_i32_0 = arith.constant 0 : i32
    return %arg0, %c0_i32 : i32, i32
  }
}

module attributes {stable_mosaic.version = 14 : i64} {
  func.func @_mm_body(%arg0: i32, %arg1: memref<2000x128xf32, #tpu.memory_space<vmem>>, %arg2: memref<128x256xf32, #tpu.memory_space<vmem>>, %arg3: memref<2000x256xf32, #tpu.memory_space<vmem>>) attributes {dimension_semantics = [#tpu.dimension_semantics<arbitrary>], iteration_bounds = array<i64: 5>, scalar_prefetch = 0 : i64, scratch_operands = 0 : i64, tpu.core_type = #tpu.core_type<tc>, window_params = [{transform_indices = @transform_0, window_bounds = array<i64: 2000, 128>}, {pipeline_mode = #tpu.pipeline_mode<synchronous>, transform_indices = @transform_1, window_bounds = array<i64: 128, 256>}, {transform_indices = @transform_2, window_bounds = array<i64: 2000, 256>}]} {
    %get3A = arith.constant 0 : index
    %get3A_0 = arith.constant 0 : index
    %get3A_1 = vector.load %arg1[%get3A, %get3A_0] : memref<2000x128xf32, #tpu.memory_space<vmem>>, vector<2000x128xf32>
    %get3A_2 = arith.constant 0 : index
    %get3A_3 = arith.constant 0 : index
    %get3A_4 = vector.load %arg2[%get3A_2, %get3A_3] : memref<128x256xf32, #tpu.memory_space<vmem>>, vector<128x256xf32>
    %dot_general3A = arith.constant dense<0.000000e+00> : vector<2000x256xf32>
    %dot_general3A_5 = tpu.matmul %get3A_1, %get3A_4, %dot_general3A {dimension_numbers = #tpu.dot_dimension_numbers<[1], [0], [0], [1], [0, 0, 1, 1], [], []>, transpose_lhs_hint = false} : vector<2000x128xf32>, vector<128x256xf32>, vector<2000x256xf32> -> vector<2000x256xf32>
    %swap3A = arith.constant 0 : index
    %swap3A_6 = arith.constant 0 : index
    %swap3A_7 = vector.load %arg3[%swap3A, %swap3A_6] : memref<2000x256xf32, #tpu.memory_space<vmem>>, vector<2000x256xf32>
    tpu.vector_store %arg3[%swap3A, %swap3A_6], %dot_general3A_5 {strides = array<i32>} : memref<2000x256xf32, #tpu.memory_space<vmem>>, vector<2000x256xf32>,
    return
  }
  func.func @transform_0(%arg0: i32) -> (i32, i32) {
    %c0_i32 = arith.constant 0 : i32
    %c0_i32_0 = arith.constant 0 : i32
    return %arg0, %c0_i32 : i32, i32
  }
  func.func @transform_1(%arg0: i32) -> (i32, i32) {
    %c0_i32 = arith.constant 0 : i32
    %c0_i32_0 = arith.constant 0 : i32
    %c0_i32_1 = arith.constant 0 : i32
    return %c0_i32, %c0_i32_0 : i32, i32
  }
  func.func @transform_2(%arg0: i32) -> (i32, i32) {
    %c0_i32 = arith.constant 0 : i32
    %c0_i32_0 = arith.constant 0 : i32
    return %arg0, %c0_i32 : i32, i32
  }
}

module attributes {stable_mosaic.version = 14 : i64} {
  func.func @_mm_body(%arg0: i32, %arg1: memref<1800x256xf32, #tpu.memory_space<vmem>>, %arg2: memref<256x256xf32, #tpu.memory_space<vmem>>, %arg3: memref<1800x256xf32, #tpu.memory_space<vmem>>) attributes {dimension_semantics = [#tpu.dimension_semantics<arbitrary>], iteration_bounds = array<i64: 5>, scalar_prefetch = 0 : i64, scratch_operands = 0 : i64, tpu.core_type = #tpu.core_type<tc>, window_params = [{transform_indices = @transform_0, window_bounds = array<i64: 1800, 256>}, {pipeline_mode = #tpu.pipeline_mode<synchronous>, transform_indices = @transform_1, window_bounds = array<i64: 256, 256>}, {transform_indices = @transform_2, window_bounds = array<i64: 1800, 256>}]} {
    %get3A = arith.constant 0 : index
    %get3A_0 = arith.constant 0 : index
    %get3A_1 = vector.load %arg1[%get3A, %get3A_0] : memref<1800x256xf32, #tpu.memory_space<vmem>>, vector<1800x256xf32>
    %get3A_2 = arith.constant 0 : index
    %get3A_3 = arith.constant 0 : index
    %get3A_4 = vector.load %arg2[%get3A_2, %get3A_3] : memref<256x256xf32, #tpu.memory_space<vmem>>, vector<256x256xf32>
    %dot_general3A = arith.constant dense<0.000000e+00> : vector<1800x256xf32>
    %dot_general3A_5 = tpu.matmul %get3A_1, %get3A_4, %dot_general3A {dimension_numbers = #tpu.dot_dimension_numbers<[1], [0], [0], [1], [0, 0, 1, 1], [], []>, transpose_lhs_hint = false} : vector<1800x256xf32>, vector<256x256xf32>, vector<1800x256xf32> -> vector<1800x256xf32>
    %swap3A = arith.constant 0 : index
    %swap3A_6 = arith.constant 0 : index
    %swap3A_7 = vector.load %arg3[%swap3A, %swap3A_6] : memref<1800x256xf32, #tpu.memory_space<vmem>>, vector<1800x256xf32>
    tpu.vector_store %arg3[%swap3A, %swap3A_6], %dot_general3A_5 {strides = array<i32>} : memref<1800x256xf32, #tpu.memory_space<vmem>>, vector<1800x256xf32>,
    return
  }
  func.func @transform_0(%arg0: i32) -> (i32, i32) {
    %c0_i32 = arith.constant 0 : i32
    %c0_i32_0 = arith.constant 0 : i32
    return %arg0, %c0_i32 : i32, i32
  }
  func.func @transform_1(%arg0: i32) -> (i32, i32) {
    %c0_i32 = arith.constant 0 : i32
    %c0_i32_0 = arith.constant 0 : i32
    %c0_i32_1 = arith.constant 0 : i32
    return %c0_i32, %c0_i32_0 : i32, i32
  }
  func.func @transform_2(%arg0: i32) -> (i32, i32) {
    %c0_i32 = arith.constant 0 : i32
    %c0_i32_0 = arith.constant 0 : i32
    return %arg0, %c0_i32 : i32, i32
  }
}

module attributes {stable_mosaic.version = 14 : i64} {
  func.func @_mm_body(%arg0: i32, %arg1: memref<1800x256xf32, #tpu.memory_space<vmem>>, %arg2: memref<256x512xf32, #tpu.memory_space<vmem>>, %arg3: memref<1800x512xf32, #tpu.memory_space<vmem>>) attributes {dimension_semantics = [#tpu.dimension_semantics<arbitrary>], iteration_bounds = array<i64: 5>, scalar_prefetch = 0 : i64, scratch_operands = 0 : i64, tpu.core_type = #tpu.core_type<tc>, window_params = [{transform_indices = @transform_0, window_bounds = array<i64: 1800, 256>}, {pipeline_mode = #tpu.pipeline_mode<synchronous>, transform_indices = @transform_1, window_bounds = array<i64: 256, 512>}, {transform_indices = @transform_2, window_bounds = array<i64: 1800, 512>}]} {
    %get3A = arith.constant 0 : index
    %get3A_0 = arith.constant 0 : index
    %get3A_1 = vector.load %arg1[%get3A, %get3A_0] : memref<1800x256xf32, #tpu.memory_space<vmem>>, vector<1800x256xf32>
    %get3A_2 = arith.constant 0 : index
    %get3A_3 = arith.constant 0 : index
    %get3A_4 = vector.load %arg2[%get3A_2, %get3A_3] : memref<256x512xf32, #tpu.memory_space<vmem>>, vector<256x512xf32>
    %dot_general3A = arith.constant dense<0.000000e+00> : vector<1800x512xf32>
    %dot_general3A_5 = tpu.matmul %get3A_1, %get3A_4, %dot_general3A {dimension_numbers = #tpu.dot_dimension_numbers<[1], [0], [0], [1], [0, 0, 1, 1], [], []>, transpose_lhs_hint = false} : vector<1800x256xf32>, vector<256x512xf32>, vector<1800x512xf32> -> vector<1800x512xf32>
    %swap3A = arith.constant 0 : index
    %swap3A_6 = arith.constant 0 : index
    %swap3A_7 = vector.load %arg3[%swap3A, %swap3A_6] : memref<1800x512xf32, #tpu.memory_space<vmem>>, vector<1800x512xf32>
    tpu.vector_store %arg3[%swap3A, %swap3A_6], %dot_general3A_5 {strides = array<i32>} : memref<1800x512xf32, #tpu.memory_space<vmem>>, vector<1800x512xf32>,
    return
  }
  func.func @transform_0(%arg0: i32) -> (i32, i32) {
    %c0_i32 = arith.constant 0 : i32
    %c0_i32_0 = arith.constant 0 : i32
    return %arg0, %c0_i32 : i32, i32
  }
  func.func @transform_1(%arg0: i32) -> (i32, i32) {
    %c0_i32 = arith.constant 0 : i32
    %c0_i32_0 = arith.constant 0 : i32
    %c0_i32_1 = arith.constant 0 : i32
    return %c0_i32, %c0_i32_0 : i32, i32
  }
  func.func @transform_2(%arg0: i32) -> (i32, i32) {
    %c0_i32 = arith.constant 0 : i32
    %c0_i32_0 = arith.constant 0 : i32
    return %arg0, %c0_i32 : i32, i32
  }
}

module attributes {stable_mosaic.version = 14 : i64} {
  func.func @_mm_body(%arg0: i32, %arg1: memref<1800x512xf32, #tpu.memory_space<vmem>>, %arg2: memref<512x1024xf32, #tpu.memory_space<vmem>>, %arg3: memref<1800x1024xf32, #tpu.memory_space<vmem>>) attributes {dimension_semantics = [#tpu.dimension_semantics<arbitrary>], iteration_bounds = array<i64: 5>, scalar_prefetch = 0 : i64, scratch_operands = 0 : i64, tpu.core_type = #tpu.core_type<tc>, window_params = [{transform_indices = @transform_0, window_bounds = array<i64: 1800, 512>}, {pipeline_mode = #tpu.pipeline_mode<synchronous>, transform_indices = @transform_1, window_bounds = array<i64: 512, 1024>}, {transform_indices = @transform_2, window_bounds = array<i64: 1800, 1024>}]} {
    %get3A = arith.constant 0 : index
    %get3A_0 = arith.constant 0 : index
    %get3A_1 = vector.load %arg1[%get3A, %get3A_0] : memref<1800x512xf32, #tpu.memory_space<vmem>>, vector<1800x512xf32>
    %get3A_2 = arith.constant 0 : index
    %get3A_3 = arith.constant 0 : index
    %get3A_4 = vector.load %arg2[%get3A_2, %get3A_3] : memref<512x1024xf32, #tpu.memory_space<vmem>>, vector<512x1024xf32>
    %dot_general3A = arith.constant dense<0.000000e+00> : vector<1800x1024xf32>
    %dot_general3A_5 = tpu.matmul %get3A_1, %get3A_4, %dot_general3A {dimension_numbers = #tpu.dot_dimension_numbers<[1], [0], [0], [1], [0, 0, 1, 1], [], []>, transpose_lhs_hint = false} : vector<1800x512xf32>, vector<512x1024xf32>, vector<1800x1024xf32> -> vector<1800x1024xf32>
    %swap3A = arith.constant 0 : index
    %swap3A_6 = arith.constant 0 : index
    %swap3A_7 = vector.load %arg3[%swap3A, %swap3A_6] : memref<1800x1024xf32, #tpu.memory_space<vmem>>, vector<1800x1024xf32>
    tpu.vector_store %arg3[%swap3A, %swap3A_6], %dot_general3A_5 {strides = array<i32>} : memref<1800x1024xf32, #tpu.memory_space<vmem>>, vector<1800x1024xf32>,
    return
  }
  func.func @transform_0(%arg0: i32) -> (i32, i32) {
    %c0_i32 = arith.constant 0 : i32
    %c0_i32_0 = arith.constant 0 : i32
    return %arg0, %c0_i32 : i32, i32
  }
  func.func @transform_1(%arg0: i32) -> (i32, i32) {
    %c0_i32 = arith.constant 0 : i32
    %c0_i32_0 = arith.constant 0 : i32
    %c0_i32_1 = arith.constant 0 : i32
    return %c0_i32, %c0_i32_0 : i32, i32
  }
  func.func @transform_2(%arg0: i32) -> (i32, i32) {
    %c0_i32 = arith.constant 0 : i32
    %c0_i32_0 = arith.constant 0 : i32
    return %arg0, %c0_i32 : i32, i32
  }
}

module attributes {stable_mosaic.version = 14 : i64} {
  func.func @_head_body(%arg0: i32, %arg1: memref<1024x1024xf32, #tpu.memory_space<vmem>>, %arg2: memref<1024x128xf32, #tpu.memory_space<vmem>>, %arg3: memref<1x128xf32, #tpu.memory_space<vmem>>, %arg4: memref<1x128xf32, #tpu.memory_space<vmem>>, %arg5: memref<1x1024xf32, #tpu.memory_space<vmem>>) attributes {dimension_semantics = [#tpu.dimension_semantics<arbitrary>], iteration_bounds = array<i64: 8>, scalar_prefetch = 0 : i64, scratch_operands = 1 : i64, tpu.core_type = #tpu.core_type<tc>, window_params = [{transform_indices = @transform_0, window_bounds = array<i64: 1024, 1024>}, {pipeline_mode = #tpu.pipeline_mode<synchronous>, transform_indices = @transform_1, window_bounds = array<i64: 1024, 128>}, {pipeline_mode = #tpu.pipeline_mode<synchronous>, transform_indices = @transform_2, window_bounds = array<i64: 1, 128>}, {pipeline_mode = #tpu.pipeline_mode<synchronous>, transform_indices = @transform_3, window_bounds = array<i64: 1, 128>}]} {
    %eq3A = arith.constant 0 : i32
    %eq3A_0 = arith.cmpi eq, %arg0, %eq3A : i32
    %convert_element_type3A = arith.extui %eq3A_0 : i1 to i32
    %cond3A = arith.constant 0 : i32
    %cond3A_1 = arith.cmpi ne, %convert_element_type3A, %cond3A : i32
    scf.if %cond3A_1 {
      %broadcast_in_dim3A_15 = arith.constant 0.000000e+00 : f32
      %broadcast_in_dim3A_16 = vector.broadcast %broadcast_in_dim3A_15 : f32 to vector<1x1024xf32>
      %swap3A_17 = arith.constant 0 : index
      %swap3A_18 = arith.constant 0 : index
      %swap3A_19 = vector.load %arg5[%swap3A_17, %swap3A_18] : memref<1x1024xf32, #tpu.memory_space<vmem>>, vector<1x1024xf32>
      tpu.vector_store %arg5[%swap3A_17, %swap3A_18], %broadcast_in_dim3A_16 {strides = array<i32>} : memref<1x1024xf32, #tpu.memory_space<vmem>>, vector<1x1024xf32>,
    } else {
    }
    %get3A = arith.constant 0 : index
    %get3A_2 = arith.constant 0 : index
    %get3A_3 = vector.load %arg5[%get3A, %get3A_2] : memref<1x1024xf32, #tpu.memory_space<vmem>>, vector<1x1024xf32>
    %get3A_4 = arith.constant 0 : index
    %get3A_5 = arith.constant 0 : index
    %get3A_6 = vector.load %arg1[%get3A_4, %get3A_5] : memref<1024x1024xf32, #tpu.memory_space<vmem>>, vector<1024x1024xf32>
    %reduce_sum3A = arith.constant dense<0.000000e+00> : vector<1024xf32>
    %reduce_sum3A_7 = vector.multi_reduction <add>, %get3A_6, %reduce_sum3A [0] : vector<1024x1024xf32> to vector<1024xf32>
    %broadcast_in_dim3A = vector.shape_cast %reduce_sum3A_7 : vector<1024xf32> to vector<1x1024xf32>
    %add3A = arith.addf %get3A_3, %broadcast_in_dim3A : vector<1x1024xf32>
    %swap3A = arith.constant 0 : index
    %swap3A_8 = arith.constant 0 : index
    %swap3A_9 = vector.load %arg5[%swap3A, %swap3A_8] : memref<1x1024xf32, #tpu.memory_space<vmem>>, vector<1x1024xf32>
    tpu.vector_store %arg5[%swap3A, %swap3A_8], %add3A {strides = array<i32>} : memref<1x1024xf32, #tpu.memory_space<vmem>>, vector<1x1024xf32>,
    %eq3A_10 = arith.constant 7 : i32
    %eq3A_11 = arith.cmpi eq, %arg0, %eq3A_10 : i32
    %convert_element_type3A_12 = arith.extui %eq3A_11 : i1 to i32
    %cond3A_13 = arith.constant 0 : i32
    %cond3A_14 = arith.cmpi ne, %convert_element_type3A_12, %cond3A_13 : i32
    scf.if %cond3A_14 {
      %get3A_15 = arith.constant 0 : index
      %get3A_16 = arith.constant 0 : index
      %get3A_17 = vector.load %arg5[%get3A_15, %get3A_16] : memref<1x1024xf32, #tpu.memory_space<vmem>>, vector<1x1024xf32>
      %div3A = arith.constant 8.100000e+03 : f32
      %div3A_18 = vector.broadcast %div3A : f32 to vector<1x1024xf32>
      %div3A_19 = arith.divf %get3A_17, %div3A_18 : vector<1x1024xf32>
      %get3A_20 = arith.constant 0 : index
      %get3A_21 = arith.constant 0 : index
      %get3A_22 = vector.load %arg2[%get3A_20, %get3A_21] : memref<1024x128xf32, #tpu.memory_space<vmem>>, vector<1024x128xf32>
      %dot_general3A = arith.constant dense<0.000000e+00> : vector<1x128xf32>
      %dot_general3A_23 = tpu.matmul %div3A_19, %get3A_22, %dot_general3A {dimension_numbers = #tpu.dot_dimension_numbers<[1], [0], [0], [1], [0, 0, 1, 1], [], []>, transpose_lhs_hint = false} : vector<1x1024xf32>, vector<1024x128xf32>, vector<1x128xf32> -> vector<1x128xf32>
      %get3A_24 = arith.constant 0 : index
      %get3A_25 = arith.constant 0 : index
      %get3A_26 = vector.load %arg3[%get3A_24, %get3A_25] : memref<1x128xf32, #tpu.memory_space<vmem>>, vector<1x128xf32>
      %add3A_27 = arith.addf %dot_general3A_23, %get3A_26 : vector<1x128xf32>
      %iota3A = tpu.iota {dimensions = array<i32: 1>} : vector<1x128xi32>
      %lt3A = arith.constant 10 : i32
      %lt3A_28 = vector.broadcast %lt3A : i32 to vector<1x128xi32>
      %lt3A_29 = arith.cmpi slt, %iota3A, %lt3A_28 : vector<1x128xi32>
      %jit3A = arith.constant -1.000000e+30 : f32
      %broadcast_in_dim3A_30 = vector.broadcast %jit3A : f32 to vector<1x128xf32>
      %select_n3A = arith.select %lt3A_29, %add3A_27, %broadcast_in_dim3A_30 : vector<1x128xi1>, vector<1x128xf32>
      %reduce_max3A = vector.shape_cast %select_n3A : vector<1x128xf32> to vector<1x1x128xf32>
      %reduce_max3A_31 = arith.constant dense<0xFF800000> : vector<1xf32>
      %reduce_max3A_32 = vector.multi_reduction <maximumf>, %reduce_max3A, %reduce_max3A_31 [1, 2] : vector<1x1x128xf32> to vector<1xf32>
      %reduce_max3A_33 = vector.shape_cast %reduce_max3A_32 : vector<1xf32> to vector<1x1x1xf32>
      %reduce_max3A_34 = vector.extract %reduce_max3A_33[0, 0, 0] : f32 from vector<1x1x1xf32>
      %sub3A = vector.broadcast %reduce_max3A_34 : f32 to vector<1x128xf32>
      %sub3A_35 = arith.subf %select_n3A, %sub3A : vector<1x128xf32>
      %exp3A = math.exp %sub3A_35 : vector<1x128xf32>
      %jit3A_36 = arith.constant 0.000000e+00 : f32
      %broadcast_in_dim3A_37 = vector.broadcast %jit3A_36 : f32 to vector<1x128xf32>
      %select_n3A_38 = arith.select %lt3A_29, %exp3A, %broadcast_in_dim3A_37 : vector<1x128xi1>, vector<1x128xf32>
      %reduce_sum3A_39 = vector.shape_cast %select_n3A_38 : vector<1x128xf32> to vector<1x1x128xf32>
      %reduce_sum3A_40 = arith.constant dense<0.000000e+00> : vector<1xf32>
      %reduce_sum3A_41 = vector.multi_reduction <add>, %reduce_sum3A_39, %reduce_sum3A_40 [1, 2] : vector<1x1x128xf32> to vector<1xf32>
      %reduce_sum3A_42 = vector.shape_cast %reduce_sum3A_41 : vector<1xf32> to vector<1x1x1xf32>
      %reduce_sum3A_43 = vector.extract %reduce_sum3A_42[0, 0, 0] : f32 from vector<1x1x1xf32>
      %log3A = math.log %reduce_sum3A_43 : f32
      %sub3A_44 = vector.broadcast %reduce_max3A_34 : f32 to vector<1x128xf32>
      %sub3A_45 = arith.subf %select_n3A, %sub3A_44 : vector<1x128xf32>
      %sub3A_46 = vector.broadcast %log3A : f32 to vector<1x128xf32>
      %sub3A_47 = arith.subf %sub3A_45, %sub3A_46 : vector<1x128xf32>
      %swap3A_48 = arith.constant 0 : index
      %swap3A_49 = arith.constant 0 : index
      %swap3A_50 = vector.load %arg4[%swap3A_48, %swap3A_49] : memref<1x128xf32, #tpu.memory_space<vmem>>, vector<1x128xf32>
      tpu.vector_store %arg4[%swap3A_48, %swap3A_49], %sub3A_47 {strides = array<i32>} : memref<1x128xf32, #tpu.memory_space<vmem>>, vector<1x128xf32>,
    } else {
    }
    return
  }
  func.func @transform_0(%arg0: i32) -> (i32, i32) {
    %c0_i32 = arith.constant 0 : i32
    %c0_i32_0 = arith.constant 0 : i32
    return %arg0, %c0_i32 : i32, i32
  }
  func.func @transform_1(%arg0: i32) -> (i32, i32) {
    %c0_i32 = arith.constant 0 : i32
    %c0_i32_0 = arith.constant 0 : i32
    %c0_i32_1 = arith.constant 0 : i32
    return %c0_i32, %c0_i32_0 : i32, i32
  }
  func.func @transform_2(%arg0: i32) -> (i32, i32) {
    %c0_i32 = arith.constant 0 : i32
    %c0_i32_0 = arith.constant 0 : i32
    %c0_i32_1 = arith.constant 0 : i32
    return %c0_i32, %c0_i32_0 : i32, i32
  }
  func.func @transform_3(%arg0: i32) -> (i32, i32) {
    %c0_i32 = arith.constant 0 : i32
    %c0_i32_0 = arith.constant 0 : i32
    %c0_i32_1 = arith.constant 0 : i32
    return %c0_i32, %c0_i32_0 : i32, i32
  }
}

</mosaic_0001>

<sc_bundles>
// kernel: gather_offload_async_start.1
scs
__scs_entry_jumppad:
0x0: {  	(pc) =	sbr.rel $0x88, $3  }
0x1: {  	(tag) =	ssettag $0x0;
	lr =	simm.s32 $0x1  }
0x2: {  	[smem:$0x3F8F] =	sst lr;
	_ =	strace $0xD0000000  }
0x3: {  	_ = 	snop  }
0x4: {  	_ = 	snop  }
0x5: {  	_ = 	snop  }
0x6: {  	_ = 	snop  }
0x7: {  	_ = 	snop  }
__scs_overlays_trampoline_lowered:
0x8: {  	[smem:$0x3F9E] =	sst s0  }
0x9: {  	[smem:$0x3F9F] =	sst s1  }
0xa: {  	[smem:$0x3FA0] =	sst s2  }
0xb: {  	[smem:$0x3FA1] =	sst s3  }
0xc: {  	[smem:$0x3FA2] =	sst s4  }
0xd: {  	[smem:$0x3FA3] =	sst s5  }
0xe: {  	[smem:$0x3FA4] =	sst s6  }
0xf: {  	[smem:$0x3FA5] =	sst s7  }
0x10: {  	[smem:$0x3FA6] =	sst s8  }
0x11: {  	[smem:$0x3FA7] =	sst s9;
	s0 =	simm.s32 @!p0 $0x0  }
0x12: {  	s1 =	sld [smem:$0x3F8D];
	s0 =	simm.s32 @p0 $0x1  }
0x13: {  	[smem:$0x3FA8] =	sst s0;
	s0 =	simm.s32 @!p1 $0x0  }
0x14: {  	s2 =	sld [smem:$0x3F8C];
	s0 =	simm.s32 @p1 $0x1  }
0x15: {  	[smem:$0x3FA9] =	sst s0;
	s0 =	simm.s32 @!p2 $0x0  }
0x16: {  	s3 =	sld [smem:$0x3FDB];
	s0 =	simm.s32 @p2 $0x1  }
0x17: {  	s4 =	simm.s32 $0x1BF5;
	[smem:$0x3FAB] =	sst s0  }
0x18: {  	s0 =	sld [smem:$0x3F8E];
	_ =	swait.ge [sflag:s4], $0x0  }
0x19: {  	s7 =	sld [smem:$0x3F8F]  }
0x1a: {  	s8 =	sadd.s32 $0xFFFFE003, lr  }
0x1b: {  	s9 =	sadd.s32 $0xFFFFFEF7, lr;
	s5 =	simm.s32 $0xFFFFFFFF;
	p2 =	slt.u32 s8, $0xFFFFF086  }
0x1c: {  	p1 =	slt.u32 s9, $0xF7A;
	s5 =	simm.s32 @!p2 $0x0  }
0x1d: {  	s5 =	simm.s32 @p1 $0x1;
	p0 =	seq.s32 s7, s2  }
0x1e: {  	s7 =	smul.u32 @!p0 $0xF7A, s2;
	p2 =	seq.s32 @!p0 s5, $0x0  }
0x1f: {  	s9 =	smul.u32 $0xF7A, s1;
	s8 =	simm.s32 @!p0 $0x1BF5;
	p2 =	por !p2, p0  }
0x20: {  	[sflag:s8] =	ssyncset.s32 @!p0 $0xFFFFF086;
	s6 =	sadd.s32 @!p0 s3, s7;
	s7 =	simm.s32 @!p0 $0x108  }
0x21: {  	s3 =	sadd.s32 s3, s9;
	s6 =	sadd.s32 @!p0 $0x88, s6;
	s7 =	simm.s32 @p2 $0x1082  }
0x22: {  	[simem:s7], [sflag:s8] =	dma.local @!p0 [hbm:s6], $0xF7A  }
0x23: {  	s9 =	sor.u32 $0xD0000000, s2;
	s6 =	simm.s32 $0x108;
	_ =	swait.ge @!p0 [sflag:s8], $0x0  }
0x24: {  	s3 =	sadd.s32 $0x88, s3;
	s6 =	simm.s32 @!p1 $0x1082;
	[sflag:s4] =	ssyncset.s32 $0xFFFFF086  }
0x25: {  	[simem:s6], [sflag:s4] =	dma.local [hbm:s3], $0xF7A  }
0x26: {  	[smem:$0x3F8F] =	sst s1;
	(tag) =	ssettag s2;
	_ =	strace s9  }
0x27: {  	s1 =	sld [smem:$0x3F9F]  }
0x28: {  	s2 =	sld [smem:$0x3FA0]  }
0x29: {  	s4 =	sld [smem:$0x3FA2]  }
0x2a: {  	p0 =	seq.s32 s5, $0x0;
	s5 =	sld [smem:$0x3FA3]  }
0x2b: {  	s6 =	sld [smem:$0x3FA4]  }
0x2c: {  	s7 =	sld [smem:$0x3FA5]  }
0x2d: {  	s3 =	simm.s32 $0x108;
	s8 =	sld [smem:$0x3FA6]  }
0x2e: {  	s3 =	simm.s32 @!p0 $0x1082;
	s9 =	sld [smem:$0x3FA7]  }
0x2f: {  	lr =	sadd.s32 s0, s3;
	s0 =	sld [smem:$0x3F9E]  }
0x30: {  	s3 =	sld [smem:$0x3FA1]  }
0x31: {  	[smem:$0x3FAA] =	sst s10  }
0x32: {  	s10 =	sld [smem:$0x3FA8];
	_ =	sdelay $0x3  }
0x33: {  	p0 =	seq.s32 s10, $0x1;
	s10 =	sld [smem:$0x3FAA];
	_ =	sdelay $0x3  }
0x34: {  	[smem:$0x3FAA] =	sst s10  }
0x35: {  	s10 =	sld [smem:$0x3FA9];
	_ =	sdelay $0x3  }
0x36: {  	p1 =	seq.s32 s10, $0x1;
	s10 =	sld [smem:$0x3FAA];
	_ =	sdelay $0x3  }
0x37: {  	[smem:$0x3FAA] =	sst s10  }
0x38: {  	s10 =	sld [smem:$0x3FAB]  }
0x39: {  	_ = 	snop;
	(pc) =	sbr.ind lr, $3  }
0x3a: {  	_ = 	snop  }
0x3b: {  	_ = 	snop  }
0x3c: {  	p2 =	seq.s32 s10, $0x1;
	s10 =	sld [smem:$0x3FAA]  }
0x3d: {  	_ =	shalt  }
0x3e: {  	_ =	shalt  }
0x3f: {  	_ =	shalt  }
0x40: {  	_ =	shalt  }
0x41: {  	_ =	shalt  }
0x42: {  	_ =	shalt  }
0x43: {  	_ =	shalt  }
0x44: {  	_ =	shalt  }
0x45: {  	_ =	shalt  }
0x46: {  	_ =	shalt  }
0x47: {  	_ =	shalt  }
0x48: {  	_ =	shalt  }
0x49: {  	_ =	shalt  }
0x4a: {  	_ =	shalt  }
0x4b: {  	_ =	shalt  }
0x4c: {  	_ =	shalt  }
0x4d: {  	_ =	shalt  }
0x4e: {  	_ =	shalt  }
0x4f: {  	_ =	shalt  }
0x50: {  	_ =	shalt  }
0x51: {  	_ =	shalt  }
0x52: {  	_ =	shalt  }
0x53: {  	_ =	shalt  }
0x54: {  	_ =	shalt  }
0x55: {  	_ =	shalt  }
0x56: {  	_ =	shalt  }
0x57: {  	_ =	shalt  }
0x58: {  	_ =	shalt  }
0x59: {  	_ =	shalt  }
0x5a: {  	_ =	shalt  }
0x5b: {  	_ =	shalt  }
0x5c: {  	_ =	shalt  }
0x5d: {  	_ =	shalt  }
0x5e: {  	_ =	shalt  }
0x5f: {  	_ =	shalt  }
0x60: {  	_ =	shalt  }
0x61: {  	_ =	shalt  }
0x62: {  	_ =	shalt  }
0x63: {  	_ =	shalt  }
0x64: {  	_ =	shalt  }
0x65: {  	_ =	shalt  }
0x66: {  	_ =	shalt  }
0x67: {  	_ =	shalt  }
0x68: {  	_ =	shalt  }
0x69: {  	_ =	shalt  }
0x6a: {  	_ =	shalt  }
0x6b: {  	_ =	shalt  }
0x6c: {  	_ =	shalt  }
0x6d: {  	_ =	shalt  }
0x6e: {  	_ =	shalt  }
0x6f: {  	_ =	shalt  }
0x70: {  	_ =	shalt  }
0x71: {  	_ =	shalt  }
0x72: {  	_ =	shalt  }
0x73: {  	_ =	shalt  }
0x74: {  	_ =	shalt  }
0x75: {  	_ =	shalt  }
0x76: {  	_ =	shalt  }
0x77: {  	_ =	shalt  }
0x78: {  	_ =	shalt  }
0x79: {  	_ =	shalt  }
0x7a: {  	_ =	shalt  }
0x7b: {  	_ =	shalt  }
0x7c: {  	_ =	shalt  }
0x7d: {  	_ =	shalt  }
0x7e: {  	_ =	shalt  }
0x7f: {  	_ =	shalt  }
0x80: {  	_ =	shalt  }
0x81: {  	_ =	shalt  }
0x82: {  	_ =	shalt  }
0x83: {  	_ =	shalt  }
0x84: {  	_ =	shalt  }
0x85: {  	_ =	shalt  }
0x86: {  	_ =	shalt  }
0x87: {  	_ =	shalt  }
.Lfunc_end0:
.L_simem_size_0:
called_computation.7_lowered:
.L_overlay_start_0:
0x88: {  	s0 =	sld [smem:$0x3FD9]  }
0x89: {  	s1 =	sld [smem:$0x3FFE];
	_ =	sdelay $0x3  }
0x8a: {  	s0 =	sadd.s32 s1, s0  }
0x8b: {  	[smem:$0x3FB6] =	sst s0  }
0x8c: {  	_ = 	snop  }
0x8d: {  	(tm) =	ssettm $0x1  }
0x8e: {  	s15 =	sld [smem:$0x3FFB];
	_ =	sdelay $0x3  }
0x8f: {  	_ =	strace s15  }
0x90: {  	s0 =	sld [smem:$0x3FFC];
	_ =	sdelay $0x3  }
0x91: {  	_ =	strace s0  }
0x92: {  	s0 =	sld [smem:$0x3FFD];
	_ =	sdelay $0x3  }
0x93: {  	_ =	strace s0  }
0x94: {  	_ =	strace $0x8FFFFFFF  }
0x95: {  	s16 =	sld [smem:$0x3FDB];
	_ =	sdelay $0x1  }
0x96: {  	s17 =	simm.s32 $_scs_section_size  }
0x97: {  	s2 =	simm.s32 $_size__tile_overlayer_lowered;
	s3 =	simm.s32 $_tile_overlayer_lowered  }
0x98: {  	s20 =	simm.s32 $0x1BFF;
	s19 =	sshll.u32 s3, $0x1;
	s0 =	sadd.s32 s17, s16  }
0x99: {  	s4 =	simm.s32 $0x0;
	s18 =	sshll.u32 s2, $0x1;
	s2 =	sadd.s32 s19, s0  }
0x9a: {  	[timem:s4], [sflag:s20] =	dma.local [hbm:s2], s18  }
0x9b: {  	_ =	swait.ge [sflag:s20], s18  }
0x9c: {  	s1 =	ssub.s32 $0x0, s18;
	[sflag:s20] =	ssyncset.done $0x0  }
0x9d: {  	[sflag:s20] =	ssyncadd.s32 s1;
	_ =	sdelay $0x1  }
0x9e: {  	s21 =	simm.s32 $0x1B8B  }
0x9f: {  	_ =	swait.ge [sflag:s21], $0x1  }
0xa0: {  	[sflag:s21] =	ssyncset.done $0x0  }
0xa1: {  	s23 =	simm.s32 $0x1B8E;
	s22 =	sld [smem:$0x3FFE];
	[sflag:s21] =	ssyncadd.s32 $0xFFFFFFFF  }
0xa2: {  	s24 =	simm.s32 $execute0_lowered;
	[smem:$0x3FD2] =	sst s23  }
0xa3: {  	s2 =	sshll.u32 s24, $0x1;
	_ =	strace $0x8000005B;
	[dreg:$0x1] =	wrdreg $0xFFFFFFFF  }
0xa4: {  	s25 =	simm.s32 $_size_execute0_lowered;
	s0 =	sadd.s32 s0, s2;
	[dreg:$0x0] =	wrdreg $0x0  }
0xa5: {  	s2 =	sshll.u32 s25, $0x1;
	[dreg:$0x2] =	wrdreg s0  }
0xa6: {  	[dreg:$0x3] =	wrdreg s2  }
0xa7: {  	[dreg:$0x4] =	wrdreg $0xC0  }
0xa8: {  	_ =	task [dreg:s4], $0x5FFFF  }
0xa9: {  	[dreg:$0x1] =	wrdreg $0xFFFFFFFF  }
0xaa: {  	[dreg:$0x0] =	wrdreg $0x60  }
0xab: {  	[dreg:$0x2] =	wrdreg s22  }
0xac: {  	[dreg:$0x3] =	wrdreg $0x9  }
0xad: {  	_ =	task.clear_ibuf [dreg:s4], $0x4FFFF;
	_ =	strace $0x9000005B  }
0xae: {  	s26 =	simm.s32 $0x9;
	_ =	strace $0x8000005D  }
0xaf: {  	_ =	swait.ge [sflag:s26], $0x1  }
0xb0: {  	[sflag:s26] =	ssyncadd.s32 $0xFFFFFFFF  }
0xb1: {  	_ =	strace $0x9000005D  }
0xb2: {  	_ =	sfence  }
0xb3: {  	s28 =	sld [smem:$0x0];
	_ =	sdelay $0x1  }
0xb4: {  	s29 =	srdreg.scid  }
0xb5: {  	s30 =	sshll.u32 s29, $0xD;
	s31 =	sshrl.u32 s29, $0x2  }
0xb6: {  	s1 =	sand.u32 $0x1, s29;
	s2 =	sand.u32 $0x4000, s30;
	s0 =	sadd.s32 s31, s28  }
0xb7: {  	s1 =	sor.u32 s2, s1;
	s0 =	sshll.u32 s0, $0x11  }
0xb8: {  	s0 =	sor.u32 s0, s1  }
0xb9: {  	s0 =	sadd.s32 $0x8F2B, s0  }
0xba: {  	[sflag:s0] =	ssyncadd.remote.s32 $0x1  }
0xbb: {  	_ =	sfence.sel $0xFFFF  }
0xbc: {  	[dreg:$0x0] =	wrdreg $0xFFFFFFFF;
	(pc) =	sbr.abs _section_cstart, $3  }
0xbd: {  	[dreg:$0x1] =	wrdreg $0xFFFFFFFF  }
0xbe: {  	_ =	task.clear_ibuf [dreg:s4], $0x2FFFF;
	_ =	strace $0x9FFFFFFF  }
0xbf: {  	(tm) =	ssettm $0x7FFFFFFF  }
tec
execute0_lowered:
.L_overlay_start_1:
0x0: {  	(tag) =	ssettag $0x1  }
0x1: {  	s0 =	stileid.u32  }
0x2: {  	s1 =	simm.s32 $0x1;
	p0 =	sne.s32 s0, $0x0;
	s2 =	smul.u32 $0x108, s0  }
0x3: {  	s3 =	simm.s32 @!p0 $0x0;
	s1 =	simm.s32 @!p0 $0x0  }
0x4: {  	s3 =	simm.s32 @p0 $0x1;
	s1 =	sor.u32 s1, s2  }
0x5: {  	p0 =	seq.s32 s0, $0x0;
	s0 =	simm.s32 $0x2968;
	s1 =	smul.u32 $0x28, s1  }
0x6: {  	s0 =	simm.s32 @!p0 $0x2940  }
0x7: {  	s0 =	sadd.s32 s0, s1  }
0x8: {  	s2 =	smin.u32 s0, $0x29428  }
0x9: {  	s7 =	ssub.s32 s2, s1  }
0xa: {  	p0 =	sgt.s32 s7, $0x0  }
0xb: {  	s7 =	simm.s32 @!p0 $0x0  }
0xc: {  	s9 =	rddreg [dreg:$0x0];
	s6 =	simm.s32 $0x1;
	s31 =	smulhi.u32 $0x66666667, s7  }
0xd: {  	s11 =	simm.s32 $0x3;
	s12 =	simm.s32 $0x0;
	p3 =	por $0x0, $0x0  }
0xe: {  	s4 =	sadd.s32 $0x7400, s9;
	s5 =	sadd.s32 $0xAF9800, s9;
	s8 =	sshrl.u32 s31, $0x4  }
0xf: {  	[smem:$0x7FD] =	sst s3;
	s3 =	sadd.s32 $0x17000, s9;
	s10 =	smul.u32 $0x28, s8  }
.Ltmp0:
0x10: {  	s9 =	sadd.s32 $0xAF4400, s9;
	s0 =	rddreg [dreg:$0x1];
	(pc) =	sbr.rel .LBB2_1-.Ltmp0, $4  }
0x11: {  	_ =	strace $0x8000005C;
	p0 =	sne.s32 s7, s10;
	s10 =	simm.s32 $0x1  }
0x12: {  	[sflag:s6] =	ssyncpa.u1 $0x0;
	s7 =	simm.s32 $0x2;
	s10 =	simm.s32 @!p0 $0x0  }
0x13: {  	s13 =	smov.u32 s1;
	[sflag:s7] =	ssyncpa.u1 $0x0;
	s8 =	sadd.s32 s10, s8  }
0x14: {  	v0 =	vlaneseq.u32;
	[sflag:s11] =	ssyncpa.u1 $0x0;
	s11 =	simm.s32 $0x80;
	s10 =	sadd.s32 $0x1, s8  }
.LBB2_6:
0x15: {  	s16 =	sadd.s32 s18, s16  }
0x16: {  	v2 =	vld.msk [tilespmem:s16+$0x0 ss:$0x1], $0x1;
	_ =	sdelay $0x2  }
0x17: {  	(v2sf) =	vpush v1, $0x1  }
0x18: {  	(v2sf) =	vpush v1, $0x0  }
0x19: {  	(v2sf) =	vpush v2, $0x0;
	_ =	sdelay $0xc  }
0x1a: {  	p1 =	seq.s32 s19, $0x9C;
	s16 =	simm.s32 $0x1;
	s19 =	spop (v2sf)  }
0x1b: {  	s16 =	simm.s32 @!p1 $0x2;
	s19 =	simm.s32 @p0 $0xFFFFFFFF;
	s20 =	spop (v2sf)  }
0x1c: {  	v1 =	vmov s16;
	p0 =	sne.s32 s20, s19;
	s19 =	simm.s32 $0x1;
	s28 =	spop (v2sf)  }
0x1d: {  	vm0 =	vgt.u32 v1, v0;
	s19 =	simm.s32 @!p0 $0x0;
	s29 =	sshll.u32 s28, $0xA;
	s16 =	sshll.u32 s28, $0x7  }
0x1e: {  	s17 =	sadd.s32 s19, s17;
	s20 =	sand.u32 $0xFFFFE000, s29;
	s16 =	sand.u32 $0x380, s16  }
0x1f: {  	s17 =	sshll.u32 s17, $0xC;
	s16 =	sor.u32 s16, s20  }
0x20: {  	s17 =	sshra.s32 s17, $0x2;
	s16 =	sshrl.u32 s16, $0x3  }
0x21: {  	s14 =	sadd.s32 s18, s14;
	s15 =	sadd.s32 s17, s15;
	s16 =	sadd.s32 s5, s16  }
0x22: {  	[hbm:s16] =	stream.strided.scatter [tilespmem:s15], [sflag:$0x3], $0x400, s11, s11, $0x38;
	[tilespmem:$0x140A0] =	vst v63  }
0x23: {  	v1 =	vld.msk [tilespmem:s14+$0x0 ss:$0x1], vm0;
	_ =	sdelay $0x4  }
0x24: {  	(v2sf) =	vpush v1, $0x1  }
0x25: {  	(v2sf) =	vpush v1, $0x0;
	_ =	sdelay $0xb  }
0x26: {  	s14 =	sld [smem:$0x7FB];
	_ =	sdelay $0x1  }
0x27: {  	s30 =	spop (v2sf)  }
0x28: {  	p3 =	seq.s32 s14, $0x1;
	s31 =	spop (v2sf)  }
.LBB2_7:
0x29: {  	p2 =	sne.s32 s12, s10  }
.Ltmp1:
0x2a: {  	p0 =	slt.u32 s12, $0x2;
	(pc) =	sbr.rel @!p2 .LBB2_8-.Ltmp1, $4  }
0x2b: {  	s15 =	sadd.s32 $0x28, s13;
	s14 =	simm.s32 @!p0 $0x3  }
0x2c: {  	s13 =	smov.u32 s1;
	s16 =	sadd.s32 $0x1, s12;
	_ =	swait.ge @!p0 [sflag:s14], $0xA000  }
0x2d: {  	p3 =	por !p3, !p3;
	p1 =	slt.s32 s15, s2;
	[sflag:s14] =	ssyncset.done @!p0 $0x0  }
0x2e: {  	s12 =	smov.u32 s16;
	s13 =	smov.u32 @p1 s15;
	[sflag:s14] =	ssyncadd.s32 @!p0 $0xFFFF6000  }
.LBB2_1:
0x2f: {  	p0 =	sge.u32 s12, s8  }
0x30: {  	s14 =	sxor.u32 @!p0 $0xFFFFFFFF, s12  }
0x31: {  	s14 =	sand.u32 @!p0 $0x1, s14  }
0x32: {  	s15 =	sshrl.u32 @!p0 s13, $0x3;
	s14 =	smul.u32 @!p0 $0x28, s14  }
0x33: {  	s17 =	sand.u32 @!p0 $0x7, s13;
	s16 =	sadd.s32 @!p0 s4, s15  }
0x34: {  	[tilespmem:s14], [sflag:$0x2] =	stream.linear.gather @!p0 [hbm4b:s16+s17], $0x28, $0x38;
	[tilespmem:$0x140A0] =	vst v63  }
0x35: {  	s31 =	sadd.s32 $0xFFFFFFFF, s12;
	s15 =	sadd.s32 @!p0 s9, s15;
	s14 =	sadd.s32 @!p0 $0x50, s14  }
0x36: {  	[tilespmem:s14], [sflag:$0x2] =	stream.linear.gather @!p0 [hbm4b:s15+s17], $0x28, $0x38;
	[tilespmem:$0x140A0] =	vst v63  }
0x37: {  	p0 =	sge.u32 s31, s8  }
.Ltmp2:
0x38: {  	_ = 	snop;
	(pc) =	sbr.rel @p0 .LBB2_7-.Ltmp2, $1  }
0x39: {  	_ =	sdelay $0x3  }
0x3a: {  	p0 =	por $0x0, $0x0;
	s14 =	simm.s32 $0x1  }
0x3b: {  	s14 =	simm.s32 @!p0 $0x2  }
0x3c: {  	v1 =	vmov s14  }
0x3d: {  	s15 =	simm.s32 @!p3 $0x0;
	s14 =	simm.s32 $0x1;
	vm0 =	vgt.u32 v1, v0  }
0x3e: {  	s15 =	simm.s32 @p3 $0x1;
	s14 =	simm.s32 @!p3 $0x0  }
0x3f: {  	[smem:$0x7FB] =	sst s15;
	s14 =	smul.u32 $0xA0, s14  }
0x40: {  	_ =	swait.ge [sflag:s7], $0x50  }
0x41: {  	[sflag:s7] =	ssyncset.done $0x0;
	s14 =	sshrl.u32 s14, $0x2  }
0x42: {  	[sflag:s7] =	ssyncadd.s32 $0xFFFFFFB0;
	s25 =	sadd.s32 $0x0, s14  }
0x43: {  	v2 =	vld.msk [tilespmem:s25+$0x0 ss:$0x1], vm0;
	_ =	sdelay $0x4  }
0x44: {  	(v2sf) =	vpush v2, $0x1  }
0x45: {  	(v2sf) =	vpush v2, $0x0  }
0x46: {  	p1 =	por $0x0, $0x0;
	s15 =	simm.s32 $0x1  }
0x47: {  	s15 =	simm.s32 @!p1 $0x2  }
0x48: {  	v1 =	vmov s15  }
0x49: {  	vm12 =	vgt.u32 v1, v0;
	_ =	sdelay $0x2  }
0x4a: {  	p2 =	por $0x0, $0x0;
	s16 =	simm.s32 $0x1  }
0x4b: {  	s16 =	simm.s32 @!p2 $0x2  }
0x4c: {  	v1 =	vmov s16;
	s26 =	sadd.s32 $0x1, s14  }
0x4d: {  	vm13 =	vgt.u32 v1, v0;
	v3 =	vld.msk [tilespmem:s26+$0x0 ss:$0x1], vm12;
	_ =	sdelay $0x2  }
0x4e: {  	p0 =	por p0, p0  }
0x4f: {  	p0 =	por p0, p0;
	s15 =	spop (v2sf)  }
0x50: {  	s29 =	sadd.s32 $0x2, s14;
	(v2sf) =	vpush v3, $0x1;
	s15 =	simm.s32 @p0 $0xFFFFFFFF;
	s17 =	spop (v2sf)  }
0x51: {  	v1 =	vld.msk [tilespmem:s29+$0x0 ss:$0x1], vm13;
	(v2sf) =	vpush v3, $0x0;
	p0 =	seq.s32 s17, s15  }
0x52: {  	vm0 =	vgt.s32 @!p0 v2, $0x0  }
0x53: {  	v2 =	vnsel @!p0 vm0, $0x0, v2  }
0x54: {  	v2 =	vmin.u32 @!p0 v2, $0x2327  }
0x55: {  	(v2sf) =	vpush @!p0 v2, $0x0  }
0x56: {  	(v2sf) =	vpush v1, $0x1  }
0x57: {  	s30 =	sand.u32 $0x1, s12;
	(v2sf) =	vpush v1, $0x0  }
0x58: {  	s18 =	simm.s32 $0x0;
	s22 =	simm.s32 $0x14;
	s23 =	simm.s32 $0x1  }
0x59: {  	p5 =	por p2, p2;
	p3 =	por $0x0, $0x0;
	s17 =	simm.s32 $0x1  }
0x5a: {  	p2 =	por $0x0, $0x0;
	p1 =	por p1, p1;
	s17 =	simm.s32 @!p3 $0x2  }
0x5b: {  	s20 =	simm.s32 $0x18;
	s23 =	simm.s32 @!p2 $0x2;
	p4 =	por p1, p1;
	v2 =	vmov s17  }
0x5c: {  	p1 =	por p5, p5;
	p5 =	por p3, p3;
	s15 =	smul.u32 $0x28000, s30;
	vm14 =	vgt.u32 v2, v0  }
0x5d: {  	s16 =	sadd.s32 $0x50, s14;
	s31 =	sadd.s32 $0x4, s14;
	s25 =	sadd.s32 $0x3, s14  }
0x5e: {  	s21 =	simm.s32 @!p0 $0x1;
	p6 =	por p0, p0;
	s15 =	sshrl.u32 s15, $0x2  }
0x5f: {  	s21 =	smov.u32 @p0 s18;
	s18 =	simm.s32 @!p0 $0x80;
	s17 =	spop (v2sf)  }
0x60: {  	s15 =	sor.u32 $0xA0, s15;
	s17 =	simm.s32 @p4 $0xFFFFFFFF;
	s24 =	spop (v2sf)  }
0x61: {  	v4 =	vmov s23;
	p6 =	por p6, p6;
	s19 =	sadd.s32 @!p0 $0x0, s15;
	p4 =	seq.s32 s24, s17  }
0x62: {  	vm15 =	vgt.u32 v4, v0;
	v2 =	vld.msk [tilespmem:s25+$0x0 ss:$0x1], vm14;
	s25 =	simm.s32 $0x1C;
	s17 =	sadd.s32 @!p4 $0x1, s21;
	s23 =	sshll.u32 @!p4 s21, $0xC  }
0x63: {  	vm1 =	vgt.s32 @!p4 v3, $0x0;
	s23 =	sshra.s32 @!p4 s23, $0x2;
	s17 =	smov.u32 @p4 s21;
	s21 =	simm.s32 @!p4 $0x80  }
0x64: {  	v3 =	vnsel @!p4 vm1, $0x0, v3;
	s24 =	sadd.s32 @!p4 s23, s15;
	s23 =	spop @!p0 (v2sf);
	p0 =	por p4, p4  }
0x65: {  	v3 =	vmin.u32 @!p4 v3, $0x2327;
	s26 =	simm.s32 @!p0 $0x0;
	s28 =	spop (v2sf);
	s29 =	sshll.u32 @!p6 s23, $0x4  }
0x66: {  	(v2sf) =	vpush @!p4 v3, $0x0;
	s26 =	simm.s32 @p0 $0x1;
	s28 =	simm.s32 @p1 $0xFFFFFFFF;
	s30 =	spop (v2sf)  }
0x67: {  	(v2sf) =	vpush v2, $0x1;
	s29 =	sand.u32 @!p6 $0x70, s29;
	[smem:$0x7FC] =	sst s26;
	p0 =	seq.s32 s30, s28  }
0x68: {  	(v2sf) =	vpush v2, $0x0;
	s28 =	sshll.u32 @!p6 s23, $0x7;
	s26 =	sadd.s32 @!p6 s3, s29;
	s23 =	smov.u32 s17;
	v3 =	vld.msk [tilespmem:s31+$0x0 ss:$0x1], vm15  }
.LBB2_3:
0x69: {  	s29 =	simm.s32 @!p4 $0x0;
	s30 =	smov.u32 s20;
	s20 =	smov.u32 s25  }
0x6a: {  	s25 =	sadd.s32 $0x4, s25;
	s31 =	smov.u32 s24;
	p1 =	por p5, p5  }
0x6b: {  	p5 =	por p2, p2;
	p2 =	seq.s32 s22, $0x9C;
	p3 =	sne.s32 s25, $0xA0  }
0x6c: {  	s29 =	simm.s32 @p4 $0x1;
	p4 =	por p0, p0;
	s24 =	simm.s32 @!p3 $0x0  }
0x6d: {  	[smem:$0x7F9] =	sst s29;
	s29 =	smov.u32 s17;
	s24 =	simm.s32 @p3 $0x1  }
0x6e: {  	s17 =	sadd.s32 @!p0 $0x1, s17;
	[smem:$0x7FA] =	sst s24;
	s24 =	simm.s32 $0x1  }
0x6f: {  	vm0 =	vgt.s32 @!p0 v1, $0x0;
	p0 =	por p6, p6;
	s23 =	sshll.u32 @!p4 s23, $0xC;
	s24 =	simm.s32 @!p2 $0x2  }
0x70: {  	v5 =	vmov s24;
	s24 =	sand.u32 @!p0 $0x1FFC00, s28;
	s28 =	sshra.s32 @!p4 s23, $0x2  }
0x71: {  	s26 =	sadd.s32 @!p0 s24, s26;
	s24 =	sadd.s32 @!p4 s28, s15;
	s28 =	sld [smem:$0x7FC]  }
0x72: {  	[tilespmem:s19], [sflag:$0x1] =	stream.strided.gather @!p0 [hbm:s26], $0x400, s18, s18, $0x38;
	[tilespmem:$0x140A0] =	vst v63  }
0x73: {  	s17 =	smov.u32 @p4 s29;
	s29 =	simm.s32 @!p4 $0x80;
	s18 =	smov.u32 s21  }
0x74: {  	s21 =	smov.u32 s29;
	s29 =	sld [smem:$0x7F9];
	p3 =	seq.s32 s28, $0x1  }
0x75: {  	p6 =	por p3, p3;
	p3 =	por p4, p4  }
0x76: {  	s28 =	simm.s32 @!p3 $0x0  }
0x77: {  	p0 =	seq.s32 s29, $0x1;
	s28 =	simm.s32 @p3 $0x1  }
0x78: {  	[smem:$0x7FC] =	sst s28;
	s28 =	spop @!p0 (v2sf)  }
0x79: {  	s19 =	smov.u32 s31;
	s31 =	sshra.s32 s22, $0x2;
	s29 =	spop (v2sf)  }
0x7a: {  	s26 =	sadd.s32 s31, s14;
	s29 =	simm.s32 @p1 $0xFFFFFFFF;
	s31 =	spop (v2sf)  }
0x7b: {  	p0 =	seq.s32 s31, s29;
	s31 =	sld [smem:$0x7FA];
	_ =	sdelay $0x1  }
0x7c: {  	vm15 =	vgt.u32 v5, v0  }
0x7d: {  	p1 =	seq.s32 s31, $0x1  }
.Ltmp3:
0x7e: {  	v4 =	vnsel @!p4 vm0, $0x0, v1;
	(pc) =	sbr.rel @p1 .LBB2_3-.Ltmp3, $4  }
0x7f: {  	v4 =	vmin.u32 @!p4 v4, $0x2327  }
0x80: {  	(v2sf) =	vpush @!p4 v4, $0x0;
	s22 =	smov.u32 s30;
	s30 =	sshll.u32 @!p6 s28, $0x4  }
0x81: {  	v1 =	vmov v2;
	v2 =	vmov v3;
	(v2sf) =	vpush v3, $0x1;
	s30 =	sand.u32 @!p6 $0x70, s30  }
0x82: {  	s23 =	smov.u32 s17;
	(v2sf) =	vpush v2, $0x0;
	v3 =	vld.msk [tilespmem:s26+$0x0 ss:$0x1], vm15;
	s28 =	sshll.u32 @!p6 s28, $0x7;
	s26 =	sadd.s32 @!p6 s3, s30  }
0x83: {  	_ = 	snop  }
0x84: {  	vm0 =	vgt.s32 @!p0 v1, $0x0  }
0x85: {  	v1 =	vnsel @!p0 vm0, $0x0, v1  }
0x86: {  	v1 =	vmin.u32 @!p0 v1, $0x2327  }
0x87: {  	(v2sf) =	vpush @!p0 v1, $0x0  }
0x88: {  	(v2sf) =	vpush v3, $0x1  }
0x89: {  	p1 =	seq.s32 s22, $0x9C;
	s25 =	simm.s32 $0x1;
	(v2sf) =	vpush v3, $0x0  }
0x8a: {  	s25 =	simm.s32 @!p1 $0x2  }
0x8b: {  	v1 =	vmov s25  }
0x8c: {  	vm14 =	vgt.u32 v1, v0;
	_ =	sdelay $0x1  }
0x8d: {  	p3 =	por p5, p5  }
0x8e: {  	s31 =	sshra.s32 s22, $0x2;
	p5 =	seq.s32 s20, $0x9C;
	s25 =	spop @!p4 (v2sf)  }
0x8f: {  	s30 =	simm.s32 $0x1;
	s22 =	sadd.s32 s31, s14;
	s29 =	spop (v2sf)  }
0x90: {  	s30 =	simm.s32 @!p5 $0x2;
	s29 =	simm.s32 @p3 $0xFFFFFFFF;
	s31 =	spop (v2sf)  }
0x91: {  	v4 =	vmov s30;
	v1 =	vld.msk [tilespmem:s22+$0x0 ss:$0x1], vm14;
	p4 =	seq.s32 s31, s29  }
0x92: {  	vm1 =	vgt.u32 v4, v0;
	vm0 =	vgt.s32 @!p4 v2, $0x0  }
0x93: {  	v2 =	vnsel @!p4 vm0, $0x0, v2  }
0x94: {  	v2 =	vmin.u32 @!p4 v2, $0x2327  }
0x95: {  	p2 =	por p2, p2;
	s22 =	spop @!p0 (v2sf);
	(v2sf) =	vpush @!p4 v2, $0x0  }
0x96: {  	p2 =	por p2, p2;
	s30 =	sshra.s32 s20, $0x2;
	s29 =	spop (v2sf);
	(v2sf) =	vpush v1, $0x1  }
0x97: {  	s20 =	sadd.s32 s30, s14;
	s29 =	simm.s32 @p2 $0xFFFFFFFF;
	s31 =	spop (v2sf);
	(v2sf) =	vpush v1, $0x0  }
0x98: {  	v2 =	vld.msk [tilespmem:s20+$0x0 ss:$0x1], vm1;
	p2 =	seq.s32 s31, s29  }
0x99: {  	s30 =	sld [smem:$0x7FC];
	vm0 =	vgt.s32 @!p2 v3, $0x0  }
0x9a: {  	v3 =	vnsel @!p2 vm0, $0x0, v3  }
0x9b: {  	p3 =	por p6, p6;
	v3 =	vmin.u32 @!p2 v3, $0x2327  }
0x9c: {  	p6 =	seq.s32 s30, $0x1;
	s20 =	sand.u32 @!p3 $0x1FFC00, s28;
	(v2sf) =	vpush @!p2 v3, $0x0  }
0x9d: {  	p6 =	por p6, p6;
	s20 =	sadd.s32 @!p3 s20, s26;
	(v2sf) =	vpush v2, $0x1  }
0x9e: {  	[tilespmem:s19], [sflag:$0x1] =	stream.strided.gather @!p3 [hbm:s20], $0x400, s18, s18, $0x38;
	(v2sf) =	vpush v2, $0x0;
	[tilespmem:$0x140A0] =	vst v63  }
0x9f: {  	p1 =	por p1, p1;
	s18 =	sshll.u32 @!p6 s25, $0x4  }
0xa0: {  	s19 =	sshll.u32 @!p6 s25, $0x7;
	p3 =	por p6, p6;
	s18 =	sand.u32 @!p6 $0x70, s18  }
0xa1: {  	p1 =	por p1, p1;
	s19 =	sand.u32 @!p3 $0x1FFC00, s19;
	s18 =	sadd.s32 @!p6 s3, s18  }
0xa2: {  	p6 =	por p0, p0;
	s18 =	sadd.s32 @!p3 s19, s18;
	s19 =	sshll.u32 @!p0 s23, $0xC  }
0xa3: {  	[tilespmem:s24], [sflag:$0x1] =	stream.strided.gather @!p3 [hbm:s18], $0x400, s21, s21, $0x38;
	[tilespmem:$0x140A0] =	vst v63  }
0xa4: {  	s18 =	sadd.s32 @!p0 $0x1, s17;
	p3 =	por p6, p6;
	s21 =	spop @!p4 (v2sf)  }
0xa5: {  	s20 =	sshll.u32 @!p3 s22, $0x4;
	s22 =	sshll.u32 @!p3 s22, $0x7;
	s23 =	spop (v2sf)  }
0xa6: {  	s20 =	sand.u32 @!p3 $0x70, s20;
	s23 =	simm.s32 @p1 $0xFFFFFFFF;
	s31 =	spop (v2sf)  }
0xa7: {  	s20 =	sadd.s32 @!p3 s3, s20;
	p1 =	por p3, p3;
	p3 =	seq.s32 s31, s23  }
0xa8: {  	s18 =	smov.u32 @p0 s17;
	s17 =	sshra.s32 @!p0 s19, $0x2;
	s19 =	sand.u32 @!p1 $0x1FFC00, s22;
	vm0 =	vgt.s32 @!p3 v1, $0x0  }
0xa9: {  	s17 =	sadd.s32 @!p0 s17, s15;
	s22 =	simm.s32 @!p0 $0x80;
	s19 =	sadd.s32 @!p1 s19, s20;
	v1 =	vnsel @!p3 vm0, $0x0, v1  }
0xaa: {  	[tilespmem:s17], [sflag:$0x1] =	stream.strided.gather @!p1 [hbm:s19], $0x400, s22, s22, $0x38;
	v1 =	vmin.u32 @!p3 v1, $0x2327;
	[tilespmem:$0x140A0] =	vst v63  }
0xab: {  	s17 =	sadd.s32 @!p4 $0x1, s18;
	p1 =	por p5, p5;
	s19 =	spop @!p2 (v2sf);
	(v2sf) =	vpush @!p3 v1, $0x0  }
0xac: {  	p5 =	por p4, p4;
	p0 =	por p1, p1;
	s20 =	spop (v2sf)  }
0xad: {  	s17 =	smov.u32 @p4 s18;
	s20 =	simm.s32 @p0 $0xFFFFFFFF;
	s24 =	spop (v2sf)  }
0xae: {  	s18 =	sshll.u32 @!p4 s18, $0xC;
	p1 =	por p5, p5;
	p0 =	seq.s32 s24, s20  }
0xaf: {  	p6 =	por p2, p2;
	s18 =	sshra.s32 @!p4 s18, $0x2;
	s22 =	sshll.u32 @!p1 s21, $0x4;
	vm0 =	vgt.s32 @!p0 v2, $0x0  }
0xb0: {  	s21 =	sshll.u32 @!p1 s21, $0x7;
	p5 =	por p1, p1;
	s22 =	sand.u32 @!p1 $0x70, s22;
	v1 =	vnsel @!p0 vm0, $0x0, v2  }
0xb1: {  	s21 =	sand.u32 @!p5 $0x1FFC00, s21;
	s18 =	sadd.s32 @!p4 s18, s15;
	s22 =	sadd.s32 @!p1 s3, s22;
	v1 =	vmin.u32 @!p0 v1, $0x2327  }
0xb2: {  	s20 =	simm.s32 @!p4 $0x80;
	p1 =	por p6, p6;
	s21 =	sadd.s32 @!p5 s21, s22;
	(v2sf) =	vpush @!p0 v1, $0x0  }
0xb3: {  	[tilespmem:s18], [sflag:$0x1] =	stream.strided.gather @!p5 [hbm:s21], $0x400, s20, s20, $0x38;
	[tilespmem:$0x140A0] =	vst v63  }
0xb4: {  	p4 =	por p1, p1;
	s20 =	sshll.u32 @!p1 s19, $0x4  }
0xb5: {  	s18 =	sshll.u32 @!p2 s17, $0xC;
	s19 =	sshll.u32 @!p1 s19, $0x7;
	s20 =	sand.u32 @!p1 $0x70, s20  }
0xb6: {  	s18 =	sshra.s32 @!p2 s18, $0x2;
	s19 =	sand.u32 @!p4 $0x1FFC00, s19;
	s20 =	sadd.s32 @!p1 s3, s20  }
0xb7: {  	s21 =	simm.s32 @!p2 $0x80;
	s18 =	sadd.s32 @!p2 s18, s15;
	s19 =	sadd.s32 @!p4 s19, s20  }
0xb8: {  	[tilespmem:s18], [sflag:$0x1] =	stream.strided.gather @!p4 [hbm:s19], $0x400, s21, s21, $0x38;
	[tilespmem:$0x140A0] =	vst v63  }
0xb9: {  	p5 =	por p3, p3;
	s18 =	sadd.s32 @!p2 $0x1, s17  }
0xba: {  	p1 =	por p5, p5;
	s18 =	smov.u32 @p2 s17;
	s17 =	spop @!p3 (v2sf)  }
0xbb: {  	p2 =	por p1, p1;
	s20 =	sshll.u32 @!p1 s17, $0x4  }
0xbc: {  	s19 =	sshll.u32 @!p3 s18, $0xC;
	s17 =	sshll.u32 @!p1 s17, $0x7;
	s20 =	sand.u32 @!p1 $0x70, s20  }
0xbd: {  	s19 =	sshra.s32 @!p3 s19, $0x2;
	s17 =	sand.u32 @!p2 $0x1FFC00, s17;
	s20 =	sadd.s32 @!p1 s3, s20  }
0xbe: {  	s21 =	simm.s32 @!p3 $0x80;
	s19 =	sadd.s32 @!p3 s19, s15;
	s17 =	sadd.s32 @!p2 s17, s20  }
0xbf: {  	[tilespmem:s19], [sflag:$0x1] =	stream.strided.gather @!p2 [hbm:s17], $0x400, s21, s21, $0x38;
	[tilespmem:$0x140A0] =	vst v63  }
0xc0: {  	p6 =	por p0, p0;
	s17 =	sadd.s32 @!p3 $0x1, s18  }
0xc1: {  	p1 =	por p6, p6;
	s19 =	spop @!p0 (v2sf);
	s17 =	smov.u32 @p3 s18  }
0xc2: {  	s18 =	sshll.u32 @!p1 s19, $0x4;
	s20 =	sadd.s32 @!p0 $0x1, s17  }
0xc3: {  	s21 =	sshll.u32 @!p0 s17, $0xC;
	s19 =	sshll.u32 @!p1 s19, $0x7;
	s18 =	sand.u32 @!p1 $0x70, s18  }
0xc4: {  	s20 =	smov.u32 @p0 s17;
	s18 =	sadd.s32 @!p1 s3, s18;
	p1 =	por p1, p1  }
0xc5: {  	s17 =	sshra.s32 @!p0 s21, $0x2;
	s21 =	simm.s32 @!p0 $0x80;
	s19 =	sand.u32 @!p1 $0x1FFC00, s19  }
0xc6: {  	s17 =	sadd.s32 @!p0 s17, s15;
	s25 =	sshll.u32 s20, $0xA;
	s18 =	sadd.s32 @!p1 s19, s18  }
0xc7: {  	[tilespmem:s17], [sflag:$0x1] =	stream.strided.gather @!p1 [hbm:s18], $0x400, s21, s21, $0x38;
	[tilespmem:$0x140A0] =	vst v63  }
0xc8: {  	s17 =	sand.u32 $0x3FFFFC00, s25  }
0xc9: {  	_ =	swait.ge [sflag:s6], s17  }
0xca: {  	s17 =	ssub.s32 $0x0, s17;
	[sflag:s6] =	ssyncset.done $0x0  }
0xcb: {  	s26 =	sadd.s32 $0x0, s16;
	[sflag:s6] =	ssyncadd.s32 s17  }
0xcc: {  	v1 =	vld.msk [tilespmem:s26+$0x0 ss:$0x1], $0x1;
	_ =	sdelay $0x4  }
0xcd: {  	(v2sf) =	vpush v1, $0x0;
	_ =	sdelay $0xc  }
0xce: {  	p0 =	por $0x0, $0x0;
	s17 =	simm.s32 $0x1  }
0xcf: {  	s17 =	simm.s32 @!p0 $0x2  }
0xd0: {  	v1 =	vmov s17;
	s28 =	spop (v2sf)  }
0xd1: {  	vm15 =	vgt.u32 v1, v0;
	s29 =	sshll.u32 s28, $0xA;
	s18 =	sshll.u32 s28, $0x7  }
0xd2: {  	s17 =	sand.u32 $0xFFFFE000, s29;
	s18 =	sand.u32 $0x380, s18  }
0xd3: {  	s17 =	sor.u32 s18, s17  }
0xd4: {  	s30 =	sadd.s32 $0x0, s15;
	s31 =	sadd.s32 $0x0, s14;
	s17 =	sshrl.u32 s17, $0x3  }
0xd5: {  	s20 =	simm.s32 $0x8;
	s19 =	simm.s32 $0x4;
	s17 =	sadd.s32 s5, s17  }
0xd6: {  	[hbm:s17] =	stream.strided.scatter [tilespmem:s30], [sflag:$0x3], $0x400, s11, s11, $0x38;
	[tilespmem:$0x140A0] =	vst v63  }
0xd7: {  	p0 =	por p0, p0;
	s18 =	simm.s32 $0x1;
	s17 =	simm.s32 $0x0;
	v1 =	vld.msk [tilespmem:s31+$0x0 ss:$0x1], vm15  }
.LBB2_5:
0xd8: {  	p2 =	sne.s32 s20, $0x9C;
	s21 =	sadd.s32 s18, s16  }
0xd9: {  	v2 =	vld.msk [tilespmem:s21+$0x0 ss:$0x1], $0x1;
	_ =	sdelay $0x3  }
0xda: {  	(v2sf) =	vpush v1, $0x1  }
0xdb: {  	(v2sf) =	vpush v1, $0x0  }
0xdc: {  	(v2sf) =	vpush v2, $0x0;
	_ =	sdelay $0xb  }
0xdd: {  	p1 =	seq.s32 s19, $0x9C;
	s19 =	smov.u32 s20;
	s21 =	simm.s32 $0x1  }
0xde: {  	s21 =	simm.s32 @!p1 $0x2;
	s22 =	spop (v2sf)  }
0xdf: {  	s22 =	simm.s32 @p0 $0xFFFFFFFF;
	s23 =	spop (v2sf);
	p0 =	por p1, p1  }
0xe0: {  	v1 =	vmov s21;
	s21 =	spop (v2sf);
	p1 =	sne.s32 s23, s22;
	s23 =	simm.s32 $0x1  }
0xe1: {  	vm0 =	vgt.u32 v1, v0;
	s22 =	sshll.u32 s21, $0xA;
	s21 =	sshll.u32 s21, $0x7;
	s23 =	simm.s32 @!p1 $0x0  }
0xe2: {  	s22 =	sand.u32 $0xFFFFE000, s22;
	s21 =	sand.u32 $0x380, s21;
	s17 =	sadd.s32 s23, s17  }
.Ltmp4:
0xe3: {  	s21 =	sor.u32 s21, s22;
	s22 =	sshll.u32 s17, $0xC;
	(pc) =	sbr.rel @p2 .LBB2_5-.Ltmp4, $4  }
0xe4: {  	s21 =	sshrl.u32 s21, $0x3;
	s22 =	sshra.s32 s22, $0x2  }
0xe5: {  	s23 =	sadd.s32 s18, s14;
	s22 =	sadd.s32 s22, s15;
	s21 =	sadd.s32 s5, s21  }
0xe6: {  	[hbm:s21] =	stream.strided.scatter [tilespmem:s22], [sflag:$0x3], $0x400, s11, s11, $0x38;
	[tilespmem:$0x140A0] =	vst v63  }
0xe7: {  	s20 =	sadd.s32 $0x4, s20;
	s18 =	sshra.s32 s19, $0x2;
	v1 =	vld.msk [tilespmem:s23+$0x0 ss:$0x1], vm0  }
.Ltmp5:
0xe8: {  	_ = 	snop;
	(pc) =	sbr.rel .LBB2_6-.Ltmp5, $1  }
0xe9: {  	_ =	sdelay $0x3  }
.LBB2_8:
0xea: {  	_ =	sfence.sel $0x180000  }
0xeb: {  	s1 =	simm.s32 $0x2;
	[bflag:$0x0] =	sbarrier.arrive $0xFFFF  }
0xec: {  	s29 =	simm.s32 $0x3;
	[sflag:s1] =	ssyncpa.u1 $0x1  }
0xed: {  	s30 =	simm.s32 $0x1;
	[sflag:s29] =	ssyncpa.u1 $0x1  }
0xee: {  	[sflag:s30] =	ssyncpa.u1 $0x1  }
0xef: {  	_ =	strace $0x9000005C  }
0xf0: {  	[bflag:$0x2] =	sbarrier.arrive $0xFFFF  }
0xf1: {  	s31 =	sld [smem:$0x7FD];
	_ =	sdelay $0x2  }
0xf2: {  	p0 =	seq.s32 s31, $0x1  }
0xf3: {  	s0 =	sadd.s32 @!p0 $0x100000, s0  }
0xf4: {  	[sflag:s0] =	ssyncadd.tile.s32 @!p0 $0x1;
	_ =	shalt  }
.Lfunc_end2:
_tile_overlayer_lowered:
.L_overlay_start_2:
0xf5: {  	(tag) =	ssettag $0x2  }
0xf6: {  	s0 =	rddreg [dreg:$0x0];
	s2 =	stileid.u32  }
0xf7: {  	s1 =	rddreg [dreg:$0x1];
	p0 =	sne.s32 s2, $0x0  }
0xf8: {  	s3 =	rddreg [dreg:$0x2];
	[bflag:$0x3] =	sbarrier.arrive $0xFFFF;
	s2 =	simm.s32 @!p0 $0x1C01  }
0xf9: {  	[timem:s3], [sflag:s2] =	dma.local @!p0 [hbm:s0], s1  }
0xfa: {  	s0 =	simm.s32 @!p0 $0x1  }
0xfb: {  	_ =	swait.ge @!p0 [sflag:s0], s1  }
0xfc: {  	s1 =	ssub.s32 @!p0 $0x0, s1;
	[sflag:s0] =	ssyncset.done @!p0 $0x0  }
0xfd: {  	[sflag:s0] =	ssyncadd.s32 @!p0 s1  }
0xfe: {  	[bflag:$0x3] =	sbarrier.arrive $0xFFFF  }
0xff: {  	_ =	shalt  }

// kernel: gather_offload_async_start
scs
__scs_entry_jumppad:
0x0: {  	(pc) =	sbr.rel $0x88, $3  }
0x1: {  	(tag) =	ssettag $0x0;
	lr =	simm.s32 $0x1  }
0x2: {  	[smem:$0x3F8F] =	sst lr;
	_ =	strace $0xD0000000  }
0x3: {  	_ = 	snop  }
0x4: {  	_ = 	snop  }
0x5: {  	_ = 	snop  }
0x6: {  	_ = 	snop  }
0x7: {  	_ = 	snop  }
__scs_overlays_trampoline_lowered:
0x8: {  	[smem:$0x3F9E] =	sst s0  }
0x9: {  	[smem:$0x3F9F] =	sst s1  }
0xa: {  	[smem:$0x3FA0] =	sst s2  }
0xb: {  	[smem:$0x3FA1] =	sst s3  }
0xc: {  	[smem:$0x3FA2] =	sst s4  }
0xd: {  	[smem:$0x3FA3] =	sst s5  }
0xe: {  	[smem:$0x3FA4] =	sst s6  }
0xf: {  	[smem:$0x3FA5] =	sst s7  }
0x10: {  	[smem:$0x3FA6] =	sst s8  }
0x11: {  	[smem:$0x3FA7] =	sst s9;
	s0 =	simm.s32 @!p0 $0x0  }
0x12: {  	s1 =	sld [smem:$0x3F8D];
	s0 =	simm.s32 @p0 $0x1  }
0x13: {  	[smem:$0x3FA8] =	sst s0;
	s0 =	simm.s32 @!p1 $0x0  }
0x14: {  	s2 =	sld [smem:$0x3F8C];
	s0 =	simm.s32 @p1 $0x1  }
0x15: {  	[smem:$0x3FA9] =	sst s0;
	s0 =	simm.s32 @!p2 $0x0  }
0x16: {  	s3 =	sld [smem:$0x3FDB];
	s0 =	simm.s32 @p2 $0x1  }
0x17: {  	s4 =	simm.s32 $0x1BF5;
	[smem:$0x3FAB] =	sst s0  }
0x18: {  	s0 =	sld [smem:$0x3F8E];
	_ =	swait.ge [sflag:s4], $0x0  }
0x19: {  	s7 =	sld [smem:$0x3F8F]  }
0x1a: {  	s8 =	sadd.s32 $0xFFFFE003, lr  }
0x1b: {  	s9 =	sadd.s32 $0xFFFFFEF7, lr;
	s5 =	simm.s32 $0xFFFFFFFF;
	p2 =	slt.u32 s8, $0xFFFFF086  }
0x1c: {  	p1 =	slt.u32 s9, $0xF7A;
	s5 =	simm.s32 @!p2 $0x0  }
0x1d: {  	s5 =	simm.s32 @p1 $0x1;
	p0 =	seq.s32 s7, s2  }
0x1e: {  	s7 =	smul.u32 @!p0 $0xF7A, s2;
	p2 =	seq.s32 @!p0 s5, $0x0  }
0x1f: {  	s9 =	smul.u32 $0xF7A, s1;
	s8 =	simm.s32 @!p0 $0x1BF5;
	p2 =	por !p2, p0  }
0x20: {  	[sflag:s8] =	ssyncset.s32 @!p0 $0xFFFFF086;
	s6 =	sadd.s32 @!p0 s3, s7;
	s7 =	simm.s32 @!p0 $0x108  }
0x21: {  	s3 =	sadd.s32 s3, s9;
	s6 =	sadd.s32 @!p0 $0x88, s6;
	s7 =	simm.s32 @p2 $0x1082  }
0x22: {  	[simem:s7], [sflag:s8] =	dma.local @!p0 [hbm:s6], $0xF7A  }
0x23: {  	s9 =	sor.u32 $0xD0000000, s2;
	s6 =	simm.s32 $0x108;
	_ =	swait.ge @!p0 [sflag:s8], $0x0  }
0x24: {  	s3 =	sadd.s32 $0x88, s3;
	s6 =	simm.s32 @!p1 $0x1082;
	[sflag:s4] =	ssyncset.s32 $0xFFFFF086  }
0x25: {  	[simem:s6], [sflag:s4] =	dma.local [hbm:s3], $0xF7A  }
0x26: {  	[smem:$0x3F8F] =	sst s1;
	(tag) =	ssettag s2;
	_ =	strace s9  }
0x27: {  	s1 =	sld [smem:$0x3F9F]  }
0x28: {  	s2 =	sld [smem:$0x3FA0]  }
0x29: {  	s4 =	sld [smem:$0x3FA2]  }
0x2a: {  	p0 =	seq.s32 s5, $0x0;
	s5 =	sld [smem:$0x3FA3]  }
0x2b: {  	s6 =	sld [smem:$0x3FA4]  }
0x2c: {  	s7 =	sld [smem:$0x3FA5]  }
0x2d: {  	s3 =	simm.s32 $0x108;
	s8 =	sld [smem:$0x3FA6]  }
0x2e: {  	s3 =	simm.s32 @!p0 $0x1082;
	s9 =	sld [smem:$0x3FA7]  }
0x2f: {  	lr =	sadd.s32 s0, s3;
	s0 =	sld [smem:$0x3F9E]  }
0x30: {  	s3 =	sld [smem:$0x3FA1]  }
0x31: {  	[smem:$0x3FAA] =	sst s10  }
0x32: {  	s10 =	sld [smem:$0x3FA8];
	_ =	sdelay $0x3  }
0x33: {  	p0 =	seq.s32 s10, $0x1;
	s10 =	sld [smem:$0x3FAA];
	_ =	sdelay $0x3  }
0x34: {  	[smem:$0x3FAA] =	sst s10  }
0x35: {  	s10 =	sld [smem:$0x3FA9];
	_ =	sdelay $0x3  }
0x36: {  	p1 =	seq.s32 s10, $0x1;
	s10 =	sld [smem:$0x3FAA];
	_ =	sdelay $0x3  }
0x37: {  	[smem:$0x3FAA] =	sst s10  }
0x38: {  	s10 =	sld [smem:$0x3FAB]  }
0x39: {  	_ = 	snop;
	(pc) =	sbr.ind lr, $3  }
0x3a: {  	_ = 	snop  }
0x3b: {  	_ = 	snop  }
0x3c: {  	p2 =	seq.s32 s10, $0x1;
	s10 =	sld [smem:$0x3FAA]  }
0x3d: {  	_ =	shalt  }
0x3e: {  	_ =	shalt  }
0x3f: {  	_ =	shalt  }
0x40: {  	_ =	shalt  }
0x41: {  	_ =	shalt  }
0x42: {  	_ =	shalt  }
0x43: {  	_ =	shalt  }
0x44: {  	_ =	shalt  }
0x45: {  	_ =	shalt  }
0x46: {  	_ =	shalt  }
0x47: {  	_ =	shalt  }
0x48: {  	_ =	shalt  }
0x49: {  	_ =	shalt  }
0x4a: {  	_ =	shalt  }
0x4b: {  	_ =	shalt  }
0x4c: {  	_ =	shalt  }
0x4d: {  	_ =	shalt  }
0x4e: {  	_ =	shalt  }
0x4f: {  	_ =	shalt  }
0x50: {  	_ =	shalt  }
0x51: {  	_ =	shalt  }
0x52: {  	_ =	shalt  }
0x53: {  	_ =	shalt  }
0x54: {  	_ =	shalt  }
0x55: {  	_ =	shalt  }
0x56: {  	_ =	shalt  }
0x57: {  	_ =	shalt  }
0x58: {  	_ =	shalt  }
0x59: {  	_ =	shalt  }
0x5a: {  	_ =	shalt  }
0x5b: {  	_ =	shalt  }
0x5c: {  	_ =	shalt  }
0x5d: {  	_ =	shalt  }
0x5e: {  	_ =	shalt  }
0x5f: {  	_ =	shalt  }
0x60: {  	_ =	shalt  }
0x61: {  	_ =	shalt  }
0x62: {  	_ =	shalt  }
0x63: {  	_ =	shalt  }
0x64: {  	_ =	shalt  }
0x65: {  	_ =	shalt  }
0x66: {  	_ =	shalt  }
0x67: {  	_ =	shalt  }
0x68: {  	_ =	shalt  }
0x69: {  	_ =	shalt  }
0x6a: {  	_ =	shalt  }
0x6b: {  	_ =	shalt  }
0x6c: {  	_ =	shalt  }
0x6d: {  	_ =	shalt  }
0x6e: {  	_ =	shalt  }
0x6f: {  	_ =	shalt  }
0x70: {  	_ =	shalt  }
0x71: {  	_ =	shalt  }
0x72: {  	_ =	shalt  }
0x73: {  	_ =	shalt  }
0x74: {  	_ =	shalt  }
0x75: {  	_ =	shalt  }
0x76: {  	_ =	shalt  }
0x77: {  	_ =	shalt  }
0x78: {  	_ =	shalt  }
0x79: {  	_ =	shalt  }
0x7a: {  	_ =	shalt  }
0x7b: {  	_ =	shalt  }
0x7c: {  	_ =	shalt  }
0x7d: {  	_ =	shalt  }
0x7e: {  	_ =	shalt  }
0x7f: {  	_ =	shalt  }
0x80: {  	_ =	shalt  }
0x81: {  	_ =	shalt  }
0x82: {  	_ =	shalt  }
0x83: {  	_ =	shalt  }
0x84: {  	_ =	shalt  }
0x85: {  	_ =	shalt  }
0x86: {  	_ =	shalt  }
0x87: {  	_ =	shalt  }
.Lfunc_end0:
.L_simem_size_0:
called_computation.6_lowered:
.L_overlay_start_0:
0x88: {  	s0 =	sld [smem:$0x3FD9]  }
0x89: {  	s1 =	sld [smem:$0x3FFE];
	_ =	sdelay $0x3  }
0x8a: {  	s0 =	sadd.s32 s1, s0  }
0x8b: {  	[smem:$0x3FB6] =	sst s0  }
0x8c: {  	_ = 	snop  }
0x8d: {  	(tm) =	ssettm $0x1  }
0x8e: {  	s15 =	sld [smem:$0x3FFB];
	_ =	sdelay $0x3  }
0x8f: {  	_ =	strace s15  }
0x90: {  	s0 =	sld [smem:$0x3FFC];
	_ =	sdelay $0x3  }
0x91: {  	_ =	strace s0  }
0x92: {  	s0 =	sld [smem:$0x3FFD];
	_ =	sdelay $0x3  }
0x93: {  	_ =	strace s0  }
0x94: {  	_ =	strace $0x8FFFFFFF  }
0x95: {  	s16 =	sld [smem:$0x3FDB];
	_ =	sdelay $0x1  }
0x96: {  	s17 =	simm.s32 $_scs_section_size  }
0x97: {  	s2 =	simm.s32 $_size__tile_overlayer_lowered;
	s3 =	simm.s32 $_tile_overlayer_lowered  }
0x98: {  	s20 =	simm.s32 $0x1BFF;
	s19 =	sshll.u32 s3, $0x1;
	s0 =	sadd.s32 s17, s16  }
0x99: {  	s4 =	simm.s32 $0x0;
	s18 =	sshll.u32 s2, $0x1;
	s2 =	sadd.s32 s19, s0  }
0x9a: {  	[timem:s4], [sflag:s20] =	dma.local [hbm:s2], s18  }
0x9b: {  	_ =	swait.ge [sflag:s20], s18  }
0x9c: {  	s1 =	ssub.s32 $0x0, s18;
	[sflag:s20] =	ssyncset.done $0x0  }
0x9d: {  	[sflag:s20] =	ssyncadd.s32 s1;
	_ =	sdelay $0x1  }
0x9e: {  	s21 =	simm.s32 $0x1B8B  }
0x9f: {  	_ =	swait.ge [sflag:s21], $0x1  }
0xa0: {  	[sflag:s21] =	ssyncset.done $0x0  }
0xa1: {  	s23 =	simm.s32 $0x1B8E;
	s22 =	sld [smem:$0x3FFE];
	[sflag:s21] =	ssyncadd.s32 $0xFFFFFFFF  }
0xa2: {  	s24 =	simm.s32 $execute0_lowered;
	[smem:$0x3FD2] =	sst s23  }
0xa3: {  	s2 =	sshll.u32 s24, $0x1;
	_ =	strace $0x80000052;
	[dreg:$0x1] =	wrdreg $0xFFFFFFFF  }
0xa4: {  	s25 =	simm.s32 $_size_execute0_lowered;
	s0 =	sadd.s32 s0, s2;
	[dreg:$0x0] =	wrdreg $0x0  }
0xa5: {  	s2 =	sshll.u32 s25, $0x1;
	[dreg:$0x2] =	wrdreg s0  }
0xa6: {  	[dreg:$0x3] =	wrdreg s2  }
0xa7: {  	[dreg:$0x4] =	wrdreg $0xC0  }
0xa8: {  	_ =	task [dreg:s4], $0x5FFFF  }
0xa9: {  	[dreg:$0x1] =	wrdreg $0xFFFFFFFF  }
0xaa: {  	[dreg:$0x0] =	wrdreg $0x60  }
0xab: {  	[dreg:$0x2] =	wrdreg s22  }
0xac: {  	[dreg:$0x3] =	wrdreg $0x9  }
0xad: {  	_ =	task.clear_ibuf [dreg:s4], $0x4FFFF;
	_ =	strace $0x90000052  }
0xae: {  	s26 =	simm.s32 $0x9;
	_ =	strace $0x80000054  }
0xaf: {  	_ =	swait.ge [sflag:s26], $0x1  }
0xb0: {  	[sflag:s26] =	ssyncadd.s32 $0xFFFFFFFF  }
0xb1: {  	_ =	strace $0x90000054  }
0xb2: {  	_ =	sfence  }
0xb3: {  	s28 =	sld [smem:$0x0];
	_ =	sdelay $0x1  }
0xb4: {  	s29 =	srdreg.scid  }
0xb5: {  	s30 =	sshll.u32 s29, $0xD;
	s31 =	sshrl.u32 s29, $0x2  }
0xb6: {  	s1 =	sand.u32 $0x1, s29;
	s2 =	sand.u32 $0x4000, s30;
	s0 =	sadd.s32 s31, s28  }
0xb7: {  	s1 =	sor.u32 s2, s1;
	s0 =	sshll.u32 s0, $0x11  }
0xb8: {  	s0 =	sor.u32 s0, s1  }
0xb9: {  	s0 =	sadd.s32 $0x8F2B, s0  }
0xba: {  	[sflag:s0] =	ssyncadd.remote.s32 $0x1  }
0xbb: {  	_ =	sfence.sel $0xFFFF  }
0xbc: {  	[dreg:$0x0] =	wrdreg $0xFFFFFFFF;
	(pc) =	sbr.abs _section_cstart, $3  }
0xbd: {  	[dreg:$0x1] =	wrdreg $0xFFFFFFFF  }
0xbe: {  	_ =	task.clear_ibuf [dreg:s4], $0x2FFFF;
	_ =	strace $0x9FFFFFFF  }
0xbf: {  	(tm) =	ssettm $0x7FFFFFFF  }
tec
execute0_lowered:
.L_overlay_start_1:
0x0: {  	(tag) =	ssettag $0x1  }
0x1: {  	s0 =	stileid.u32  }
0x2: {  	s1 =	smin.u32 s0, $0xD;
	s2 =	sshll.u32 s0, $0x1  }
0x3: {  	s1 =	sadd.s32 s1, s2  }
0x4: {  	p0 =	slt.u32 s0, $0xD;
	s2 =	simm.s32 $0x258;
	s1 =	smul.u32 $0xC8, s1  }
0x5: {  	s2 =	simm.s32 @!p0 $0x190  }
0x6: {  	s2 =	sadd.s32 s2, s1  }
0x7: {  	s3 =	smin.u32 s2, $0x2328  }
0x8: {  	s7 =	ssub.s32 s3, s1  }
0x9: {  	p0 =	sgt.s32 s7, $0x0  }
0xa: {  	s7 =	simm.s32 @!p0 $0x0  }
0xb: {  	s31 =	sand.u32 $0xFFF8, s7  }
0xc: {  	s2 =	sshrl.u32 s31, $0x3  }
0xd: {  	s2 =	smul.u32 $0x147B, s2  }
0xe: {  	s9 =	rddreg [dreg:$0x0];
	s6 =	simm.s32 $0x1;
	s11 =	simm.s32 $0x3  }
0xf: {  	s13 =	simm.s32 $0x0;
	s12 =	simm.s32 $0x0;
	s8 =	sshrl.u32 s2, $0x11  }
0x10: {  	s4 =	sadd.s32 $0x17000, s9;
	s5 =	sadd.s32 $0x600, s9;
	s10 =	smul.u32 $0xC8, s8  }
.Ltmp0:
0x11: {  	s9 =	sadd.s32 $0x65200, s9;
	s2 =	rddreg [dreg:$0x1];
	(pc) =	sbr.rel .LBB2_1-.Ltmp0, $4  }
0x12: {  	_ =	strace $0x80000053;
	p0 =	sne.s32 s7, s10;
	s10 =	simm.s32 $0x1  }
0x13: {  	[sflag:s6] =	ssyncpa.u1 $0x0;
	s7 =	simm.s32 $0x2;
	s10 =	simm.s32 @!p0 $0x0  }
0x14: {  	[sflag:s7] =	ssyncpa.u1 $0x0;
	p0 =	por $0x0, $0x0;
	s8 =	sadd.s32 s8, s10  }
0x15: {  	vm0 =	vmmov $0xff;
	vm1 =	vcmask $0x3F20;
	[sflag:s11] =	ssyncpa.u1 $0x0;
	s11 =	smov.u32 s1;
	s10 =	sadd.s32 $0x1, s8  }
.LBB2_10:
0x16: {  	[hbm:s17] =	stream.linear.scatter [tilespmem:s14], [sflag:$0x3], $0x800, $0x38;
	[tilespmem:$0x19190] =	vst v63  }
.LBB2_11:
0x17: {  	s13 =	sadd.s32 $0xC8, s11  }
0x18: {  	s15 =	smov.u32 s1;
	p2 =	slt.s32 s13, s3  }
0x19: {  	s15 =	smov.u32 @p2 s13;
	p2 =	sne.s32 s12, s10  }
.Ltmp1:
0x1a: {  	p1 =	slt.u32 s12, $0x2;
	(pc) =	sbr.rel @!p2 .LBB2_12-.Ltmp1, $4  }
0x1b: {  	s14 =	simm.s32 @!p1 $0x3  }
0x1c: {  	s16 =	sadd.s32 $0x1, s12;
	_ =	swait.ge @!p1 [sflag:s14], $0xC800  }
0x1d: {  	p0 =	por !p0, !p0;
	s13 =	smov.u32 s11;
	[sflag:s14] =	ssyncset.done @!p1 $0x0  }
0x1e: {  	s12 =	smov.u32 s16;
	s11 =	smov.u32 s15;
	[sflag:s14] =	ssyncadd.s32 @!p1 $0xFFFF3800  }
.LBB2_1:
0x1f: {  	p1 =	sge.u32 s12, s8  }
0x20: {  	s14 =	sxor.u32 @!p1 $0xFFFFFFFF, s12  }
0x21: {  	s14 =	sand.u32 @!p1 $0x1, s14  }
0x22: {  	s14 =	smul.u32 @!p1 $0x320, s14  }
0x23: {  	s31 =	sadd.s32 $0xFFFFFFFF, s12;
	s15 =	sshrl.u32 @!p1 s11, $0x3  }
0x24: {  	s16 =	sand.u32 @!p1 $0x7, s11;
	s15 =	sadd.s32 @!p1 s5, s15;
	s14 =	sshrl.u32 @!p1 s14, $0x2  }
0x25: {  	[tilespmem:s14], [sflag:$0x2] =	stream.linear.gather @!p1 [hbm4b:s15+s16], $0xC8, $0x38;
	[tilespmem:$0x19190] =	vst v63  }
0x26: {  	p1 =	sge.u32 s31, s8  }
.Ltmp2:
0x27: {  	_ = 	snop;
	(pc) =	sbr.rel @p1 .LBB2_11-.Ltmp2, $1  }
0x28: {  	_ =	sdelay $0x3  }
0x29: {  	s15 =	sand.u32 $0x1, s12  }
0x2a: {  	s14 =	simm.s32 $0x1;
	s16 =	smul.u32 $0x32000, s15  }
0x2b: {  	_ =	swait.ge [sflag:s7], $0xC8;
	s14 =	simm.s32 @!p0 $0x0;
	s15 =	smul.u32 $0x320, s15  }
0x2c: {  	[sflag:s7] =	ssyncset.done $0x0;
	s14 =	smul.u32 $0x32000, s14  }
0x2d: {  	[sflag:s7] =	ssyncadd.s32 $0xFFFFFF38  }
0x2e: {  	s17 =	sshrl.u32 s16, $0x2;
	s16 =	sshrl.u32 s15, $0x2;
	s14 =	sshrl.u32 s14, $0x2  }
0x2f: {  	s15 =	sor.u32 $0x190, s17;
	s17 =	simm.s32 $0x0;
	s14 =	sor.u32 $0x190, s14  }
.LBB2_3:
0x30: {  	s18 =	sshll.u32 s17, $0x4  }
0x31: {  	s18 =	sand.u32 $0x3FFFFFF0, s18  }
0x32: {  	s18 =	sadd.s32 s18, s16  }
0x33: {  	v0 =	vld.msk [tilespmem:s18+$0x0 ss:$0x1], $0xffff;
	_ =	sdelay $0x4  }
0x34: {  	vm2 =	vgt.s32 v0, $0x0  }
0x35: {  	v0 =	vnsel vm2, $0x0, v0  }
0x36: {  	v0 =	vmin.u32 v0, $0x270F  }
0x37: {  	s31 =	sshll.u32 s17, $0xC;
	v1 =	vshll.u32 v0, $0x5;
	v0 =	vshll.u32 v0, $0x4  }
0x38: {  	s18 =	sand.u32 $0x3FFFF000, s31;
	v1 =	vand.u32 $0x7FF00, v1;
	v0 =	vand.u32 $0x70, v0  }
0x39: {  	p1 =	por $0x1, $0x1;
	s19 =	simm.s32 $0x0;
	s18 =	sadd.s32 s18, s15;
	v0 =	vor.u32 v0, v1  }
.LBB2_4:
0x3a: {  	_ =	sdelay $0x1  }
0x3b: {  	s19 =	sshra.s32 s19, $0x2;
	p2 =	por p1, p1  }
.Ltmp3:
0x3c: {  	s19 =	sadd.s32 s19, s18;
	(pc) =	sbr.rel @p2 .LBB2_4-.Ltmp3, $4  }
0x3d: {  	[tilespmem:s19], [sflag:$0x1] =	stream.indirect_vreg.gather [hbm:s4], $0x80, v0, vm0, $0x38;
	[tilespmem:$0x19190] =	vst v63  }
0x3e: {  	s19 =	sadd.s32 $0x800, s19  }
0x3f: {  	[tilespmem:s19], [sflag:$0x1] =	stream.indirect_vreg.gather [hbm:s4], $0x80, v0, vm1, $0x38;
	[tilespmem:$0x19190] =	vst v63  }
0x40: {  	p1 =	por $0x0, $0x0;
	v0 =	vadd.s32 $0x80, v0;
	s19 =	simm.s32 $0x1000  }
0x41: {  	s17 =	sadd.s32 $0x1, s17  }
0x42: {  	p1 =	sne.s32 s17, $0xC  }
.Ltmp4:
0x43: {  	_ = 	snop;
	(pc) =	sbr.rel @p1 .LBB2_3-.Ltmp4, $1  }
0x44: {  	_ =	sdelay $0x3  }
0x45: {  	v0 =	vld.msk [tilespmem:s16+$0xC0 ss:$0x1], $0xff;
	_ =	sdelay $0x4  }
0x46: {  	vm2 =	vgt.s32 v0, $0x0  }
0x47: {  	v0 =	vnsel vm2, $0x0, v0  }
0x48: {  	v0 =	vmin.u32 v0, $0x270F  }
0x49: {  	v1 =	vshll.u32 v0, $0x5;
	v0 =	vshll.u32 v0, $0x4  }
0x4a: {  	v1 =	vand.u32 $0x7FF00, v1;
	v0 =	vand.u32 $0x70, v0  }
0x4b: {  	s16 =	simm.s32 $0x0;
	p1 =	por $0x1, $0x1;
	v0 =	vor.u32 v0, v1  }
.LBB2_7:
0x4c: {  	p2 =	por p1, p1  }
.Ltmp5:
0x4d: {  	s16 =	sshra.s32 s16, $0x2;
	(pc) =	sbr.rel @p2 .LBB2_7-.Ltmp5, $4  }
0x4e: {  	s16 =	sadd.s32 s16, s15  }
0x4f: {  	s16 =	sadd.s32 $0xC000, s16  }
0x50: {  	[tilespmem:s16], [sflag:$0x1] =	stream.indirect_vreg.gather [hbm:s4], $0x80, v0, vm0, $0x38;
	[tilespmem:$0x19190] =	vst v63  }
0x51: {  	p1 =	por $0x0, $0x0;
	v0 =	vadd.s32 $0x80, v0;
	s16 =	simm.s32 $0x1000  }
0x52: {  	s15 =	sshll.u32 s13, $0x5  }
0x53: {  	s31 =	sshll.u32 s13, $0x4;
	s15 =	sand.u32 $0xFFFFFF00, s15  }
0x54: {  	_ =	swait.ge [sflag:s6], $0xC800;
	s13 =	sand.u32 $0x70, s31;
	s15 =	sadd.s32 s15, s9  }
0x55: {  	s16 =	sadd.s32 $0x800, s14;
	[sflag:s6] =	ssyncset.done $0x0;
	s13 =	sadd.s32 s13, s15  }
0x56: {  	[sflag:s6] =	ssyncadd.s32 $0xFFFF3800;
	s15 =	simm.s32 $0x100;
	s17 =	sadd.s32 $0x0, s13  }
.LBB2_9:
0x57: {  	[hbm:s17] =	stream.linear.scatter [tilespmem:s14], [sflag:$0x3], $0x800, $0x38;
	[tilespmem:$0x19190] =	vst v63  }
0x58: {  	s17 =	smov.u32 s15;
	s14 =	smov.u32 s16;
	p1 =	sne.s32 s15, $0x1800  }
.Ltmp6:
0x59: {  	s15 =	sadd.s32 $0x100, s15;
	(pc) =	sbr.rel @p1 .LBB2_9-.Ltmp6, $2  }
0x5a: {  	_ =	sdelay $0x2  }
0x5b: {  	s16 =	sadd.s32 $0x800, s16;
	s17 =	sadd.s32 s17, s13  }
.Ltmp7:
0x5c: {  	_ = 	snop;
	(pc) =	sbr.rel .LBB2_10-.Ltmp7, $1  }
0x5d: {  	_ =	sdelay $0x3  }
.LBB2_12:
0x5e: {  	_ =	sfence.sel $0x180000  }
0x5f: {  	s1 =	simm.s32 $0x2;
	[bflag:$0x0] =	sbarrier.arrive $0xFFFF  }
0x60: {  	s30 =	simm.s32 $0x3;
	[sflag:s1] =	ssyncpa.u1 $0x1  }
0x61: {  	s31 =	simm.s32 $0x1;
	[sflag:s30] =	ssyncpa.u1 $0x1  }
0x62: {  	[sflag:s31] =	ssyncpa.u1 $0x1  }
0x63: {  	p0 =	sne.s32 s0, $0x0;
	_ =	strace $0x90000053  }
0x64: {  	s0 =	sadd.s32 @!p0 $0x100000, s2;
	[bflag:$0x2] =	sbarrier.arrive $0xFFFF  }
0x65: {  	[sflag:s0] =	ssyncadd.tile.s32 @!p0 $0x1;
	_ =	shalt  }
.Lfunc_end2:
_tile_overlayer_lowered:
.L_overlay_start_2:
0x66: {  	(tag) =	ssettag $0x2  }
0x67: {  	s0 =	rddreg [dreg:$0x0];
	s2 =	stileid.u32  }
0x68: {  	s1 =	rddreg [dreg:$0x1];
	p0 =	sne.s32 s2, $0x0  }
0x69: {  	s3 =	rddreg [dreg:$0x2];
	[bflag:$0x3] =	sbarrier.arrive $0xFFFF;
	s2 =	simm.s32 @!p0 $0x1C01  }
0x6a: {  	[timem:s3], [sflag:s2] =	dma.local @!p0 [hbm:s0], s1  }
0x6b: {  	s0 =	simm.s32 @!p0 $0x1  }
0x6c: {  	_ =	swait.ge @!p0 [sflag:s0], s1  }
0x6d: {  	s1 =	ssub.s32 @!p0 $0x0, s1;
	[sflag:s0] =	ssyncset.done @!p0 $0x0  }
0x6e: {  	[sflag:s0] =	ssyncadd.s32 @!p0 s1  }
0x6f: {  	[bflag:$0x3] =	sbarrier.arrive $0xFFFF  }
0x70: {  	_ =	shalt  }

// kernel: scatter_offload_async_start.1
scs
__scs_entry_jumppad:
0x0: {  	(pc) =	sbr.rel $0x88, $3  }
0x1: {  	(tag) =	ssettag $0x0;
	lr =	simm.s32 $0x1  }
0x2: {  	[smem:$0x3F8F] =	sst lr;
	_ =	strace $0xD0000000  }
0x3: {  	_ = 	snop  }
0x4: {  	_ = 	snop  }
0x5: {  	_ = 	snop  }
0x6: {  	_ = 	snop  }
0x7: {  	_ = 	snop  }
__scs_overlays_trampoline_lowered:
0x8: {  	[smem:$0x3F9E] =	sst s0  }
0x9: {  	[smem:$0x3F9F] =	sst s1  }
0xa: {  	[smem:$0x3FA0] =	sst s2  }
0xb: {  	[smem:$0x3FA1] =	sst s3  }
0xc: {  	[smem:$0x3FA2] =	sst s4  }
0xd: {  	[smem:$0x3FA3] =	sst s5  }
0xe: {  	[smem:$0x3FA4] =	sst s6  }
0xf: {  	[smem:$0x3FA5] =	sst s7  }
0x10: {  	[smem:$0x3FA6] =	sst s8  }
0x11: {  	[smem:$0x3FA7] =	sst s9;
	s0 =	simm.s32 @!p0 $0x0  }
0x12: {  	s1 =	sld [smem:$0x3F8D];
	s0 =	simm.s32 @p0 $0x1  }
0x13: {  	[smem:$0x3FA8] =	sst s0;
	s0 =	simm.s32 @!p1 $0x0  }
0x14: {  	s2 =	sld [smem:$0x3F8C];
	s0 =	simm.s32 @p1 $0x1  }
0x15: {  	[smem:$0x3FA9] =	sst s0;
	s0 =	simm.s32 @!p2 $0x0  }
0x16: {  	s3 =	sld [smem:$0x3FDB];
	s0 =	simm.s32 @p2 $0x1  }
0x17: {  	s4 =	simm.s32 $0x1BF5;
	[smem:$0x3FAB] =	sst s0  }
0x18: {  	s0 =	sld [smem:$0x3F8E];
	_ =	swait.ge [sflag:s4], $0x0  }
0x19: {  	s7 =	sld [smem:$0x3F8F]  }
0x1a: {  	s8 =	sadd.s32 $0xFFFFE003, lr  }
0x1b: {  	s9 =	sadd.s32 $0xFFFFFEF7, lr;
	s5 =	simm.s32 $0xFFFFFFFF;
	p2 =	slt.u32 s8, $0xFFFFF086  }
0x1c: {  	p1 =	slt.u32 s9, $0xF7A;
	s5 =	simm.s32 @!p2 $0x0  }
0x1d: {  	s5 =	simm.s32 @p1 $0x1;
	p0 =	seq.s32 s7, s2  }
0x1e: {  	s7 =	smul.u32 @!p0 $0xF7A, s2;
	p2 =	seq.s32 @!p0 s5, $0x0  }
0x1f: {  	s9 =	smul.u32 $0xF7A, s1;
	s8 =	simm.s32 @!p0 $0x1BF5;
	p2 =	por !p2, p0  }
0x20: {  	[sflag:s8] =	ssyncset.s32 @!p0 $0xFFFFF086;
	s6 =	sadd.s32 @!p0 s3, s7;
	s7 =	simm.s32 @!p0 $0x108  }
0x21: {  	s3 =	sadd.s32 s3, s9;
	s6 =	sadd.s32 @!p0 $0x88, s6;
	s7 =	simm.s32 @p2 $0x1082  }
0x22: {  	[simem:s7], [sflag:s8] =	dma.local @!p0 [hbm:s6], $0xF7A  }
0x23: {  	s9 =	sor.u32 $0xD0000000, s2;
	s6 =	simm.s32 $0x108;
	_ =	swait.ge @!p0 [sflag:s8], $0x0  }
0x24: {  	s3 =	sadd.s32 $0x88, s3;
	s6 =	simm.s32 @!p1 $0x1082;
	[sflag:s4] =	ssyncset.s32 $0xFFFFF086  }
0x25: {  	[simem:s6], [sflag:s4] =	dma.local [hbm:s3], $0xF7A  }
0x26: {  	[smem:$0x3F8F] =	sst s1;
	(tag) =	ssettag s2;
	_ =	strace s9  }
0x27: {  	s1 =	sld [smem:$0x3F9F]  }
0x28: {  	s2 =	sld [smem:$0x3FA0]  }
0x29: {  	s4 =	sld [smem:$0x3FA2]  }
0x2a: {  	p0 =	seq.s32 s5, $0x0;
	s5 =	sld [smem:$0x3FA3]  }
0x2b: {  	s6 =	sld [smem:$0x3FA4]  }
0x2c: {  	s7 =	sld [smem:$0x3FA5]  }
0x2d: {  	s3 =	simm.s32 $0x108;
	s8 =	sld [smem:$0x3FA6]  }
0x2e: {  	s3 =	simm.s32 @!p0 $0x1082;
	s9 =	sld [smem:$0x3FA7]  }
0x2f: {  	lr =	sadd.s32 s0, s3;
	s0 =	sld [smem:$0x3F9E]  }
0x30: {  	s3 =	sld [smem:$0x3FA1]  }
0x31: {  	[smem:$0x3FAA] =	sst s10  }
0x32: {  	s10 =	sld [smem:$0x3FA8];
	_ =	sdelay $0x3  }
0x33: {  	p0 =	seq.s32 s10, $0x1;
	s10 =	sld [smem:$0x3FAA];
	_ =	sdelay $0x3  }
0x34: {  	[smem:$0x3FAA] =	sst s10  }
0x35: {  	s10 =	sld [smem:$0x3FA9];
	_ =	sdelay $0x3  }
0x36: {  	p1 =	seq.s32 s10, $0x1;
	s10 =	sld [smem:$0x3FAA];
	_ =	sdelay $0x3  }
0x37: {  	[smem:$0x3FAA] =	sst s10  }
0x38: {  	s10 =	sld [smem:$0x3FAB]  }
0x39: {  	_ = 	snop;
	(pc) =	sbr.ind lr, $3  }
0x3a: {  	_ = 	snop  }
0x3b: {  	_ = 	snop  }
0x3c: {  	p2 =	seq.s32 s10, $0x1;
	s10 =	sld [smem:$0x3FAA]  }
0x3d: {  	_ =	shalt  }
0x3e: {  	_ =	shalt  }
0x3f: {  	_ =	shalt  }
0x40: {  	_ =	shalt  }
0x41: {  	_ =	shalt  }
0x42: {  	_ =	shalt  }
0x43: {  	_ =	shalt  }
0x44: {  	_ =	shalt  }
0x45: {  	_ =	shalt  }
0x46: {  	_ =	shalt  }
0x47: {  	_ =	shalt  }
0x48: {  	_ =	shalt  }
0x49: {  	_ =	shalt  }
0x4a: {  	_ =	shalt  }
0x4b: {  	_ =	shalt  }
0x4c: {  	_ =	shalt  }
0x4d: {  	_ =	shalt  }
0x4e: {  	_ =	shalt  }
0x4f: {  	_ =	shalt  }
0x50: {  	_ =	shalt  }
0x51: {  	_ =	shalt  }
0x52: {  	_ =	shalt  }
0x53: {  	_ =	shalt  }
0x54: {  	_ =	shalt  }
0x55: {  	_ =	shalt  }
0x56: {  	_ =	shalt  }
0x57: {  	_ =	shalt  }
0x58: {  	_ =	shalt  }
0x59: {  	_ =	shalt  }
0x5a: {  	_ =	shalt  }
0x5b: {  	_ =	shalt  }
0x5c: {  	_ =	shalt  }
0x5d: {  	_ =	shalt  }
0x5e: {  	_ =	shalt  }
0x5f: {  	_ =	shalt  }
0x60: {  	_ =	shalt  }
0x61: {  	_ =	shalt  }
0x62: {  	_ =	shalt  }
0x63: {  	_ =	shalt  }
0x64: {  	_ =	shalt  }
0x65: {  	_ =	shalt  }
0x66: {  	_ =	shalt  }
0x67: {  	_ =	shalt  }
0x68: {  	_ =	shalt  }
0x69: {  	_ =	shalt  }
0x6a: {  	_ =	shalt  }
0x6b: {  	_ =	shalt  }
0x6c: {  	_ =	shalt  }
0x6d: {  	_ =	shalt  }
0x6e: {  	_ =	shalt  }
0x6f: {  	_ =	shalt  }
0x70: {  	_ =	shalt  }
0x71: {  	_ =	shalt  }
0x72: {  	_ =	shalt  }
0x73: {  	_ =	shalt  }
0x74: {  	_ =	shalt  }
0x75: {  	_ =	shalt  }
0x76: {  	_ =	shalt  }
0x77: {  	_ =	shalt  }
0x78: {  	_ =	shalt  }
0x79: {  	_ =	shalt  }
0x7a: {  	_ =	shalt  }
0x7b: {  	_ =	shalt  }
0x7c: {  	_ =	shalt  }
0x7d: {  	_ =	shalt  }
0x7e: {  	_ =	shalt  }
0x7f: {  	_ =	shalt  }
0x80: {  	_ =	shalt  }
0x81: {  	_ =	shalt  }
0x82: {  	_ =	shalt  }
0x83: {  	_ =	shalt  }
0x84: {  	_ =	shalt  }
0x85: {  	_ =	shalt  }
0x86: {  	_ =	shalt  }
0x87: {  	_ =	shalt  }
.Lfunc_end0:
.L_simem_size_0:
called_computation.1_lowered:
.L_overlay_start_0:
0x88: {  	s0 =	sld [smem:$0x3FD9]  }
0x89: {  	s1 =	sld [smem:$0x3FFE];
	_ =	sdelay $0x3  }
0x8a: {  	s0 =	sadd.s32 s1, s0  }
0x8b: {  	[smem:$0x3FB6] =	sst s0  }
0x8c: {  	_ = 	snop  }
0x8d: {  	(tm) =	ssettm $0x1  }
0x8e: {  	s15 =	sld [smem:$0x3FFB];
	_ =	sdelay $0x3  }
0x8f: {  	_ =	strace s15  }
0x90: {  	s0 =	sld [smem:$0x3FFC];
	_ =	sdelay $0x3  }
0x91: {  	_ =	strace s0  }
0x92: {  	s0 =	sld [smem:$0x3FFD];
	_ =	sdelay $0x3  }
0x93: {  	_ =	strace s0  }
0x94: {  	_ =	strace $0x8FFFFFFF  }
0x95: {  	s16 =	sld [smem:$0x3FDB];
	_ =	sdelay $0x1  }
0x96: {  	s17 =	simm.s32 $_scs_section_size  }
0x97: {  	s2 =	simm.s32 $_size__tile_overlayer_lowered;
	s3 =	simm.s32 $_tile_overlayer_lowered  }
0x98: {  	s20 =	simm.s32 $0x1BFF;
	s19 =	sshll.u32 s3, $0x1;
	s0 =	sadd.s32 s17, s16  }
0x99: {  	s4 =	simm.s32 $0x0;
	s18 =	sshll.u32 s2, $0x1;
	s2 =	sadd.s32 s19, s0  }
0x9a: {  	[timem:s4], [sflag:s20] =	dma.local [hbm:s2], s18  }
0x9b: {  	_ =	swait.ge [sflag:s20], s18  }
0x9c: {  	s1 =	ssub.s32 $0x0, s18;
	[sflag:s20] =	ssyncset.done $0x0  }
0x9d: {  	[sflag:s20] =	ssyncadd.s32 s1;
	_ =	sdelay $0x1  }
0x9e: {  	s21 =	simm.s32 $0x1B8B  }
0x9f: {  	_ =	swait.ge [sflag:s21], $0x1  }
0xa0: {  	[sflag:s21] =	ssyncset.done $0x0  }
0xa1: {  	s23 =	simm.s32 $0x1B8E;
	s22 =	sld [smem:$0x3FFE];
	[sflag:s21] =	ssyncadd.s32 $0xFFFFFFFF  }
0xa2: {  	s24 =	simm.s32 $execute0_lowered;
	[smem:$0x3FD2] =	sst s23  }
0xa3: {  	s2 =	sshll.u32 s24, $0x1;
	_ =	strace $0x80000049;
	[dreg:$0x1] =	wrdreg $0xFFFFFFFF  }
0xa4: {  	s25 =	simm.s32 $_size_execute0_lowered;
	s0 =	sadd.s32 s0, s2;
	[dreg:$0x0] =	wrdreg $0x0  }
0xa5: {  	s2 =	sshll.u32 s25, $0x1;
	[dreg:$0x2] =	wrdreg s0  }
0xa6: {  	[dreg:$0x3] =	wrdreg s2  }
0xa7: {  	[dreg:$0x4] =	wrdreg $0xC0  }
0xa8: {  	_ =	task [dreg:s4], $0x5FFFF  }
0xa9: {  	[dreg:$0x1] =	wrdreg $0xFFFFFFFF  }
0xaa: {  	[dreg:$0x0] =	wrdreg $0x60  }
0xab: {  	[dreg:$0x2] =	wrdreg s22  }
0xac: {  	[dreg:$0x3] =	wrdreg $0x9  }
0xad: {  	_ =	task.clear_ibuf [dreg:s4], $0x4FFFF;
	_ =	strace $0x90000049  }
0xae: {  	s26 =	simm.s32 $0x9;
	_ =	strace $0x8000004B  }
0xaf: {  	_ =	swait.ge [sflag:s26], $0x1  }
0xb0: {  	[sflag:s26] =	ssyncadd.s32 $0xFFFFFFFF  }
0xb1: {  	_ =	strace $0x9000004B  }
0xb2: {  	_ =	sfence  }
0xb3: {  	s28 =	sld [smem:$0x0];
	_ =	sdelay $0x1  }
0xb4: {  	s29 =	srdreg.scid  }
0xb5: {  	s30 =	sshll.u32 s29, $0xD;
	s31 =	sshrl.u32 s29, $0x2  }
0xb6: {  	s1 =	sand.u32 $0x1, s29;
	s2 =	sand.u32 $0x4000, s30;
	s0 =	sadd.s32 s31, s28  }
0xb7: {  	s1 =	sor.u32 s2, s1;
	s0 =	sshll.u32 s0, $0x11  }
0xb8: {  	s0 =	sor.u32 s0, s1  }
0xb9: {  	s0 =	sadd.s32 $0x8F2B, s0  }
0xba: {  	[sflag:s0] =	ssyncadd.remote.s32 $0x1  }
0xbb: {  	_ =	sfence.sel $0xFFFF  }
0xbc: {  	[dreg:$0x0] =	wrdreg $0xFFFFFFFF;
	(pc) =	sbr.abs _section_cstart, $3  }
0xbd: {  	[dreg:$0x1] =	wrdreg $0xFFFFFFFF  }
0xbe: {  	_ =	task.clear_ibuf [dreg:s4], $0x2FFFF;
	_ =	strace $0x9FFFFFFF  }
0xbf: {  	(tm) =	ssettm $0x7FFFFFFF  }
tec
execute0_lowered:
.L_overlay_start_1:
0x0: {  	(tag) =	ssettag $0x1  }
0x1: {  	s0 =	rddreg [dreg:$0x0];
	_ =	strace $0x8000004A;
	s1 =	simm.s32 $0x1  }
0x2: {  	s8 =	simm.s32 $0x88;
	v0 =	vimm.s32 $0x0;
	[sflag:s1] =	ssyncpa.u1 $0x0  }
0x3: {  	[tilespmem:s8+$0x30] =	vst v0  }
0x4: {  	s1 =	sadd.s32 $0x24800, s0;
	s3 =	sadd.s32 $0xF800, s0;
	[tilespmem:s8+$0x20] =	vst v0  }
0x5: {  	s4 =	sadd.s32 $0x4C000, s0;
	s5 =	sadd.s32 $0x14C00, s0;
	s0 =	simm.s32 $0x40;
	[tilespmem:s8+$0x10] =	vst v0  }
.LBB2_1:
0x6: {  	s0 =	sadd.s32 $0x40, s0  }
0x7: {  	[tilespmem:s8+$0x0] =	vst v0;
	s8 =	sadd.s32 $0x40, s8;
	p0 =	slt.u32 s0, $0x5040  }
.Ltmp0:
0x8: {  	(pc) =	sbr.rel @p0 .LBB2_1-.Ltmp0, $4  }
0x9: {  	_ = 	snop  }
0xa: {  	[tilespmem:s8+$0x30] =	vst v0  }
0xb: {  	[tilespmem:s8+$0x20] =	vst v0  }
0xc: {  	[tilespmem:s8+$0x10] =	vst v0  }
0xd: {  	s9 =	stileid.u32  }
0xe: {  	s0 =	smul.u32 $0x21, s9  }
0xf: {  	s2 =	smin.u32 s9, $0x4  }
0x10: {  	s0 =	sadd.s32 s2, s0  }
0x11: {  	p0 =	slt.u32 s9, $0x4;
	s6 =	smul.u32 $0x140, s0;
	s0 =	simm.s32 $0x2A80  }
0x12: {  	s0 =	simm.s32 @!p0 $0x2940  }
0x13: {  	s0 =	sadd.s32 s0, s6  }
0x14: {  	s7 =	smin.u32 s0, $0x29810  }
0x15: {  	s0 =	ssub.s32 s7, s6  }
0x16: {  	p0 =	sgt.s32 s0, $0x0  }
0x17: {  	s0 =	simm.s32 @!p0 $0x0  }
0x18: {  	s29 =	simm.s32 $0x2;
	s10 =	simm.s32 $0x7;
	s28 =	smulhi.u32 $0x66666667, s0  }
0x19: {  	s31 =	simm.s32 $0x8;
	s11 =	simm.s32 $0x1;
	s15 =	simm.s32 $0x0  }
0x1a: {  	p1 =	por $0x0, $0x0;
	s16 =	simm.s32 $0xA;
	s2 =	sshrl.u32 s28, $0x7  }
0x1b: {  	s20 =	simm.s32 $0x0;
	s17 =	simm.s32 $0x0;
	s30 =	smul.u32 $0x140, s2  }
.Ltmp1:
0x1c: {  	[tilespmem:s8+$0x0] =	vst v0;
	v0 =	vimm.s32 $0xFFFFFFFF;
	s19 =	simm.s32 $0x0;
	[sflag:s29] =	ssyncpa.u1 $0x0;
	(pc) =	sbr.rel .LBB2_3-.Ltmp1, $4  }
0x1d: {  	[tilespmem:$0xA108] =	vst v0;
	[sflag:s10] =	ssyncpa.u1 $0x0;
	p0 =	sne.s32 s0, s30;
	s0 =	simm.s32 $0x1  }
0x1e: {  	s10 =	simm.s32 $0x9;
	[sflag:s31] =	ssyncpa.u1 $0x0;
	s0 =	simm.s32 @!p0 $0x0  }
0x1f: {  	s13 =	sshll.u32 s9, $0x7;
	[sflag:s10] =	ssyncpa.u1 $0x0;
	s12 =	sadd.s32 s0, s2  }
0x20: {  	v0 =	vlaneseq.u32;
	s18 =	smov.u32 s6;
	p0 =	por $0x1, $0x1;
	s14 =	sadd.s32 $0x1, s12  }
.LBB2_24:
0x21: {  	s0 =	sshrl.u32 s29, $0x2  }
.LBB2_26:
0x22: {  	_ =	swait.ge [sflag:s16], s0  }
0x23: {  	s31 =	ssub.s32 $0x0, s0;
	v1 =	vmov s22;
	vm0 =	veq.s32 v0, $0x0;
	[sflag:s16] =	ssyncset.done $0x0  }
0x24: {  	vm15 =	veq.s32 v0, $0x2;
	v1 =	vsel vm0, s28, v1;
	[sflag:s16] =	ssyncadd.s32 s31  }
0x25: {  	v1 =	vsel vm15, s20, v1;
	[sflag:s16] =	ssyncpa.u1 $0x1  }
0x26: {  	[tilespmem:$0xA108] =	vst v1  }
.LBB2_27:
0x27: {  	s0 =	sadd.s32 $0x140, s18  }
0x28: {  	s2 =	smov.u32 s6;
	p2 =	slt.s32 s0, s7  }
0x29: {  	s2 =	smov.u32 @p2 s0;
	p2 =	sne.s32 s19, s14  }
.Ltmp2:
0x2a: {  	_ = 	snop;
	(pc) =	sbr.rel @!p2 .LBB2_28-.Ltmp2, $4  }
0x2b: {  	_ = 	snop  }
0x2c: {  	s20 =	smov.u32 s17  }
0x2d: {  	s31 =	sadd.s32 $0x1, s19;
	s17 =	smov.u32 s18;
	p0 =	por !p0, !p0  }
0x2e: {  	p1 =	por !p1, !p1;
	s19 =	smov.u32 s31;
	s18 =	smov.u32 s2  }
.LBB2_3:
0x2f: {  	p2 =	sge.u32 s19, s12  }
0x30: {  	s0 =	smulhi.u32 @!p2 $0xAAAAAAAB, s19  }
0x31: {  	s2 =	smov.u32 s18;
	p3 =	sgt.s32 @!p2 s18, $0x296D0  }
0x32: {  	s8 =	sshra.s32 @!p2 s18, $0x1F;
	p3 =	por !p3, p2;
	s0 =	sshrl.u32 @!p2 s0, $0x1  }
0x33: {  	s8 =	sand.u32 @!p2 s8, s18;
	s2 =	simm.s32 @p3 $0x296D0;
	s0 =	smul.u32 @!p2 $0x3, s0  }
0x34: {  	s2 =	ssub.s32 @!p2 s2, s8  }
0x35: {  	s22 =	sadd.s32 $0xFFFFFFFF, s19;
	s2 =	sadd.s32 @!p2 $0xFFFD6930, s2;
	s0 =	ssub.s32 @!p2 s19, s0  }
0x36: {  	s8 =	sshll.u32 @!p2 s2, $0x2;
	p3 =	sgt.s32 @!p2 s2, $0x13F;
	s0 =	smul.u32 @!p2 $0x500, s0  }
0x37: {  	s21 =	sand.u32 @!p2 $0x7, s18;
	s2 =	ssub.s32 @!p2 $0x500, s8;
	p3 =	por !p3, p2  }
0x38: {  	s8 =	sshrl.u32 @!p2 s18, $0x3;
	s2 =	sshrl.u32 @!p2 s2, $0x2;
	s0 =	sshrl.u32 @!p2 s0, $0x2  }
0x39: {  	s8 =	sadd.s32 @!p2 s5, s8;
	s2 =	simm.s32 @!p3 $0x0;
	s0 =	sadd.s32 @!p2 $0xA938, s0  }
0x3a: {  	[tilespmem:s0], [sflag:$0x8] =	stream.linear.gather @!p2 [hbm4b:s8+s21], s2, $0x38;
	[tilespmem:$0x1EF78] =	vst v63  }
0x3b: {  	p2 =	sge.u32 s22, s12  }
0x3c: {  	p3 =	sgt.s32 @!p2 s17, $0x296D0  }
0x3d: {  	s0 =	smov.u32 s17;
	s2 =	sshra.s32 @!p2 s17, $0x1F;
	p3 =	por !p3, p2  }
0x3e: {  	s2 =	sand.u32 @!p2 s2, s17;
	s0 =	simm.s32 @p3 $0x296D0  }
0x3f: {  	s0 =	ssub.s32 @!p2 s0, s2  }
0x40: {  	s0 =	sadd.s32 @!p2 $0xFFFD6930, s0  }
0x41: {  	s2 =	sshll.u32 @!p2 s0, $0x2  }
0x42: {  	p3 =	sgt.s32 @!p2 s0, $0x13F;
	s0 =	ssub.s32 @!p2 $0x500, s2  }
0x43: {  	p3 =	por !p3, p2;
	s0 =	sshrl.u32 @!p2 s0, $0x2  }
0x44: {  	s8 =	simm.s32 @!p2 $0x8;
	s2 =	sand.u32 @!p2 $0x1, s22;
	s0 =	simm.s32 @!p3 $0x0  }
0x45: {  	s2 =	smul.u32 @!p2 $0x500, s2;
	_ =	swait.ge @!p2 [sflag:s8], s0  }
0x46: {  	s21 =	ssub.s32 @!p2 $0x0, s0;
	[sflag:s8] =	ssyncset.done @!p2 $0x0  }
0x47: {  	s2 =	sshrl.u32 @!p2 s2, $0x2;
	[sflag:s8] =	ssyncadd.s32 @!p2 s21;
	s8 =	sshrl.u32 @!p2 s17, $0x3  }
0x48: {  	s2 =	sadd.s32 @!p2 $0xACF8, s2;
	s21 =	sand.u32 @!p2 $0x7, s17;
	s8 =	sadd.s32 @!p2 s3, s8  }
0x49: {  	[tilespmem:s2], [sflag:$0x9] =	stream.linear.gather @!p2 [hbm4b:s8+s21], s0, $0x38;
	[tilespmem:$0x1EF78] =	vst v63  }
0x4a: {  	s21 =	ssub.s32 @!p2 $0x29810, s17  }
0x4b: {  	p3 =	slt.s32 @!p2 s21, $0x1  }
0x4c: {  	p3 =	por p2, p3  }
.Ltmp3:
0x4d: {  	_ = 	snop;
	(pc) =	sbr.rel @p3 .LBB2_9-.Ltmp3, $1  }
0x4e: {  	_ =	sdelay $0x3  }
0x4f: {  	s0 =	smulhi.u32 $0xAAAAAAAB, s22;
	_ =	sdelay $0x1  }
0x50: {  	s0 =	sshrl.u32 s0, $0x1  }
0x51: {  	s0 =	smul.u32 $0x3, s0;
	_ =	sdelay $0x1  }
0x52: {  	s0 =	ssub.s32 s22, s0  }
0x53: {  	s2 =	simm.s32 $0x1;
	s0 =	smul.u32 $0x500, s0  }
.Ltmp4:
0x54: {  	s2 =	simm.s32 @!p0 $0x0;
	(pc) =	sbr.rel .LBB2_6-.Ltmp4, $4  }
0x55: {  	s2 =	smul.u32 $0x28000, s2  }
0x56: {  	p3 =	slt.s32 @!p2 s21, $0x140;
	s0 =	sshrl.u32 s0, $0x2  }
0x57: {  	p2 =	por !p3, p2;
	s2 =	sshrl.u32 s2, $0x2;
	s0 =	sadd.s32 $0xA938, s0  }
0x58: {  	s23 =	simm.s32 $0x0;
	s21 =	simm.s32 @p2 $0x140;
	s22 =	sadd.s32 $0xAF78, s2;
	v1 =	vmov s0  }
.LBB2_5:
0x59: {  	p2 =	sge.s32 s23, s21  }
.Ltmp5:
0x5a: {  	_ = 	snop;
	(pc) =	sbr.rel @p2 .LBB2_9-.Ltmp5, $2  }
0x5b: {  	_ =	sdelay $0x2  }
0x5c: {  	s22 =	sadd.s32 $0x800, s22  }
.LBB2_6:
0x5d: {  	p2 =	sle.s32 s21, s23  }
.Ltmp6:
0x5e: {  	_ = 	snop;
	(pc) =	sbr.rel @p2 .LBB2_5-.Ltmp6, $2  }
0x5f: {  	_ =	sdelay $0x2  }
0x60: {  	s24 =	smov.u32 s23;
	s23 =	sadd.s32 $0x10, s23  }
0x61: {  	s0 =	ssub.s32 s21, s24  }
0x62: {  	p2 =	slt.s32 s0, $0x10  }
0x63: {  	s0 =	simm.s32 @!p2 $0x10  }
0x64: {  	v2 =	vmov s0  }
0x65: {  	vm0 =	vgt.s32 v2, v0;
	_ =	sdelay $0x5  }
0x66: {  	v2 =	vld.idx.msk [tilespmem:v1+s24+$0x0 ss:$0x1], vm0;
	_ =	sdelay $0x2  }
0x67: {  	p2 =	slt.s32 s23, s21;
	s0 =	smov.u32 s21  }
0x68: {  	s2 =	smov.u32 s22;
	s25 =	simm.s32 $0x0;
	s0 =	smov.u32 @p2 s23  }
.LBB2_8:
0x69: {  	(v2sf) =	vpush v2, s25;
	_ =	sdelay $0xc  }
0x6a: {  	s25 =	sadd.s32 $0x1, s25  }
0x6b: {  	s31 =	sadd.s32 s25, s24  }
0x6c: {  	p2 =	slt.s32 s31, s0;
	s8 =	spop (v2sf)  }
.Ltmp7:
0x6d: {  	s8 =	sshll.u32 s8, $0x4;
	(pc) =	sbr.rel @p2 .LBB2_8-.Ltmp7, $4  }
0x6e: {  	s8 =	sand.u32 $0x1FFFFFF0, s8  }
0x6f: {  	s8 =	sadd.s32 s4, s8  }
0x70: {  	[tilespmem:s2], [sflag:$0x7] =	stream.linear.gather [hbm4b:s8+s15], $0x40, $0x38;
	[tilespmem:$0x1EF78] =	vst v63  }
0x71: {  	s2 =	sadd.s32 $0x80, s2  }
.Ltmp8:
0x72: {  	_ = 	snop;
	(pc) =	sbr.rel .LBB2_5-.Ltmp8, $1  }
0x73: {  	_ =	sdelay $0x3  }
.LBB2_9:
0x74: {  	p2 =	slt.u32 s19, $0x2  }
.Ltmp9:
0x75: {  	_ = 	snop;
	(pc) =	sbr.rel @p2 .LBB2_27-.Ltmp9, $1  }
0x76: {  	_ =	sdelay $0x3  }
0x77: {  	p2 =	sgt.s32 s20, $0x296D0;
	s0 =	smov.u32 s20  }
0x78: {  	s2 =	sshra.s32 s20, $0x1F;
	s8 =	ssub.s32 $0x29810, s20;
	s0 =	simm.s32 @!p2 $0x296D0  }
0x79: {  	s2 =	sand.u32 s2, s20;
	p2 =	slt.s32 s8, $0x140;
	s21 =	smov.u32 s8  }
0x7a: {  	s0 =	ssub.s32 s0, s2;
	s21 =	simm.s32 @!p2 $0x140  }
0x7b: {  	s0 =	sadd.s32 $0xFFFD6930, s0;
	s26 =	sshll.u32 s21, $0x6  }
0x7c: {  	s9 =	simm.s32 $0x7;
	s29 =	sshll.u32 s0, $0x2;
	s2 =	sand.u32 $0x3FFFFFC0, s26  }
0x7d: {  	p2 =	sgt.s32 s0, $0x13F;
	s30 =	ssub.s32 $0x500, s29;
	_ =	swait.ge [sflag:s9], s2  }
0x7e: {  	s2 =	ssub.s32 $0x0, s2;
	[sflag:s9] =	ssyncset.done $0x0;
	s0 =	sshrl.u32 s30, $0x2  }
0x7f: {  	[sflag:s9] =	ssyncadd.s32 s2;
	s0 =	simm.s32 @p2 $0x0  }
0x80: {  	_ =	swait.ge [sflag:s10], s0  }
0x81: {  	s0 =	ssub.s32 $0x0, s0;
	[sflag:s10] =	ssyncset.done $0x0  }
0x82: {  	[sflag:s10] =	ssyncadd.s32 s0  }
0x83: {  	v1 =	vld [tilespmem:$0xA108];
	_ =	sdelay $0x4  }
0x84: {  	(v2sf) =	vpush v1, $0x0  }
0x85: {  	(v2sf) =	vpush v1, $0x1  }
0x86: {  	(v2sf) =	vpush v1, $0x2;
	_ =	sdelay $0x3  }
0x87: {  	s0 =	sadd.s32 $0x140, s20  }
0x88: {  	p2 =	slt.s32 s7, s0  }
0x89: {  	s0 =	smov.u32 @p2 s7;
	p2 =	sgt.s32 s8, $0x0  }
0x8a: {  	s24 =	ssub.s32 s0, s20;
	s8 =	simm.s32 @!p2 $0x0  }
0x8b: {  	p2 =	slt.s32 s8, s24  }
0x8c: {  	s24 =	smov.u32 @p2 s8  }
0x8d: {  	s23 =	simm.s32 $0x1;
	p2 =	slt.s32 s24, $0x1  }
.Ltmp10:
0x8e: {  	s23 =	simm.s32 @!p1 $0x0;
	(pc) =	sbr.rel @p2 .LBB2_14-.Ltmp10, $4  }
0x8f: {  	s31 =	smul.u32 $0x500, s23  }
0x90: {  	s25 =	spop (v2sf)  }
0x91: {  	s0 =	sshrl.u32 s31, $0x2;
	s28 =	spop (v2sf)  }
0x92: {  	s21 =	sadd.s32 $0xACF8, s0;
	s20 =	spop (v2sf)  }
0x93: {  	s0 =	smin.u32 s24, $0x10  }
0x94: {  	v1 =	vmov s0  }
0x95: {  	p3 =	sgt.s32 s24, $0x10;
	vm1 =	vgt.u32 v1, v0  }
.Ltmp11:
0x96: {  	_ = 	snop;
	(pc) =	sbr.rel @!p3 .LBB2_13-.Ltmp11, $2  }
0x97: {  	_ =	sdelay $0x2  }
0x98: {  	s26 =	simm.s32 $0x10;
	s29 =	sadd.s32 $0xFFFFFFF0, s24;
	s22 =	smov.u32 s21;
	vm0 =	vmmov vm1  }
.LBB2_12:
0x99: {  	s0 =	smin.u32 s29, $0x10;
	s26 =	sadd.s32 $0x10, s26;
	v1 =	vld.msk [tilespmem:s22+$0x0 ss:$0x1], vm1  }
0x9a: {  	v2 =	vmov s0;
	p3 =	slt.s32 s26, s24  }
0x9b: {  	vm1 =	vgt.u32 v2, v0  }
.Ltmp12:
0x9c: {  	(pc) =	sbr.rel @p3 .LBB2_12-.Ltmp12, $3  }
0x9d: {  	_ =	sdelay $0x1  }
0x9e: {  	v1 =	vshll.u32 v1, $0x4  }
0x9f: {  	s29 =	sadd.s32 $0xFFFFFFF0, s29;
	[tilespmem:s22+$0x0] =	vst.msk vm0, v1;
	s22 =	sadd.s32 $0x10, s22;
	vm0 =	vmmov vm1  }
.LBB2_13:
0xa0: {  	_ =	sdelay $0x4  }
0xa1: {  	v1 =	vld.msk [tilespmem:s22+$0x0 ss:$0x1], vm1;
	_ =	sdelay $0x4  }
0xa2: {  	v1 =	vshll.u32 v1, $0x4  }
0xa3: {  	[tilespmem:s22+$0x0] =	vst.msk vm0, v1  }
.LBB2_14:
0xa4: {  	s0 =	sand.u32 $0x1, s19  }
0xa5: {  	s0 =	smul.u32 $0x140, s0  }
0xa6: {  	p3 =	sne.s32 s28, $0xFFFFFFFF  }
0xa7: {  	v1 =	vld.msk @!p3 [tilespmem:s0+$0xACF8], $0x1;
	_ =	sdelay $0x4  }
0xa8: {  	(v2sf) =	vpush @!p3 v1, $0x0;
	_ =	sdelay $0xc  }
.Ltmp13:
0xa9: {  	_ = 	snop;
	(pc) =	sbr.rel @p2 .LBB2_25-.Ltmp13, $4  }
0xaa: {  	_ = 	snop  }
0xab: {  	s26 =	spop @!p3 (v2sf)  }
0xac: {  	s20 =	simm.s32 @!p3 $0x0;
	s22 =	smov.u32 s26  }
0xad: {  	[sflag:s16] =	ssyncpa.u1 $0x0;
	s26 =	smov.u32 @p3 s25;
	s22 =	smov.u32 @p3 s28  }
0xae: {  	v1 =	vld.msk [tilespmem:s21+$0x0], $0x1;
	_ =	sdelay $0x4  }
0xaf: {  	(v2sf) =	vpush v1, $0x0;
	_ =	sdelay $0xe  }
0xb0: {  	s0 =	smul.u32 $0x28000, s23;
	s30 =	spop (v2sf)  }
0xb1: {  	s24 =	ssub.s32 $0x0, s24;
	p2 =	seq.s32 s26, s30  }
0xb2: {  	s28 =	sadd.s32 $0x1, s24;
	s0 =	sshrl.u32 s0, $0x2;
	p3 =	sgt.s32 @!p2 s26, $0x0  }
0xb3: {  	s23 =	sadd.s32 $0xAF98, s0;
	s0 =	smov.u32 s26;
	p3 =	por !p3, p2  }
0xb4: {  	s0 =	simm.s32 @p3 $0x0;
	p3 =	seq.s32 s28, $0x0  }
.Ltmp14:
0xb5: {  	_ = 	snop;
	(pc) =	sbr.rel @p3 .LBB2_17-.Ltmp14, $4  }
0xb6: {  	_ = 	snop  }
0xb7: {  	s25 =	simm.s32 $0x0;
	s31 =	simm.s32 @!p2 $0x1;
	s2 =	smin.u32 @!p2 s0, $0x270F8  }
0xb8: {  	s29 =	sadd.s32 $0x1, s21;
	s31 =	smov.u32 @p2 s25;
	s8 =	sand.u32 @!p2 $0x3FFF8, s2  }
0xb9: {  	s0 =	simm.s32 @!p2 $0x50C8;
	s2 =	sand.u32 @!p2 $0x7, s2;
	s8 =	sadd.s32 @!p2 s1, s8  }
.LBB2_16:
0xba: {  	s9 =	smov.u32 s31  }
0xbb: {  	[tilespmem:s0], [sflag:$0x2] =	stream.linear.gather @!p2 [hbm4b:s8+s2], $0x40, $0x38;
	[tilespmem:$0x1EF78] =	vst v63  }
0xbc: {  	s28 =	sadd.s32 $0x1, s28;
	s2 =	smov.u32 s30;
	v1 =	vld.msk [tilespmem:s29+$0x0], $0x1  }
0xbd: {  	p3 =	seq.s32 s28, $0x0;
	_ =	sdelay $0x3  }
0xbe: {  	(v2sf) =	vpush v1, $0x0;
	_ =	sdelay $0xe  }
0xbf: {  	s30 =	spop (v2sf)  }
0xc0: {  	p2 =	seq.s32 s2, s30  }
0xc1: {  	p4 =	sgt.s32 @!p2 s2, $0x0;
	s0 =	sshll.u32 @!p2 s31, $0x8;
	s31 =	sadd.s32 @!p2 $0x1, s31  }
.Ltmp15:
0xc2: {  	p4 =	por !p4, p2;
	s0 =	sshra.s32 @!p2 s0, $0x2;
	(pc) =	sbr.rel @!p3 .LBB2_16-.Ltmp15, $4  }
0xc3: {  	s31 =	smov.u32 @p2 s9;
	s2 =	simm.s32 @p4 $0x0;
	s0 =	sadd.s32 @!p2 $0x50C8, s0  }
0xc4: {  	s2 =	smin.u32 @!p2 s2, $0x270F8  }
0xc5: {  	s8 =	sand.u32 @!p2 $0x3FFF8, s2;
	s2 =	sand.u32 @!p2 $0x7, s2  }
0xc6: {  	s29 =	sadd.s32 $0x1, s29;
	s8 =	sadd.s32 @!p2 s1, s8  }
.LBB2_17:
0xc7: {  	[tilespmem:s0], [sflag:$0x2] =	stream.linear.gather @!p2 [hbm4b:s8+s2], $0x40, $0x38;
	[tilespmem:$0x1EF78] =	vst v63  }
.Ltmp16:
0xc8: {  	s30 =	sshll.u32 s31, $0x6;
	(pc) =	sbr.rel .LBB2_18-.Ltmp16, $4  }
0xc9: {  	s31 =	simm.s32 $0x2;
	s0 =	sand.u32 $0x3FFFFFC0, s30  }
0xca: {  	_ =	swait.ge [sflag:s31], s0  }
0xcb: {  	s0 =	ssub.s32 $0x0, s0;
	[sflag:s31] =	ssyncset.done $0x0  }
0xcc: {  	s29 =	simm.s32 $0x0;
	[sflag:s31] =	ssyncadd.s32 s0  }
.LBB2_19:
0xcd: {  	v1 =	vld [tilespmem:s23+$0xFFFFFFE0];
	_ =	sdelay $0x4  }
0xce: {  	[tilespmem:s30+$0x88] =	vst.add.f32.msk $0xffff, v1  }
0xcf: {  	v1 =	vld [tilespmem:s23+$0xFFFFFFF0];
	_ =	sdelay $0x4  }
0xd0: {  	[tilespmem:s30+$0x98] =	vst.add.f32.msk $0xffff, v1  }
0xd1: {  	v1 =	vld [tilespmem:s23+$0x0];
	_ =	sdelay $0x4  }
0xd2: {  	[tilespmem:s30+$0xA8] =	vst.add.f32.msk $0xffff, v1  }
0xd3: {  	v1 =	vld [tilespmem:s23+$0x10];
	_ =	sdelay $0x4  }
0xd4: {  	[tilespmem:s30+$0xB8] =	vst.add.f32.msk $0xffff, v1  }
.LBB2_23:
0xd5: {  	s24 =	sadd.s32 $0x1, s24  }
0xd6: {  	p2 =	seq.s32 s24, $0x0  }
.Ltmp17:
0xd7: {  	_ = 	snop;
	(pc) =	sbr.rel @p2 .LBB2_24-.Ltmp17, $2  }
0xd8: {  	_ =	sdelay $0x2  }
0xd9: {  	s23 =	sadd.s32 $0x80, s23;
	s21 =	sadd.s32 $0x1, s21;
	s26 =	smov.u32 s28  }
.LBB2_18:
0xda: {  	v1 =	vld.msk [tilespmem:s21+$0x0], $0x1;
	_ =	sdelay $0x4  }
0xdb: {  	(v2sf) =	vpush v1, $0x0;
	_ =	sdelay $0xe  }
0xdc: {  	s28 =	spop (v2sf)  }
0xdd: {  	p2 =	sne.s32 s26, s28  }
.Ltmp18:
0xde: {  	_ = 	snop;
	(pc) =	sbr.rel @!p2 .LBB2_19-.Ltmp18, $3  }
0xdf: {  	_ =	sdelay $0x1  }
0xe0: {  	s0 =	sshll.u32 s20, $0x8  }
0xe1: {  	s30 =	sshra.s32 s0, $0x2  }
0xe2: {  	p2 =	seq.s32 s26, s22  }
.Ltmp19:
0xe3: {  	_ = 	snop;
	(pc) =	sbr.rel @!p2 .LBB2_21-.Ltmp19, $1  }
0xe4: {  	_ =	sdelay $0x3  }
.Ltmp20:
0xe5: {  	s0 =	sadd.s32 $0x88, s30;
	(pc) =	sbr.rel .LBB2_22-.Ltmp20, $4  }
0xe6: {  	[spmem:s13] =	stream.linear.scatter [tilespmem:s0], [sflag:$0x1], $0x40, $0x38;
	[tilespmem:$0x1EF78] =	vst v63  }
0xe7: {  	_ =	swait.ge [sflag:s11], $0x40  }
0xe8: {  	[sflag:s11] =	ssyncset.done $0x0  }
0xe9: {  	[sflag:s11] =	ssyncadd.s32 $0xFFFFFFC0  }
.LBB2_21:
0xea: {  	s0 =	sshll.u32 s25, $0x8  }
0xeb: {  	s0 =	sshra.s32 s0, $0x2  }
0xec: {  	v1 =	vld [tilespmem:s0+$0x50C8];
	_ =	sdelay $0x4  }
0xed: {  	[tilespmem:s30+$0x88] =	vst.add.f32.msk $0xffff, v1  }
0xee: {  	v1 =	vld [tilespmem:s0+$0x50D8];
	_ =	sdelay $0x4  }
0xef: {  	[tilespmem:s30+$0x98] =	vst.add.f32.msk $0xffff, v1  }
0xf0: {  	v1 =	vld [tilespmem:s0+$0x50E8];
	_ =	sdelay $0x4  }
0xf1: {  	[tilespmem:s30+$0xA8] =	vst.add.f32.msk $0xffff, v1  }
0xf2: {  	v1 =	vld [tilespmem:s0+$0x50F8];
	_ =	sdelay $0x2  }
0xf3: {  	p2 =	sgt.u32 s26, $0x270F8  }
0xf4: {  	s0 =	sand.u32 @!p2 $0x3FFF8, s26  }
0xf5: {  	s2 =	sadd.s32 $0x88, s30;
	s8 =	sand.u32 @!p2 $0x7, s26;
	s0 =	sadd.s32 @!p2 s1, s0;
	[tilespmem:s30+$0xB8] =	vst.add.f32.msk $0xffff, v1  }
0xf6: {  	[hbm4b:s0+s8] =	stream.linear.scatter @!p2 [tilespmem:s2], [sflag:$0xA], $0x40, $0x38;
	[tilespmem:$0x1EF78] =	vst v63  }
0xf7: {  	s0 =	simm.s32 $0x0  }
0xf8: {  	s0 =	simm.s32 @!p2 $0x100  }
0xf9: {  	s29 =	sadd.s32 s0, s29  }
.LBB2_22:
0xfa: {  	s0 =	sadd.s32 $0x1, s20  }
0xfb: {  	s2 =	smulhi.u32 $0xCCCCCCCD, s0;
	_ =	sdelay $0x1  }
0xfc: {  	v1 =	vld [tilespmem:s23+$0xFFFFFFE0];
	s2 =	sshrl.u32 s2, $0x8  }
0xfd: {  	s2 =	smul.u32 $0x140, s2;
	_ =	sdelay $0x1  }
0xfe: {  	s20 =	ssub.s32 s0, s2  }
0xff: {  	s0 =	sshll.u32 s20, $0x6  }
0x100: {  	[tilespmem:s0+$0x88] =	vst v1  }
0x101: {  	v1 =	vld [tilespmem:s23+$0xFFFFFFF0];
	_ =	sdelay $0x4  }
0x102: {  	[tilespmem:s0+$0x98] =	vst v1  }
0x103: {  	v1 =	vld [tilespmem:s23+$0x0];
	_ =	sdelay $0x4  }
0x104: {  	[tilespmem:s0+$0xA8] =	vst v1  }
0x105: {  	v1 =	vld [tilespmem:s23+$0x10]  }
.Ltmp21:
0x106: {  	_ = 	snop;
	(pc) =	sbr.rel .LBB2_23-.Ltmp21, $2  }
0x107: {  	_ =	sdelay $0x2  }
0x108: {  	s25 =	sadd.s32 $0x1, s25;
	[tilespmem:s0+$0xB8] =	vst v1  }
.LBB2_25:
.Ltmp22:
0x109: {  	(pc) =	sbr.rel .LBB2_26-.Ltmp22, $4  }
0x10a: {  	_ = 	snop  }
0x10b: {  	s0 =	simm.s32 $0x2  }
0x10c: {  	_ =	swait.ge [sflag:s0], $0x0  }
0x10d: {  	s28 =	smov.u32 s26;
	[sflag:s0] =	ssyncset.done $0x0;
	s0 =	simm.s32 $0x0  }
.LBB2_28:
0x10e: {  	_ =	sfence.sel $0x180000  }
0x10f: {  	s0 =	simm.s32 $0x7;
	[bflag:$0x0] =	sbarrier.arrive $0xFFFF  }
0x110: {  	s25 =	simm.s32 $0x8;
	[sflag:s0] =	ssyncpa.u1 $0x1  }
0x111: {  	s26 =	simm.s32 $0x9;
	[sflag:s25] =	ssyncpa.u1 $0x1  }
0x112: {  	s28 =	simm.s32 $0x2;
	[sflag:s26] =	ssyncpa.u1 $0x1  }
0x113: {  	[sflag:s28] =	ssyncpa.u1 $0x1  }
0x114: {  	v0 =	vld [tilespmem:$0xA108];
	_ =	sdelay $0x4  }
0x115: {  	(v2sf) =	vpush v0, $0x0  }
0x116: {  	(v2sf) =	vpush v0, $0x1;
	_ =	sdelay $0x1  }
0x117: {  	(v2sf) =	vpush v0, $0x2;
	_ =	sdelay $0xb  }
0x118: {  	s0 =	spop (v2sf)  }
0x119: {  	s2 =	spop (v2sf)  }
0x11a: {  	s3 =	smov.u32 s0;
	p0 =	sne.s32 s0, s2  }
0x11b: {  	s4 =	spop (v2sf);
	s3 =	simm.s32 @!p0 $0xFFFFFFFF  }
0x11c: {  	v2 =	vimm.s32 $0x1;
	v3 =	vlaneseq.u32;
	p0 =	seq.s32 s4, $0xFFFFFFFF;
	v1 =	vmov s3  }
0x11d: {  	s7 =	stileid.u32;
	v0 =	vperm.xlane v0, v2;
	p1 =	sne.s32 @!p0 s0, s2;
	v1 =	vperm.xlane v1, v3  }
0x11e: {  	vm0 =	vcmask $0x3F04;
	s6 =	simm.s32 $0xA108;
	s0 =	simm.s32 @!p0 $0x1;
	p1 =	por !p1, p0  }
0x11f: {  	s3 =	sshll.u32 s7, $0x1;
	s2 =	sshll.u32 @!p0 s4, $0x8;
	s0 =	simm.s32 @p1 $0x0;
	v0 =	vsel vm0, v1, v0  }
0x120: {  	s5 =	sor.u32 $0x800, s3;
	s2 =	sshra.s32 @!p0 s2, $0x2;
	s0 =	sor.u32 @!p0 s0, s3;
	[tilespmem:$0xA108] =	vst v0  }
0x121: {  	[spmem:s5] =	stream.linear.scatter [tilespmem:s6], [sflag:$0x1], $0x2, $0x38;
	[tilespmem:$0x1EF78] =	vst v63  }
0x122: {  	s2 =	sadd.s32 @!p0 $0x88, s2;
	s0 =	sshll.u32 @!p0 s0, $0x6  }
0x123: {  	[spmem:s0] =	stream.linear.scatter @!p0 [tilespmem:s2], [sflag:$0x1], $0x40, $0x38;
	[tilespmem:$0x1EF78] =	vst v63  }
0x124: {  	s2 =	simm.s32 @!p0 $0x42  }
0x125: {  	s0 =	simm.s32 $0x1;
	s2 =	simm.s32 @p0 $0x2  }
0x126: {  	_ =	swait.ge [sflag:s0], s2  }
0x127: {  	s2 =	ssub.s32 $0x0, s2;
	[sflag:s0] =	ssyncset.done $0x0  }
0x128: {  	[sflag:s0] =	ssyncadd.s32 s2  }
0x129: {  	_ =	sfence.stream.spmem  }
0x12a: {  	s29 =	simm.s32 $0x3;
	[bflag:$0x0] =	sbarrier.arrive $0xFFFF  }
0x12b: {  	s30 =	simm.s32 $0x4;
	[sflag:s29] =	ssyncpa.u1 $0x1  }
0x12c: {  	s31 =	simm.s32 $0x3C;
	[sflag:s30] =	ssyncpa.u1 $0x1  }
0x12d: {  	p0 =	sne.s32 s7, $0x0;
	[sflag:s31] =	ssyncpa.u1 $0x1  }
0x12e: {  	_ =	sfence @p0  }
0x12f: {  	[sflag:s0] =	ssyncpa.u1 @p0 $0x1  }
0x130: {  	_ =	strace @p0 $0x9000004A  }
0x131: {  	[bflag:$0x2] =	sbarrier.arrive @p0 $0xFFFF  }
0x132: {  	_ =	shalt @p0  }
.LBB2_29:
0x133: {  	_ =	sfence.stream.spmem;
	s0 =	simm.s32 $0x5  }
0x134: {  	s2 =	simm.s32 $0x800;
	s3 =	simm.s32 $0xA118;
	[sflag:s0] =	ssyncpa.u1 $0x0  }
0x135: {  	[tilespmem:s3], [sflag:$0x5] =	stream.linear.gather [spmem:s2], $0x20, $0x38;
	[tilespmem:$0x1EF78] =	vst v63  }
0x136: {  	s30 =	simm.s32 $0xA138;
	s2 =	simm.s32 $0x0  }
0x137: {  	[tilespmem:s30], [sflag:$0x5] =	stream.linear.gather [spmem:s2], $0x800, $0x38;
	[tilespmem:$0x1EF78] =	vst v63  }
.Ltmp23:
0x138: {  	_ = 	snop;
	(pc) =	sbr.rel .LBB2_30-.Ltmp23, $4  }
0x139: {  	_ =	swait.ge [sflag:s0], $0x820  }
0x13a: {  	[sflag:s0] =	ssyncset.done $0x0  }
0x13b: {  	s31 =	simm.s32 $0x6;
	[sflag:s0] =	ssyncadd.s32 $0xFFFFF7E0  }
0x13c: {  	s3 =	simm.s32 $0x0;
	[sflag:s31] =	ssyncpa.u1 $0x0  }
.LBB2_36:
0x13d: {  	p0 =	slt.u32 s4, $0x270F9  }
0x13e: {  	s0 =	sand.u32 @p0 $0x3FFF8, s4  }
0x13f: {  	s4 =	sand.u32 @p0 $0x7, s4;
	s5 =	simm.s32 @p0 $0xA0C8;
	s0 =	sadd.s32 @p0 s1, s0  }
0x140: {  	[tilespmem:s5], [sflag:$0x6] =	stream.linear.gather @p0 [hbm4b:s0+s4], $0x40, $0x38;
	[tilespmem:$0x1EF78] =	vst v63  }
0x141: {  	s0 =	simm.s32 @p0 $0x6  }
0x142: {  	_ =	swait.ge @p0 [sflag:s0], $0x40  }
0x143: {  	[sflag:s0] =	ssyncset.done @p0 $0x0  }
0x144: {  	[sflag:s0] =	ssyncadd.s32 @p0 $0xFFFFFFC0  }
0x145: {  	v1 =	vld @p0 [tilespmem:$0xA0C8];
	_ =	sdelay $0x2  }
0x146: {  	s0 =	sshll.u32 @p0 s3, $0x8  }
0x147: {  	s4 =	sshrl.u32 @p0 s0, $0x2  }
0x148: {  	[tilespmem:s4+$0xA138] =	vst.add.f32.msk @p0 $0xffff, v1  }
0x149: {  	v1 =	vld @p0 [tilespmem:$0xA0D8];
	_ =	sdelay $0x4  }
0x14a: {  	[tilespmem:s4+$0xA148] =	vst.add.f32.msk @p0 $0xffff, v1  }
0x14b: {  	v1 =	vld @p0 [tilespmem:$0xA0E8];
	_ =	sdelay $0x4  }
0x14c: {  	[tilespmem:s4+$0xA158] =	vst.add.f32.msk @p0 $0xffff, v1  }
0x14d: {  	v1 =	vld @p0 [tilespmem:$0xA0F8];
	_ =	sdelay $0x3  }
0x14e: {  	s5 =	sshll.u32 @!p0 s3, $0x8  }
0x14f: {  	s5 =	smov.u32 @p0 s0;
	[tilespmem:s4+$0xA168] =	vst.add.f32.msk @p0 $0xffff, v1  }
0x150: {  	s0 =	sshrl.u32 s5, $0x2;
	[tilespmem:s2+$0xA118] =	vst.msk $0x1, v0  }
0x151: {  	v0 =	vld [tilespmem:s0+$0xA138];
	_ =	sdelay $0x2  }
0x152: {  	s31 =	sshll.u32 s2, $0x8  }
0x153: {  	s4 =	sshra.s32 s31, $0x2  }
0x154: {  	[tilespmem:s4+$0xA138] =	vst v0  }
0x155: {  	v0 =	vld [tilespmem:s0+$0xA148];
	_ =	sdelay $0x4  }
0x156: {  	[tilespmem:s4+$0xA148] =	vst v0  }
0x157: {  	v0 =	vld [tilespmem:s0+$0xA158];
	_ =	sdelay $0x4  }
0x158: {  	[tilespmem:s4+$0xA158] =	vst v0  }
0x159: {  	v0 =	vld [tilespmem:s0+$0xA168];
	_ =	sdelay $0x4  }
0x15a: {  	s2 =	sadd.s32 $0x1, s2;
	[tilespmem:s4+$0xA168] =	vst v0  }
.LBB2_37:
0x15b: {  	s3 =	sadd.s32 $0x1, s3  }
0x15c: {  	p0 =	sne.s32 s3, $0x20  }
.Ltmp24:
0x15d: {  	_ = 	snop;
	(pc) =	sbr.rel @!p0 .LBB2_38-.Ltmp24, $1  }
0x15e: {  	_ =	sdelay $0x3  }
.LBB2_30:
0x15f: {  	v0 =	vld.msk [tilespmem:s3+$0xA118], $0x1;
	_ =	sdelay $0x4  }
0x160: {  	(v2sf) =	vpush v0, $0x0;
	_ =	sdelay $0xe  }
0x161: {  	s4 =	spop (v2sf)  }
0x162: {  	p0 =	seq.s32 s4, $0xFFFFFFFF  }
.Ltmp25:
0x163: {  	_ = 	snop;
	(pc) =	sbr.rel @p0 .LBB2_37-.Ltmp25, $1  }
0x164: {  	_ =	sdelay $0x3  }
0x165: {  	p0 =	slt.s32 s2, $0x1  }
.Ltmp26:
0x166: {  	_ = 	snop;
	(pc) =	sbr.rel @p0 .LBB2_36-.Ltmp26, $1  }
0x167: {  	_ =	sdelay $0x3  }
0x168: {  	s5 =	simm.s32 $0xA118;
	p0 =	por $0x0, $0x0  }
0x169: {  	v1 =	vld.msk @!p0 [tilespmem:s5+$0x0], $0x1;
	_ =	sdelay $0x4  }
0x16a: {  	(v2sf) =	vpush @!p0 v1, $0x0;
	_ =	sdelay $0xd  }
0x16b: {  	p2 =	sne.s32 s2, $0x1  }
.Ltmp27:
0x16c: {  	s0 =	spop @!p0 (v2sf);
	(pc) =	sbr.rel @!p2 .LBB2_34-.Ltmp27, $4  }
0x16d: {  	p1 =	seq.s32 @!p0 s4, s0  }
0x16e: {  	s6 =	simm.s32 $0x0;
	p1 =	por !p1, p0  }
0x16f: {  	s0 =	simm.s32 $0xFFFFFFFF;
	s6 =	simm.s32 @p1 $0xFFFFFFFF  }
0x170: {  	s7 =	simm.s32 $0x1;
	s6 =	smov.u32 @p0 s0  }
.LBB2_33:
0x171: {  	s0 =	smov.u32 s6;
	p0 =	sne.s32 s6, $0xFFFFFFFF  }
0x172: {  	s5 =	sadd.s32 $0x1, s5;
	s6 =	smov.u32 s7;
	s7 =	sadd.s32 $0x1, s7  }
0x173: {  	p1 =	sne.s32 s2, s7;
	v1 =	vld.msk @!p0 [tilespmem:s5+$0x0], $0x1;
	_ =	sdelay $0x4  }
0x174: {  	(v2sf) =	vpush @!p0 v1, $0x0;
	_ =	sdelay $0xe  }
.Ltmp28:
0x175: {  	s8 =	spop @!p0 (v2sf);
	(pc) =	sbr.rel @p1 .LBB2_33-.Ltmp28, $4  }
0x176: {  	p2 =	seq.s32 @!p0 s4, s8  }
0x177: {  	p2 =	por !p2, p0  }
0x178: {  	s6 =	simm.s32 @p2 $0xFFFFFFFF  }
0x179: {  	s6 =	smov.u32 @p0 s0  }
.LBB2_34:
0x17a: {  	p0 =	seq.s32 s6, $0xFFFFFFFF  }
.Ltmp29:
0x17b: {  	_ = 	snop;
	(pc) =	sbr.rel @p0 .LBB2_36-.Ltmp29, $1  }
0x17c: {  	_ =	sdelay $0x3  }
0x17d: {  	s0 =	sshll.u32 s3, $0x6  }
0x17e: {  	s0 =	sand.u32 $0x3FFFFFC0, s0  }
0x17f: {  	v0 =	vld [tilespmem:s0+$0xA138];
	_ =	sdelay $0x2  }
0x180: {  	s4 =	sshll.u32 s6, $0x8  }
0x181: {  	s4 =	sshra.s32 s4, $0x2  }
0x182: {  	[tilespmem:s4+$0xA138] =	vst.add.f32.msk $0xffff, v0  }
0x183: {  	v0 =	vld [tilespmem:s0+$0xA148];
	_ =	sdelay $0x4  }
0x184: {  	[tilespmem:s4+$0xA148] =	vst.add.f32.msk $0xffff, v0  }
0x185: {  	v0 =	vld [tilespmem:s0+$0xA158];
	_ =	sdelay $0x4  }
0x186: {  	[tilespmem:s4+$0xA158] =	vst.add.f32.msk $0xffff, v0  }
0x187: {  	v0 =	vld [tilespmem:s0+$0xA168]  }
.Ltmp30:
0x188: {  	_ = 	snop;
	(pc) =	sbr.rel .LBB2_37-.Ltmp30, $2  }
0x189: {  	_ =	sdelay $0x2  }
0x18a: {  	[tilespmem:s4+$0xA168] =	vst.add.f32.msk $0xffff, v0  }
.LBB2_38:
0x18b: {  	p0 =	slt.s32 s2, $0x1  }
.Ltmp31:
0x18c: {  	_ = 	snop;
	(pc) =	sbr.rel @p0 .LBB2_42-.Ltmp31, $3  }
0x18d: {  	_ =	sdelay $0x1  }
0x18e: {  	s0 =	simm.s32 $0x6  }
0x18f: {  	s3 =	simm.s32 $0x0;
	[sflag:s0] =	ssyncpa.u1 $0x1  }
0x190: {  	s0 =	simm.s32 $0xA118  }
0x191: {  	v0 =	vld.msk [tilespmem:s0+$0x0], $0x1;
	_ =	sdelay $0x4  }
0x192: {  	(v2sf) =	vpush v0, $0x0;
	_ =	sdelay $0xe  }
0x193: {  	s2 =	sadd.s32 $0xFFFFFFFF, s2;
	s0 =	spop (v2sf)  }
0x194: {  	p1 =	sne.s32 s2, $0x0;
	p0 =	sgt.u32 s0, $0x270F8  }
.Ltmp32:
0x195: {  	s5 =	sand.u32 @!p0 $0x3FFF8, s0;
	(pc) =	sbr.rel @!p1 .LBB2_41-.Ltmp32, $4  }
0x196: {  	s4 =	simm.s32 $0xA138;
	s0 =	sand.u32 @!p0 $0x7, s0;
	s5 =	sadd.s32 @!p0 s1, s5  }
0x197: {  	[hbm4b:s5+s0] =	stream.linear.scatter @!p0 [tilespmem:s4], [sflag:$0x5], $0x40, $0x38;
	[tilespmem:$0x1EF78] =	vst v63  }
0x198: {  	s0 =	simm.s32 $0x0  }
0x199: {  	s5 =	simm.s32 $0xA119;
	s0 =	simm.s32 @!p0 $0x100  }
.LBB2_40:
0x19a: {  	v0 =	vld.msk [tilespmem:s5+$0x0], $0x1;
	s2 =	sadd.s32 $0xFFFFFFFF, s2;
	s3 =	sadd.s32 s3, s0  }
0x19b: {  	p0 =	sne.s32 s2, $0x0;
	_ =	sdelay $0x3  }
0x19c: {  	(v2sf) =	vpush v0, $0x0;
	_ =	sdelay $0xe  }
.Ltmp33:
0x19d: {  	s6 =	spop (v2sf);
	(pc) =	sbr.rel @p0 .LBB2_40-.Ltmp33, $4  }
0x19e: {  	s0 =	simm.s32 $0x0;
	p1 =	sgt.u32 s6, $0x270F8  }
0x19f: {  	s4 =	sadd.s32 $0x40, s4;
	s0 =	simm.s32 @!p1 $0x100;
	s7 =	sand.u32 @!p1 $0x3FFF8, s6  }
0x1a0: {  	s5 =	sadd.s32 $0x1, s5;
	s6 =	sand.u32 @!p1 $0x7, s6;
	s7 =	sadd.s32 @!p1 s1, s7  }
0x1a1: {  	[hbm4b:s7+s6] =	stream.linear.scatter @!p1 [tilespmem:s4], [sflag:$0x5], $0x40, $0x38;
	[tilespmem:$0x1EF78] =	vst v63  }
.LBB2_41:
0x1a2: {  	s0 =	sadd.s32 s3, s0  }
0x1a3: {  	s3 =	sshrl.u32 s0, $0x2  }
.LBB2_42:
0x1a4: {  	s0 =	simm.s32 $0x5  }
0x1a5: {  	_ =	swait.ge [sflag:s0], s3  }
0x1a6: {  	s1 =	ssub.s32 $0x0, s3;
	[sflag:s0] =	ssyncset.done $0x0  }
0x1a7: {  	[sflag:s0] =	ssyncadd.s32 s1  }
0x1a8: {  	[sflag:s0] =	ssyncpa.u1 $0x1  }
0x1a9: {  	s30 =	simm.s32 $0x1;
	_ =	sfence  }
0x1aa: {  	[sflag:s30] =	ssyncpa.u1 $0x1  }
0x1ab: {  	_ =	strace $0x9000004A  }
0x1ac: {  	[bflag:$0x2] =	sbarrier.arrive $0xFFFF  }
0x1ad: {  	s31 =	rddreg [dreg:$0x1]  }
0x1ae: {  	s0 =	sadd.s32 $0x100000, s31  }
0x1af: {  	[sflag:s0] =	ssyncadd.tile.s32 $0x1;
	_ =	shalt  }
.Lfunc_end2:
_tile_overlayer_lowered:
.L_overlay_start_2:
0x1b0: {  	(tag) =	ssettag $0x2  }
0x1b1: {  	s0 =	rddreg [dreg:$0x0];
	s2 =	stileid.u32  }
0x1b2: {  	s1 =	rddreg [dreg:$0x1];
	p0 =	sne.s32 s2, $0x0  }
0x1b3: {  	s3 =	rddreg [dreg:$0x2];
	[bflag:$0x3] =	sbarrier.arrive $0xFFFF;
	s2 =	simm.s32 @!p0 $0x1C01  }
0x1b4: {  	[timem:s3], [sflag:s2] =	dma.local @!p0 [hbm:s0], s1  }
0x1b5: {  	s0 =	simm.s32 @!p0 $0x1  }
0x1b6: {  	_ =	swait.ge @!p0 [sflag:s0], s1  }
0x1b7: {  	s1 =	ssub.s32 @!p0 $0x0, s1;
	[sflag:s0] =	ssyncset.done @!p0 $0x0  }
0x1b8: {  	[sflag:s0] =	ssyncadd.s32 @!p0 s1  }
0x1b9: {  	[bflag:$0x3] =	sbarrier.arrive $0xFFFF  }
0x1ba: {  	_ =	shalt  }

// kernel: scatter_offload_async_start.2
scs
__scs_entry_jumppad:
0x0: {  	(pc) =	sbr.rel $0x88, $3  }
0x1: {  	(tag) =	ssettag $0x0;
	lr =	simm.s32 $0x1  }
0x2: {  	[smem:$0x3F8F] =	sst lr;
	_ =	strace $0xD0000000  }
0x3: {  	_ = 	snop  }
0x4: {  	_ = 	snop  }
0x5: {  	_ = 	snop  }
0x6: {  	_ = 	snop  }
0x7: {  	_ = 	snop  }
__scs_overlays_trampoline_lowered:
0x8: {  	[smem:$0x3F9E] =	sst s0  }
0x9: {  	[smem:$0x3F9F] =	sst s1  }
0xa: {  	[smem:$0x3FA0] =	sst s2  }
0xb: {  	[smem:$0x3FA1] =	sst s3  }
0xc: {  	[smem:$0x3FA2] =	sst s4  }
0xd: {  	[smem:$0x3FA3] =	sst s5  }
0xe: {  	[smem:$0x3FA4] =	sst s6  }
0xf: {  	[smem:$0x3FA5] =	sst s7  }
0x10: {  	[smem:$0x3FA6] =	sst s8  }
0x11: {  	[smem:$0x3FA7] =	sst s9;
	s0 =	simm.s32 @!p0 $0x0  }
0x12: {  	s1 =	sld [smem:$0x3F8D];
	s0 =	simm.s32 @p0 $0x1  }
0x13: {  	[smem:$0x3FA8] =	sst s0;
	s0 =	simm.s32 @!p1 $0x0  }
0x14: {  	s2 =	sld [smem:$0x3F8C];
	s0 =	simm.s32 @p1 $0x1  }
0x15: {  	[smem:$0x3FA9] =	sst s0;
	s0 =	simm.s32 @!p2 $0x0  }
0x16: {  	s3 =	sld [smem:$0x3FDB];
	s0 =	simm.s32 @p2 $0x1  }
0x17: {  	s4 =	simm.s32 $0x1BF5;
	[smem:$0x3FAB] =	sst s0  }
0x18: {  	s0 =	sld [smem:$0x3F8E];
	_ =	swait.ge [sflag:s4], $0x0  }
0x19: {  	s7 =	sld [smem:$0x3F8F]  }
0x1a: {  	s8 =	sadd.s32 $0xFFFFE003, lr  }
0x1b: {  	s9 =	sadd.s32 $0xFFFFFEF7, lr;
	s5 =	simm.s32 $0xFFFFFFFF;
	p2 =	slt.u32 s8, $0xFFFFF086  }
0x1c: {  	p1 =	slt.u32 s9, $0xF7A;
	s5 =	simm.s32 @!p2 $0x0  }
0x1d: {  	s5 =	simm.s32 @p1 $0x1;
	p0 =	seq.s32 s7, s2  }
0x1e: {  	s7 =	smul.u32 @!p0 $0xF7A, s2;
	p2 =	seq.s32 @!p0 s5, $0x0  }
0x1f: {  	s9 =	smul.u32 $0xF7A, s1;
	s8 =	simm.s32 @!p0 $0x1BF5;
	p2 =	por !p2, p0  }
0x20: {  	[sflag:s8] =	ssyncset.s32 @!p0 $0xFFFFF086;
	s6 =	sadd.s32 @!p0 s3, s7;
	s7 =	simm.s32 @!p0 $0x108  }
0x21: {  	s3 =	sadd.s32 s3, s9;
	s6 =	sadd.s32 @!p0 $0x88, s6;
	s7 =	simm.s32 @p2 $0x1082  }
0x22: {  	[simem:s7], [sflag:s8] =	dma.local @!p0 [hbm:s6], $0xF7A  }
0x23: {  	s9 =	sor.u32 $0xD0000000, s2;
	s6 =	simm.s32 $0x108;
	_ =	swait.ge @!p0 [sflag:s8], $0x0  }
0x24: {  	s3 =	sadd.s32 $0x88, s3;
	s6 =	simm.s32 @!p1 $0x1082;
	[sflag:s4] =	ssyncset.s32 $0xFFFFF086  }
0x25: {  	[simem:s6], [sflag:s4] =	dma.local [hbm:s3], $0xF7A  }
0x26: {  	[smem:$0x3F8F] =	sst s1;
	(tag) =	ssettag s2;
	_ =	strace s9  }
0x27: {  	s1 =	sld [smem:$0x3F9F]  }
0x28: {  	s2 =	sld [smem:$0x3FA0]  }
0x29: {  	s4 =	sld [smem:$0x3FA2]  }
0x2a: {  	p0 =	seq.s32 s5, $0x0;
	s5 =	sld [smem:$0x3FA3]  }
0x2b: {  	s6 =	sld [smem:$0x3FA4]  }
0x2c: {  	s7 =	sld [smem:$0x3FA5]  }
0x2d: {  	s3 =	simm.s32 $0x108;
	s8 =	sld [smem:$0x3FA6]  }
0x2e: {  	s3 =	simm.s32 @!p0 $0x1082;
	s9 =	sld [smem:$0x3FA7]  }
0x2f: {  	lr =	sadd.s32 s0, s3;
	s0 =	sld [smem:$0x3F9E]  }
0x30: {  	s3 =	sld [smem:$0x3FA1]  }
0x31: {  	[smem:$0x3FAA] =	sst s10  }
0x32: {  	s10 =	sld [smem:$0x3FA8];
	_ =	sdelay $0x3  }
0x33: {  	p0 =	seq.s32 s10, $0x1;
	s10 =	sld [smem:$0x3FAA];
	_ =	sdelay $0x3  }
0x34: {  	[smem:$0x3FAA] =	sst s10  }
0x35: {  	s10 =	sld [smem:$0x3FA9];
	_ =	sdelay $0x3  }
0x36: {  	p1 =	seq.s32 s10, $0x1;
	s10 =	sld [smem:$0x3FAA];
	_ =	sdelay $0x3  }
0x37: {  	[smem:$0x3FAA] =	sst s10  }
0x38: {  	s10 =	sld [smem:$0x3FAB]  }
0x39: {  	_ = 	snop;
	(pc) =	sbr.ind lr, $3  }
0x3a: {  	_ = 	snop  }
0x3b: {  	_ = 	snop  }
0x3c: {  	p2 =	seq.s32 s10, $0x1;
	s10 =	sld [smem:$0x3FAA]  }
0x3d: {  	_ =	shalt  }
0x3e: {  	_ =	shalt  }
0x3f: {  	_ =	shalt  }
0x40: {  	_ =	shalt  }
0x41: {  	_ =	shalt  }
0x42: {  	_ =	shalt  }
0x43: {  	_ =	shalt  }
0x44: {  	_ =	shalt  }
0x45: {  	_ =	shalt  }
0x46: {  	_ =	shalt  }
0x47: {  	_ =	shalt  }
0x48: {  	_ =	shalt  }
0x49: {  	_ =	shalt  }
0x4a: {  	_ =	shalt  }
0x4b: {  	_ =	shalt  }
0x4c: {  	_ =	shalt  }
0x4d: {  	_ =	shalt  }
0x4e: {  	_ =	shalt  }
0x4f: {  	_ =	shalt  }
0x50: {  	_ =	shalt  }
0x51: {  	_ =	shalt  }
0x52: {  	_ =	shalt  }
0x53: {  	_ =	shalt  }
0x54: {  	_ =	shalt  }
0x55: {  	_ =	shalt  }
0x56: {  	_ =	shalt  }
0x57: {  	_ =	shalt  }
0x58: {  	_ =	shalt  }
0x59: {  	_ =	shalt  }
0x5a: {  	_ =	shalt  }
0x5b: {  	_ =	shalt  }
0x5c: {  	_ =	shalt  }
0x5d: {  	_ =	shalt  }
0x5e: {  	_ =	shalt  }
0x5f: {  	_ =	shalt  }
0x60: {  	_ =	shalt  }
0x61: {  	_ =	shalt  }
0x62: {  	_ =	shalt  }
0x63: {  	_ =	shalt  }
0x64: {  	_ =	shalt  }
0x65: {  	_ =	shalt  }
0x66: {  	_ =	shalt  }
0x67: {  	_ =	shalt  }
0x68: {  	_ =	shalt  }
0x69: {  	_ =	shalt  }
0x6a: {  	_ =	shalt  }
0x6b: {  	_ =	shalt  }
0x6c: {  	_ =	shalt  }
0x6d: {  	_ =	shalt  }
0x6e: {  	_ =	shalt  }
0x6f: {  	_ =	shalt  }
0x70: {  	_ =	shalt  }
0x71: {  	_ =	shalt  }
0x72: {  	_ =	shalt  }
0x73: {  	_ =	shalt  }
0x74: {  	_ =	shalt  }
0x75: {  	_ =	shalt  }
0x76: {  	_ =	shalt  }
0x77: {  	_ =	shalt  }
0x78: {  	_ =	shalt  }
0x79: {  	_ =	shalt  }
0x7a: {  	_ =	shalt  }
0x7b: {  	_ =	shalt  }
0x7c: {  	_ =	shalt  }
0x7d: {  	_ =	shalt  }
0x7e: {  	_ =	shalt  }
0x7f: {  	_ =	shalt  }
0x80: {  	_ =	shalt  }
0x81: {  	_ =	shalt  }
0x82: {  	_ =	shalt  }
0x83: {  	_ =	shalt  }
0x84: {  	_ =	shalt  }
0x85: {  	_ =	shalt  }
0x86: {  	_ =	shalt  }
0x87: {  	_ =	shalt  }
.Lfunc_end0:
.L_simem_size_0:
called_computation.2_lowered:
.L_overlay_start_0:
0x88: {  	s0 =	sld [smem:$0x3FD9]  }
0x89: {  	s1 =	sld [smem:$0x3FFE];
	_ =	sdelay $0x3  }
0x8a: {  	s0 =	sadd.s32 s1, s0  }
0x8b: {  	[smem:$0x3FB6] =	sst s0  }
0x8c: {  	_ = 	snop  }
0x8d: {  	(tm) =	ssettm $0x1  }
0x8e: {  	s15 =	sld [smem:$0x3FFB];
	_ =	sdelay $0x3  }
0x8f: {  	_ =	strace s15  }
0x90: {  	s0 =	sld [smem:$0x3FFC];
	_ =	sdelay $0x3  }
0x91: {  	_ =	strace s0  }
0x92: {  	s0 =	sld [smem:$0x3FFD];
	_ =	sdelay $0x3  }
0x93: {  	_ =	strace s0  }
0x94: {  	_ =	strace $0x8FFFFFFF  }
0x95: {  	s16 =	sld [smem:$0x3FDB];
	_ =	sdelay $0x1  }
0x96: {  	s17 =	simm.s32 $_scs_section_size  }
0x97: {  	s2 =	simm.s32 $_size__tile_overlayer_lowered;
	s3 =	simm.s32 $_tile_overlayer_lowered  }
0x98: {  	s20 =	simm.s32 $0x1BFF;
	s19 =	sshll.u32 s3, $0x1;
	s0 =	sadd.s32 s17, s16  }
0x99: {  	s4 =	simm.s32 $0x0;
	s18 =	sshll.u32 s2, $0x1;
	s2 =	sadd.s32 s19, s0  }
0x9a: {  	[timem:s4], [sflag:s20] =	dma.local [hbm:s2], s18  }
0x9b: {  	_ =	swait.ge [sflag:s20], s18  }
0x9c: {  	s1 =	ssub.s32 $0x0, s18;
	[sflag:s20] =	ssyncset.done $0x0  }
0x9d: {  	[sflag:s20] =	ssyncadd.s32 s1;
	_ =	sdelay $0x1  }
0x9e: {  	s21 =	simm.s32 $0x1B8B  }
0x9f: {  	_ =	swait.ge [sflag:s21], $0x1  }
0xa0: {  	[sflag:s21] =	ssyncset.done $0x0  }
0xa1: {  	s23 =	simm.s32 $0x1B8E;
	s22 =	sld [smem:$0x3FFE];
	[sflag:s21] =	ssyncadd.s32 $0xFFFFFFFF  }
0xa2: {  	s24 =	simm.s32 $execute0_lowered;
	[smem:$0x3FD2] =	sst s23  }
0xa3: {  	s2 =	sshll.u32 s24, $0x1;
	_ =	strace $0x8000004C;
	[dreg:$0x1] =	wrdreg $0xFFFFFFFF  }
0xa4: {  	s25 =	simm.s32 $_size_execute0_lowered;
	s0 =	sadd.s32 s0, s2;
	[dreg:$0x0] =	wrdreg $0x0  }
0xa5: {  	s2 =	sshll.u32 s25, $0x1;
	[dreg:$0x2] =	wrdreg s0  }
0xa6: {  	[dreg:$0x3] =	wrdreg s2  }
0xa7: {  	[dreg:$0x4] =	wrdreg $0xC0  }
0xa8: {  	_ =	task [dreg:s4], $0x5FFFF  }
0xa9: {  	[dreg:$0x1] =	wrdreg $0xFFFFFFFF  }
0xaa: {  	[dreg:$0x0] =	wrdreg $0x60  }
0xab: {  	[dreg:$0x2] =	wrdreg s22  }
0xac: {  	[dreg:$0x3] =	wrdreg $0x9  }
0xad: {  	_ =	task.clear_ibuf [dreg:s4], $0x4FFFF;
	_ =	strace $0x9000004C  }
0xae: {  	s26 =	simm.s32 $0x9;
	_ =	strace $0x8000004E  }
0xaf: {  	_ =	swait.ge [sflag:s26], $0x1  }
0xb0: {  	[sflag:s26] =	ssyncadd.s32 $0xFFFFFFFF  }
0xb1: {  	_ =	strace $0x9000004E  }
0xb2: {  	_ =	sfence  }
0xb3: {  	s28 =	sld [smem:$0x0];
	_ =	sdelay $0x1  }
0xb4: {  	s29 =	srdreg.scid  }
0xb5: {  	s30 =	sshll.u32 s29, $0xD;
	s31 =	sshrl.u32 s29, $0x2  }
0xb6: {  	s1 =	sand.u32 $0x1, s29;
	s2 =	sand.u32 $0x4000, s30;
	s0 =	sadd.s32 s31, s28  }
0xb7: {  	s1 =	sor.u32 s2, s1;
	s0 =	sshll.u32 s0, $0x11  }
0xb8: {  	s0 =	sor.u32 s0, s1  }
0xb9: {  	s0 =	sadd.s32 $0x8F2B, s0  }
0xba: {  	[sflag:s0] =	ssyncadd.remote.s32 $0x1  }
0xbb: {  	_ =	sfence.sel $0xFFFF  }
0xbc: {  	[dreg:$0x0] =	wrdreg $0xFFFFFFFF;
	(pc) =	sbr.abs _section_cstart, $3  }
0xbd: {  	[dreg:$0x1] =	wrdreg $0xFFFFFFFF  }
0xbe: {  	_ =	task.clear_ibuf [dreg:s4], $0x2FFFF;
	_ =	strace $0x9FFFFFFF  }
0xbf: {  	(tm) =	ssettm $0x7FFFFFFF  }
tec
execute0_lowered:
.L_overlay_start_1:
0x0: {  	(tag) =	ssettag $0x1  }
0x1: {  	s0 =	rddreg [dreg:$0x0];
	_ =	strace $0x8000004D;
	s1 =	simm.s32 $0x1  }
0x2: {  	s8 =	simm.s32 $0x108;
	v0 =	vimm.s32 $0x0;
	[sflag:s1] =	ssyncpa.u1 $0x0  }
0x3: {  	[tilespmem:s8+$0x70] =	vst v0  }
0x4: {  	[tilespmem:s8+$0x60] =	vst v0  }
0x5: {  	[tilespmem:s8+$0x50] =	vst v0  }
0x6: {  	[tilespmem:s8+$0x40] =	vst v0  }
0x7: {  	[tilespmem:s8+$0x30] =	vst v0  }
0x8: {  	s2 =	simm.s32 $0x40;
	s1 =	sadd.s32 $0x2BCA00, s0;
	[tilespmem:s8+$0x20] =	vst v0  }
0x9: {  	s3 =	sadd.s32 $0xF800, s0;
	s4 =	sadd.s32 $0x24800, s0;
	s5 =	sadd.s32 $0x14C00, s0;
	[tilespmem:s8+$0x10] =	vst v0  }
.LBB2_1:
0xa: {  	s2 =	sadd.s32 $0x40, s2;
	[tilespmem:s8+$0x0] =	vst v0;
	s8 =	sadd.s32 $0x80, s8  }
0xb: {  	p0 =	slt.u32 s2, $0x3C40;
	[tilespmem:s8+$0x70] =	vst v0  }
0xc: {  	[tilespmem:s8+$0x60] =	vst v0  }
.Ltmp0:
0xd: {  	[tilespmem:s8+$0x50] =	vst v0;
	(pc) =	sbr.rel @p0 .LBB2_1-.Ltmp0, $4  }
0xe: {  	[tilespmem:s8+$0x40] =	vst v0  }
0xf: {  	[tilespmem:s8+$0x30] =	vst v0  }
0x10: {  	[tilespmem:s8+$0x20] =	vst v0  }
0x11: {  	[tilespmem:s8+$0x10] =	vst v0  }
0x12: {  	s13 =	stileid.u32  }
0x13: {  	s0 =	smul.u32 $0x2C, s13  }
0x14: {  	s2 =	smin.u32 s13, $0x5  }
0x15: {  	s0 =	sadd.s32 s2, s0  }
0x16: {  	p0 =	slt.u32 s13, $0x5;
	s6 =	smul.u32 $0xF0, s0;
	s0 =	simm.s32 $0x2A30  }
0x17: {  	s0 =	simm.s32 @!p0 $0x2940  }
0x18: {  	s0 =	sadd.s32 s0, s6  }
0x19: {  	s7 =	smin.u32 s0, $0x29810  }
0x1a: {  	s0 =	ssub.s32 s7, s6  }
0x1b: {  	p0 =	sgt.s32 s0, $0x0  }
0x1c: {  	s0 =	simm.s32 @!p0 $0x0  }
0x1d: {  	s31 =	smulhi.u32 $0x88888889, s0  }
0x1e: {  	s30 =	simm.s32 $0x2;
	s9 =	simm.s32 $0x7;
	s10 =	simm.s32 $0x8  }
0x1f: {  	s19 =	simm.s32 $0x0;
	s15 =	simm.s32 $0xA;
	s2 =	sshrl.u32 s31, $0x7  }
0x20: {  	s17 =	simm.s32 $0x0;
	s18 =	simm.s32 $0x0;
	s11 =	smul.u32 $0xF0, s2  }
.Ltmp1:
0x21: {  	[tilespmem:s8+$0x0] =	vst v0;
	v0 =	vimm.s32 $0xFFFFFFFF;
	[sflag:s30] =	ssyncpa.u1 $0x0;
	s13 =	sshll.u32 s13, $0x8;
	(pc) =	sbr.rel .LBB2_3-.Ltmp1, $4  }
0x22: {  	[tilespmem:$0xF208] =	vst v0;
	[sflag:s9] =	ssyncpa.u1 $0x0;
	p0 =	sne.s32 s0, s11;
	s0 =	simm.s32 $0x1  }
0x23: {  	[sflag:s10] =	ssyncpa.u1 $0x0;
	s10 =	simm.s32 $0x9;
	s0 =	simm.s32 @!p0 $0x0  }
0x24: {  	[sflag:s10] =	ssyncpa.u1 $0x0;
	s16 =	smov.u32 s6;
	s12 =	sadd.s32 s0, s2  }
0x25: {  	v0 =	vlaneseq.u32;
	s11 =	simm.s32 $0x1;
	p0 =	por $0x0, $0x0;
	s14 =	sadd.s32 $0x1, s12  }
.LBB2_18:
0x26: {  	s0 =	sshrl.u32 s28, $0x2  }
.LBB2_20:
0x27: {  	_ =	swait.ge [sflag:s15], s0  }
0x28: {  	s31 =	ssub.s32 $0x0, s0;
	v1 =	vmov s21;
	vm0 =	veq.s32 v0, $0x0;
	[sflag:s15] =	ssyncset.done $0x0  }
0x29: {  	vm15 =	veq.s32 v0, $0x2;
	v1 =	vsel vm0, s26, v1;
	[sflag:s15] =	ssyncadd.s32 s31  }
0x2a: {  	v1 =	vsel vm15, s19, v1;
	[sflag:s15] =	ssyncpa.u1 $0x1  }
0x2b: {  	[tilespmem:$0xF208] =	vst v1  }
.LBB2_21:
0x2c: {  	s0 =	sadd.s32 $0xF0, s16  }
0x2d: {  	s2 =	smov.u32 s6;
	p1 =	slt.s32 s0, s7  }
0x2e: {  	s2 =	smov.u32 @p1 s0;
	p1 =	sne.s32 s18, s14  }
.Ltmp2:
0x2f: {  	_ = 	snop;
	(pc) =	sbr.rel @!p1 .LBB2_22-.Ltmp2, $3  }
0x30: {  	_ =	sdelay $0x1  }
0x31: {  	s19 =	smov.u32 s17;
	s31 =	sadd.s32 $0x1, s18;
	s17 =	smov.u32 s16  }
0x32: {  	p0 =	por !p0, !p0;
	s18 =	smov.u32 s31;
	s16 =	smov.u32 s2  }
.LBB2_3:
0x33: {  	p1 =	sge.u32 s18, s12  }
0x34: {  	s0 =	smulhi.u32 @!p1 $0xAAAAAAAB, s18  }
0x35: {  	s2 =	smov.u32 s16;
	p2 =	sgt.s32 @!p1 s16, $0x29720  }
0x36: {  	s20 =	sshra.s32 @!p1 s16, $0x1F;
	p2 =	por !p2, p1;
	s0 =	sshrl.u32 @!p1 s0, $0x1  }
0x37: {  	s20 =	sand.u32 @!p1 s20, s16;
	s2 =	simm.s32 @p2 $0x29720;
	s0 =	smul.u32 @!p1 $0x3, s0  }
0x38: {  	s2 =	ssub.s32 @!p1 s2, s20  }
0x39: {  	s2 =	sadd.s32 @!p1 $0xFFFD68E0, s2;
	s0 =	ssub.s32 @!p1 s18, s0  }
0x3a: {  	s20 =	sshll.u32 @!p1 s2, $0x2;
	p2 =	sgt.s32 @!p1 s2, $0xEF;
	s0 =	smul.u32 @!p1 $0x3C0, s0  }
0x3b: {  	s21 =	sand.u32 @!p1 $0x7, s16;
	s2 =	ssub.s32 @!p1 $0x3C0, s20;
	p2 =	por !p2, p1  }
0x3c: {  	s20 =	sshrl.u32 @!p1 s16, $0x3;
	s2 =	sshrl.u32 @!p1 s2, $0x2;
	s0 =	sshrl.u32 @!p1 s0, $0x2  }
0x3d: {  	s20 =	sadd.s32 @!p1 s5, s20;
	s2 =	simm.s32 @!p2 $0x0;
	s0 =	sadd.s32 @!p1 $0x10238, s0  }
0x3e: {  	[tilespmem:s0], [sflag:$0x8] =	stream.linear.gather @!p1 [hbm4b:s20+s21], s2, $0x38;
	[tilespmem:$0x1F6E8] =	vst v63  }
0x3f: {  	s0 =	sadd.s32 $0xFFFFFFFF, s18  }
0x40: {  	p1 =	sge.u32 s0, s12  }
0x41: {  	p2 =	sgt.s32 @!p1 s17, $0x29720  }
0x42: {  	s2 =	smov.u32 s17;
	s20 =	sshra.s32 @!p1 s17, $0x1F;
	p2 =	por !p2, p1  }
0x43: {  	s20 =	sand.u32 @!p1 s20, s17;
	s2 =	simm.s32 @p2 $0x29720  }
0x44: {  	s2 =	ssub.s32 @!p1 s2, s20  }
0x45: {  	s2 =	sadd.s32 @!p1 $0xFFFD68E0, s2  }
0x46: {  	s21 =	sand.u32 @!p1 $0x1, s0;
	s20 =	sshll.u32 @!p1 s2, $0x2  }
0x47: {  	p2 =	sgt.s32 @!p1 s2, $0xEF;
	s2 =	ssub.s32 @!p1 $0x3C0, s20;
	s20 =	smulhi.u32 @!p1 $0xAAAAAAAB, s0  }
0x48: {  	s23 =	smul.u32 @!p1 $0x3C0, s21;
	p2 =	por !p2, p1;
	s2 =	sshrl.u32 @!p1 s2, $0x2  }
0x49: {  	s22 =	simm.s32 @!p1 $0x8;
	s2 =	simm.s32 @!p2 $0x0;
	s20 =	sshrl.u32 @!p1 s20, $0x1  }
0x4a: {  	s23 =	sshrl.u32 @!p1 s23, $0x2;
	_ =	swait.ge @!p1 [sflag:s22], s2;
	s20 =	smul.u32 @!p1 $0x3, s20  }
0x4b: {  	s23 =	sor.u32 @!p1 $0x10508, s23;
	s24 =	ssub.s32 @!p1 $0x0, s2;
	[sflag:s22] =	ssyncset.done @!p1 $0x0  }
0x4c: {  	[sflag:s22] =	ssyncadd.s32 @!p1 s24;
	s22 =	sshrl.u32 @!p1 s17, $0x3;
	s0 =	ssub.s32 @!p1 s0, s20  }
0x4d: {  	s24 =	sand.u32 @!p1 $0x7, s17;
	s22 =	sadd.s32 @!p1 s3, s22;
	s0 =	smul.u32 @!p1 $0x3C0, s0  }
0x4e: {  	[tilespmem:s23], [sflag:$0x9] =	stream.linear.gather @!p1 [hbm4b:s22+s24], s2, $0x38;
	[tilespmem:$0x1F6E8] =	vst v63  }
0x4f: {  	s20 =	ssub.s32 @!p1 $0x29810, s17;
	s2 =	smul.u32 @!p1 $0x1E000, s21  }
0x50: {  	p2 =	slt.s32 @!p1 s20, $0xF0  }
0x51: {  	p2 =	por !p2, p1;
	s0 =	sshrl.u32 @!p1 s0, $0x2;
	s2 =	sshrl.u32 @!p1 s2, $0x2  }
0x52: {  	s20 =	simm.s32 @p2 $0xF0;
	s0 =	sadd.s32 @!p1 $0x10238, s0;
	s2 =	sor.u32 @!p1 $0x106E8, s2  }
0x53: {  	[tilespmem:s2], [sflag:$0x7] =	stream.indirect.gather @!p1 [hbm4b:s4+s20], $0x80, s0, s20, $0xb8;
	[tilespmem:$0x1F6E8] =	vst v63  }
0x54: {  	p1 =	slt.u32 s18, $0x2  }
.Ltmp3:
0x55: {  	_ = 	snop;
	(pc) =	sbr.rel @p1 .LBB2_21-.Ltmp3, $1  }
0x56: {  	_ =	sdelay $0x3  }
0x57: {  	p1 =	sgt.s32 s19, $0x29720;
	s0 =	smov.u32 s19  }
0x58: {  	s2 =	sshra.s32 s19, $0x1F;
	s20 =	ssub.s32 $0x29810, s19;
	s0 =	simm.s32 @!p1 $0x29720  }
0x59: {  	s2 =	sand.u32 s2, s19;
	p1 =	slt.s32 s20, $0xF0;
	s21 =	smov.u32 s20  }
0x5a: {  	s0 =	ssub.s32 s0, s2;
	s21 =	simm.s32 @!p1 $0xF0  }
0x5b: {  	s0 =	sadd.s32 $0xFFFD68E0, s0;
	s28 =	sshll.u32 s21, $0x7  }
0x5c: {  	s29 =	sshll.u32 s0, $0x2;
	s2 =	sand.u32 $0x3FFFFF80, s28  }
0x5d: {  	p1 =	sgt.s32 s0, $0xEF;
	s30 =	ssub.s32 $0x3C0, s29;
	_ =	swait.ge [sflag:s9], s2  }
0x5e: {  	s2 =	ssub.s32 $0x0, s2;
	[sflag:s9] =	ssyncset.done $0x0;
	s0 =	sshrl.u32 s30, $0x2  }
0x5f: {  	[sflag:s9] =	ssyncadd.s32 s2;
	s0 =	simm.s32 @p1 $0x0  }
0x60: {  	_ =	swait.ge [sflag:s10], s0  }
0x61: {  	s0 =	ssub.s32 $0x0, s0;
	[sflag:s10] =	ssyncset.done $0x0  }
0x62: {  	[sflag:s10] =	ssyncadd.s32 s0  }
0x63: {  	v1 =	vld [tilespmem:$0xF208];
	_ =	sdelay $0x4  }
0x64: {  	(v2sf) =	vpush v1, $0x0  }
0x65: {  	(v2sf) =	vpush v1, $0x1  }
0x66: {  	(v2sf) =	vpush v1, $0x2;
	_ =	sdelay $0x3  }
0x67: {  	s0 =	sadd.s32 $0xF0, s19  }
0x68: {  	p1 =	slt.s32 s7, s0  }
0x69: {  	s0 =	smov.u32 @p1 s7;
	p1 =	sgt.s32 s20, $0x0  }
0x6a: {  	s23 =	ssub.s32 s0, s19;
	s20 =	simm.s32 @!p1 $0x0  }
0x6b: {  	p1 =	slt.s32 s20, s23  }
0x6c: {  	s23 =	smov.u32 @p1 s20  }
0x6d: {  	s22 =	simm.s32 $0x1;
	p1 =	slt.s32 s23, $0x1  }
.Ltmp4:
0x6e: {  	s22 =	simm.s32 @!p0 $0x0;
	(pc) =	sbr.rel @p1 .LBB2_8-.Ltmp4, $4  }
0x6f: {  	s31 =	smul.u32 $0x3C0, s22  }
0x70: {  	s24 =	spop (v2sf)  }
0x71: {  	s0 =	sshrl.u32 s31, $0x2;
	s26 =	spop (v2sf)  }
0x72: {  	s20 =	sor.u32 $0x10508, s0;
	s19 =	spop (v2sf)  }
0x73: {  	s0 =	smin.u32 s23, $0x10  }
0x74: {  	v1 =	vmov s0  }
0x75: {  	p2 =	sgt.s32 s23, $0x10;
	vm1 =	vgt.u32 v1, v0  }
.Ltmp5:
0x76: {  	_ = 	snop;
	(pc) =	sbr.rel @!p2 .LBB2_7-.Ltmp5, $2  }
0x77: {  	_ =	sdelay $0x2  }
0x78: {  	s25 =	simm.s32 $0x10;
	s28 =	sadd.s32 $0xFFFFFFF0, s23;
	s21 =	smov.u32 s20;
	vm0 =	vmmov vm1  }
.LBB2_6:
0x79: {  	s0 =	smin.u32 s28, $0x10;
	s25 =	sadd.s32 $0x10, s25;
	v1 =	vld.msk [tilespmem:s21+$0x0 ss:$0x1], vm1  }
0x7a: {  	v2 =	vmov s0;
	p2 =	slt.s32 s25, s23  }
0x7b: {  	vm1 =	vgt.u32 v2, v0  }
.Ltmp6:
0x7c: {  	(pc) =	sbr.rel @p2 .LBB2_6-.Ltmp6, $3  }
0x7d: {  	_ =	sdelay $0x1  }
0x7e: {  	v1 =	vshll.u32 v1, $0x4  }
0x7f: {  	s28 =	sadd.s32 $0xFFFFFFF0, s28;
	[tilespmem:s21+$0x0] =	vst.msk vm0, v1;
	s21 =	sadd.s32 $0x10, s21;
	vm0 =	vmmov vm1  }
.LBB2_7:
0x80: {  	_ =	sdelay $0x4  }
0x81: {  	v1 =	vld.msk [tilespmem:s21+$0x0 ss:$0x1], vm1;
	_ =	sdelay $0x4  }
0x82: {  	v1 =	vshll.u32 v1, $0x4  }
0x83: {  	[tilespmem:s21+$0x0] =	vst.msk vm0, v1  }
.LBB2_8:
0x84: {  	s0 =	sand.u32 $0x1, s18  }
0x85: {  	s0 =	smul.u32 $0xF0, s0  }
0x86: {  	p2 =	sne.s32 s26, $0xFFFFFFFF  }
0x87: {  	v1 =	vld.msk @!p2 [tilespmem:s0+$0x10508], $0x1;
	_ =	sdelay $0x4  }
0x88: {  	(v2sf) =	vpush @!p2 v1, $0x0;
	_ =	sdelay $0xc  }
.Ltmp7:
0x89: {  	_ = 	snop;
	(pc) =	sbr.rel @p1 .LBB2_19-.Ltmp7, $4  }
0x8a: {  	_ = 	snop  }
0x8b: {  	s25 =	spop @!p2 (v2sf)  }
0x8c: {  	s19 =	simm.s32 @!p2 $0x0;
	s21 =	smov.u32 s25  }
0x8d: {  	[sflag:s15] =	ssyncpa.u1 $0x0;
	s25 =	smov.u32 @p2 s24;
	s21 =	smov.u32 @p2 s26  }
0x8e: {  	v1 =	vld.msk [tilespmem:s20+$0x0], $0x1;
	_ =	sdelay $0x4  }
0x8f: {  	(v2sf) =	vpush v1, $0x0;
	_ =	sdelay $0xe  }
0x90: {  	s0 =	smul.u32 $0x1E000, s22;
	s29 =	spop (v2sf)  }
0x91: {  	s23 =	ssub.s32 $0x0, s23;
	p1 =	seq.s32 s25, s29  }
0x92: {  	s26 =	sadd.s32 $0x1, s23;
	s0 =	sshrl.u32 s0, $0x2;
	p2 =	sgt.s32 @!p1 s25, $0x0  }
0x93: {  	s22 =	sor.u32 $0x10728, s0;
	s0 =	smov.u32 s25;
	p2 =	por !p2, p1  }
0x94: {  	s0 =	simm.s32 @p2 $0x0;
	p2 =	seq.s32 s26, $0x0  }
.Ltmp8:
0x95: {  	_ = 	snop;
	(pc) =	sbr.rel @p2 .LBB2_11-.Ltmp8, $4  }
0x96: {  	_ = 	snop  }
0x97: {  	s24 =	simm.s32 $0x0;
	s28 =	sadd.s32 $0x1, s20;
	s0 =	smin.u32 @!p1 s0, $0x270F0  }
0x98: {  	s30 =	simm.s32 @!p1 $0x1;
	s31 =	simm.s32 @!p1 $0x7988;
	s2 =	sand.u32 @!p1 $0x3FFF8, s0  }
0x99: {  	s30 =	smov.u32 @p1 s24;
	s0 =	sand.u32 @!p1 $0x7, s0;
	s2 =	sadd.s32 @!p1 s1, s2  }
.LBB2_10:
0x9a: {  	s8 =	smov.u32 s30  }
0x9b: {  	[tilespmem:s31], [sflag:$0x2] =	stream.linear.gather @!p1 [hbm4b:s2+s0], $0x80, $0x38;
	[tilespmem:$0x1F6E8] =	vst v63  }
0x9c: {  	s26 =	sadd.s32 $0x1, s26;
	s0 =	smov.u32 s29;
	v1 =	vld.msk [tilespmem:s28+$0x0], $0x1  }
0x9d: {  	p2 =	seq.s32 s26, $0x0;
	_ =	sdelay $0x3  }
0x9e: {  	(v2sf) =	vpush v1, $0x0;
	_ =	sdelay $0xe  }
0x9f: {  	s29 =	spop (v2sf)  }
0xa0: {  	p1 =	seq.s32 s0, s29  }
0xa1: {  	p3 =	sgt.s32 @!p1 s0, $0x0;
	s2 =	sshll.u32 @!p1 s30, $0x9;
	s30 =	sadd.s32 @!p1 $0x1, s30  }
.Ltmp9:
0xa2: {  	p3 =	por !p3, p1;
	s2 =	sshra.s32 @!p1 s2, $0x2;
	(pc) =	sbr.rel @!p2 .LBB2_10-.Ltmp9, $4  }
0xa3: {  	s30 =	smov.u32 @p1 s8;
	s0 =	simm.s32 @p3 $0x0;
	s31 =	sadd.s32 @!p1 $0x7988, s2  }
0xa4: {  	s0 =	smin.u32 @!p1 s0, $0x270F0  }
0xa5: {  	s2 =	sand.u32 @!p1 $0x3FFF8, s0;
	s0 =	sand.u32 @!p1 $0x7, s0  }
0xa6: {  	s28 =	sadd.s32 $0x1, s28;
	s2 =	sadd.s32 @!p1 s1, s2  }
.LBB2_11:
0xa7: {  	[tilespmem:s31], [sflag:$0x2] =	stream.linear.gather @!p1 [hbm4b:s2+s0], $0x80, $0x38;
	[tilespmem:$0x1F6E8] =	vst v63  }
.Ltmp10:
0xa8: {  	s30 =	sshll.u32 s30, $0x7;
	(pc) =	sbr.rel .LBB2_12-.Ltmp10, $4  }
0xa9: {  	s31 =	simm.s32 $0x2;
	s0 =	sand.u32 $0x3FFFFF80, s30  }
0xaa: {  	_ =	swait.ge [sflag:s31], s0  }
0xab: {  	s0 =	ssub.s32 $0x0, s0;
	[sflag:s31] =	ssyncset.done $0x0  }
0xac: {  	s28 =	simm.s32 $0x0;
	[sflag:s31] =	ssyncadd.s32 s0  }
.LBB2_13:
0xad: {  	v1 =	vld [tilespmem:s22+$0xFFFFFFC0];
	_ =	sdelay $0x3  }
0xae: {  	s0 =	sshra.s32 s0, $0x2  }
0xaf: {  	[tilespmem:s0+$0x108] =	vst.add.f32.msk $0xffff, v1  }
0xb0: {  	v1 =	vld [tilespmem:s22+$0xFFFFFFD0];
	_ =	sdelay $0x4  }
0xb1: {  	[tilespmem:s0+$0x118] =	vst.add.f32.msk $0xffff, v1  }
0xb2: {  	v1 =	vld [tilespmem:s22+$0xFFFFFFE0];
	_ =	sdelay $0x4  }
0xb3: {  	[tilespmem:s0+$0x128] =	vst.add.f32.msk $0xffff, v1  }
0xb4: {  	v1 =	vld [tilespmem:s22+$0xFFFFFFF0];
	_ =	sdelay $0x4  }
0xb5: {  	[tilespmem:s0+$0x138] =	vst.add.f32.msk $0xffff, v1  }
0xb6: {  	v1 =	vld [tilespmem:s22+$0x0];
	_ =	sdelay $0x4  }
0xb7: {  	[tilespmem:s0+$0x148] =	vst.add.f32.msk $0xffff, v1  }
0xb8: {  	v1 =	vld [tilespmem:s22+$0x10];
	_ =	sdelay $0x4  }
0xb9: {  	[tilespmem:s0+$0x158] =	vst.add.f32.msk $0xffff, v1  }
0xba: {  	v1 =	vld [tilespmem:s22+$0x20];
	_ =	sdelay $0x4  }
0xbb: {  	[tilespmem:s0+$0x168] =	vst.add.f32.msk $0xffff, v1  }
0xbc: {  	v1 =	vld [tilespmem:s22+$0x30];
	_ =	sdelay $0x4  }
0xbd: {  	[tilespmem:s0+$0x178] =	vst.add.f32.msk $0xffff, v1  }
.LBB2_17:
0xbe: {  	s23 =	sadd.s32 $0x1, s23  }
0xbf: {  	p1 =	seq.s32 s23, $0x0  }
.Ltmp11:
0xc0: {  	_ = 	snop;
	(pc) =	sbr.rel @p1 .LBB2_18-.Ltmp11, $2  }
0xc1: {  	_ =	sdelay $0x2  }
0xc2: {  	s20 =	sadd.s32 $0x1, s20;
	s22 =	sadd.s32 $0x80, s22;
	s25 =	smov.u32 s26  }
.LBB2_12:
0xc3: {  	v1 =	vld.msk [tilespmem:s20+$0x0], $0x1;
	_ =	sdelay $0x4  }
0xc4: {  	(v2sf) =	vpush v1, $0x0;
	_ =	sdelay $0xe  }
0xc5: {  	s26 =	spop (v2sf)  }
0xc6: {  	p1 =	sne.s32 s25, s26  }
.Ltmp12:
0xc7: {  	_ = 	snop;
	(pc) =	sbr.rel @!p1 .LBB2_13-.Ltmp12, $2  }
0xc8: {  	_ =	sdelay $0x2  }
0xc9: {  	s0 =	sshll.u32 s19, $0x9  }
0xca: {  	p1 =	seq.s32 s25, s21  }
.Ltmp13:
0xcb: {  	_ = 	snop;
	(pc) =	sbr.rel @!p1 .LBB2_15-.Ltmp13, $1  }
0xcc: {  	_ =	sdelay $0x3  }
0xcd: {  	s0 =	sshra.s32 s0, $0x2  }
.Ltmp14:
0xce: {  	s0 =	sadd.s32 $0x108, s0;
	(pc) =	sbr.rel .LBB2_16-.Ltmp14, $4  }
0xcf: {  	[spmem:s13] =	stream.linear.scatter [tilespmem:s0], [sflag:$0x1], $0x80, $0x38;
	[tilespmem:$0x1F6E8] =	vst v63  }
0xd0: {  	_ =	swait.ge [sflag:s11], $0x80  }
0xd1: {  	[sflag:s11] =	ssyncset.done $0x0  }
0xd2: {  	[sflag:s11] =	ssyncadd.s32 $0xFFFFFF80  }
.LBB2_15:
0xd3: {  	s2 =	sshll.u32 s24, $0x9  }
0xd4: {  	s2 =	sshra.s32 s2, $0x2  }
0xd5: {  	v1 =	vld [tilespmem:s2+$0x7988];
	_ =	sdelay $0x3  }
0xd6: {  	s0 =	sshra.s32 s0, $0x2  }
0xd7: {  	[tilespmem:s0+$0x108] =	vst.add.f32.msk $0xffff, v1  }
0xd8: {  	v1 =	vld [tilespmem:s2+$0x7998];
	_ =	sdelay $0x4  }
0xd9: {  	[tilespmem:s0+$0x118] =	vst.add.f32.msk $0xffff, v1  }
0xda: {  	v1 =	vld [tilespmem:s2+$0x79A8];
	_ =	sdelay $0x4  }
0xdb: {  	[tilespmem:s0+$0x128] =	vst.add.f32.msk $0xffff, v1  }
0xdc: {  	v1 =	vld [tilespmem:s2+$0x79B8];
	_ =	sdelay $0x4  }
0xdd: {  	[tilespmem:s0+$0x138] =	vst.add.f32.msk $0xffff, v1  }
0xde: {  	v1 =	vld [tilespmem:s2+$0x79C8];
	_ =	sdelay $0x4  }
0xdf: {  	[tilespmem:s0+$0x148] =	vst.add.f32.msk $0xffff, v1  }
0xe0: {  	v1 =	vld [tilespmem:s2+$0x79D8];
	_ =	sdelay $0x4  }
0xe1: {  	[tilespmem:s0+$0x158] =	vst.add.f32.msk $0xffff, v1  }
0xe2: {  	v1 =	vld [tilespmem:s2+$0x79E8];
	_ =	sdelay $0x4  }
0xe3: {  	[tilespmem:s0+$0x168] =	vst.add.f32.msk $0xffff, v1  }
0xe4: {  	v1 =	vld [tilespmem:s2+$0x79F8];
	_ =	sdelay $0x2  }
0xe5: {  	p1 =	sgt.u32 s25, $0x270F0  }
0xe6: {  	s2 =	sand.u32 @!p1 $0x3FFF8, s25  }
0xe7: {  	s8 =	sadd.s32 $0x108, s0;
	[tilespmem:s0+$0x178] =	vst.add.f32.msk $0xffff, v1;
	s0 =	sadd.s32 @!p1 s1, s2;
	s2 =	sand.u32 @!p1 $0x7, s25  }
0xe8: {  	[hbm4b:s0+s2] =	stream.linear.scatter @!p1 [tilespmem:s8], [sflag:$0xA], $0x80, $0x38;
	[tilespmem:$0x1F6E8] =	vst v63  }
0xe9: {  	s0 =	simm.s32 $0x0  }
0xea: {  	s0 =	simm.s32 @!p1 $0x200  }
0xeb: {  	s28 =	sadd.s32 s0, s28  }
.LBB2_16:
0xec: {  	s0 =	sadd.s32 $0x1, s19  }
0xed: {  	s2 =	smulhi.u32 $0x88888889, s0;
	_ =	sdelay $0x1  }
0xee: {  	v1 =	vld [tilespmem:s22+$0xFFFFFFC0];
	s2 =	sshrl.u32 s2, $0x7  }
0xef: {  	s2 =	smul.u32 $0xF0, s2;
	_ =	sdelay $0x1  }
0xf0: {  	s19 =	ssub.s32 s0, s2  }
0xf1: {  	s0 =	sshll.u32 s19, $0x7  }
0xf2: {  	[tilespmem:s0+$0x108] =	vst v1  }
0xf3: {  	v1 =	vld [tilespmem:s22+$0xFFFFFFD0];
	_ =	sdelay $0x4  }
0xf4: {  	[tilespmem:s0+$0x118] =	vst v1  }
0xf5: {  	v1 =	vld [tilespmem:s22+$0xFFFFFFE0];
	_ =	sdelay $0x4  }
0xf6: {  	[tilespmem:s0+$0x128] =	vst v1  }
0xf7: {  	v1 =	vld [tilespmem:s22+$0xFFFFFFF0];
	_ =	sdelay $0x4  }
0xf8: {  	[tilespmem:s0+$0x138] =	vst v1  }
0xf9: {  	v1 =	vld [tilespmem:s22+$0x0];
	_ =	sdelay $0x4  }
0xfa: {  	[tilespmem:s0+$0x148] =	vst v1  }
0xfb: {  	v1 =	vld [tilespmem:s22+$0x10];
	_ =	sdelay $0x4  }
0xfc: {  	[tilespmem:s0+$0x158] =	vst v1  }
0xfd: {  	v1 =	vld [tilespmem:s22+$0x20];
	_ =	sdelay $0x4  }
0xfe: {  	[tilespmem:s0+$0x168] =	vst v1  }
0xff: {  	v1 =	vld [tilespmem:s22+$0x30]  }
.Ltmp15:
0x100: {  	_ = 	snop;
	(pc) =	sbr.rel .LBB2_17-.Ltmp15, $2  }
0x101: {  	_ =	sdelay $0x2  }
0x102: {  	s24 =	sadd.s32 $0x1, s24;
	[tilespmem:s0+$0x178] =	vst v1  }
.LBB2_19:
.Ltmp16:
0x103: {  	(pc) =	sbr.rel .LBB2_20-.Ltmp16, $4  }
0x104: {  	_ = 	snop  }
0x105: {  	s0 =	simm.s32 $0x2  }
0x106: {  	_ =	swait.ge [sflag:s0], $0x0  }
0x107: {  	s26 =	smov.u32 s25;
	[sflag:s0] =	ssyncset.done $0x0;
	s0 =	simm.s32 $0x0  }
.LBB2_22:
0x108: {  	_ =	sfence.sel $0x180000  }
0x109: {  	s0 =	simm.s32 $0x7;
	[bflag:$0x0] =	sbarrier.arrive $0xFFFF  }
0x10a: {  	s25 =	simm.s32 $0x8;
	[sflag:s0] =	ssyncpa.u1 $0x1  }
0x10b: {  	s26 =	simm.s32 $0x9;
	[sflag:s25] =	ssyncpa.u1 $0x1  }
0x10c: {  	s28 =	simm.s32 $0x2;
	[sflag:s26] =	ssyncpa.u1 $0x1  }
0x10d: {  	[sflag:s28] =	ssyncpa.u1 $0x1  }
0x10e: {  	v0 =	vld [tilespmem:$0xF208];
	_ =	sdelay $0x4  }
0x10f: {  	(v2sf) =	vpush v0, $0x0  }
0x110: {  	(v2sf) =	vpush v0, $0x1;
	_ =	sdelay $0x1  }
0x111: {  	(v2sf) =	vpush v0, $0x2;
	_ =	sdelay $0xb  }
0x112: {  	s0 =	spop (v2sf)  }
0x113: {  	s2 =	spop (v2sf)  }
0x114: {  	s3 =	smov.u32 s0;
	p0 =	sne.s32 s0, s2  }
0x115: {  	s4 =	spop (v2sf);
	s3 =	simm.s32 @!p0 $0xFFFFFFFF  }
0x116: {  	v2 =	vimm.s32 $0x1;
	v3 =	vlaneseq.u32;
	p0 =	seq.s32 s4, $0xFFFFFFFF;
	v1 =	vmov s3  }
0x117: {  	s7 =	stileid.u32;
	v0 =	vperm.xlane v0, v2;
	p1 =	sne.s32 @!p0 s0, s2;
	v1 =	vperm.xlane v1, v3  }
0x118: {  	vm0 =	vcmask $0x3F04;
	s6 =	simm.s32 $0xF208;
	s0 =	simm.s32 @!p0 $0x1;
	p1 =	por !p1, p0  }
0x119: {  	s3 =	sshll.u32 s7, $0x1;
	s2 =	sshll.u32 @!p0 s4, $0x9;
	s0 =	simm.s32 @p1 $0x0;
	v0 =	vsel vm0, v1, v0  }
0x11a: {  	s5 =	sor.u32 $0x1000, s3;
	s2 =	sshra.s32 @!p0 s2, $0x2;
	s0 =	sor.u32 @!p0 s0, s3;
	[tilespmem:$0xF208] =	vst v0  }
0x11b: {  	[spmem:s5] =	stream.linear.scatter [tilespmem:s6], [sflag:$0x1], $0x2, $0x38;
	[tilespmem:$0x1F6E8] =	vst v63  }
0x11c: {  	s2 =	sadd.s32 @!p0 $0x108, s2;
	s0 =	sshll.u32 @!p0 s0, $0x7  }
0x11d: {  	[spmem:s0] =	stream.linear.scatter @!p0 [tilespmem:s2], [sflag:$0x1], $0x80, $0x38;
	[tilespmem:$0x1F6E8] =	vst v63  }
0x11e: {  	s0 =	simm.s32 @!p0 $0x82  }
0x11f: {  	s3 =	simm.s32 $0x1;
	s0 =	simm.s32 @p0 $0x2  }
0x120: {  	_ =	swait.ge [sflag:s3], s0  }
0x121: {  	s0 =	ssub.s32 $0x0, s0;
	[sflag:s3] =	ssyncset.done $0x0  }
0x122: {  	[sflag:s3] =	ssyncadd.s32 s0  }
0x123: {  	_ =	sfence.stream.spmem  }
0x124: {  	s29 =	simm.s32 $0x3;
	[bflag:$0x0] =	sbarrier.arrive $0xFFFF  }
0x125: {  	s30 =	simm.s32 $0x4;
	[sflag:s29] =	ssyncpa.u1 $0x1  }
0x126: {  	s31 =	simm.s32 $0x3C;
	[sflag:s30] =	ssyncpa.u1 $0x1  }
0x127: {  	p0 =	sne.s32 s7, $0x0;
	[sflag:s31] =	ssyncpa.u1 $0x1  }
0x128: {  	_ =	sfence @p0  }
0x129: {  	[sflag:s3] =	ssyncpa.u1 @p0 $0x1  }
0x12a: {  	_ =	strace @p0 $0x9000004D  }
0x12b: {  	[bflag:$0x2] =	sbarrier.arrive @p0 $0xFFFF  }
0x12c: {  	_ =	shalt @p0  }
.LBB2_23:
0x12d: {  	_ =	sfence.stream.spmem;
	s0 =	simm.s32 $0x5  }
0x12e: {  	s2 =	simm.s32 $0x1000;
	s3 =	simm.s32 $0xF218;
	[sflag:s0] =	ssyncpa.u1 $0x0  }
0x12f: {  	[tilespmem:s3], [sflag:$0x5] =	stream.linear.gather [spmem:s2], $0x20, $0x38;
	[tilespmem:$0x1F6E8] =	vst v63  }
0x130: {  	s30 =	simm.s32 $0xF238;
	s2 =	simm.s32 $0x0  }
0x131: {  	[tilespmem:s30], [sflag:$0x5] =	stream.linear.gather [spmem:s2], $0x1000, $0x38;
	[tilespmem:$0x1F6E8] =	vst v63  }
.Ltmp17:
0x132: {  	_ = 	snop;
	(pc) =	sbr.rel .LBB2_24-.Ltmp17, $4  }
0x133: {  	_ =	swait.ge [sflag:s0], $0x1020  }
0x134: {  	[sflag:s0] =	ssyncset.done $0x0  }
0x135: {  	s31 =	simm.s32 $0x6;
	[sflag:s0] =	ssyncadd.s32 $0xFFFFEFE0  }
0x136: {  	s3 =	simm.s32 $0x0;
	[sflag:s31] =	ssyncpa.u1 $0x0  }
.LBB2_30:
0x137: {  	p0 =	slt.u32 s4, $0x270F1  }
0x138: {  	s0 =	sand.u32 @p0 $0x3FFF8, s4  }
0x139: {  	s4 =	sand.u32 @p0 $0x7, s4;
	s5 =	simm.s32 @p0 $0xF188;
	s0 =	sadd.s32 @p0 s1, s0  }
0x13a: {  	[tilespmem:s5], [sflag:$0x6] =	stream.linear.gather @p0 [hbm4b:s0+s4], $0x80, $0x38;
	[tilespmem:$0x1F6E8] =	vst v63  }
0x13b: {  	s0 =	simm.s32 @p0 $0x6  }
0x13c: {  	_ =	swait.ge @p0 [sflag:s0], $0x80  }
0x13d: {  	[sflag:s0] =	ssyncset.done @p0 $0x0  }
0x13e: {  	[sflag:s0] =	ssyncadd.s32 @p0 $0xFFFFFF80  }
0x13f: {  	v1 =	vld @p0 [tilespmem:$0xF188];
	_ =	sdelay $0x2  }
0x140: {  	s0 =	sshll.u32 @p0 s3, $0x9  }
0x141: {  	s4 =	sshrl.u32 @p0 s0, $0x2  }
0x142: {  	[tilespmem:s4+$0xF238] =	vst.add.f32.msk @p0 $0xffff, v1  }
0x143: {  	v1 =	vld @p0 [tilespmem:$0xF198];
	_ =	sdelay $0x4  }
0x144: {  	[tilespmem:s4+$0xF248] =	vst.add.f32.msk @p0 $0xffff, v1  }
0x145: {  	v1 =	vld @p0 [tilespmem:$0xF1A8];
	_ =	sdelay $0x4  }
0x146: {  	[tilespmem:s4+$0xF258] =	vst.add.f32.msk @p0 $0xffff, v1  }
0x147: {  	v1 =	vld @p0 [tilespmem:$0xF1B8];
	_ =	sdelay $0x4  }
0x148: {  	[tilespmem:s4+$0xF268] =	vst.add.f32.msk @p0 $0xffff, v1  }
0x149: {  	v1 =	vld @p0 [tilespmem:$0xF1C8];
	_ =	sdelay $0x4  }
0x14a: {  	[tilespmem:s4+$0xF278] =	vst.add.f32.msk @p0 $0xffff, v1  }
0x14b: {  	v1 =	vld @p0 [tilespmem:$0xF1D8];
	_ =	sdelay $0x4  }
0x14c: {  	[tilespmem:s4+$0xF288] =	vst.add.f32.msk @p0 $0xffff, v1  }
0x14d: {  	v1 =	vld @p0 [tilespmem:$0xF1E8];
	_ =	sdelay $0x4  }
0x14e: {  	[tilespmem:s4+$0xF298] =	vst.add.f32.msk @p0 $0xffff, v1  }
0x14f: {  	v1 =	vld @p0 [tilespmem:$0xF1F8];
	_ =	sdelay $0x3  }
0x150: {  	s5 =	sshll.u32 @!p0 s3, $0x9  }
0x151: {  	s5 =	smov.u32 @p0 s0;
	[tilespmem:s4+$0xF2A8] =	vst.add.f32.msk @p0 $0xffff, v1  }
0x152: {  	s0 =	sshrl.u32 s5, $0x2;
	[tilespmem:s2+$0xF218] =	vst.msk $0x1, v0  }
0x153: {  	v0 =	vld [tilespmem:s0+$0xF238];
	_ =	sdelay $0x2  }
0x154: {  	s31 =	sshll.u32 s2, $0x9  }
0x155: {  	s4 =	sshra.s32 s31, $0x2  }
0x156: {  	[tilespmem:s4+$0xF238] =	vst v0  }
0x157: {  	v0 =	vld [tilespmem:s0+$0xF248];
	_ =	sdelay $0x4  }
0x158: {  	[tilespmem:s4+$0xF248] =	vst v0  }
0x159: {  	v0 =	vld [tilespmem:s0+$0xF258];
	_ =	sdelay $0x4  }
0x15a: {  	[tilespmem:s4+$0xF258] =	vst v0  }
0x15b: {  	v0 =	vld [tilespmem:s0+$0xF268];
	_ =	sdelay $0x4  }
0x15c: {  	[tilespmem:s4+$0xF268] =	vst v0  }
0x15d: {  	v0 =	vld [tilespmem:s0+$0xF278];
	_ =	sdelay $0x4  }
0x15e: {  	[tilespmem:s4+$0xF278] =	vst v0  }
0x15f: {  	v0 =	vld [tilespmem:s0+$0xF288];
	_ =	sdelay $0x4  }
0x160: {  	[tilespmem:s4+$0xF288] =	vst v0  }
0x161: {  	v0 =	vld [tilespmem:s0+$0xF298];
	_ =	sdelay $0x4  }
0x162: {  	[tilespmem:s4+$0xF298] =	vst v0  }
0x163: {  	v0 =	vld [tilespmem:s0+$0xF2A8];
	_ =	sdelay $0x4  }
0x164: {  	s2 =	sadd.s32 $0x1, s2;
	[tilespmem:s4+$0xF2A8] =	vst v0  }
.LBB2_31:
0x165: {  	s3 =	sadd.s32 $0x1, s3  }
0x166: {  	p0 =	sne.s32 s3, $0x20  }
.Ltmp18:
0x167: {  	_ = 	snop;
	(pc) =	sbr.rel @!p0 .LBB2_32-.Ltmp18, $1  }
0x168: {  	_ =	sdelay $0x3  }
.LBB2_24:
0x169: {  	v0 =	vld.msk [tilespmem:s3+$0xF218], $0x1;
	_ =	sdelay $0x4  }
0x16a: {  	(v2sf) =	vpush v0, $0x0;
	_ =	sdelay $0xe  }
0x16b: {  	s4 =	spop (v2sf)  }
0x16c: {  	p0 =	seq.s32 s4, $0xFFFFFFFF  }
.Ltmp19:
0x16d: {  	_ = 	snop;
	(pc) =	sbr.rel @p0 .LBB2_31-.Ltmp19, $1  }
0x16e: {  	_ =	sdelay $0x3  }
0x16f: {  	p0 =	slt.s32 s2, $0x1  }
.Ltmp20:
0x170: {  	_ = 	snop;
	(pc) =	sbr.rel @p0 .LBB2_30-.Ltmp20, $1  }
0x171: {  	_ =	sdelay $0x3  }
0x172: {  	s5 =	simm.s32 $0xF218;
	p0 =	por $0x0, $0x0  }
0x173: {  	v1 =	vld.msk @!p0 [tilespmem:s5+$0x0], $0x1;
	_ =	sdelay $0x4  }
0x174: {  	(v2sf) =	vpush @!p0 v1, $0x0;
	_ =	sdelay $0xd  }
0x175: {  	p2 =	sne.s32 s2, $0x1  }
.Ltmp21:
0x176: {  	s0 =	spop @!p0 (v2sf);
	(pc) =	sbr.rel @!p2 .LBB2_28-.Ltmp21, $4  }
0x177: {  	p1 =	seq.s32 @!p0 s4, s0  }
0x178: {  	s6 =	simm.s32 $0x0;
	p1 =	por !p1, p0  }
0x179: {  	s0 =	simm.s32 $0xFFFFFFFF;
	s6 =	simm.s32 @p1 $0xFFFFFFFF  }
0x17a: {  	s7 =	simm.s32 $0x1;
	s6 =	smov.u32 @p0 s0  }
.LBB2_27:
0x17b: {  	s0 =	smov.u32 s6;
	p0 =	sne.s32 s6, $0xFFFFFFFF  }
0x17c: {  	s5 =	sadd.s32 $0x1, s5;
	s6 =	smov.u32 s7;
	s7 =	sadd.s32 $0x1, s7  }
0x17d: {  	p1 =	sne.s32 s2, s7;
	v1 =	vld.msk @!p0 [tilespmem:s5+$0x0], $0x1;
	_ =	sdelay $0x4  }
0x17e: {  	(v2sf) =	vpush @!p0 v1, $0x0;
	_ =	sdelay $0xe  }
.Ltmp22:
0x17f: {  	s8 =	spop @!p0 (v2sf);
	(pc) =	sbr.rel @p1 .LBB2_27-.Ltmp22, $4  }
0x180: {  	p2 =	seq.s32 @!p0 s4, s8  }
0x181: {  	p2 =	por !p2, p0  }
0x182: {  	s6 =	simm.s32 @p2 $0xFFFFFFFF  }
0x183: {  	s6 =	smov.u32 @p0 s0  }
.LBB2_28:
0x184: {  	p0 =	seq.s32 s6, $0xFFFFFFFF  }
.Ltmp23:
0x185: {  	_ = 	snop;
	(pc) =	sbr.rel @p0 .LBB2_30-.Ltmp23, $1  }
0x186: {  	_ =	sdelay $0x3  }
0x187: {  	s0 =	sshll.u32 s3, $0x7  }
0x188: {  	s0 =	sand.u32 $0x3FFFFF80, s0  }
0x189: {  	v0 =	vld [tilespmem:s0+$0xF238];
	_ =	sdelay $0x2  }
0x18a: {  	s4 =	sshll.u32 s6, $0x9  }
0x18b: {  	s4 =	sshra.s32 s4, $0x2  }
0x18c: {  	[tilespmem:s4+$0xF238] =	vst.add.f32.msk $0xffff, v0  }
0x18d: {  	v0 =	vld [tilespmem:s0+$0xF248];
	_ =	sdelay $0x4  }
0x18e: {  	[tilespmem:s4+$0xF248] =	vst.add.f32.msk $0xffff, v0  }
0x18f: {  	v0 =	vld [tilespmem:s0+$0xF258];
	_ =	sdelay $0x4  }
0x190: {  	[tilespmem:s4+$0xF258] =	vst.add.f32.msk $0xffff, v0  }
0x191: {  	v0 =	vld [tilespmem:s0+$0xF268];
	_ =	sdelay $0x4  }
0x192: {  	[tilespmem:s4+$0xF268] =	vst.add.f32.msk $0xffff, v0  }
0x193: {  	v0 =	vld [tilespmem:s0+$0xF278];
	_ =	sdelay $0x4  }
0x194: {  	[tilespmem:s4+$0xF278] =	vst.add.f32.msk $0xffff, v0  }
0x195: {  	v0 =	vld [tilespmem:s0+$0xF288];
	_ =	sdelay $0x4  }
0x196: {  	[tilespmem:s4+$0xF288] =	vst.add.f32.msk $0xffff, v0  }
0x197: {  	v0 =	vld [tilespmem:s0+$0xF298];
	_ =	sdelay $0x4  }
0x198: {  	[tilespmem:s4+$0xF298] =	vst.add.f32.msk $0xffff, v0  }
0x199: {  	v0 =	vld [tilespmem:s0+$0xF2A8]  }
.Ltmp24:
0x19a: {  	_ = 	snop;
	(pc) =	sbr.rel .LBB2_31-.Ltmp24, $2  }
0x19b: {  	_ =	sdelay $0x2  }
0x19c: {  	[tilespmem:s4+$0xF2A8] =	vst.add.f32.msk $0xffff, v0  }
.LBB2_32:
0x19d: {  	p0 =	slt.s32 s2, $0x1  }
.Ltmp25:
0x19e: {  	_ = 	snop;
	(pc) =	sbr.rel @p0 .LBB2_36-.Ltmp25, $3  }
0x19f: {  	_ =	sdelay $0x1  }
0x1a0: {  	s0 =	simm.s32 $0x6  }
0x1a1: {  	s3 =	simm.s32 $0x0;
	[sflag:s0] =	ssyncpa.u1 $0x1  }
0x1a2: {  	s0 =	simm.s32 $0xF218  }
0x1a3: {  	v0 =	vld.msk [tilespmem:s0+$0x0], $0x1;
	_ =	sdelay $0x4  }
0x1a4: {  	(v2sf) =	vpush v0, $0x0;
	_ =	sdelay $0xd  }
0x1a5: {  	s2 =	sadd.s32 $0xFFFFFFFF, s2  }
0x1a6: {  	p1 =	sne.s32 s2, $0x0;
	s0 =	spop (v2sf)  }
.Ltmp26:
0x1a7: {  	p0 =	sgt.u32 s0, $0x270F0;
	(pc) =	sbr.rel @!p1 .LBB2_35-.Ltmp26, $4  }
0x1a8: {  	s4 =	simm.s32 $0xF238;
	s5 =	sand.u32 @!p0 $0x3FFF8, s0  }
0x1a9: {  	s6 =	simm.s32 $0x0;
	s0 =	sand.u32 @!p0 $0x7, s0;
	s5 =	sadd.s32 @!p0 s1, s5  }
0x1aa: {  	[hbm4b:s5+s0] =	stream.linear.scatter @!p0 [tilespmem:s4], [sflag:$0x5], $0x80, $0x38;
	[tilespmem:$0x1F6E8] =	vst v63  }
0x1ab: {  	s6 =	simm.s32 @!p0 $0x200;
	s5 =	simm.s32 $0xF219  }
.LBB2_34:
0x1ac: {  	v0 =	vld.msk [tilespmem:s5+$0x0], $0x1;
	s2 =	sadd.s32 $0xFFFFFFFF, s2;
	s3 =	sadd.s32 s3, s6  }
0x1ad: {  	p0 =	sne.s32 s2, $0x0;
	_ =	sdelay $0x3  }
0x1ae: {  	(v2sf) =	vpush v0, $0x0;
	_ =	sdelay $0xe  }
.Ltmp27:
0x1af: {  	s0 =	spop (v2sf);
	(pc) =	sbr.rel @p0 .LBB2_34-.Ltmp27, $4  }
0x1b0: {  	s6 =	simm.s32 $0x0;
	p1 =	sgt.u32 s0, $0x270F0  }
0x1b1: {  	s4 =	sadd.s32 $0x80, s4;
	s6 =	simm.s32 @!p1 $0x200;
	s7 =	sand.u32 @!p1 $0x3FFF8, s0  }
0x1b2: {  	s5 =	sadd.s32 $0x1, s5;
	s0 =	sand.u32 @!p1 $0x7, s0;
	s7 =	sadd.s32 @!p1 s1, s7  }
0x1b3: {  	[hbm4b:s7+s0] =	stream.linear.scatter @!p1 [tilespmem:s4], [sflag:$0x5], $0x80, $0x38;
	[tilespmem:$0x1F6E8] =	vst v63  }
.LBB2_35:
0x1b4: {  	s0 =	sadd.s32 s3, s6  }
0x1b5: {  	s3 =	sshrl.u32 s0, $0x2  }
.LBB2_36:
0x1b6: {  	s0 =	simm.s32 $0x5  }
0x1b7: {  	_ =	swait.ge [sflag:s0], s3  }
0x1b8: {  	s1 =	ssub.s32 $0x0, s3;
	[sflag:s0] =	ssyncset.done $0x0  }
0x1b9: {  	[sflag:s0] =	ssyncadd.s32 s1  }
0x1ba: {  	[sflag:s0] =	ssyncpa.u1 $0x1  }
0x1bb: {  	s30 =	simm.s32 $0x1;
	_ =	sfence  }
0x1bc: {  	[sflag:s30] =	ssyncpa.u1 $0x1  }
0x1bd: {  	_ =	strace $0x9000004D  }
0x1be: {  	[bflag:$0x2] =	sbarrier.arrive $0xFFFF  }
0x1bf: {  	s31 =	rddreg [dreg:$0x1]  }
0x1c0: {  	s0 =	sadd.s32 $0x100000, s31  }
0x1c1: {  	[sflag:s0] =	ssyncadd.tile.s32 $0x1;
	_ =	shalt  }
.Lfunc_end2:
_tile_overlayer_lowered:
.L_overlay_start_2:
0x1c2: {  	(tag) =	ssettag $0x2  }
0x1c3: {  	s0 =	rddreg [dreg:$0x0];
	s2 =	stileid.u32  }
0x1c4: {  	s1 =	rddreg [dreg:$0x1];
	p0 =	sne.s32 s2, $0x0  }
0x1c5: {  	s3 =	rddreg [dreg:$0x2];
	[bflag:$0x3] =	sbarrier.arrive $0xFFFF;
	s2 =	simm.s32 @!p0 $0x1C01  }
0x1c6: {  	[timem:s3], [sflag:s2] =	dma.local @!p0 [hbm:s0], s1  }
0x1c7: {  	s0 =	simm.s32 @!p0 $0x1  }
0x1c8: {  	_ =	swait.ge @!p0 [sflag:s0], s1  }
0x1c9: {  	s1 =	ssub.s32 @!p0 $0x0, s1;
	[sflag:s0] =	ssyncset.done @!p0 $0x0  }
0x1ca: {  	[sflag:s0] =	ssyncadd.s32 @!p0 s1  }
0x1cb: {  	[bflag:$0x3] =	sbarrier.arrive $0xFFFF  }
0x1cc: {  	_ =	shalt  }

// kernel: scatter_offload_async_start.3
scs
__scs_entry_jumppad:
0x0: {  	(pc) =	sbr.rel $0x88, $3  }
0x1: {  	(tag) =	ssettag $0x0;
	lr =	simm.s32 $0x1  }
0x2: {  	[smem:$0x3F8F] =	sst lr;
	_ =	strace $0xD0000000  }
0x3: {  	_ = 	snop  }
0x4: {  	_ = 	snop  }
0x5: {  	_ = 	snop  }
0x6: {  	_ = 	snop  }
0x7: {  	_ = 	snop  }
__scs_overlays_trampoline_lowered:
0x8: {  	[smem:$0x3F9E] =	sst s0  }
0x9: {  	[smem:$0x3F9F] =	sst s1  }
0xa: {  	[smem:$0x3FA0] =	sst s2  }
0xb: {  	[smem:$0x3FA1] =	sst s3  }
0xc: {  	[smem:$0x3FA2] =	sst s4  }
0xd: {  	[smem:$0x3FA3] =	sst s5  }
0xe: {  	[smem:$0x3FA4] =	sst s6  }
0xf: {  	[smem:$0x3FA5] =	sst s7  }
0x10: {  	[smem:$0x3FA6] =	sst s8  }
0x11: {  	[smem:$0x3FA7] =	sst s9;
	s0 =	simm.s32 @!p0 $0x0  }
0x12: {  	s1 =	sld [smem:$0x3F8D];
	s0 =	simm.s32 @p0 $0x1  }
0x13: {  	[smem:$0x3FA8] =	sst s0;
	s0 =	simm.s32 @!p1 $0x0  }
0x14: {  	s2 =	sld [smem:$0x3F8C];
	s0 =	simm.s32 @p1 $0x1  }
0x15: {  	[smem:$0x3FA9] =	sst s0;
	s0 =	simm.s32 @!p2 $0x0  }
0x16: {  	s3 =	sld [smem:$0x3FDB];
	s0 =	simm.s32 @p2 $0x1  }
0x17: {  	s4 =	simm.s32 $0x1BF5;
	[smem:$0x3FAB] =	sst s0  }
0x18: {  	s0 =	sld [smem:$0x3F8E];
	_ =	swait.ge [sflag:s4], $0x0  }
0x19: {  	s7 =	sld [smem:$0x3F8F]  }
0x1a: {  	s8 =	sadd.s32 $0xFFFFE003, lr  }
0x1b: {  	s9 =	sadd.s32 $0xFFFFFEF7, lr;
	s5 =	simm.s32 $0xFFFFFFFF;
	p2 =	slt.u32 s8, $0xFFFFF086  }
0x1c: {  	p1 =	slt.u32 s9, $0xF7A;
	s5 =	simm.s32 @!p2 $0x0  }
0x1d: {  	s5 =	simm.s32 @p1 $0x1;
	p0 =	seq.s32 s7, s2  }
0x1e: {  	s7 =	smul.u32 @!p0 $0xF7A, s2;
	p2 =	seq.s32 @!p0 s5, $0x0  }
0x1f: {  	s9 =	smul.u32 $0xF7A, s1;
	s8 =	simm.s32 @!p0 $0x1BF5;
	p2 =	por !p2, p0  }
0x20: {  	[sflag:s8] =	ssyncset.s32 @!p0 $0xFFFFF086;
	s6 =	sadd.s32 @!p0 s3, s7;
	s7 =	simm.s32 @!p0 $0x108  }
0x21: {  	s3 =	sadd.s32 s3, s9;
	s6 =	sadd.s32 @!p0 $0x88, s6;
	s7 =	simm.s32 @p2 $0x1082  }
0x22: {  	[simem:s7], [sflag:s8] =	dma.local @!p0 [hbm:s6], $0xF7A  }
0x23: {  	s9 =	sor.u32 $0xD0000000, s2;
	s6 =	simm.s32 $0x108;
	_ =	swait.ge @!p0 [sflag:s8], $0x0  }
0x24: {  	s3 =	sadd.s32 $0x88, s3;
	s6 =	simm.s32 @!p1 $0x1082;
	[sflag:s4] =	ssyncset.s32 $0xFFFFF086  }
0x25: {  	[simem:s6], [sflag:s4] =	dma.local [hbm:s3], $0xF7A  }
0x26: {  	[smem:$0x3F8F] =	sst s1;
	(tag) =	ssettag s2;
	_ =	strace s9  }
0x27: {  	s1 =	sld [smem:$0x3F9F]  }
0x28: {  	s2 =	sld [smem:$0x3FA0]  }
0x29: {  	s4 =	sld [smem:$0x3FA2]  }
0x2a: {  	p0 =	seq.s32 s5, $0x0;
	s5 =	sld [smem:$0x3FA3]  }
0x2b: {  	s6 =	sld [smem:$0x3FA4]  }
0x2c: {  	s7 =	sld [smem:$0x3FA5]  }
0x2d: {  	s3 =	simm.s32 $0x108;
	s8 =	sld [smem:$0x3FA6]  }
0x2e: {  	s3 =	simm.s32 @!p0 $0x1082;
	s9 =	sld [smem:$0x3FA7]  }
0x2f: {  	lr =	sadd.s32 s0, s3;
	s0 =	sld [smem:$0x3F9E]  }
0x30: {  	s3 =	sld [smem:$0x3FA1]  }
0x31: {  	[smem:$0x3FAA] =	sst s10  }
0x32: {  	s10 =	sld [smem:$0x3FA8];
	_ =	sdelay $0x3  }
0x33: {  	p0 =	seq.s32 s10, $0x1;
	s10 =	sld [smem:$0x3FAA];
	_ =	sdelay $0x3  }
0x34: {  	[smem:$0x3FAA] =	sst s10  }
0x35: {  	s10 =	sld [smem:$0x3FA9];
	_ =	sdelay $0x3  }
0x36: {  	p1 =	seq.s32 s10, $0x1;
	s10 =	sld [smem:$0x3FAA];
	_ =	sdelay $0x3  }
0x37: {  	[smem:$0x3FAA] =	sst s10  }
0x38: {  	s10 =	sld [smem:$0x3FAB]  }
0x39: {  	_ = 	snop;
	(pc) =	sbr.ind lr, $3  }
0x3a: {  	_ = 	snop  }
0x3b: {  	_ = 	snop  }
0x3c: {  	p2 =	seq.s32 s10, $0x1;
	s10 =	sld [smem:$0x3FAA]  }
0x3d: {  	_ =	shalt  }
0x3e: {  	_ =	shalt  }
0x3f: {  	_ =	shalt  }
0x40: {  	_ =	shalt  }
0x41: {  	_ =	shalt  }
0x42: {  	_ =	shalt  }
0x43: {  	_ =	shalt  }
0x44: {  	_ =	shalt  }
0x45: {  	_ =	shalt  }
0x46: {  	_ =	shalt  }
0x47: {  	_ =	shalt  }
0x48: {  	_ =	shalt  }
0x49: {  	_ =	shalt  }
0x4a: {  	_ =	shalt  }
0x4b: {  	_ =	shalt  }
0x4c: {  	_ =	shalt  }
0x4d: {  	_ =	shalt  }
0x4e: {  	_ =	shalt  }
0x4f: {  	_ =	shalt  }
0x50: {  	_ =	shalt  }
0x51: {  	_ =	shalt  }
0x52: {  	_ =	shalt  }
0x53: {  	_ =	shalt  }
0x54: {  	_ =	shalt  }
0x55: {  	_ =	shalt  }
0x56: {  	_ =	shalt  }
0x57: {  	_ =	shalt  }
0x58: {  	_ =	shalt  }
0x59: {  	_ =	shalt  }
0x5a: {  	_ =	shalt  }
0x5b: {  	_ =	shalt  }
0x5c: {  	_ =	shalt  }
0x5d: {  	_ =	shalt  }
0x5e: {  	_ =	shalt  }
0x5f: {  	_ =	shalt  }
0x60: {  	_ =	shalt  }
0x61: {  	_ =	shalt  }
0x62: {  	_ =	shalt  }
0x63: {  	_ =	shalt  }
0x64: {  	_ =	shalt  }
0x65: {  	_ =	shalt  }
0x66: {  	_ =	shalt  }
0x67: {  	_ =	shalt  }
0x68: {  	_ =	shalt  }
0x69: {  	_ =	shalt  }
0x6a: {  	_ =	shalt  }
0x6b: {  	_ =	shalt  }
0x6c: {  	_ =	shalt  }
0x6d: {  	_ =	shalt  }
0x6e: {  	_ =	shalt  }
0x6f: {  	_ =	shalt  }
0x70: {  	_ =	shalt  }
0x71: {  	_ =	shalt  }
0x72: {  	_ =	shalt  }
0x73: {  	_ =	shalt  }
0x74: {  	_ =	shalt  }
0x75: {  	_ =	shalt  }
0x76: {  	_ =	shalt  }
0x77: {  	_ =	shalt  }
0x78: {  	_ =	shalt  }
0x79: {  	_ =	shalt  }
0x7a: {  	_ =	shalt  }
0x7b: {  	_ =	shalt  }
0x7c: {  	_ =	shalt  }
0x7d: {  	_ =	shalt  }
0x7e: {  	_ =	shalt  }
0x7f: {  	_ =	shalt  }
0x80: {  	_ =	shalt  }
0x81: {  	_ =	shalt  }
0x82: {  	_ =	shalt  }
0x83: {  	_ =	shalt  }
0x84: {  	_ =	shalt  }
0x85: {  	_ =	shalt  }
0x86: {  	_ =	shalt  }
0x87: {  	_ =	shalt  }
.Lfunc_end0:
.L_simem_size_0:
called_computation.3_lowered:
.L_overlay_start_0:
0x88: {  	s0 =	sld [smem:$0x3FD9]  }
0x89: {  	s1 =	sld [smem:$0x3FFE];
	_ =	sdelay $0x3  }
0x8a: {  	s0 =	sadd.s32 s1, s0  }
0x8b: {  	[smem:$0x3FB6] =	sst s0  }
0x8c: {  	_ = 	snop  }
0x8d: {  	(tm) =	ssettm $0x1  }
0x8e: {  	s15 =	sld [smem:$0x3FFB];
	_ =	sdelay $0x3  }
0x8f: {  	_ =	strace s15  }
0x90: {  	s0 =	sld [smem:$0x3FFC];
	_ =	sdelay $0x3  }
0x91: {  	_ =	strace s0  }
0x92: {  	s0 =	sld [smem:$0x3FFD];
	_ =	sdelay $0x3  }
0x93: {  	_ =	strace s0  }
0x94: {  	_ =	strace $0x8FFFFFFF  }
0x95: {  	s16 =	sld [smem:$0x3FDB];
	_ =	sdelay $0x1  }
0x96: {  	s17 =	simm.s32 $_scs_section_size  }
0x97: {  	s2 =	simm.s32 $_size__tile_overlayer_lowered;
	s3 =	simm.s32 $_tile_overlayer_lowered  }
0x98: {  	s20 =	simm.s32 $0x1BFF;
	s19 =	sshll.u32 s3, $0x1;
	s0 =	sadd.s32 s17, s16  }
0x99: {  	s4 =	simm.s32 $0x0;
	s18 =	sshll.u32 s2, $0x1;
	s2 =	sadd.s32 s19, s0  }
0x9a: {  	[timem:s4], [sflag:s20] =	dma.local [hbm:s2], s18  }
0x9b: {  	_ =	swait.ge [sflag:s20], s18  }
0x9c: {  	s1 =	ssub.s32 $0x0, s18;
	[sflag:s20] =	ssyncset.done $0x0  }
0x9d: {  	[sflag:s20] =	ssyncadd.s32 s1;
	_ =	sdelay $0x1  }
0x9e: {  	s21 =	simm.s32 $0x1B8B  }
0x9f: {  	_ =	swait.ge [sflag:s21], $0x1  }
0xa0: {  	[sflag:s21] =	ssyncset.done $0x0  }
0xa1: {  	s23 =	simm.s32 $0x1B8E;
	s22 =	sld [smem:$0x3FFE];
	[sflag:s21] =	ssyncadd.s32 $0xFFFFFFFF  }
0xa2: {  	s24 =	simm.s32 $execute0_lowered;
	[smem:$0x3FD2] =	sst s23  }
0xa3: {  	s2 =	sshll.u32 s24, $0x1;
	_ =	strace $0x8000004F;
	[dreg:$0x1] =	wrdreg $0xFFFFFFFF  }
0xa4: {  	s25 =	simm.s32 $_size_execute0_lowered;
	s0 =	sadd.s32 s0, s2;
	[dreg:$0x0] =	wrdreg $0x0  }
0xa5: {  	s2 =	sshll.u32 s25, $0x1;
	[dreg:$0x2] =	wrdreg s0  }
0xa6: {  	[dreg:$0x3] =	wrdreg s2  }
0xa7: {  	[dreg:$0x4] =	wrdreg $0xC0  }
0xa8: {  	_ =	task [dreg:s4], $0x5FFFF  }
0xa9: {  	[dreg:$0x1] =	wrdreg $0xFFFFFFFF  }
0xaa: {  	[dreg:$0x0] =	wrdreg $0x60  }
0xab: {  	[dreg:$0x2] =	wrdreg s22  }
0xac: {  	[dreg:$0x3] =	wrdreg $0x9  }
0xad: {  	_ =	task.clear_ibuf [dreg:s4], $0x4FFFF;
	_ =	strace $0x9000004F  }
0xae: {  	s26 =	simm.s32 $0x9;
	_ =	strace $0x80000051  }
0xaf: {  	_ =	swait.ge [sflag:s26], $0x1  }
0xb0: {  	[sflag:s26] =	ssyncadd.s32 $0xFFFFFFFF  }
0xb1: {  	_ =	strace $0x90000051  }
0xb2: {  	_ =	sfence  }
0xb3: {  	s28 =	sld [smem:$0x0];
	_ =	sdelay $0x1  }
0xb4: {  	s29 =	srdreg.scid  }
0xb5: {  	s30 =	sshll.u32 s29, $0xD;
	s31 =	sshrl.u32 s29, $0x2  }
0xb6: {  	s1 =	sand.u32 $0x1, s29;
	s2 =	sand.u32 $0x4000, s30;
	s0 =	sadd.s32 s31, s28  }
0xb7: {  	s1 =	sor.u32 s2, s1;
	s0 =	sshll.u32 s0, $0x11  }
0xb8: {  	s0 =	sor.u32 s0, s1  }
0xb9: {  	s0 =	sadd.s32 $0x8F2B, s0  }
0xba: {  	[sflag:s0] =	ssyncadd.remote.s32 $0x1  }
0xbb: {  	_ =	sfence.sel $0xFFFF  }
0xbc: {  	[dreg:$0x0] =	wrdreg $0xFFFFFFFF;
	(pc) =	sbr.abs _section_cstart, $3  }
0xbd: {  	[dreg:$0x1] =	wrdreg $0xFFFFFFFF  }
0xbe: {  	_ =	task.clear_ibuf [dreg:s4], $0x2FFFF;
	_ =	strace $0x9FFFFFFF  }
0xbf: {  	(tm) =	ssettm $0x7FFFFFFF  }
tec
execute0_lowered:
.L_overlay_start_1:
0x0: {  	(tag) =	ssettag $0x1  }
0x1: {  	s0 =	rddreg [dreg:$0x0];
	_ =	strace $0x80000050;
	s1 =	simm.s32 $0x1  }
0x2: {  	s8 =	simm.s32 $0x208;
	v0 =	vimm.s32 $0x0;
	[sflag:s1] =	ssyncpa.u1 $0x0  }
0x3: {  	[tilespmem:s8+$0x70] =	vst v0  }
0x4: {  	[tilespmem:s8+$0x60] =	vst v0  }
0x5: {  	[tilespmem:s8+$0x50] =	vst v0  }
0x6: {  	[tilespmem:s8+$0x40] =	vst v0  }
0x7: {  	[tilespmem:s8+$0x30] =	vst v0  }
0x8: {  	s1 =	sadd.s32 $0x54F600, s0;
	s10 =	sadd.s32 $0xF800, s0;
	[tilespmem:s8+$0x20] =	vst v0  }
0x9: {  	s4 =	sadd.s32 $0x1F400, s0;
	s5 =	sadd.s32 $0x14C00, s0;
	s0 =	simm.s32 $0x40;
	[tilespmem:s8+$0x10] =	vst v0  }
.LBB2_1:
0xa: {  	s0 =	sadd.s32 $0x40, s0;
	[tilespmem:s8+$0x0] =	vst v0;
	s8 =	sadd.s32 $0x80, s8  }
0xb: {  	p0 =	slt.u32 s0, $0x3880;
	[tilespmem:s8+$0x70] =	vst v0  }
0xc: {  	[tilespmem:s8+$0x60] =	vst v0  }
.Ltmp0:
0xd: {  	[tilespmem:s8+$0x50] =	vst v0;
	(pc) =	sbr.rel @p0 .LBB2_1-.Ltmp0, $4  }
0xe: {  	[tilespmem:s8+$0x40] =	vst v0  }
0xf: {  	[tilespmem:s8+$0x30] =	vst v0  }
0x10: {  	[tilespmem:s8+$0x20] =	vst v0  }
0x11: {  	[tilespmem:s8+$0x10] =	vst v0  }
0x12: {  	s3 =	stileid.u32  }
0x13: {  	s0 =	smul.u32 $0x5E, s3  }
0x14: {  	s2 =	smin.u32 s3, $0xE  }
0x15: {  	s0 =	sadd.s32 s2, s0  }
0x16: {  	p0 =	slt.u32 s3, $0xE;
	s6 =	smul.u32 $0x70, s0;
	s0 =	simm.s32 $0x2990  }
0x17: {  	s0 =	simm.s32 @!p0 $0x2920  }
0x18: {  	s0 =	sadd.s32 s0, s6  }
0x19: {  	s7 =	smin.u32 s0, $0x29810  }
0x1a: {  	s0 =	ssub.s32 s7, s6  }
0x1b: {  	p0 =	sgt.s32 s0, $0x0  }
0x1c: {  	s26 =	simm.s32 $0x2;
	s0 =	simm.s32 @!p0 $0x0  }
0x1d: {  	s29 =	simm.s32 $0x7;
	s30 =	simm.s32 $0x8;
	s28 =	smulhi.u32 $0x92492493, s0  }
0x1e: {  	s31 =	simm.s32 $0x9;
	s11 =	simm.s32 $0x1;
	s21 =	simm.s32 $0x0  }
0x1f: {  	p1 =	por $0x0, $0x0;
	s15 =	simm.s32 $0x80;
	s2 =	sshrl.u32 s28, $0x6  }
0x20: {  	s16 =	simm.s32 $0x400;
	s17 =	simm.s32 $0xA;
	s9 =	smul.u32 $0x70, s2  }
.Ltmp1:
0x21: {  	[tilespmem:s8+$0x0] =	vst v0;
	v0 =	vimm.s32 $0xFFFFFFFF;
	s18 =	simm.s32 $0x0;
	[sflag:s26] =	ssyncpa.u1 $0x0;
	(pc) =	sbr.rel .LBB2_3-.Ltmp1, $4  }
0x22: {  	[tilespmem:$0xE408] =	vst v0;
	[sflag:s29] =	ssyncpa.u1 $0x0;
	p0 =	sne.s32 s0, s9;
	s0 =	simm.s32 $0x1  }
0x23: {  	s20 =	simm.s32 $0x0;
	[sflag:s30] =	ssyncpa.u1 $0x0;
	s0 =	simm.s32 @!p0 $0x0  }
0x24: {  	s13 =	sshll.u32 s3, $0x9;
	[sflag:s31] =	ssyncpa.u1 $0x0;
	s12 =	sadd.s32 s0, s2  }
0x25: {  	v0 =	vlaneseq.u32;
	s19 =	smov.u32 s6;
	p0 =	por $0x1, $0x1;
	s14 =	sadd.s32 $0x1, s12  }
.LBB2_24:
0x26: {  	s0 =	sshrl.u32 s30, $0x2  }
.LBB2_26:
0x27: {  	_ =	swait.ge [sflag:s17], s0  }
0x28: {  	s31 =	ssub.s32 $0x0, s0;
	v1 =	vmov s23;
	vm0 =	veq.s32 v0, $0x0;
	[sflag:s17] =	ssyncset.done $0x0  }
0x29: {  	vm15 =	veq.s32 v0, $0x2;
	v1 =	vsel vm0, s29, v1;
	[sflag:s17] =	ssyncadd.s32 s31  }
0x2a: {  	v1 =	vsel vm15, s21, v1;
	[sflag:s17] =	ssyncpa.u1 $0x1  }
0x2b: {  	[tilespmem:$0xE408] =	vst v1  }
.LBB2_27:
0x2c: {  	s0 =	sadd.s32 $0x70, s19  }
0x2d: {  	s2 =	smov.u32 s6;
	p2 =	slt.s32 s0, s7  }
0x2e: {  	s2 =	smov.u32 @p2 s0;
	p2 =	sne.s32 s20, s14  }
.Ltmp2:
0x2f: {  	_ = 	snop;
	(pc) =	sbr.rel @!p2 .LBB2_28-.Ltmp2, $4  }
0x30: {  	_ = 	snop  }
0x31: {  	s21 =	smov.u32 s18  }
0x32: {  	s31 =	sadd.s32 $0x1, s20;
	s18 =	smov.u32 s19;
	p0 =	por !p0, !p0  }
0x33: {  	p1 =	por !p1, !p1;
	s20 =	smov.u32 s31;
	s19 =	smov.u32 s2  }
.LBB2_3:
0x34: {  	p2 =	sge.u32 s20, s12  }
0x35: {  	s0 =	smulhi.u32 @!p2 $0xAAAAAAAB, s20  }
0x36: {  	s2 =	smov.u32 s19;
	p3 =	sgt.s32 @!p2 s19, $0x297A0  }
0x37: {  	s8 =	sshra.s32 @!p2 s19, $0x1F;
	p3 =	por !p3, p2;
	s0 =	sshrl.u32 @!p2 s0, $0x1  }
0x38: {  	s8 =	sand.u32 @!p2 s8, s19;
	s2 =	simm.s32 @p3 $0x297A0;
	s0 =	smul.u32 @!p2 $0x3, s0  }
0x39: {  	s2 =	ssub.s32 @!p2 s2, s8  }
0x3a: {  	s2 =	sadd.s32 @!p2 $0xFFFD6860, s2;
	s0 =	ssub.s32 @!p2 s20, s0  }
0x3b: {  	s8 =	sshll.u32 @!p2 s2, $0x2;
	p3 =	sgt.s32 @!p2 s2, $0x6F;
	s0 =	smul.u32 @!p2 $0x1C0, s0  }
0x3c: {  	s9 =	sand.u32 @!p2 $0x7, s19;
	s2 =	ssub.s32 @!p2 $0x1C0, s8;
	p3 =	por !p3, p2  }
0x3d: {  	s8 =	sshrl.u32 @!p2 s19, $0x3;
	s2 =	sshrl.u32 @!p2 s2, $0x2;
	s0 =	sshrl.u32 @!p2 s0, $0x2  }
0x3e: {  	s8 =	sadd.s32 @!p2 s5, s8;
	s2 =	simm.s32 @!p3 $0x0;
	s0 =	sadd.s32 @!p2 $0x10438, s0  }
0x3f: {  	[tilespmem:s0], [sflag:$0x8] =	stream.linear.gather @!p2 [hbm4b:s8+s9], s2, $0x38;
	[tilespmem:$0x1E668] =	vst v63  }
0x40: {  	s0 =	sadd.s32 $0xFFFFFFFF, s20  }
0x41: {  	p2 =	sge.u32 s0, s12  }
0x42: {  	p3 =	sgt.s32 @!p2 s18, $0x297A0  }
0x43: {  	s2 =	smov.u32 s18;
	s8 =	sshra.s32 @!p2 s18, $0x1F;
	p3 =	por !p3, p2  }
0x44: {  	s8 =	sand.u32 @!p2 s8, s18;
	s2 =	simm.s32 @p3 $0x297A0  }
0x45: {  	s2 =	ssub.s32 @!p2 s2, s8  }
0x46: {  	s2 =	sadd.s32 @!p2 $0xFFFD6860, s2  }
0x47: {  	s8 =	sshll.u32 @!p2 s2, $0x2  }
0x48: {  	p3 =	sgt.s32 @!p2 s2, $0x6F;
	s2 =	ssub.s32 @!p2 $0x1C0, s8  }
0x49: {  	p3 =	por !p3, p2;
	s2 =	sshrl.u32 @!p2 s2, $0x2  }
0x4a: {  	s9 =	simm.s32 @!p2 $0x8;
	s8 =	sand.u32 @!p2 $0x1, s0;
	s2 =	simm.s32 @!p3 $0x0  }
0x4b: {  	s8 =	smul.u32 @!p2 $0x1C0, s8;
	_ =	swait.ge @!p2 [sflag:s9], s2  }
0x4c: {  	s22 =	ssub.s32 @!p2 $0x0, s2;
	[sflag:s9] =	ssyncset.done @!p2 $0x0  }
0x4d: {  	s8 =	sshrl.u32 @!p2 s8, $0x2;
	[sflag:s9] =	ssyncadd.s32 @!p2 s22;
	s9 =	sshrl.u32 @!p2 s18, $0x3  }
0x4e: {  	s8 =	sor.u32 @!p2 $0x10588, s8;
	s22 =	sand.u32 @!p2 $0x7, s18;
	s9 =	sadd.s32 @!p2 s10, s9  }
0x4f: {  	[tilespmem:s8], [sflag:$0x9] =	stream.linear.gather @!p2 [hbm4b:s9+s22], s2, $0x38;
	[tilespmem:$0x1E668] =	vst v63  }
0x50: {  	s22 =	ssub.s32 @!p2 $0x29810, s18  }
0x51: {  	p3 =	slt.s32 @!p2 s22, $0x1  }
0x52: {  	p3 =	por p2, p3  }
.Ltmp3:
0x53: {  	_ = 	snop;
	(pc) =	sbr.rel @p3 .LBB2_9-.Ltmp3, $1  }
0x54: {  	_ =	sdelay $0x3  }
0x55: {  	s2 =	smulhi.u32 $0xAAAAAAAB, s0;
	_ =	sdelay $0x1  }
0x56: {  	s2 =	sshrl.u32 s2, $0x1  }
0x57: {  	s2 =	smul.u32 $0x3, s2;
	_ =	sdelay $0x1  }
0x58: {  	s29 =	ssub.s32 s0, s2  }
0x59: {  	s8 =	simm.s32 $0x1;
	s0 =	smul.u32 $0x1C0, s29  }
.Ltmp4:
0x5a: {  	s8 =	simm.s32 @!p0 $0x0;
	(pc) =	sbr.rel .LBB2_6-.Ltmp4, $4  }
0x5b: {  	s30 =	smul.u32 $0x1C000, s8  }
0x5c: {  	p3 =	slt.s32 @!p2 s22, $0x70;
	s0 =	sshrl.u32 s0, $0x2  }
0x5d: {  	p2 =	por !p3, p2;
	s2 =	sshrl.u32 s30, $0x2;
	s31 =	sadd.s32 $0x10438, s0  }
0x5e: {  	s22 =	simm.s32 @p2 $0x70;
	s23 =	sor.u32 $0x10668, s2;
	s0 =	simm.s32 $0x0;
	v1 =	vmov s31  }
.LBB2_5:
0x5f: {  	p2 =	sge.s32 s0, s22  }
.Ltmp5:
0x60: {  	_ = 	snop;
	(pc) =	sbr.rel @p2 .LBB2_9-.Ltmp5, $2  }
0x61: {  	_ =	sdelay $0x2  }
0x62: {  	s23 =	sadd.s32 $0x1000, s23  }
.LBB2_6:
0x63: {  	p2 =	sle.s32 s22, s0  }
.Ltmp6:
0x64: {  	_ = 	snop;
	(pc) =	sbr.rel @p2 .LBB2_5-.Ltmp6, $2  }
0x65: {  	_ =	sdelay $0x2  }
0x66: {  	s24 =	smov.u32 s0;
	s0 =	sadd.s32 $0x10, s0  }
0x67: {  	s2 =	ssub.s32 s22, s24  }
0x68: {  	p2 =	slt.s32 s2, $0x10  }
0x69: {  	s2 =	simm.s32 @!p2 $0x10  }
0x6a: {  	v2 =	vmov s2  }
0x6b: {  	vm0 =	vgt.s32 v2, v0;
	_ =	sdelay $0x5  }
0x6c: {  	v2 =	vld.idx.msk [tilespmem:v1+s24+$0x0 ss:$0x1], vm0;
	_ =	sdelay $0x2  }
0x6d: {  	p2 =	slt.s32 s0, s22;
	s2 =	smov.u32 s22  }
0x6e: {  	s8 =	smov.u32 s23;
	s25 =	simm.s32 $0x0;
	s2 =	smov.u32 @p2 s0  }
.LBB2_8:
0x6f: {  	(v2sf) =	vpush v2, s25;
	_ =	sdelay $0xe  }
0x70: {  	s25 =	sadd.s32 $0x1, s25;
	s9 =	spop (v2sf)  }
0x71: {  	s31 =	sadd.s32 s25, s24;
	s26 =	sshll.u32 s9, $0x8;
	s9 =	sshll.u32 s9, $0x7  }
0x72: {  	p2 =	slt.s32 s31, s2;
	s26 =	sand.u32 $0xFFFFF800, s26;
	s9 =	sand.u32 $0x380, s9  }
.Ltmp7:
0x73: {  	s9 =	sor.u32 s9, s26;
	(pc) =	sbr.rel @p2 .LBB2_8-.Ltmp7, $4  }
0x74: {  	s9 =	sshrl.u32 s9, $0x3  }
0x75: {  	s9 =	sadd.s32 s4, s9  }
0x76: {  	[tilespmem:s8], [sflag:$0x7] =	stream.strided.gather [hbm4b:s9+s15], $0x100, s16, s15, $0x38;
	[tilespmem:$0x1E668] =	vst v63  }
0x77: {  	s8 =	sadd.s32 $0x100, s8  }
.Ltmp8:
0x78: {  	_ = 	snop;
	(pc) =	sbr.rel .LBB2_5-.Ltmp8, $1  }
0x79: {  	_ =	sdelay $0x3  }
.LBB2_9:
0x7a: {  	p2 =	slt.u32 s20, $0x2  }
.Ltmp9:
0x7b: {  	_ = 	snop;
	(pc) =	sbr.rel @p2 .LBB2_27-.Ltmp9, $1  }
0x7c: {  	_ =	sdelay $0x3  }
0x7d: {  	p2 =	sgt.s32 s21, $0x297A0;
	s0 =	smov.u32 s21  }
0x7e: {  	s2 =	sshra.s32 s21, $0x1F;
	s8 =	ssub.s32 $0x29810, s21;
	s0 =	simm.s32 @!p2 $0x297A0  }
0x7f: {  	s2 =	sand.u32 s2, s21;
	p2 =	slt.s32 s8, $0x70;
	s9 =	smov.u32 s8  }
0x80: {  	s0 =	ssub.s32 s0, s2;
	s9 =	simm.s32 @!p2 $0x70  }
0x81: {  	s0 =	sadd.s32 $0xFFFD6860, s0;
	s25 =	sshll.u32 s9, $0x8  }
0x82: {  	s3 =	simm.s32 $0x7;
	s26 =	sshll.u32 s0, $0x2;
	s2 =	sand.u32 $0x3FFFFF00, s25  }
0x83: {  	p2 =	sgt.s32 s0, $0x6F;
	s28 =	ssub.s32 $0x1C0, s26;
	_ =	swait.ge [sflag:s3], s2  }
0x84: {  	s2 =	ssub.s32 $0x0, s2;
	[sflag:s3] =	ssyncset.done $0x0;
	s0 =	sshrl.u32 s28, $0x2  }
0x85: {  	s30 =	simm.s32 $0x9;
	[sflag:s3] =	ssyncadd.s32 s2;
	s0 =	simm.s32 @p2 $0x0  }
0x86: {  	_ =	swait.ge [sflag:s30], s0  }
0x87: {  	s0 =	ssub.s32 $0x0, s0;
	[sflag:s30] =	ssyncset.done $0x0  }
0x88: {  	[sflag:s30] =	ssyncadd.s32 s0  }
0x89: {  	v1 =	vld [tilespmem:$0xE408];
	_ =	sdelay $0x4  }
0x8a: {  	(v2sf) =	vpush v1, $0x0  }
0x8b: {  	(v2sf) =	vpush v1, $0x1  }
0x8c: {  	(v2sf) =	vpush v1, $0x2;
	_ =	sdelay $0x3  }
0x8d: {  	s0 =	sadd.s32 $0x70, s21  }
0x8e: {  	p2 =	slt.s32 s7, s0  }
0x8f: {  	s0 =	smov.u32 @p2 s7;
	p2 =	sgt.s32 s8, $0x0  }
0x90: {  	s25 =	ssub.s32 s0, s21;
	s8 =	simm.s32 @!p2 $0x0  }
0x91: {  	p2 =	slt.s32 s8, s25  }
0x92: {  	s25 =	smov.u32 @p2 s8  }
0x93: {  	s24 =	simm.s32 $0x1;
	p2 =	slt.s32 s25, $0x1  }
.Ltmp10:
0x94: {  	s24 =	simm.s32 @!p1 $0x0;
	(pc) =	sbr.rel @p2 .LBB2_14-.Ltmp10, $4  }
0x95: {  	s31 =	smul.u32 $0x1C0, s24  }
0x96: {  	s26 =	spop (v2sf)  }
0x97: {  	s0 =	sshrl.u32 s31, $0x2;
	s29 =	spop (v2sf)  }
0x98: {  	s22 =	sor.u32 $0x10588, s0;
	s21 =	spop (v2sf)  }
0x99: {  	s0 =	smin.u32 s25, $0x10  }
0x9a: {  	v1 =	vmov s0  }
0x9b: {  	vm1 =	vgt.u32 v1, v0  }
0x9c: {  	p3 =	sgt.s32 s25, $0x10  }
.Ltmp11:
0x9d: {  	_ = 	snop;
	(pc) =	sbr.rel @!p3 .LBB2_13-.Ltmp11, $2  }
0x9e: {  	_ =	sdelay $0x2  }
0x9f: {  	s23 =	simm.s32 $0x10;
	s28 =	sadd.s32 $0xFFFFFFF0, s25;
	s0 =	smov.u32 s22;
	vm0 =	vmmov vm1;
	v1 =	vld.msk [tilespmem:s22+$0x0 ss:$0x1], vm1  }
.LBB2_12:
0xa0: {  	s2 =	smin.u32 s28, $0x10;
	s23 =	sadd.s32 $0x10, s23  }
0xa1: {  	v2 =	vmov s2;
	p3 =	slt.s32 s23, s25  }
0xa2: {  	vm1 =	vgt.u32 v2, v0;
	_ =	sdelay $0x1  }
0xa3: {  	v2 =	vshll.u32 v1, $0x5;
	v1 =	vshll.u32 v1, $0x4  }
.Ltmp12:
0xa4: {  	v2 =	vand.u32 $0xFFFFFF00, v2;
	v1 =	vand.u32 $0x70, v1;
	(pc) =	sbr.rel @p3 .LBB2_12-.Ltmp12, $4  }
0xa5: {  	v1 =	vor.u32 v1, v2  }
0xa6: {  	[tilespmem:s0+$0x0] =	vst.msk vm0, v1;
	s0 =	sadd.s32 $0x10, s0;
	vm0 =	vmmov vm1  }
0xa7: {  	v1 =	vld.msk [tilespmem:s0+$0x0 ss:$0x1], vm1  }
0xa8: {  	s28 =	sadd.s32 $0xFFFFFFF0, s28  }
.LBB2_13:
0xa9: {  	_ =	sdelay $0x3  }
0xaa: {  	v2 =	vshll.u32 v1, $0x5;
	v1 =	vshll.u32 v1, $0x4  }
0xab: {  	v2 =	vand.u32 $0xFFFFFF00, v2;
	v1 =	vand.u32 $0x70, v1  }
0xac: {  	v1 =	vor.u32 v1, v2  }
0xad: {  	[tilespmem:s0+$0x0] =	vst.msk vm0, v1  }
.LBB2_14:
0xae: {  	s0 =	sand.u32 $0x1, s20  }
0xaf: {  	s0 =	smul.u32 $0x70, s0  }
0xb0: {  	p3 =	sne.s32 s29, $0xFFFFFFFF  }
0xb1: {  	v1 =	vld.msk @!p3 [tilespmem:s0+$0x10588], $0x1;
	_ =	sdelay $0x4  }
0xb2: {  	(v2sf) =	vpush @!p3 v1, $0x0;
	_ =	sdelay $0xc  }
.Ltmp13:
0xb3: {  	_ = 	snop;
	(pc) =	sbr.rel @p2 .LBB2_25-.Ltmp13, $4  }
0xb4: {  	_ = 	snop  }
0xb5: {  	s28 =	spop @!p3 (v2sf)  }
0xb6: {  	s21 =	simm.s32 @!p3 $0x0;
	s23 =	smov.u32 s28  }
0xb7: {  	[sflag:s17] =	ssyncpa.u1 $0x0;
	s28 =	smov.u32 @p3 s26;
	s23 =	smov.u32 @p3 s29  }
0xb8: {  	v1 =	vld.msk [tilespmem:s22+$0x0], $0x1;
	_ =	sdelay $0x4  }
0xb9: {  	(v2sf) =	vpush v1, $0x0;
	_ =	sdelay $0xd  }
0xba: {  	s17 =	smov.u32 s6  }
0xbb: {  	s6 =	smov.u32 s14;
	s14 =	smov.u32 s5;
	s30 =	spop (v2sf)  }
0xbc: {  	s5 =	smov.u32 s10;
	s0 =	smul.u32 $0x1C000, s24;
	p2 =	seq.s32 s28, s30  }
0xbd: {  	s2 =	smov.u32 s28;
	s25 =	ssub.s32 $0x0, s25;
	p3 =	sgt.s32 @!p2 s28, $0x0  }
0xbe: {  	s26 =	simm.s32 $0x0;
	s0 =	sshrl.u32 s0, $0x2;
	p3 =	por !p3, p2  }
0xbf: {  	s29 =	sadd.s32 $0x1, s25;
	s24 =	sor.u32 $0x106E8, s0;
	s2 =	simm.s32 @p3 $0x0  }
0xc0: {  	s0 =	simm.s32 @!p2 $0x1;
	p3 =	seq.s32 s29, $0x0;
	s2 =	smin.u32 @!p2 s2, $0x4E170  }
.Ltmp14:
0xc1: {  	s9 =	simm.s32 @!p2 $0x7308;
	s8 =	sand.u32 @!p2 $0x7FFF8, s2;
	(pc) =	sbr.rel @p3 .LBB2_17-.Ltmp14, $4  }
0xc2: {  	s31 =	sadd.s32 @!p2 $0x80, s2;
	s10 =	sadd.s32 @!p2 s1, s8;
	s8 =	sand.u32 @!p2 $0x7, s2  }
0xc3: {  	[tilespmem:s9], [sflag:$0x2] =	stream.linear.gather @!p2 [hbm4b:s10+s8], $0x80, $0x38;
	[tilespmem:$0x1E668] =	vst v63  }
0xc4: {  	s0 =	smov.u32 @p2 s26;
	s9 =	sand.u32 @!p2 $0xFFFF8, s31  }
0xc5: {  	s2 =	simm.s32 @!p2 $0x7388;
	s31 =	sadd.s32 $0x1, s22;
	s9 =	sadd.s32 @!p2 s1, s9  }
.LBB2_16:
0xc6: {  	s10 =	smov.u32 s0  }
0xc7: {  	[tilespmem:s2], [sflag:$0x2] =	stream.linear.gather @!p2 [hbm4b:s9+s8], $0x80, $0x38;
	[tilespmem:$0x1E668] =	vst v63  }
0xc8: {  	s29 =	sadd.s32 $0x1, s29;
	s8 =	smov.u32 s30;
	v1 =	vld.msk [tilespmem:s31+$0x0], $0x1  }
0xc9: {  	p3 =	seq.s32 s29, $0x0;
	_ =	sdelay $0x3  }
0xca: {  	(v2sf) =	vpush v1, $0x0;
	_ =	sdelay $0xe  }
0xcb: {  	s30 =	spop (v2sf)  }
0xcc: {  	p2 =	seq.s32 s8, s30  }
0xcd: {  	p4 =	sgt.s32 @!p2 s8, $0x0;
	s2 =	sshll.u32 @!p2 s0, $0xA;
	s0 =	sadd.s32 @!p2 $0x1, s0  }
0xce: {  	p4 =	por !p4, p2;
	s2 =	sshra.s32 @!p2 s2, $0x2;
	s0 =	smov.u32 @p2 s10  }
0xcf: {  	s8 =	simm.s32 @p4 $0x0;
	s9 =	sadd.s32 @!p2 $0x7308, s2;
	s2 =	sadd.s32 @!p2 $0x7388, s2  }
.Ltmp15:
0xd0: {  	s8 =	smin.u32 @!p2 s8, $0x4E170;
	(pc) =	sbr.rel @!p3 .LBB2_16-.Ltmp15, $4  }
0xd1: {  	s10 =	sand.u32 @!p2 $0x7FFF8, s8;
	s3 =	sadd.s32 @!p2 $0x80, s8  }
0xd2: {  	s8 =	sand.u32 @!p2 $0x7, s8;
	s10 =	sadd.s32 @!p2 s1, s10;
	s3 =	sand.u32 @!p2 $0xFFFF8, s3  }
0xd3: {  	[tilespmem:s9], [sflag:$0x2] =	stream.linear.gather @!p2 [hbm4b:s10+s8], $0x80, $0x38;
	[tilespmem:$0x1E668] =	vst v63  }
0xd4: {  	s31 =	sadd.s32 $0x1, s31;
	s9 =	sadd.s32 @!p2 s1, s3  }
.LBB2_17:
0xd5: {  	[tilespmem:s2], [sflag:$0x2] =	stream.linear.gather @!p2 [hbm4b:s9+s8], $0x80, $0x38;
	[tilespmem:$0x1E668] =	vst v63  }
.Ltmp16:
0xd6: {  	s0 =	sshll.u32 s0, $0x8;
	(pc) =	sbr.rel .LBB2_18-.Ltmp16, $4  }
0xd7: {  	s31 =	simm.s32 $0x2;
	s30 =	simm.s32 $0x0;
	s0 =	sand.u32 $0x3FFFFF00, s0  }
0xd8: {  	s10 =	smov.u32 s5;
	s5 =	smov.u32 s14;
	_ =	swait.ge [sflag:s31], s0  }
0xd9: {  	s14 =	smov.u32 s6;
	s0 =	ssub.s32 $0x0, s0;
	[sflag:s31] =	ssyncset.done $0x0  }
0xda: {  	s6 =	smov.u32 s17;
	s17 =	simm.s32 $0xA;
	[sflag:s31] =	ssyncadd.s32 s0  }
.LBB2_19:
0xdb: {  	v1 =	vld [tilespmem:s24+$0xFFFFFF80];
	_ =	sdelay $0x4  }
0xdc: {  	[tilespmem:s31+$0x208] =	vst.add.f32.msk $0xffff, v1  }
0xdd: {  	v1 =	vld [tilespmem:s24+$0xFFFFFF90];
	_ =	sdelay $0x4  }
0xde: {  	[tilespmem:s31+$0x218] =	vst.add.f32.msk $0xffff, v1  }
0xdf: {  	v1 =	vld [tilespmem:s24+$0xFFFFFFA0];
	_ =	sdelay $0x4  }
0xe0: {  	[tilespmem:s31+$0x228] =	vst.add.f32.msk $0xffff, v1  }
0xe1: {  	v1 =	vld [tilespmem:s24+$0xFFFFFFB0];
	_ =	sdelay $0x4  }
0xe2: {  	[tilespmem:s31+$0x238] =	vst.add.f32.msk $0xffff, v1  }
0xe3: {  	v1 =	vld [tilespmem:s24+$0xFFFFFFC0];
	_ =	sdelay $0x4  }
0xe4: {  	[tilespmem:s31+$0x248] =	vst.add.f32.msk $0xffff, v1  }
0xe5: {  	v1 =	vld [tilespmem:s24+$0xFFFFFFD0];
	_ =	sdelay $0x4  }
0xe6: {  	[tilespmem:s31+$0x258] =	vst.add.f32.msk $0xffff, v1  }
0xe7: {  	v1 =	vld [tilespmem:s24+$0xFFFFFFE0];
	_ =	sdelay $0x4  }
0xe8: {  	[tilespmem:s31+$0x268] =	vst.add.f32.msk $0xffff, v1  }
0xe9: {  	v1 =	vld [tilespmem:s24+$0xFFFFFFF0];
	_ =	sdelay $0x4  }
0xea: {  	[tilespmem:s31+$0x278] =	vst.add.f32.msk $0xffff, v1  }
0xeb: {  	v1 =	vld [tilespmem:s24+$0x0];
	_ =	sdelay $0x4  }
0xec: {  	[tilespmem:s31+$0x288] =	vst.add.f32.msk $0xffff, v1  }
0xed: {  	v1 =	vld [tilespmem:s24+$0x10];
	_ =	sdelay $0x4  }
0xee: {  	[tilespmem:s31+$0x298] =	vst.add.f32.msk $0xffff, v1  }
0xef: {  	v1 =	vld [tilespmem:s24+$0x20];
	_ =	sdelay $0x4  }
0xf0: {  	[tilespmem:s31+$0x2A8] =	vst.add.f32.msk $0xffff, v1  }
0xf1: {  	v1 =	vld [tilespmem:s24+$0x30];
	_ =	sdelay $0x4  }
0xf2: {  	[tilespmem:s31+$0x2B8] =	vst.add.f32.msk $0xffff, v1  }
0xf3: {  	v1 =	vld [tilespmem:s24+$0x40];
	_ =	sdelay $0x4  }
0xf4: {  	[tilespmem:s31+$0x2C8] =	vst.add.f32.msk $0xffff, v1  }
0xf5: {  	v1 =	vld [tilespmem:s24+$0x50];
	_ =	sdelay $0x4  }
0xf6: {  	[tilespmem:s31+$0x2D8] =	vst.add.f32.msk $0xffff, v1  }
0xf7: {  	v1 =	vld [tilespmem:s24+$0x60];
	_ =	sdelay $0x4  }
0xf8: {  	[tilespmem:s31+$0x2E8] =	vst.add.f32.msk $0xffff, v1  }
0xf9: {  	v1 =	vld [tilespmem:s24+$0x70];
	_ =	sdelay $0x4  }
0xfa: {  	[tilespmem:s31+$0x2F8] =	vst.add.f32.msk $0xffff, v1  }
.LBB2_23:
0xfb: {  	s25 =	sadd.s32 $0x1, s25  }
0xfc: {  	p2 =	seq.s32 s25, $0x0  }
.Ltmp17:
0xfd: {  	_ = 	snop;
	(pc) =	sbr.rel @p2 .LBB2_24-.Ltmp17, $2  }
0xfe: {  	_ =	sdelay $0x2  }
0xff: {  	s22 =	sadd.s32 $0x1, s22;
	s24 =	sadd.s32 $0x100, s24;
	s28 =	smov.u32 s29  }
.LBB2_18:
0x100: {  	v1 =	vld.msk [tilespmem:s22+$0x0], $0x1;
	_ =	sdelay $0x4  }
0x101: {  	(v2sf) =	vpush v1, $0x0;
	_ =	sdelay $0xe  }
0x102: {  	s29 =	spop (v2sf)  }
0x103: {  	p2 =	sne.s32 s28, s29  }
.Ltmp18:
0x104: {  	_ = 	snop;
	(pc) =	sbr.rel @!p2 .LBB2_19-.Ltmp18, $3  }
0x105: {  	_ =	sdelay $0x1  }
0x106: {  	s0 =	sshll.u32 s21, $0xA  }
0x107: {  	s31 =	sshra.s32 s0, $0x2  }
0x108: {  	p2 =	seq.s32 s28, s23  }
.Ltmp19:
0x109: {  	_ = 	snop;
	(pc) =	sbr.rel @!p2 .LBB2_21-.Ltmp19, $1  }
0x10a: {  	_ =	sdelay $0x3  }
.Ltmp20:
0x10b: {  	s0 =	sadd.s32 $0x208, s31;
	(pc) =	sbr.rel .LBB2_22-.Ltmp20, $4  }
0x10c: {  	[spmem:s13] =	stream.linear.scatter [tilespmem:s0], [sflag:$0x1], $0x100, $0x38;
	[tilespmem:$0x1E668] =	vst v63  }
0x10d: {  	_ =	swait.ge [sflag:s11], $0x100  }
0x10e: {  	[sflag:s11] =	ssyncset.done $0x0  }
0x10f: {  	[sflag:s11] =	ssyncadd.s32 $0xFFFFFF00  }
.LBB2_21:
0x110: {  	s0 =	sshll.u32 s26, $0xA  }
0x111: {  	s0 =	sshra.s32 s0, $0x2  }
0x112: {  	v1 =	vld [tilespmem:s0+$0x7308];
	_ =	sdelay $0x4  }
0x113: {  	[tilespmem:s31+$0x208] =	vst.add.f32.msk $0xffff, v1  }
0x114: {  	v1 =	vld [tilespmem:s0+$0x7318];
	_ =	sdelay $0x4  }
0x115: {  	[tilespmem:s31+$0x218] =	vst.add.f32.msk $0xffff, v1  }
0x116: {  	v1 =	vld [tilespmem:s0+$0x7328];
	_ =	sdelay $0x4  }
0x117: {  	[tilespmem:s31+$0x228] =	vst.add.f32.msk $0xffff, v1  }
0x118: {  	v1 =	vld [tilespmem:s0+$0x7338];
	_ =	sdelay $0x4  }
0x119: {  	[tilespmem:s31+$0x238] =	vst.add.f32.msk $0xffff, v1  }
0x11a: {  	v1 =	vld [tilespmem:s0+$0x7348];
	_ =	sdelay $0x4  }
0x11b: {  	[tilespmem:s31+$0x248] =	vst.add.f32.msk $0xffff, v1  }
0x11c: {  	v1 =	vld [tilespmem:s0+$0x7358];
	_ =	sdelay $0x4  }
0x11d: {  	[tilespmem:s31+$0x258] =	vst.add.f32.msk $0xffff, v1  }
0x11e: {  	v1 =	vld [tilespmem:s0+$0x7368];
	_ =	sdelay $0x4  }
0x11f: {  	[tilespmem:s31+$0x268] =	vst.add.f32.msk $0xffff, v1  }
0x120: {  	v1 =	vld [tilespmem:s0+$0x7378];
	_ =	sdelay $0x4  }
0x121: {  	[tilespmem:s31+$0x278] =	vst.add.f32.msk $0xffff, v1  }
0x122: {  	v1 =	vld [tilespmem:s0+$0x7388];
	_ =	sdelay $0x4  }
0x123: {  	[tilespmem:s31+$0x288] =	vst.add.f32.msk $0xffff, v1  }
0x124: {  	v1 =	vld [tilespmem:s0+$0x7398];
	_ =	sdelay $0x4  }
0x125: {  	[tilespmem:s31+$0x298] =	vst.add.f32.msk $0xffff, v1  }
0x126: {  	v1 =	vld [tilespmem:s0+$0x73A8];
	_ =	sdelay $0x4  }
0x127: {  	[tilespmem:s31+$0x2A8] =	vst.add.f32.msk $0xffff, v1  }
0x128: {  	v1 =	vld [tilespmem:s0+$0x73B8];
	_ =	sdelay $0x4  }
0x129: {  	[tilespmem:s31+$0x2B8] =	vst.add.f32.msk $0xffff, v1  }
0x12a: {  	v1 =	vld [tilespmem:s0+$0x73C8];
	_ =	sdelay $0x4  }
0x12b: {  	[tilespmem:s31+$0x2C8] =	vst.add.f32.msk $0xffff, v1  }
0x12c: {  	v1 =	vld [tilespmem:s0+$0x73D8];
	_ =	sdelay $0x4  }
0x12d: {  	[tilespmem:s31+$0x2D8] =	vst.add.f32.msk $0xffff, v1  }
0x12e: {  	v1 =	vld [tilespmem:s0+$0x73E8];
	_ =	sdelay $0x4  }
0x12f: {  	[tilespmem:s31+$0x2E8] =	vst.add.f32.msk $0xffff, v1  }
0x130: {  	v1 =	vld [tilespmem:s0+$0x73F8];
	_ =	sdelay $0x2  }
0x131: {  	p2 =	sgt.u32 s28, $0x4E170  }
0x132: {  	s0 =	sand.u32 @!p2 $0x7FFF8, s28  }
0x133: {  	s2 =	sadd.s32 $0x208, s31;
	s3 =	sand.u32 @!p2 $0x7, s28;
	s0 =	sadd.s32 @!p2 s1, s0;
	[tilespmem:s31+$0x2F8] =	vst.add.f32.msk $0xffff, v1  }
0x134: {  	[hbm4b:s0+s3] =	stream.linear.scatter @!p2 [tilespmem:s2], [sflag:$0xA], $0x80, $0x38;
	[tilespmem:$0x1E668] =	vst v63  }
0x135: {  	s0 =	sadd.s32 @!p2 $0x80, s28  }
0x136: {  	s0 =	sand.u32 @!p2 $0xFFFF8, s0  }
0x137: {  	s2 =	sadd.s32 $0x288, s31;
	s0 =	sadd.s32 @!p2 s1, s0  }
0x138: {  	[hbm4b:s0+s3] =	stream.linear.scatter @!p2 [tilespmem:s2], [sflag:$0xA], $0x80, $0x38;
	[tilespmem:$0x1E668] =	vst v63  }
0x139: {  	s0 =	simm.s32 $0x0  }
0x13a: {  	s0 =	simm.s32 @!p2 $0x400  }
0x13b: {  	s30 =	sadd.s32 s0, s30  }
.LBB2_22:
0x13c: {  	s0 =	sadd.s32 $0x1, s21  }
0x13d: {  	s2 =	sshrl.u32 s0, $0x4  }
0x13e: {  	s2 =	smulhi.u32 $0x24924925, s2  }
0x13f: {  	v1 =	vld [tilespmem:s24+$0xFFFFFF80]  }
0x140: {  	s2 =	smul.u32 $0x70, s2;
	_ =	sdelay $0x1  }
0x141: {  	s21 =	ssub.s32 s0, s2  }
0x142: {  	s0 =	sshll.u32 s21, $0x8  }
0x143: {  	[tilespmem:s0+$0x208] =	vst v1  }
0x144: {  	v1 =	vld [tilespmem:s24+$0xFFFFFF90];
	_ =	sdelay $0x4  }
0x145: {  	[tilespmem:s0+$0x218] =	vst v1  }
0x146: {  	v1 =	vld [tilespmem:s24+$0xFFFFFFA0];
	_ =	sdelay $0x4  }
0x147: {  	[tilespmem:s0+$0x228] =	vst v1  }
0x148: {  	v1 =	vld [tilespmem:s24+$0xFFFFFFB0];
	_ =	sdelay $0x4  }
0x149: {  	[tilespmem:s0+$0x238] =	vst v1  }
0x14a: {  	v1 =	vld [tilespmem:s24+$0xFFFFFFC0];
	_ =	sdelay $0x4  }
0x14b: {  	[tilespmem:s0+$0x248] =	vst v1  }
0x14c: {  	v1 =	vld [tilespmem:s24+$0xFFFFFFD0];
	_ =	sdelay $0x4  }
0x14d: {  	[tilespmem:s0+$0x258] =	vst v1  }
0x14e: {  	v1 =	vld [tilespmem:s24+$0xFFFFFFE0];
	_ =	sdelay $0x4  }
0x14f: {  	[tilespmem:s0+$0x268] =	vst v1  }
0x150: {  	v1 =	vld [tilespmem:s24+$0xFFFFFFF0];
	_ =	sdelay $0x4  }
0x151: {  	[tilespmem:s0+$0x278] =	vst v1  }
0x152: {  	v1 =	vld [tilespmem:s24+$0x0];
	_ =	sdelay $0x4  }
0x153: {  	[tilespmem:s0+$0x288] =	vst v1  }
0x154: {  	v1 =	vld [tilespmem:s24+$0x10];
	_ =	sdelay $0x4  }
0x155: {  	[tilespmem:s0+$0x298] =	vst v1  }
0x156: {  	v1 =	vld [tilespmem:s24+$0x20];
	_ =	sdelay $0x4  }
0x157: {  	[tilespmem:s0+$0x2A8] =	vst v1  }
0x158: {  	v1 =	vld [tilespmem:s24+$0x30];
	_ =	sdelay $0x4  }
0x159: {  	[tilespmem:s0+$0x2B8] =	vst v1  }
0x15a: {  	v1 =	vld [tilespmem:s24+$0x40];
	_ =	sdelay $0x4  }
0x15b: {  	[tilespmem:s0+$0x2C8] =	vst v1  }
0x15c: {  	v1 =	vld [tilespmem:s24+$0x50];
	_ =	sdelay $0x4  }
0x15d: {  	[tilespmem:s0+$0x2D8] =	vst v1  }
0x15e: {  	v1 =	vld [tilespmem:s24+$0x60];
	_ =	sdelay $0x4  }
0x15f: {  	[tilespmem:s0+$0x2E8] =	vst v1  }
0x160: {  	v1 =	vld [tilespmem:s24+$0x70]  }
.Ltmp21:
0x161: {  	_ = 	snop;
	(pc) =	sbr.rel .LBB2_23-.Ltmp21, $2  }
0x162: {  	_ =	sdelay $0x2  }
0x163: {  	s26 =	sadd.s32 $0x1, s26;
	[tilespmem:s0+$0x2F8] =	vst v1  }
.LBB2_25:
.Ltmp22:
0x164: {  	(pc) =	sbr.rel .LBB2_26-.Ltmp22, $4  }
0x165: {  	_ = 	snop  }
0x166: {  	s0 =	simm.s32 $0x2  }
0x167: {  	_ =	swait.ge [sflag:s0], $0x0  }
0x168: {  	s29 =	smov.u32 s28;
	[sflag:s0] =	ssyncset.done $0x0;
	s0 =	simm.s32 $0x0  }
.LBB2_28:
0x169: {  	_ =	sfence.sel $0x180000  }
0x16a: {  	s0 =	simm.s32 $0x7;
	[bflag:$0x0] =	sbarrier.arrive $0xFFFF  }
0x16b: {  	s25 =	simm.s32 $0x8;
	[sflag:s0] =	ssyncpa.u1 $0x1  }
0x16c: {  	s26 =	simm.s32 $0x9;
	[sflag:s25] =	ssyncpa.u1 $0x1  }
0x16d: {  	s28 =	simm.s32 $0x2;
	[sflag:s26] =	ssyncpa.u1 $0x1  }
0x16e: {  	[sflag:s28] =	ssyncpa.u1 $0x1  }
0x16f: {  	v0 =	vld [tilespmem:$0xE408];
	_ =	sdelay $0x4  }
0x170: {  	(v2sf) =	vpush v0, $0x0  }
0x171: {  	(v2sf) =	vpush v0, $0x1;
	_ =	sdelay $0x1  }
0x172: {  	(v2sf) =	vpush v0, $0x2;
	_ =	sdelay $0xb  }
0x173: {  	s0 =	spop (v2sf)  }
0x174: {  	s2 =	spop (v2sf)  }
0x175: {  	s3 =	smov.u32 s0;
	p0 =	sne.s32 s0, s2  }
0x176: {  	s4 =	spop (v2sf);
	s3 =	simm.s32 @!p0 $0xFFFFFFFF  }
0x177: {  	v2 =	vimm.s32 $0x1;
	v3 =	vlaneseq.u32;
	p0 =	seq.s32 s4, $0xFFFFFFFF;
	v1 =	vmov s3  }
0x178: {  	s7 =	stileid.u32;
	v0 =	vperm.xlane v0, v2;
	p1 =	sne.s32 @!p0 s0, s2;
	v1 =	vperm.xlane v1, v3  }
0x179: {  	vm0 =	vcmask $0x3F04;
	s6 =	simm.s32 $0xE408;
	s0 =	simm.s32 @!p0 $0x1;
	p1 =	por !p1, p0  }
0x17a: {  	s3 =	sshll.u32 s7, $0x1;
	s2 =	sshll.u32 @!p0 s4, $0xA;
	s0 =	simm.s32 @p1 $0x0;
	v0 =	vsel vm0, v1, v0  }
0x17b: {  	s5 =	sor.u32 $0x2000, s3;
	s2 =	sshra.s32 @!p0 s2, $0x2;
	s0 =	sor.u32 @!p0 s0, s3;
	[tilespmem:$0xE408] =	vst v0  }
0x17c: {  	[spmem:s5] =	stream.linear.scatter [tilespmem:s6], [sflag:$0x1], $0x2, $0x38;
	[tilespmem:$0x1E668] =	vst v63  }
0x17d: {  	s2 =	sadd.s32 @!p0 $0x208, s2;
	s0 =	sshll.u32 @!p0 s0, $0x8  }
0x17e: {  	[spmem:s0] =	stream.linear.scatter @!p0 [tilespmem:s2], [sflag:$0x1], $0x100, $0x38;
	[tilespmem:$0x1E668] =	vst v63  }
0x17f: {  	s2 =	simm.s32 @!p0 $0x102  }
0x180: {  	s0 =	simm.s32 $0x1;
	s2 =	simm.s32 @p0 $0x2  }
0x181: {  	_ =	swait.ge [sflag:s0], s2  }
0x182: {  	s2 =	ssub.s32 $0x0, s2;
	[sflag:s0] =	ssyncset.done $0x0  }
0x183: {  	[sflag:s0] =	ssyncadd.s32 s2  }
0x184: {  	_ =	sfence.stream.spmem  }
0x185: {  	s29 =	simm.s32 $0x3;
	[bflag:$0x0] =	sbarrier.arrive $0xFFFF  }
0x186: {  	s30 =	simm.s32 $0x4;
	[sflag:s29] =	ssyncpa.u1 $0x1  }
0x187: {  	s31 =	simm.s32 $0x3C;
	[sflag:s30] =	ssyncpa.u1 $0x1  }
0x188: {  	p0 =	sne.s32 s7, $0x0;
	[sflag:s31] =	ssyncpa.u1 $0x1  }
0x189: {  	_ =	sfence @p0  }
0x18a: {  	[sflag:s0] =	ssyncpa.u1 @p0 $0x1  }
0x18b: {  	_ =	strace @p0 $0x90000050  }
0x18c: {  	[bflag:$0x2] =	sbarrier.arrive @p0 $0xFFFF  }
0x18d: {  	_ =	shalt @p0  }
.LBB2_29:
0x18e: {  	_ =	sfence.stream.spmem;
	s0 =	simm.s32 $0x5  }
0x18f: {  	s2 =	simm.s32 $0x2000;
	s3 =	simm.s32 $0xE418;
	[sflag:s0] =	ssyncpa.u1 $0x0  }
0x190: {  	[tilespmem:s3], [sflag:$0x5] =	stream.linear.gather [spmem:s2], $0x20, $0x38;
	[tilespmem:$0x1E668] =	vst v63  }
0x191: {  	s30 =	simm.s32 $0xE438;
	s2 =	simm.s32 $0x0  }
0x192: {  	[tilespmem:s30], [sflag:$0x5] =	stream.linear.gather [spmem:s2], $0x2000, $0x38;
	[tilespmem:$0x1E668] =	vst v63  }
.Ltmp23:
0x193: {  	_ = 	snop;
	(pc) =	sbr.rel .LBB2_30-.Ltmp23, $4  }
0x194: {  	_ =	swait.ge [sflag:s0], $0x2020  }
0x195: {  	[sflag:s0] =	ssyncset.done $0x0  }
0x196: {  	s31 =	simm.s32 $0x6;
	[sflag:s0] =	ssyncadd.s32 $0xFFFFDFE0  }
0x197: {  	s3 =	simm.s32 $0x0;
	[sflag:s31] =	ssyncpa.u1 $0x0  }
.LBB2_36:
0x198: {  	p0 =	slt.u32 s4, $0x4E171  }
0x199: {  	s0 =	sand.u32 @p0 $0x7FFF8, s4  }
0x19a: {  	s5 =	sand.u32 @p0 $0x7, s4;
	s6 =	simm.s32 @p0 $0xE308;
	s0 =	sadd.s32 @p0 s1, s0  }
0x19b: {  	[tilespmem:s6], [sflag:$0x6] =	stream.linear.gather @p0 [hbm4b:s0+s5], $0x80, $0x38;
	[tilespmem:$0x1E668] =	vst v63  }
0x19c: {  	s0 =	sadd.s32 @p0 $0x80, s4  }
0x19d: {  	s0 =	sand.u32 @p0 $0xFFFF8, s0  }
0x19e: {  	s4 =	simm.s32 @p0 $0xE388;
	s0 =	sadd.s32 @p0 s1, s0  }
0x19f: {  	[tilespmem:s4], [sflag:$0x6] =	stream.linear.gather @p0 [hbm4b:s0+s5], $0x80, $0x38;
	[tilespmem:$0x1E668] =	vst v63  }
0x1a0: {  	s0 =	simm.s32 @p0 $0x6  }
0x1a1: {  	_ =	swait.ge @p0 [sflag:s0], $0x100  }
0x1a2: {  	[sflag:s0] =	ssyncset.done @p0 $0x0  }
0x1a3: {  	[sflag:s0] =	ssyncadd.s32 @p0 $0xFFFFFF00  }
0x1a4: {  	v1 =	vld @p0 [tilespmem:$0xE308];
	_ =	sdelay $0x2  }
0x1a5: {  	s0 =	sshll.u32 @p0 s3, $0xA  }
0x1a6: {  	s4 =	sshrl.u32 @p0 s0, $0x2  }
0x1a7: {  	[tilespmem:s4+$0xE438] =	vst.add.f32.msk @p0 $0xffff, v1  }
0x1a8: {  	v1 =	vld @p0 [tilespmem:$0xE318];
	_ =	sdelay $0x4  }
0x1a9: {  	[tilespmem:s4+$0xE448] =	vst.add.f32.msk @p0 $0xffff, v1  }
0x1aa: {  	v1 =	vld @p0 [tilespmem:$0xE328];
	_ =	sdelay $0x4  }
0x1ab: {  	[tilespmem:s4+$0xE458] =	vst.add.f32.msk @p0 $0xffff, v1  }
0x1ac: {  	v1 =	vld @p0 [tilespmem:$0xE338];
	_ =	sdelay $0x4  }
0x1ad: {  	[tilespmem:s4+$0xE468] =	vst.add.f32.msk @p0 $0xffff, v1  }
0x1ae: {  	v1 =	vld @p0 [tilespmem:$0xE348];
	_ =	sdelay $0x4  }
0x1af: {  	[tilespmem:s4+$0xE478] =	vst.add.f32.msk @p0 $0xffff, v1  }
0x1b0: {  	v1 =	vld @p0 [tilespmem:$0xE358];
	_ =	sdelay $0x4  }
0x1b1: {  	[tilespmem:s4+$0xE488] =	vst.add.f32.msk @p0 $0xffff, v1  }
0x1b2: {  	v1 =	vld @p0 [tilespmem:$0xE368];
	_ =	sdelay $0x4  }
0x1b3: {  	[tilespmem:s4+$0xE498] =	vst.add.f32.msk @p0 $0xffff, v1  }
0x1b4: {  	v1 =	vld @p0 [tilespmem:$0xE378];
	_ =	sdelay $0x4  }
0x1b5: {  	[tilespmem:s4+$0xE4A8] =	vst.add.f32.msk @p0 $0xffff, v1  }
0x1b6: {  	v1 =	vld @p0 [tilespmem:$0xE388];
	_ =	sdelay $0x4  }
0x1b7: {  	[tilespmem:s4+$0xE4B8] =	vst.add.f32.msk @p0 $0xffff, v1  }
0x1b8: {  	v1 =	vld @p0 [tilespmem:$0xE398];
	_ =	sdelay $0x4  }
0x1b9: {  	[tilespmem:s4+$0xE4C8] =	vst.add.f32.msk @p0 $0xffff, v1  }
0x1ba: {  	v1 =	vld @p0 [tilespmem:$0xE3A8];
	_ =	sdelay $0x4  }
0x1bb: {  	[tilespmem:s4+$0xE4D8] =	vst.add.f32.msk @p0 $0xffff, v1  }
0x1bc: {  	v1 =	vld @p0 [tilespmem:$0xE3B8];
	_ =	sdelay $0x4  }
0x1bd: {  	[tilespmem:s4+$0xE4E8] =	vst.add.f32.msk @p0 $0xffff, v1  }
0x1be: {  	v1 =	vld @p0 [tilespmem:$0xE3C8];
	_ =	sdelay $0x4  }
0x1bf: {  	[tilespmem:s4+$0xE4F8] =	vst.add.f32.msk @p0 $0xffff, v1  }
0x1c0: {  	v1 =	vld @p0 [tilespmem:$0xE3D8];
	_ =	sdelay $0x4  }
0x1c1: {  	[tilespmem:s4+$0xE508] =	vst.add.f32.msk @p0 $0xffff, v1  }
0x1c2: {  	v1 =	vld @p0 [tilespmem:$0xE3E8];
	_ =	sdelay $0x4  }
0x1c3: {  	[tilespmem:s4+$0xE518] =	vst.add.f32.msk @p0 $0xffff, v1  }
0x1c4: {  	v1 =	vld @p0 [tilespmem:$0xE3F8];
	_ =	sdelay $0x3  }
0x1c5: {  	s5 =	sshll.u32 @!p0 s3, $0xA  }
0x1c6: {  	s5 =	smov.u32 @p0 s0;
	[tilespmem:s4+$0xE528] =	vst.add.f32.msk @p0 $0xffff, v1  }
0x1c7: {  	s0 =	sshrl.u32 s5, $0x2;
	[tilespmem:s2+$0xE418] =	vst.msk $0x1, v0  }
0x1c8: {  	v0 =	vld [tilespmem:s0+$0xE438];
	_ =	sdelay $0x2  }
0x1c9: {  	s31 =	sshll.u32 s2, $0xA  }
0x1ca: {  	s4 =	sshra.s32 s31, $0x2  }
0x1cb: {  	[tilespmem:s4+$0xE438] =	vst v0  }
0x1cc: {  	v0 =	vld [tilespmem:s0+$0xE448];
	_ =	sdelay $0x4  }
0x1cd: {  	[tilespmem:s4+$0xE448] =	vst v0  }
0x1ce: {  	v0 =	vld [tilespmem:s0+$0xE458];
	_ =	sdelay $0x4  }
0x1cf: {  	[tilespmem:s4+$0xE458] =	vst v0  }
0x1d0: {  	v0 =	vld [tilespmem:s0+$0xE468];
	_ =	sdelay $0x4  }
0x1d1: {  	[tilespmem:s4+$0xE468] =	vst v0  }
0x1d2: {  	v0 =	vld [tilespmem:s0+$0xE478];
	_ =	sdelay $0x4  }
0x1d3: {  	[tilespmem:s4+$0xE478] =	vst v0  }
0x1d4: {  	v0 =	vld [tilespmem:s0+$0xE488];
	_ =	sdelay $0x4  }
0x1d5: {  	[tilespmem:s4+$0xE488] =	vst v0  }
0x1d6: {  	v0 =	vld [tilespmem:s0+$0xE498];
	_ =	sdelay $0x4  }
0x1d7: {  	[tilespmem:s4+$0xE498] =	vst v0  }
0x1d8: {  	v0 =	vld [tilespmem:s0+$0xE4A8];
	_ =	sdelay $0x4  }
0x1d9: {  	[tilespmem:s4+$0xE4A8] =	vst v0  }
0x1da: {  	v0 =	vld [tilespmem:s0+$0xE4B8];
	_ =	sdelay $0x4  }
0x1db: {  	[tilespmem:s4+$0xE4B8] =	vst v0  }
0x1dc: {  	v0 =	vld [tilespmem:s0+$0xE4C8];
	_ =	sdelay $0x4  }
0x1dd: {  	[tilespmem:s4+$0xE4C8] =	vst v0  }
0x1de: {  	v0 =	vld [tilespmem:s0+$0xE4D8];
	_ =	sdelay $0x4  }
0x1df: {  	[tilespmem:s4+$0xE4D8] =	vst v0  }
0x1e0: {  	v0 =	vld [tilespmem:s0+$0xE4E8];
	_ =	sdelay $0x4  }
0x1e1: {  	[tilespmem:s4+$0xE4E8] =	vst v0  }
0x1e2: {  	v0 =	vld [tilespmem:s0+$0xE4F8];
	_ =	sdelay $0x4  }
0x1e3: {  	[tilespmem:s4+$0xE4F8] =	vst v0  }
0x1e4: {  	v0 =	vld [tilespmem:s0+$0xE508];
	_ =	sdelay $0x4  }
0x1e5: {  	[tilespmem:s4+$0xE508] =	vst v0  }
0x1e6: {  	v0 =	vld [tilespmem:s0+$0xE518];
	_ =	sdelay $0x4  }
0x1e7: {  	[tilespmem:s4+$0xE518] =	vst v0  }
0x1e8: {  	v0 =	vld [tilespmem:s0+$0xE528];
	_ =	sdelay $0x4  }
0x1e9: {  	s2 =	sadd.s32 $0x1, s2;
	[tilespmem:s4+$0xE528] =	vst v0  }
.LBB2_37:
0x1ea: {  	s3 =	sadd.s32 $0x1, s3  }
0x1eb: {  	p0 =	sne.s32 s3, $0x20  }
.Ltmp24:
0x1ec: {  	_ = 	snop;
	(pc) =	sbr.rel @!p0 .LBB2_38-.Ltmp24, $1  }
0x1ed: {  	_ =	sdelay $0x3  }
.LBB2_30:
0x1ee: {  	v0 =	vld.msk [tilespmem:s3+$0xE418], $0x1;
	_ =	sdelay $0x4  }
0x1ef: {  	(v2sf) =	vpush v0, $0x0;
	_ =	sdelay $0xe  }
0x1f0: {  	s4 =	spop (v2sf)  }
0x1f1: {  	p0 =	seq.s32 s4, $0xFFFFFFFF  }
.Ltmp25:
0x1f2: {  	_ = 	snop;
	(pc) =	sbr.rel @p0 .LBB2_37-.Ltmp25, $1  }
0x1f3: {  	_ =	sdelay $0x3  }
0x1f4: {  	p0 =	slt.s32 s2, $0x1  }
.Ltmp26:
0x1f5: {  	_ = 	snop;
	(pc) =	sbr.rel @p0 .LBB2_36-.Ltmp26, $1  }
0x1f6: {  	_ =	sdelay $0x3  }
0x1f7: {  	s5 =	simm.s32 $0xE418;
	p0 =	por $0x0, $0x0  }
0x1f8: {  	v1 =	vld.msk @!p0 [tilespmem:s5+$0x0], $0x1;
	_ =	sdelay $0x4  }
0x1f9: {  	(v2sf) =	vpush @!p0 v1, $0x0;
	_ =	sdelay $0xd  }
0x1fa: {  	p2 =	sne.s32 s2, $0x1  }
.Ltmp27:
0x1fb: {  	s0 =	spop @!p0 (v2sf);
	(pc) =	sbr.rel @!p2 .LBB2_34-.Ltmp27, $4  }
0x1fc: {  	p1 =	seq.s32 @!p0 s4, s0  }
0x1fd: {  	s6 =	simm.s32 $0x0;
	p1 =	por !p1, p0  }
0x1fe: {  	s0 =	simm.s32 $0xFFFFFFFF;
	s6 =	simm.s32 @p1 $0xFFFFFFFF  }
0x1ff: {  	s7 =	simm.s32 $0x1;
	s6 =	smov.u32 @p0 s0  }
.LBB2_33:
0x200: {  	s0 =	smov.u32 s6;
	p0 =	sne.s32 s6, $0xFFFFFFFF  }
0x201: {  	s5 =	sadd.s32 $0x1, s5;
	s6 =	smov.u32 s7;
	s7 =	sadd.s32 $0x1, s7  }
0x202: {  	p1 =	sne.s32 s2, s7;
	v1 =	vld.msk @!p0 [tilespmem:s5+$0x0], $0x1;
	_ =	sdelay $0x4  }
0x203: {  	(v2sf) =	vpush @!p0 v1, $0x0;
	_ =	sdelay $0xe  }
.Ltmp28:
0x204: {  	s8 =	spop @!p0 (v2sf);
	(pc) =	sbr.rel @p1 .LBB2_33-.Ltmp28, $4  }
0x205: {  	p2 =	seq.s32 @!p0 s4, s8  }
0x206: {  	p2 =	por !p2, p0  }
0x207: {  	s6 =	simm.s32 @p2 $0xFFFFFFFF  }
0x208: {  	s6 =	smov.u32 @p0 s0  }
.LBB2_34:
0x209: {  	p0 =	seq.s32 s6, $0xFFFFFFFF  }
.Ltmp29:
0x20a: {  	_ = 	snop;
	(pc) =	sbr.rel @p0 .LBB2_36-.Ltmp29, $1  }
0x20b: {  	_ =	sdelay $0x3  }
0x20c: {  	s0 =	sshll.u32 s3, $0x8  }
0x20d: {  	s0 =	sand.u32 $0x3FFFFF00, s0  }
0x20e: {  	v0 =	vld [tilespmem:s0+$0xE438];
	_ =	sdelay $0x2  }
0x20f: {  	s4 =	sshll.u32 s6, $0xA  }
0x210: {  	s4 =	sshra.s32 s4, $0x2  }
0x211: {  	[tilespmem:s4+$0xE438] =	vst.add.f32.msk $0xffff, v0  }
0x212: {  	v0 =	vld [tilespmem:s0+$0xE448];
	_ =	sdelay $0x4  }
0x213: {  	[tilespmem:s4+$0xE448] =	vst.add.f32.msk $0xffff, v0  }
0x214: {  	v0 =	vld [tilespmem:s0+$0xE458];
	_ =	sdelay $0x4  }
0x215: {  	[tilespmem:s4+$0xE458] =	vst.add.f32.msk $0xffff, v0  }
0x216: {  	v0 =	vld [tilespmem:s0+$0xE468];
	_ =	sdelay $0x4  }
0x217: {  	[tilespmem:s4+$0xE468] =	vst.add.f32.msk $0xffff, v0  }
0x218: {  	v0 =	vld [tilespmem:s0+$0xE478];
	_ =	sdelay $0x4  }
0x219: {  	[tilespmem:s4+$0xE478] =	vst.add.f32.msk $0xffff, v0  }
0x21a: {  	v0 =	vld [tilespmem:s0+$0xE488];
	_ =	sdelay $0x4  }
0x21b: {  	[tilespmem:s4+$0xE488] =	vst.add.f32.msk $0xffff, v0  }
0x21c: {  	v0 =	vld [tilespmem:s0+$0xE498];
	_ =	sdelay $0x4  }
0x21d: {  	[tilespmem:s4+$0xE498] =	vst.add.f32.msk $0xffff, v0  }
0x21e: {  	v0 =	vld [tilespmem:s0+$0xE4A8];
	_ =	sdelay $0x4  }
0x21f: {  	[tilespmem:s4+$0xE4A8] =	vst.add.f32.msk $0xffff, v0  }
0x220: {  	v0 =	vld [tilespmem:s0+$0xE4B8];
	_ =	sdelay $0x4  }
0x221: {  	[tilespmem:s4+$0xE4B8] =	vst.add.f32.msk $0xffff, v0  }
0x222: {  	v0 =	vld [tilespmem:s0+$0xE4C8];
	_ =	sdelay $0x4  }
0x223: {  	[tilespmem:s4+$0xE4C8] =	vst.add.f32.msk $0xffff, v0  }
0x224: {  	v0 =	vld [tilespmem:s0+$0xE4D8];
	_ =	sdelay $0x4  }
0x225: {  	[tilespmem:s4+$0xE4D8] =	vst.add.f32.msk $0xffff, v0  }
0x226: {  	v0 =	vld [tilespmem:s0+$0xE4E8];
	_ =	sdelay $0x4  }
0x227: {  	[tilespmem:s4+$0xE4E8] =	vst.add.f32.msk $0xffff, v0  }
0x228: {  	v0 =	vld [tilespmem:s0+$0xE4F8];
	_ =	sdelay $0x4  }
0x229: {  	[tilespmem:s4+$0xE4F8] =	vst.add.f32.msk $0xffff, v0  }
0x22a: {  	v0 =	vld [tilespmem:s0+$0xE508];
	_ =	sdelay $0x4  }
0x22b: {  	[tilespmem:s4+$0xE508] =	vst.add.f32.msk $0xffff, v0  }
0x22c: {  	v0 =	vld [tilespmem:s0+$0xE518];
	_ =	sdelay $0x4  }
0x22d: {  	[tilespmem:s4+$0xE518] =	vst.add.f32.msk $0xffff, v0  }
0x22e: {  	v0 =	vld [tilespmem:s0+$0xE528]  }
.Ltmp30:
0x22f: {  	_ = 	snop;
	(pc) =	sbr.rel .LBB2_37-.Ltmp30, $2  }
0x230: {  	_ =	sdelay $0x2  }
0x231: {  	[tilespmem:s4+$0xE528] =	vst.add.f32.msk $0xffff, v0  }
.LBB2_38:
0x232: {  	p0 =	slt.s32 s2, $0x1  }
.Ltmp31:
0x233: {  	_ = 	snop;
	(pc) =	sbr.rel @p0 .LBB2_42-.Ltmp31, $3  }
0x234: {  	_ =	sdelay $0x1  }
0x235: {  	s0 =	simm.s32 $0x6  }
0x236: {  	[sflag:s0] =	ssyncpa.u1 $0x1;
	s0 =	simm.s32 $0x0  }
0x237: {  	s3 =	simm.s32 $0xE418  }
0x238: {  	v0 =	vld.msk [tilespmem:s3+$0x0], $0x1;
	_ =	sdelay $0x4  }
0x239: {  	(v2sf) =	vpush v0, $0x0;
	_ =	sdelay $0xe  }
0x23a: {  	s2 =	sadd.s32 $0xFFFFFFFF, s2;
	s4 =	spop (v2sf)  }
0x23b: {  	s5 =	simm.s32 $0xE438;
	p0 =	sne.s32 s2, $0x0;
	p1 =	sgt.u32 s4, $0x4E170  }
.Ltmp32:
0x23c: {  	s3 =	simm.s32 $0xE538;
	s6 =	sand.u32 @!p1 $0x7FFF8, s4;
	(pc) =	sbr.rel @!p0 .LBB2_41-.Ltmp32, $4  }
0x23d: {  	s7 =	sadd.s32 @!p1 $0x80, s4;
	s8 =	sadd.s32 @!p1 s1, s6;
	s6 =	sand.u32 @!p1 $0x7, s4  }
0x23e: {  	[hbm4b:s8+s6] =	stream.linear.scatter @!p1 [tilespmem:s5], [sflag:$0x5], $0x80, $0x38;
	[tilespmem:$0x1E668] =	vst v63  }
0x23f: {  	s0 =	simm.s32 @!p1 $0x400;
	s4 =	simm.s32 $0xE419;
	s5 =	sand.u32 @!p1 $0xFFFF8, s7  }
0x240: {  	s7 =	simm.s32 @!p1 $0xE4B8;
	s8 =	sadd.s32 @!p1 s1, s5;
	s5 =	sadd.s32 $0x0, s0  }
.LBB2_40:
0x241: {  	[hbm4b:s8+s6] =	stream.linear.scatter @!p1 [tilespmem:s7], [sflag:$0x5], $0x80, $0x38;
	[tilespmem:$0x1E668] =	vst v63  }
0x242: {  	s2 =	sadd.s32 $0xFFFFFFFF, s2;
	s0 =	smov.u32 s3;
	v0 =	vld.msk [tilespmem:s4+$0x0], $0x1  }
0x243: {  	p0 =	sne.s32 s2, $0x0;
	_ =	sdelay $0x3  }
0x244: {  	(v2sf) =	vpush v0, $0x0;
	_ =	sdelay $0xe  }
0x245: {  	s3 =	sadd.s32 $0x100, s3;
	s9 =	simm.s32 $0x0;
	s6 =	spop (v2sf)  }
.Ltmp33:
0x246: {  	s4 =	sadd.s32 $0x1, s4;
	p1 =	sgt.u32 s6, $0x4E170;
	(pc) =	sbr.rel @p0 .LBB2_40-.Ltmp33, $4  }
0x247: {  	s9 =	simm.s32 @!p1 $0x400;
	s7 =	sand.u32 @!p1 $0x7FFF8, s6;
	s8 =	sadd.s32 @!p1 $0x80, s6  }
0x248: {  	s6 =	sand.u32 @!p1 $0x7, s6;
	s7 =	sadd.s32 @!p1 s1, s7;
	s8 =	sand.u32 @!p1 $0xFFFF8, s8  }
0x249: {  	[hbm4b:s7+s6] =	stream.linear.scatter @!p1 [tilespmem:s0], [sflag:$0x5], $0x80, $0x38;
	[tilespmem:$0x1E668] =	vst v63  }
0x24a: {  	s5 =	sadd.s32 s5, s9;
	s7 =	sadd.s32 @!p1 $0x80, s0;
	s8 =	sadd.s32 @!p1 s1, s8  }
.LBB2_41:
0x24b: {  	[hbm4b:s8+s6] =	stream.linear.scatter @!p1 [tilespmem:s7], [sflag:$0x5], $0x80, $0x38;
	[tilespmem:$0x1E668] =	vst v63  }
0x24c: {  	s0 =	sshrl.u32 s5, $0x2  }
.LBB2_42:
0x24d: {  	s1 =	simm.s32 $0x5  }
0x24e: {  	_ =	swait.ge [sflag:s1], s0  }
0x24f: {  	s29 =	ssub.s32 $0x0, s0;
	[sflag:s1] =	ssyncset.done $0x0  }
0x250: {  	[sflag:s1] =	ssyncadd.s32 s29  }
0x251: {  	[sflag:s1] =	ssyncpa.u1 $0x1  }
0x252: {  	s30 =	simm.s32 $0x1;
	_ =	sfence  }
0x253: {  	[sflag:s30] =	ssyncpa.u1 $0x1  }
0x254: {  	_ =	strace $0x90000050  }
0x255: {  	[bflag:$0x2] =	sbarrier.arrive $0xFFFF  }
0x256: {  	s31 =	rddreg [dreg:$0x1]  }
0x257: {  	s0 =	sadd.s32 $0x100000, s31  }
0x258: {  	[sflag:s0] =	ssyncadd.tile.s32 $0x1;
	_ =	shalt  }
.Lfunc_end2:
_tile_overlayer_lowered:
.L_overlay_start_2:
0x259: {  	(tag) =	ssettag $0x2  }
0x25a: {  	s0 =	rddreg [dreg:$0x0];
	s2 =	stileid.u32  }
0x25b: {  	s1 =	rddreg [dreg:$0x1];
	p0 =	sne.s32 s2, $0x0  }
0x25c: {  	s3 =	rddreg [dreg:$0x2];
	[bflag:$0x3] =	sbarrier.arrive $0xFFFF;
	s2 =	simm.s32 @!p0 $0x1C01  }
0x25d: {  	[timem:s3], [sflag:s2] =	dma.local @!p0 [hbm:s0], s1  }
0x25e: {  	s0 =	simm.s32 @!p0 $0x1  }
0x25f: {  	_ =	swait.ge @!p0 [sflag:s0], s1  }
0x260: {  	s1 =	ssub.s32 @!p0 $0x0, s1;
	[sflag:s0] =	ssyncset.done @!p0 $0x0  }
0x261: {  	[sflag:s0] =	ssyncadd.s32 @!p0 s1  }
0x262: {  	[bflag:$0x3] =	sbarrier.arrive $0xFFFF  }
0x263: {  	_ =	shalt  }

// kernel: scatter_offload_async_start.4
scs
__scs_entry_jumppad:
0x0: {  	(pc) =	sbr.rel $0x88, $3  }
0x1: {  	(tag) =	ssettag $0x0;
	lr =	simm.s32 $0x1  }
0x2: {  	[smem:$0x3F8F] =	sst lr;
	_ =	strace $0xD0000000  }
0x3: {  	_ = 	snop  }
0x4: {  	_ = 	snop  }
0x5: {  	_ = 	snop  }
0x6: {  	_ = 	snop  }
0x7: {  	_ = 	snop  }
__scs_overlays_trampoline_lowered:
0x8: {  	[smem:$0x3F9E] =	sst s0  }
0x9: {  	[smem:$0x3F9F] =	sst s1  }
0xa: {  	[smem:$0x3FA0] =	sst s2  }
0xb: {  	[smem:$0x3FA1] =	sst s3  }
0xc: {  	[smem:$0x3FA2] =	sst s4  }
0xd: {  	[smem:$0x3FA3] =	sst s5  }
0xe: {  	[smem:$0x3FA4] =	sst s6  }
0xf: {  	[smem:$0x3FA5] =	sst s7  }
0x10: {  	[smem:$0x3FA6] =	sst s8  }
0x11: {  	[smem:$0x3FA7] =	sst s9;
	s0 =	simm.s32 @!p0 $0x0  }
0x12: {  	s1 =	sld [smem:$0x3F8D];
	s0 =	simm.s32 @p0 $0x1  }
0x13: {  	[smem:$0x3FA8] =	sst s0;
	s0 =	simm.s32 @!p1 $0x0  }
0x14: {  	s2 =	sld [smem:$0x3F8C];
	s0 =	simm.s32 @p1 $0x1  }
0x15: {  	[smem:$0x3FA9] =	sst s0;
	s0 =	simm.s32 @!p2 $0x0  }
0x16: {  	s3 =	sld [smem:$0x3FDB];
	s0 =	simm.s32 @p2 $0x1  }
0x17: {  	s4 =	simm.s32 $0x1BF5;
	[smem:$0x3FAB] =	sst s0  }
0x18: {  	s0 =	sld [smem:$0x3F8E];
	_ =	swait.ge [sflag:s4], $0x0  }
0x19: {  	s7 =	sld [smem:$0x3F8F]  }
0x1a: {  	s8 =	sadd.s32 $0xFFFFE003, lr  }
0x1b: {  	s9 =	sadd.s32 $0xFFFFFEF7, lr;
	s5 =	simm.s32 $0xFFFFFFFF;
	p2 =	slt.u32 s8, $0xFFFFF086  }
0x1c: {  	p1 =	slt.u32 s9, $0xF7A;
	s5 =	simm.s32 @!p2 $0x0  }
0x1d: {  	s5 =	simm.s32 @p1 $0x1;
	p0 =	seq.s32 s7, s2  }
0x1e: {  	s7 =	smul.u32 @!p0 $0xF7A, s2;
	p2 =	seq.s32 @!p0 s5, $0x0  }
0x1f: {  	s9 =	smul.u32 $0xF7A, s1;
	s8 =	simm.s32 @!p0 $0x1BF5;
	p2 =	por !p2, p0  }
0x20: {  	[sflag:s8] =	ssyncset.s32 @!p0 $0xFFFFF086;
	s6 =	sadd.s32 @!p0 s3, s7;
	s7 =	simm.s32 @!p0 $0x108  }
0x21: {  	s3 =	sadd.s32 s3, s9;
	s6 =	sadd.s32 @!p0 $0x88, s6;
	s7 =	simm.s32 @p2 $0x1082  }
0x22: {  	[simem:s7], [sflag:s8] =	dma.local @!p0 [hbm:s6], $0xF7A  }
0x23: {  	s9 =	sor.u32 $0xD0000000, s2;
	s6 =	simm.s32 $0x108;
	_ =	swait.ge @!p0 [sflag:s8], $0x0  }
0x24: {  	s3 =	sadd.s32 $0x88, s3;
	s6 =	simm.s32 @!p1 $0x1082;
	[sflag:s4] =	ssyncset.s32 $0xFFFFF086  }
0x25: {  	[simem:s6], [sflag:s4] =	dma.local [hbm:s3], $0xF7A  }
0x26: {  	[smem:$0x3F8F] =	sst s1;
	(tag) =	ssettag s2;
	_ =	strace s9  }
0x27: {  	s1 =	sld [smem:$0x3F9F]  }
0x28: {  	s2 =	sld [smem:$0x3FA0]  }
0x29: {  	s4 =	sld [smem:$0x3FA2]  }
0x2a: {  	p0 =	seq.s32 s5, $0x0;
	s5 =	sld [smem:$0x3FA3]  }
0x2b: {  	s6 =	sld [smem:$0x3FA4]  }
0x2c: {  	s7 =	sld [smem:$0x3FA5]  }
0x2d: {  	s3 =	simm.s32 $0x108;
	s8 =	sld [smem:$0x3FA6]  }
0x2e: {  	s3 =	simm.s32 @!p0 $0x1082;
	s9 =	sld [smem:$0x3FA7]  }
0x2f: {  	lr =	sadd.s32 s0, s3;
	s0 =	sld [smem:$0x3F9E]  }
0x30: {  	s3 =	sld [smem:$0x3FA1]  }
0x31: {  	[smem:$0x3FAA] =	sst s10  }
0x32: {  	s10 =	sld [smem:$0x3FA8];
	_ =	sdelay $0x3  }
0x33: {  	p0 =	seq.s32 s10, $0x1;
	s10 =	sld [smem:$0x3FAA];
	_ =	sdelay $0x3  }
0x34: {  	[smem:$0x3FAA] =	sst s10  }
0x35: {  	s10 =	sld [smem:$0x3FA9];
	_ =	sdelay $0x3  }
0x36: {  	p1 =	seq.s32 s10, $0x1;
	s10 =	sld [smem:$0x3FAA];
	_ =	sdelay $0x3  }
0x37: {  	[smem:$0x3FAA] =	sst s10  }
0x38: {  	s10 =	sld [smem:$0x3FAB]  }
0x39: {  	_ = 	snop;
	(pc) =	sbr.ind lr, $3  }
0x3a: {  	_ = 	snop  }
0x3b: {  	_ = 	snop  }
0x3c: {  	p2 =	seq.s32 s10, $0x1;
	s10 =	sld [smem:$0x3FAA]  }
0x3d: {  	_ =	shalt  }
0x3e: {  	_ =	shalt  }
0x3f: {  	_ =	shalt  }
0x40: {  	_ =	shalt  }
0x41: {  	_ =	shalt  }
0x42: {  	_ =	shalt  }
0x43: {  	_ =	shalt  }
0x44: {  	_ =	shalt  }
0x45: {  	_ =	shalt  }
0x46: {  	_ =	shalt  }
0x47: {  	_ =	shalt  }
0x48: {  	_ =	shalt  }
0x49: {  	_ =	shalt  }
0x4a: {  	_ =	shalt  }
0x4b: {  	_ =	shalt  }
0x4c: {  	_ =	shalt  }
0x4d: {  	_ =	shalt  }
0x4e: {  	_ =	shalt  }
0x4f: {  	_ =	shalt  }
0x50: {  	_ =	shalt  }
0x51: {  	_ =	shalt  }
0x52: {  	_ =	shalt  }
0x53: {  	_ =	shalt  }
0x54: {  	_ =	shalt  }
0x55: {  	_ =	shalt  }
0x56: {  	_ =	shalt  }
0x57: {  	_ =	shalt  }
0x58: {  	_ =	shalt  }
0x59: {  	_ =	shalt  }
0x5a: {  	_ =	shalt  }
0x5b: {  	_ =	shalt  }
0x5c: {  	_ =	shalt  }
0x5d: {  	_ =	shalt  }
0x5e: {  	_ =	shalt  }
0x5f: {  	_ =	shalt  }
0x60: {  	_ =	shalt  }
0x61: {  	_ =	shalt  }
0x62: {  	_ =	shalt  }
0x63: {  	_ =	shalt  }
0x64: {  	_ =	shalt  }
0x65: {  	_ =	shalt  }
0x66: {  	_ =	shalt  }
0x67: {  	_ =	shalt  }
0x68: {  	_ =	shalt  }
0x69: {  	_ =	shalt  }
0x6a: {  	_ =	shalt  }
0x6b: {  	_ =	shalt  }
0x6c: {  	_ =	shalt  }
0x6d: {  	_ =	shalt  }
0x6e: {  	_ =	shalt  }
0x6f: {  	_ =	shalt  }
0x70: {  	_ =	shalt  }
0x71: {  	_ =	shalt  }
0x72: {  	_ =	shalt  }
0x73: {  	_ =	shalt  }
0x74: {  	_ =	shalt  }
0x75: {  	_ =	shalt  }
0x76: {  	_ =	shalt  }
0x77: {  	_ =	shalt  }
0x78: {  	_ =	shalt  }
0x79: {  	_ =	shalt  }
0x7a: {  	_ =	shalt  }
0x7b: {  	_ =	shalt  }
0x7c: {  	_ =	shalt  }
0x7d: {  	_ =	shalt  }
0x7e: {  	_ =	shalt  }
0x7f: {  	_ =	shalt  }
0x80: {  	_ =	shalt  }
0x81: {  	_ =	shalt  }
0x82: {  	_ =	shalt  }
0x83: {  	_ =	shalt  }
0x84: {  	_ =	shalt  }
0x85: {  	_ =	shalt  }
0x86: {  	_ =	shalt  }
0x87: {  	_ =	shalt  }
.Lfunc_end0:
.L_simem_size_0:
called_computation.4_lowered:
.L_overlay_start_0:
0x88: {  	s0 =	sld [smem:$0x3FD9]  }
0x89: {  	s1 =	sld [smem:$0x3FFE];
	_ =	sdelay $0x3  }
0x8a: {  	s0 =	sadd.s32 s1, s0  }
0x8b: {  	[smem:$0x3FB6] =	sst s0  }
0x8c: {  	_ = 	snop  }
0x8d: {  	(tm) =	ssettm $0x1  }
0x8e: {  	s15 =	sld [smem:$0x3FFB];
	_ =	sdelay $0x3  }
0x8f: {  	_ =	strace s15  }
0x90: {  	s0 =	sld [smem:$0x3FFC];
	_ =	sdelay $0x3  }
0x91: {  	_ =	strace s0  }
0x92: {  	s0 =	sld [smem:$0x3FFD];
	_ =	sdelay $0x3  }
0x93: {  	_ =	strace s0  }
0x94: {  	_ =	strace $0x8FFFFFFF  }
0x95: {  	s16 =	sld [smem:$0x3FDB];
	_ =	sdelay $0x1  }
0x96: {  	s17 =	simm.s32 $_scs_section_size  }
0x97: {  	s2 =	simm.s32 $_size__tile_overlayer_lowered;
	s3 =	simm.s32 $_tile_overlayer_lowered  }
0x98: {  	s20 =	simm.s32 $0x1BFF;
	s19 =	sshll.u32 s3, $0x1;
	s0 =	sadd.s32 s17, s16  }
0x99: {  	s4 =	simm.s32 $0x0;
	s18 =	sshll.u32 s2, $0x1;
	s2 =	sadd.s32 s19, s0  }
0x9a: {  	[timem:s4], [sflag:s20] =	dma.local [hbm:s2], s18  }
0x9b: {  	_ =	swait.ge [sflag:s20], s18  }
0x9c: {  	s1 =	ssub.s32 $0x0, s18;
	[sflag:s20] =	ssyncset.done $0x0  }
0x9d: {  	[sflag:s20] =	ssyncadd.s32 s1;
	_ =	sdelay $0x1  }
0x9e: {  	s21 =	simm.s32 $0x1B8B  }
0x9f: {  	_ =	swait.ge [sflag:s21], $0x1  }
0xa0: {  	[sflag:s21] =	ssyncset.done $0x0  }
0xa1: {  	s23 =	simm.s32 $0x1B8E;
	s22 =	sld [smem:$0x3FFE];
	[sflag:s21] =	ssyncadd.s32 $0xFFFFFFFF  }
0xa2: {  	s24 =	simm.s32 $execute0_lowered;
	[smem:$0x3FD2] =	sst s23  }
0xa3: {  	s2 =	sshll.u32 s24, $0x1;
	_ =	strace $0x80000055;
	[dreg:$0x1] =	wrdreg $0xFFFFFFFF  }
0xa4: {  	s25 =	simm.s32 $_size_execute0_lowered;
	s0 =	sadd.s32 s0, s2;
	[dreg:$0x0] =	wrdreg $0x0  }
0xa5: {  	s2 =	sshll.u32 s25, $0x1;
	[dreg:$0x2] =	wrdreg s0  }
0xa6: {  	[dreg:$0x3] =	wrdreg s2  }
0xa7: {  	[dreg:$0x4] =	wrdreg $0xC0  }
0xa8: {  	_ =	task [dreg:s4], $0x5FFFF  }
0xa9: {  	[dreg:$0x1] =	wrdreg $0xFFFFFFFF  }
0xaa: {  	[dreg:$0x0] =	wrdreg $0x60  }
0xab: {  	[dreg:$0x2] =	wrdreg s22  }
0xac: {  	[dreg:$0x3] =	wrdreg $0x9  }
0xad: {  	_ =	task.clear_ibuf [dreg:s4], $0x4FFFF;
	_ =	strace $0x90000055  }
0xae: {  	s26 =	simm.s32 $0x9;
	_ =	strace $0x80000057  }
0xaf: {  	_ =	swait.ge [sflag:s26], $0x1  }
0xb0: {  	[sflag:s26] =	ssyncadd.s32 $0xFFFFFFFF  }
0xb1: {  	_ =	strace $0x90000057  }
0xb2: {  	_ =	sfence  }
0xb3: {  	s28 =	sld [smem:$0x0];
	_ =	sdelay $0x1  }
0xb4: {  	s29 =	srdreg.scid  }
0xb5: {  	s30 =	sshll.u32 s29, $0xD;
	s31 =	sshrl.u32 s29, $0x2  }
0xb6: {  	s1 =	sand.u32 $0x1, s29;
	s2 =	sand.u32 $0x4000, s30;
	s0 =	sadd.s32 s31, s28  }
0xb7: {  	s1 =	sor.u32 s2, s1;
	s0 =	sshll.u32 s0, $0x11  }
0xb8: {  	s0 =	sor.u32 s0, s1  }
0xb9: {  	s0 =	sadd.s32 $0x8F2B, s0  }
0xba: {  	[sflag:s0] =	ssyncadd.remote.s32 $0x1  }
0xbb: {  	_ =	sfence.sel $0xFFFF  }
0xbc: {  	[dreg:$0x0] =	wrdreg $0xFFFFFFFF;
	(pc) =	sbr.abs _section_cstart, $3  }
0xbd: {  	[dreg:$0x1] =	wrdreg $0xFFFFFFFF  }
0xbe: {  	_ =	task.clear_ibuf [dreg:s4], $0x2FFFF;
	_ =	strace $0x9FFFFFFF  }
0xbf: {  	(tm) =	ssettm $0x7FFFFFFF  }
tec
execute0_lowered:
.L_overlay_start_1:
0x0: {  	(tag) =	ssettag $0x1  }
0x1: {  	s0 =	rddreg [dreg:$0x0];
	_ =	strace $0x80000056;
	s1 =	simm.s32 $0x1  }
0x2: {  	s8 =	simm.s32 $0x208;
	v0 =	vimm.s32 $0x0;
	[sflag:s1] =	ssyncpa.u1 $0x0  }
0x3: {  	[tilespmem:s8+$0x70] =	vst v0  }
0x4: {  	[tilespmem:s8+$0x60] =	vst v0  }
0x5: {  	[tilespmem:s8+$0x50] =	vst v0  }
0x6: {  	[tilespmem:s8+$0x40] =	vst v0  }
0x7: {  	[tilespmem:s8+$0x30] =	vst v0  }
0x8: {  	s1 =	sadd.s32 $0x53F600, s0;
	s10 =	sadd.s32 $0x11C00, s0;
	[tilespmem:s8+$0x20] =	vst v0  }
0x9: {  	s4 =	sadd.s32 $0x17000, s0;
	s5 =	sadd.s32 $0x2000, s0;
	s0 =	simm.s32 $0x40;
	[tilespmem:s8+$0x10] =	vst v0  }
.LBB2_1:
0xa: {  	s0 =	sadd.s32 $0x40, s0;
	[tilespmem:s8+$0x0] =	vst v0;
	s8 =	sadd.s32 $0x80, s8  }
0xb: {  	p0 =	slt.u32 s0, $0x3880;
	[tilespmem:s8+$0x70] =	vst v0  }
0xc: {  	[tilespmem:s8+$0x60] =	vst v0  }
.Ltmp0:
0xd: {  	[tilespmem:s8+$0x50] =	vst v0;
	(pc) =	sbr.rel @p0 .LBB2_1-.Ltmp0, $4  }
0xe: {  	[tilespmem:s8+$0x40] =	vst v0  }
0xf: {  	[tilespmem:s8+$0x30] =	vst v0  }
0x10: {  	[tilespmem:s8+$0x20] =	vst v0  }
0x11: {  	[tilespmem:s8+$0x10] =	vst v0  }
0x12: {  	s3 =	stileid.u32  }
0x13: {  	s0 =	smul.u32 $0x5E, s3  }
0x14: {  	s2 =	smin.u32 s3, $0x5  }
0x15: {  	s0 =	sadd.s32 s2, s0  }
0x16: {  	p0 =	slt.u32 s3, $0x5;
	s6 =	smul.u32 $0x70, s0;
	s0 =	simm.s32 $0x2990  }
0x17: {  	s0 =	simm.s32 @!p0 $0x2920  }
0x18: {  	s0 =	sadd.s32 s0, s6  }
0x19: {  	s7 =	smin.u32 s0, $0x29428  }
0x1a: {  	s0 =	ssub.s32 s7, s6  }
0x1b: {  	p0 =	sgt.s32 s0, $0x0  }
0x1c: {  	s26 =	simm.s32 $0x2;
	s0 =	simm.s32 @!p0 $0x0  }
0x1d: {  	s29 =	simm.s32 $0x7;
	s30 =	simm.s32 $0x8;
	s28 =	smulhi.u32 $0x92492493, s0  }
0x1e: {  	s31 =	simm.s32 $0x9;
	s11 =	simm.s32 $0x1;
	s21 =	simm.s32 $0x0  }
0x1f: {  	p1 =	por $0x0, $0x0;
	s15 =	simm.s32 $0x80;
	s2 =	sshrl.u32 s28, $0x6  }
0x20: {  	s16 =	simm.s32 $0x400;
	s17 =	simm.s32 $0xA;
	s9 =	smul.u32 $0x70, s2  }
.Ltmp1:
0x21: {  	[tilespmem:s8+$0x0] =	vst v0;
	v0 =	vimm.s32 $0xFFFFFFFF;
	s18 =	simm.s32 $0x0;
	[sflag:s26] =	ssyncpa.u1 $0x0;
	(pc) =	sbr.rel .LBB2_3-.Ltmp1, $4  }
0x22: {  	[tilespmem:$0xE408] =	vst v0;
	[sflag:s29] =	ssyncpa.u1 $0x0;
	p0 =	sne.s32 s0, s9;
	s0 =	simm.s32 $0x1  }
0x23: {  	s20 =	simm.s32 $0x0;
	[sflag:s30] =	ssyncpa.u1 $0x0;
	s0 =	simm.s32 @!p0 $0x0  }
0x24: {  	s13 =	sshll.u32 s3, $0x9;
	[sflag:s31] =	ssyncpa.u1 $0x0;
	s12 =	sadd.s32 s0, s2  }
0x25: {  	v0 =	vlaneseq.u32;
	s19 =	smov.u32 s6;
	p0 =	por $0x1, $0x1;
	s14 =	sadd.s32 $0x1, s12  }
.LBB2_24:
0x26: {  	s0 =	sshrl.u32 s30, $0x2  }
.LBB2_26:
0x27: {  	_ =	swait.ge [sflag:s17], s0  }
0x28: {  	s31 =	ssub.s32 $0x0, s0;
	v1 =	vmov s23;
	vm0 =	veq.s32 v0, $0x0;
	[sflag:s17] =	ssyncset.done $0x0  }
0x29: {  	vm15 =	veq.s32 v0, $0x2;
	v1 =	vsel vm0, s29, v1;
	[sflag:s17] =	ssyncadd.s32 s31  }
0x2a: {  	v1 =	vsel vm15, s21, v1;
	[sflag:s17] =	ssyncpa.u1 $0x1  }
0x2b: {  	[tilespmem:$0xE408] =	vst v1  }
.LBB2_27:
0x2c: {  	s0 =	sadd.s32 $0x70, s19  }
0x2d: {  	s2 =	smov.u32 s6;
	p2 =	slt.s32 s0, s7  }
0x2e: {  	s2 =	smov.u32 @p2 s0;
	p2 =	sne.s32 s20, s14  }
.Ltmp2:
0x2f: {  	_ = 	snop;
	(pc) =	sbr.rel @!p2 .LBB2_28-.Ltmp2, $4  }
0x30: {  	_ = 	snop  }
0x31: {  	s21 =	smov.u32 s18  }
0x32: {  	s31 =	sadd.s32 $0x1, s20;
	s18 =	smov.u32 s19;
	p0 =	por !p0, !p0  }
0x33: {  	p1 =	por !p1, !p1;
	s20 =	smov.u32 s31;
	s19 =	smov.u32 s2  }
.LBB2_3:
0x34: {  	p2 =	sge.u32 s20, s12  }
0x35: {  	s0 =	smulhi.u32 @!p2 $0xAAAAAAAB, s20  }
0x36: {  	s2 =	smov.u32 s19;
	p3 =	sgt.s32 @!p2 s19, $0x293B8  }
0x37: {  	s8 =	sshra.s32 @!p2 s19, $0x1F;
	p3 =	por !p3, p2;
	s0 =	sshrl.u32 @!p2 s0, $0x1  }
0x38: {  	s8 =	sand.u32 @!p2 s8, s19;
	s2 =	simm.s32 @p3 $0x293B8;
	s0 =	smul.u32 @!p2 $0x3, s0  }
0x39: {  	s2 =	ssub.s32 @!p2 s2, s8  }
0x3a: {  	s2 =	sadd.s32 @!p2 $0xFFFD6C48, s2;
	s0 =	ssub.s32 @!p2 s20, s0  }
0x3b: {  	s8 =	sshll.u32 @!p2 s2, $0x2;
	p3 =	sgt.s32 @!p2 s2, $0x6F;
	s0 =	smul.u32 @!p2 $0x1C0, s0  }
0x3c: {  	s9 =	sand.u32 @!p2 $0x7, s19;
	s2 =	ssub.s32 @!p2 $0x1C0, s8;
	p3 =	por !p3, p2  }
0x3d: {  	s8 =	sshrl.u32 @!p2 s19, $0x3;
	s2 =	sshrl.u32 @!p2 s2, $0x2;
	s0 =	sshrl.u32 @!p2 s0, $0x2  }
0x3e: {  	s8 =	sadd.s32 @!p2 s5, s8;
	s2 =	simm.s32 @!p3 $0x0;
	s0 =	sadd.s32 @!p2 $0x10438, s0  }
0x3f: {  	[tilespmem:s0], [sflag:$0x8] =	stream.linear.gather @!p2 [hbm4b:s8+s9], s2, $0x38;
	[tilespmem:$0x1E668] =	vst v63  }
0x40: {  	s0 =	sadd.s32 $0xFFFFFFFF, s20  }
0x41: {  	p2 =	sge.u32 s0, s12  }
0x42: {  	p3 =	sgt.s32 @!p2 s18, $0x293B8  }
0x43: {  	s2 =	smov.u32 s18;
	s8 =	sshra.s32 @!p2 s18, $0x1F;
	p3 =	por !p3, p2  }
0x44: {  	s8 =	sand.u32 @!p2 s8, s18;
	s2 =	simm.s32 @p3 $0x293B8  }
0x45: {  	s2 =	ssub.s32 @!p2 s2, s8  }
0x46: {  	s2 =	sadd.s32 @!p2 $0xFFFD6C48, s2  }
0x47: {  	s8 =	sshll.u32 @!p2 s2, $0x2  }
0x48: {  	p3 =	sgt.s32 @!p2 s2, $0x6F;
	s2 =	ssub.s32 @!p2 $0x1C0, s8  }
0x49: {  	p3 =	por !p3, p2;
	s2 =	sshrl.u32 @!p2 s2, $0x2  }
0x4a: {  	s9 =	simm.s32 @!p2 $0x8;
	s8 =	sand.u32 @!p2 $0x1, s0;
	s2 =	simm.s32 @!p3 $0x0  }
0x4b: {  	s8 =	smul.u32 @!p2 $0x1C0, s8;
	_ =	swait.ge @!p2 [sflag:s9], s2  }
0x4c: {  	s22 =	ssub.s32 @!p2 $0x0, s2;
	[sflag:s9] =	ssyncset.done @!p2 $0x0  }
0x4d: {  	s8 =	sshrl.u32 @!p2 s8, $0x2;
	[sflag:s9] =	ssyncadd.s32 @!p2 s22;
	s9 =	sshrl.u32 @!p2 s18, $0x3  }
0x4e: {  	s8 =	sor.u32 @!p2 $0x10588, s8;
	s22 =	sand.u32 @!p2 $0x7, s18;
	s9 =	sadd.s32 @!p2 s10, s9  }
0x4f: {  	[tilespmem:s8], [sflag:$0x9] =	stream.linear.gather @!p2 [hbm4b:s9+s22], s2, $0x38;
	[tilespmem:$0x1E668] =	vst v63  }
0x50: {  	s22 =	ssub.s32 @!p2 $0x29428, s18  }
0x51: {  	p3 =	slt.s32 @!p2 s22, $0x1  }
0x52: {  	p3 =	por p2, p3  }
.Ltmp3:
0x53: {  	_ = 	snop;
	(pc) =	sbr.rel @p3 .LBB2_9-.Ltmp3, $1  }
0x54: {  	_ =	sdelay $0x3  }
0x55: {  	s2 =	smulhi.u32 $0xAAAAAAAB, s0;
	_ =	sdelay $0x1  }
0x56: {  	s2 =	sshrl.u32 s2, $0x1  }
0x57: {  	s2 =	smul.u32 $0x3, s2;
	_ =	sdelay $0x1  }
0x58: {  	s29 =	ssub.s32 s0, s2  }
0x59: {  	s8 =	simm.s32 $0x1;
	s0 =	smul.u32 $0x1C0, s29  }
.Ltmp4:
0x5a: {  	s8 =	simm.s32 @!p0 $0x0;
	(pc) =	sbr.rel .LBB2_6-.Ltmp4, $4  }
0x5b: {  	s30 =	smul.u32 $0x1C000, s8  }
0x5c: {  	p3 =	slt.s32 @!p2 s22, $0x70;
	s0 =	sshrl.u32 s0, $0x2  }
0x5d: {  	p2 =	por !p3, p2;
	s2 =	sshrl.u32 s30, $0x2;
	s31 =	sadd.s32 $0x10438, s0  }
0x5e: {  	s22 =	simm.s32 @p2 $0x70;
	s23 =	sor.u32 $0x10668, s2;
	s0 =	simm.s32 $0x0;
	v1 =	vmov s31  }
.LBB2_5:
0x5f: {  	p2 =	sge.s32 s0, s22  }
.Ltmp5:
0x60: {  	_ = 	snop;
	(pc) =	sbr.rel @p2 .LBB2_9-.Ltmp5, $2  }
0x61: {  	_ =	sdelay $0x2  }
0x62: {  	s23 =	sadd.s32 $0x1000, s23  }
.LBB2_6:
0x63: {  	p2 =	sle.s32 s22, s0  }
.Ltmp6:
0x64: {  	_ = 	snop;
	(pc) =	sbr.rel @p2 .LBB2_5-.Ltmp6, $2  }
0x65: {  	_ =	sdelay $0x2  }
0x66: {  	s24 =	smov.u32 s0;
	s0 =	sadd.s32 $0x10, s0  }
0x67: {  	s2 =	ssub.s32 s22, s24  }
0x68: {  	p2 =	slt.s32 s2, $0x10  }
0x69: {  	s2 =	simm.s32 @!p2 $0x10  }
0x6a: {  	v2 =	vmov s2  }
0x6b: {  	vm0 =	vgt.s32 v2, v0;
	_ =	sdelay $0x5  }
0x6c: {  	v2 =	vld.idx.msk [tilespmem:v1+s24+$0x0 ss:$0x1], vm0;
	_ =	sdelay $0x2  }
0x6d: {  	p2 =	slt.s32 s0, s22;
	s2 =	smov.u32 s22  }
0x6e: {  	s8 =	smov.u32 s23;
	s25 =	simm.s32 $0x0;
	s2 =	smov.u32 @p2 s0  }
.LBB2_8:
0x6f: {  	(v2sf) =	vpush v2, s25;
	_ =	sdelay $0xe  }
0x70: {  	s25 =	sadd.s32 $0x1, s25;
	s9 =	spop (v2sf)  }
0x71: {  	s31 =	sadd.s32 s25, s24;
	s26 =	sshll.u32 s9, $0x8;
	s9 =	sshll.u32 s9, $0x7  }
0x72: {  	p2 =	slt.s32 s31, s2;
	s26 =	sand.u32 $0xFFFFF800, s26;
	s9 =	sand.u32 $0x380, s9  }
.Ltmp7:
0x73: {  	s9 =	sor.u32 s9, s26;
	(pc) =	sbr.rel @p2 .LBB2_8-.Ltmp7, $4  }
0x74: {  	s9 =	sshrl.u32 s9, $0x3  }
0x75: {  	s9 =	sadd.s32 s4, s9  }
0x76: {  	[tilespmem:s8], [sflag:$0x7] =	stream.strided.gather [hbm4b:s9+s15], $0x100, s16, s15, $0x38;
	[tilespmem:$0x1E668] =	vst v63  }
0x77: {  	s8 =	sadd.s32 $0x100, s8  }
.Ltmp8:
0x78: {  	_ = 	snop;
	(pc) =	sbr.rel .LBB2_5-.Ltmp8, $1  }
0x79: {  	_ =	sdelay $0x3  }
.LBB2_9:
0x7a: {  	p2 =	slt.u32 s20, $0x2  }
.Ltmp9:
0x7b: {  	_ = 	snop;
	(pc) =	sbr.rel @p2 .LBB2_27-.Ltmp9, $1  }
0x7c: {  	_ =	sdelay $0x3  }
0x7d: {  	p2 =	sgt.s32 s21, $0x293B8;
	s0 =	smov.u32 s21  }
0x7e: {  	s2 =	sshra.s32 s21, $0x1F;
	s8 =	ssub.s32 $0x29428, s21;
	s0 =	simm.s32 @!p2 $0x293B8  }
0x7f: {  	s2 =	sand.u32 s2, s21;
	p2 =	slt.s32 s8, $0x70;
	s9 =	smov.u32 s8  }
0x80: {  	s0 =	ssub.s32 s0, s2;
	s9 =	simm.s32 @!p2 $0x70  }
0x81: {  	s0 =	sadd.s32 $0xFFFD6C48, s0;
	s25 =	sshll.u32 s9, $0x8  }
0x82: {  	s3 =	simm.s32 $0x7;
	s26 =	sshll.u32 s0, $0x2;
	s2 =	sand.u32 $0x3FFFFF00, s25  }
0x83: {  	p2 =	sgt.s32 s0, $0x6F;
	s28 =	ssub.s32 $0x1C0, s26;
	_ =	swait.ge [sflag:s3], s2  }
0x84: {  	s2 =	ssub.s32 $0x0, s2;
	[sflag:s3] =	ssyncset.done $0x0;
	s0 =	sshrl.u32 s28, $0x2  }
0x85: {  	s30 =	simm.s32 $0x9;
	[sflag:s3] =	ssyncadd.s32 s2;
	s0 =	simm.s32 @p2 $0x0  }
0x86: {  	_ =	swait.ge [sflag:s30], s0  }
0x87: {  	s0 =	ssub.s32 $0x0, s0;
	[sflag:s30] =	ssyncset.done $0x0  }
0x88: {  	[sflag:s30] =	ssyncadd.s32 s0  }
0x89: {  	v1 =	vld [tilespmem:$0xE408];
	_ =	sdelay $0x4  }
0x8a: {  	(v2sf) =	vpush v1, $0x0  }
0x8b: {  	(v2sf) =	vpush v1, $0x1  }
0x8c: {  	(v2sf) =	vpush v1, $0x2;
	_ =	sdelay $0x3  }
0x8d: {  	s0 =	sadd.s32 $0x70, s21  }
0x8e: {  	p2 =	slt.s32 s7, s0  }
0x8f: {  	s0 =	smov.u32 @p2 s7;
	p2 =	sgt.s32 s8, $0x0  }
0x90: {  	s25 =	ssub.s32 s0, s21;
	s8 =	simm.s32 @!p2 $0x0  }
0x91: {  	p2 =	slt.s32 s8, s25  }
0x92: {  	s25 =	smov.u32 @p2 s8  }
0x93: {  	s24 =	simm.s32 $0x1;
	p2 =	slt.s32 s25, $0x1  }
.Ltmp10:
0x94: {  	s24 =	simm.s32 @!p1 $0x0;
	(pc) =	sbr.rel @p2 .LBB2_14-.Ltmp10, $4  }
0x95: {  	s31 =	smul.u32 $0x1C0, s24  }
0x96: {  	s26 =	spop (v2sf)  }
0x97: {  	s0 =	sshrl.u32 s31, $0x2;
	s29 =	spop (v2sf)  }
0x98: {  	s22 =	sor.u32 $0x10588, s0;
	s21 =	spop (v2sf)  }
0x99: {  	s0 =	smin.u32 s25, $0x10  }
0x9a: {  	v1 =	vmov s0  }
0x9b: {  	vm1 =	vgt.u32 v1, v0  }
0x9c: {  	p3 =	sgt.s32 s25, $0x10  }
.Ltmp11:
0x9d: {  	_ = 	snop;
	(pc) =	sbr.rel @!p3 .LBB2_13-.Ltmp11, $2  }
0x9e: {  	_ =	sdelay $0x2  }
0x9f: {  	s23 =	simm.s32 $0x10;
	s28 =	sadd.s32 $0xFFFFFFF0, s25;
	s0 =	smov.u32 s22;
	vm0 =	vmmov vm1;
	v1 =	vld.msk [tilespmem:s22+$0x0 ss:$0x1], vm1  }
.LBB2_12:
0xa0: {  	s2 =	smin.u32 s28, $0x10;
	s23 =	sadd.s32 $0x10, s23  }
0xa1: {  	v2 =	vmov s2;
	p3 =	slt.s32 s23, s25  }
0xa2: {  	vm1 =	vgt.u32 v2, v0;
	_ =	sdelay $0x1  }
0xa3: {  	v2 =	vshll.u32 v1, $0x5;
	v1 =	vshll.u32 v1, $0x4  }
.Ltmp12:
0xa4: {  	v2 =	vand.u32 $0xFFFFFF00, v2;
	v1 =	vand.u32 $0x70, v1;
	(pc) =	sbr.rel @p3 .LBB2_12-.Ltmp12, $4  }
0xa5: {  	v1 =	vor.u32 v1, v2  }
0xa6: {  	[tilespmem:s0+$0x0] =	vst.msk vm0, v1;
	s0 =	sadd.s32 $0x10, s0;
	vm0 =	vmmov vm1  }
0xa7: {  	v1 =	vld.msk [tilespmem:s0+$0x0 ss:$0x1], vm1  }
0xa8: {  	s28 =	sadd.s32 $0xFFFFFFF0, s28  }
.LBB2_13:
0xa9: {  	_ =	sdelay $0x3  }
0xaa: {  	v2 =	vshll.u32 v1, $0x5;
	v1 =	vshll.u32 v1, $0x4  }
0xab: {  	v2 =	vand.u32 $0xFFFFFF00, v2;
	v1 =	vand.u32 $0x70, v1  }
0xac: {  	v1 =	vor.u32 v1, v2  }
0xad: {  	[tilespmem:s0+$0x0] =	vst.msk vm0, v1  }
.LBB2_14:
0xae: {  	s0 =	sand.u32 $0x1, s20  }
0xaf: {  	s0 =	smul.u32 $0x70, s0  }
0xb0: {  	p3 =	sne.s32 s29, $0xFFFFFFFF  }
0xb1: {  	v1 =	vld.msk @!p3 [tilespmem:s0+$0x10588], $0x1;
	_ =	sdelay $0x4  }
0xb2: {  	(v2sf) =	vpush @!p3 v1, $0x0;
	_ =	sdelay $0xc  }
.Ltmp13:
0xb3: {  	_ = 	snop;
	(pc) =	sbr.rel @p2 .LBB2_25-.Ltmp13, $4  }
0xb4: {  	_ = 	snop  }
0xb5: {  	s28 =	spop @!p3 (v2sf)  }
0xb6: {  	s21 =	simm.s32 @!p3 $0x0;
	s23 =	smov.u32 s28  }
0xb7: {  	[sflag:s17] =	ssyncpa.u1 $0x0;
	s28 =	smov.u32 @p3 s26;
	s23 =	smov.u32 @p3 s29  }
0xb8: {  	v1 =	vld.msk [tilespmem:s22+$0x0], $0x1;
	_ =	sdelay $0x4  }
0xb9: {  	(v2sf) =	vpush v1, $0x0;
	_ =	sdelay $0xd  }
0xba: {  	s17 =	smov.u32 s6  }
0xbb: {  	s6 =	smov.u32 s14;
	s14 =	smov.u32 s5;
	s30 =	spop (v2sf)  }
0xbc: {  	s5 =	smov.u32 s10;
	s0 =	smul.u32 $0x1C000, s24;
	p2 =	seq.s32 s28, s30  }
0xbd: {  	s2 =	smov.u32 s28;
	s25 =	ssub.s32 $0x0, s25;
	p3 =	sgt.s32 @!p2 s28, $0x0  }
0xbe: {  	s26 =	simm.s32 $0x0;
	s0 =	sshrl.u32 s0, $0x2;
	p3 =	por !p3, p2  }
0xbf: {  	s29 =	sadd.s32 $0x1, s25;
	s24 =	sor.u32 $0x106E8, s0;
	s2 =	simm.s32 @p3 $0x0  }
0xc0: {  	s0 =	simm.s32 @!p2 $0x1;
	p3 =	seq.s32 s29, $0x0;
	s2 =	smin.u32 @!p2 s2, $0x46470  }
.Ltmp14:
0xc1: {  	s9 =	simm.s32 @!p2 $0x7308;
	s8 =	sand.u32 @!p2 $0x7FFF8, s2;
	(pc) =	sbr.rel @p3 .LBB2_17-.Ltmp14, $4  }
0xc2: {  	s31 =	sadd.s32 @!p2 $0x80, s2;
	s10 =	sadd.s32 @!p2 s1, s8;
	s8 =	sand.u32 @!p2 $0x7, s2  }
0xc3: {  	[tilespmem:s9], [sflag:$0x2] =	stream.linear.gather @!p2 [hbm4b:s10+s8], $0x80, $0x38;
	[tilespmem:$0x1E668] =	vst v63  }
0xc4: {  	s0 =	smov.u32 @p2 s26;
	s9 =	sand.u32 @!p2 $0xFFFF8, s31  }
0xc5: {  	s2 =	simm.s32 @!p2 $0x7388;
	s31 =	sadd.s32 $0x1, s22;
	s9 =	sadd.s32 @!p2 s1, s9  }
.LBB2_16:
0xc6: {  	s10 =	smov.u32 s0  }
0xc7: {  	[tilespmem:s2], [sflag:$0x2] =	stream.linear.gather @!p2 [hbm4b:s9+s8], $0x80, $0x38;
	[tilespmem:$0x1E668] =	vst v63  }
0xc8: {  	s29 =	sadd.s32 $0x1, s29;
	s8 =	smov.u32 s30;
	v1 =	vld.msk [tilespmem:s31+$0x0], $0x1  }
0xc9: {  	p3 =	seq.s32 s29, $0x0;
	_ =	sdelay $0x3  }
0xca: {  	(v2sf) =	vpush v1, $0x0;
	_ =	sdelay $0xe  }
0xcb: {  	s30 =	spop (v2sf)  }
0xcc: {  	p2 =	seq.s32 s8, s30  }
0xcd: {  	p4 =	sgt.s32 @!p2 s8, $0x0;
	s2 =	sshll.u32 @!p2 s0, $0xA;
	s0 =	sadd.s32 @!p2 $0x1, s0  }
0xce: {  	p4 =	por !p4, p2;
	s2 =	sshra.s32 @!p2 s2, $0x2;
	s0 =	smov.u32 @p2 s10  }
0xcf: {  	s8 =	simm.s32 @p4 $0x0;
	s9 =	sadd.s32 @!p2 $0x7308, s2;
	s2 =	sadd.s32 @!p2 $0x7388, s2  }
.Ltmp15:
0xd0: {  	s8 =	smin.u32 @!p2 s8, $0x46470;
	(pc) =	sbr.rel @!p3 .LBB2_16-.Ltmp15, $4  }
0xd1: {  	s10 =	sand.u32 @!p2 $0x7FFF8, s8;
	s3 =	sadd.s32 @!p2 $0x80, s8  }
0xd2: {  	s8 =	sand.u32 @!p2 $0x7, s8;
	s10 =	sadd.s32 @!p2 s1, s10;
	s3 =	sand.u32 @!p2 $0xFFFF8, s3  }
0xd3: {  	[tilespmem:s9], [sflag:$0x2] =	stream.linear.gather @!p2 [hbm4b:s10+s8], $0x80, $0x38;
	[tilespmem:$0x1E668] =	vst v63  }
0xd4: {  	s31 =	sadd.s32 $0x1, s31;
	s9 =	sadd.s32 @!p2 s1, s3  }
.LBB2_17:
0xd5: {  	[tilespmem:s2], [sflag:$0x2] =	stream.linear.gather @!p2 [hbm4b:s9+s8], $0x80, $0x38;
	[tilespmem:$0x1E668] =	vst v63  }
.Ltmp16:
0xd6: {  	s0 =	sshll.u32 s0, $0x8;
	(pc) =	sbr.rel .LBB2_18-.Ltmp16, $4  }
0xd7: {  	s31 =	simm.s32 $0x2;
	s30 =	simm.s32 $0x0;
	s0 =	sand.u32 $0x3FFFFF00, s0  }
0xd8: {  	s10 =	smov.u32 s5;
	s5 =	smov.u32 s14;
	_ =	swait.ge [sflag:s31], s0  }
0xd9: {  	s14 =	smov.u32 s6;
	s0 =	ssub.s32 $0x0, s0;
	[sflag:s31] =	ssyncset.done $0x0  }
0xda: {  	s6 =	smov.u32 s17;
	s17 =	simm.s32 $0xA;
	[sflag:s31] =	ssyncadd.s32 s0  }
.LBB2_19:
0xdb: {  	v1 =	vld [tilespmem:s24+$0xFFFFFF80];
	_ =	sdelay $0x4  }
0xdc: {  	[tilespmem:s31+$0x208] =	vst.add.f32.msk $0xffff, v1  }
0xdd: {  	v1 =	vld [tilespmem:s24+$0xFFFFFF90];
	_ =	sdelay $0x4  }
0xde: {  	[tilespmem:s31+$0x218] =	vst.add.f32.msk $0xffff, v1  }
0xdf: {  	v1 =	vld [tilespmem:s24+$0xFFFFFFA0];
	_ =	sdelay $0x4  }
0xe0: {  	[tilespmem:s31+$0x228] =	vst.add.f32.msk $0xffff, v1  }
0xe1: {  	v1 =	vld [tilespmem:s24+$0xFFFFFFB0];
	_ =	sdelay $0x4  }
0xe2: {  	[tilespmem:s31+$0x238] =	vst.add.f32.msk $0xffff, v1  }
0xe3: {  	v1 =	vld [tilespmem:s24+$0xFFFFFFC0];
	_ =	sdelay $0x4  }
0xe4: {  	[tilespmem:s31+$0x248] =	vst.add.f32.msk $0xffff, v1  }
0xe5: {  	v1 =	vld [tilespmem:s24+$0xFFFFFFD0];
	_ =	sdelay $0x4  }
0xe6: {  	[tilespmem:s31+$0x258] =	vst.add.f32.msk $0xffff, v1  }
0xe7: {  	v1 =	vld [tilespmem:s24+$0xFFFFFFE0];
	_ =	sdelay $0x4  }
0xe8: {  	[tilespmem:s31+$0x268] =	vst.add.f32.msk $0xffff, v1  }
0xe9: {  	v1 =	vld [tilespmem:s24+$0xFFFFFFF0];
	_ =	sdelay $0x4  }
0xea: {  	[tilespmem:s31+$0x278] =	vst.add.f32.msk $0xffff, v1  }
0xeb: {  	v1 =	vld [tilespmem:s24+$0x0];
	_ =	sdelay $0x4  }
0xec: {  	[tilespmem:s31+$0x288] =	vst.add.f32.msk $0xffff, v1  }
0xed: {  	v1 =	vld [tilespmem:s24+$0x10];
	_ =	sdelay $0x4  }
0xee: {  	[tilespmem:s31+$0x298] =	vst.add.f32.msk $0xffff, v1  }
0xef: {  	v1 =	vld [tilespmem:s24+$0x20];
	_ =	sdelay $0x4  }
0xf0: {  	[tilespmem:s31+$0x2A8] =	vst.add.f32.msk $0xffff, v1  }
0xf1: {  	v1 =	vld [tilespmem:s24+$0x30];
	_ =	sdelay $0x4  }
0xf2: {  	[tilespmem:s31+$0x2B8] =	vst.add.f32.msk $0xffff, v1  }
0xf3: {  	v1 =	vld [tilespmem:s24+$0x40];
	_ =	sdelay $0x4  }
0xf4: {  	[tilespmem:s31+$0x2C8] =	vst.add.f32.msk $0xffff, v1  }
0xf5: {  	v1 =	vld [tilespmem:s24+$0x50];
	_ =	sdelay $0x4  }
0xf6: {  	[tilespmem:s31+$0x2D8] =	vst.add.f32.msk $0xffff, v1  }
0xf7: {  	v1 =	vld [tilespmem:s24+$0x60];
	_ =	sdelay $0x4  }
0xf8: {  	[tilespmem:s31+$0x2E8] =	vst.add.f32.msk $0xffff, v1  }
0xf9: {  	v1 =	vld [tilespmem:s24+$0x70];
	_ =	sdelay $0x4  }
0xfa: {  	[tilespmem:s31+$0x2F8] =	vst.add.f32.msk $0xffff, v1  }
.LBB2_23:
0xfb: {  	s25 =	sadd.s32 $0x1, s25  }
0xfc: {  	p2 =	seq.s32 s25, $0x0  }
.Ltmp17:
0xfd: {  	_ = 	snop;
	(pc) =	sbr.rel @p2 .LBB2_24-.Ltmp17, $2  }
0xfe: {  	_ =	sdelay $0x2  }
0xff: {  	s22 =	sadd.s32 $0x1, s22;
	s24 =	sadd.s32 $0x100, s24;
	s28 =	smov.u32 s29  }
.LBB2_18:
0x100: {  	v1 =	vld.msk [tilespmem:s22+$0x0], $0x1;
	_ =	sdelay $0x4  }
0x101: {  	(v2sf) =	vpush v1, $0x0;
	_ =	sdelay $0xe  }
0x102: {  	s29 =	spop (v2sf)  }
0x103: {  	p2 =	sne.s32 s28, s29  }
.Ltmp18:
0x104: {  	_ = 	snop;
	(pc) =	sbr.rel @!p2 .LBB2_19-.Ltmp18, $3  }
0x105: {  	_ =	sdelay $0x1  }
0x106: {  	s0 =	sshll.u32 s21, $0xA  }
0x107: {  	s31 =	sshra.s32 s0, $0x2  }
0x108: {  	p2 =	seq.s32 s28, s23  }
.Ltmp19:
0x109: {  	_ = 	snop;
	(pc) =	sbr.rel @!p2 .LBB2_21-.Ltmp19, $1  }
0x10a: {  	_ =	sdelay $0x3  }
.Ltmp20:
0x10b: {  	s0 =	sadd.s32 $0x208, s31;
	(pc) =	sbr.rel .LBB2_22-.Ltmp20, $4  }
0x10c: {  	[spmem:s13] =	stream.linear.scatter [tilespmem:s0], [sflag:$0x1], $0x100, $0x38;
	[tilespmem:$0x1E668] =	vst v63  }
0x10d: {  	_ =	swait.ge [sflag:s11], $0x100  }
0x10e: {  	[sflag:s11] =	ssyncset.done $0x0  }
0x10f: {  	[sflag:s11] =	ssyncadd.s32 $0xFFFFFF00  }
.LBB2_21:
0x110: {  	s0 =	sshll.u32 s26, $0xA  }
0x111: {  	s0 =	sshra.s32 s0, $0x2  }
0x112: {  	v1 =	vld [tilespmem:s0+$0x7308];
	_ =	sdelay $0x4  }
0x113: {  	[tilespmem:s31+$0x208] =	vst.add.f32.msk $0xffff, v1  }
0x114: {  	v1 =	vld [tilespmem:s0+$0x7318];
	_ =	sdelay $0x4  }
0x115: {  	[tilespmem:s31+$0x218] =	vst.add.f32.msk $0xffff, v1  }
0x116: {  	v1 =	vld [tilespmem:s0+$0x7328];
	_ =	sdelay $0x4  }
0x117: {  	[tilespmem:s31+$0x228] =	vst.add.f32.msk $0xffff, v1  }
0x118: {  	v1 =	vld [tilespmem:s0+$0x7338];
	_ =	sdelay $0x4  }
0x119: {  	[tilespmem:s31+$0x238] =	vst.add.f32.msk $0xffff, v1  }
0x11a: {  	v1 =	vld [tilespmem:s0+$0x7348];
	_ =	sdelay $0x4  }
0x11b: {  	[tilespmem:s31+$0x248] =	vst.add.f32.msk $0xffff, v1  }
0x11c: {  	v1 =	vld [tilespmem:s0+$0x7358];
	_ =	sdelay $0x4  }
0x11d: {  	[tilespmem:s31+$0x258] =	vst.add.f32.msk $0xffff, v1  }
0x11e: {  	v1 =	vld [tilespmem:s0+$0x7368];
	_ =	sdelay $0x4  }
0x11f: {  	[tilespmem:s31+$0x268] =	vst.add.f32.msk $0xffff, v1  }
0x120: {  	v1 =	vld [tilespmem:s0+$0x7378];
	_ =	sdelay $0x4  }
0x121: {  	[tilespmem:s31+$0x278] =	vst.add.f32.msk $0xffff, v1  }
0x122: {  	v1 =	vld [tilespmem:s0+$0x7388];
	_ =	sdelay $0x4  }
0x123: {  	[tilespmem:s31+$0x288] =	vst.add.f32.msk $0xffff, v1  }
0x124: {  	v1 =	vld [tilespmem:s0+$0x7398];
	_ =	sdelay $0x4  }
0x125: {  	[tilespmem:s31+$0x298] =	vst.add.f32.msk $0xffff, v1  }
0x126: {  	v1 =	vld [tilespmem:s0+$0x73A8];
	_ =	sdelay $0x4  }
0x127: {  	[tilespmem:s31+$0x2A8] =	vst.add.f32.msk $0xffff, v1  }
0x128: {  	v1 =	vld [tilespmem:s0+$0x73B8];
	_ =	sdelay $0x4  }
0x129: {  	[tilespmem:s31+$0x2B8] =	vst.add.f32.msk $0xffff, v1  }
0x12a: {  	v1 =	vld [tilespmem:s0+$0x73C8];
	_ =	sdelay $0x4  }
0x12b: {  	[tilespmem:s31+$0x2C8] =	vst.add.f32.msk $0xffff, v1  }
0x12c: {  	v1 =	vld [tilespmem:s0+$0x73D8];
	_ =	sdelay $0x4  }
0x12d: {  	[tilespmem:s31+$0x2D8] =	vst.add.f32.msk $0xffff, v1  }
0x12e: {  	v1 =	vld [tilespmem:s0+$0x73E8];
	_ =	sdelay $0x4  }
0x12f: {  	[tilespmem:s31+$0x2E8] =	vst.add.f32.msk $0xffff, v1  }
0x130: {  	v1 =	vld [tilespmem:s0+$0x73F8];
	_ =	sdelay $0x2  }
0x131: {  	p2 =	sgt.u32 s28, $0x46470  }
0x132: {  	s0 =	sand.u32 @!p2 $0x7FFF8, s28  }
0x133: {  	s2 =	sadd.s32 $0x208, s31;
	s3 =	sand.u32 @!p2 $0x7, s28;
	s0 =	sadd.s32 @!p2 s1, s0;
	[tilespmem:s31+$0x2F8] =	vst.add.f32.msk $0xffff, v1  }
0x134: {  	[hbm4b:s0+s3] =	stream.linear.scatter @!p2 [tilespmem:s2], [sflag:$0xA], $0x80, $0x38;
	[tilespmem:$0x1E668] =	vst v63  }
0x135: {  	s0 =	sadd.s32 @!p2 $0x80, s28  }
0x136: {  	s0 =	sand.u32 @!p2 $0xFFFF8, s0  }
0x137: {  	s2 =	sadd.s32 $0x288, s31;
	s0 =	sadd.s32 @!p2 s1, s0  }
0x138: {  	[hbm4b:s0+s3] =	stream.linear.scatter @!p2 [tilespmem:s2], [sflag:$0xA], $0x80, $0x38;
	[tilespmem:$0x1E668] =	vst v63  }
0x139: {  	s0 =	simm.s32 $0x0  }
0x13a: {  	s0 =	simm.s32 @!p2 $0x400  }
0x13b: {  	s30 =	sadd.s32 s0, s30  }
.LBB2_22:
0x13c: {  	s0 =	sadd.s32 $0x1, s21  }
0x13d: {  	s2 =	sshrl.u32 s0, $0x4  }
0x13e: {  	s2 =	smulhi.u32 $0x24924925, s2  }
0x13f: {  	v1 =	vld [tilespmem:s24+$0xFFFFFF80]  }
0x140: {  	s2 =	smul.u32 $0x70, s2;
	_ =	sdelay $0x1  }
0x141: {  	s21 =	ssub.s32 s0, s2  }
0x142: {  	s0 =	sshll.u32 s21, $0x8  }
0x143: {  	[tilespmem:s0+$0x208] =	vst v1  }
0x144: {  	v1 =	vld [tilespmem:s24+$0xFFFFFF90];
	_ =	sdelay $0x4  }
0x145: {  	[tilespmem:s0+$0x218] =	vst v1  }
0x146: {  	v1 =	vld [tilespmem:s24+$0xFFFFFFA0];
	_ =	sdelay $0x4  }
0x147: {  	[tilespmem:s0+$0x228] =	vst v1  }
0x148: {  	v1 =	vld [tilespmem:s24+$0xFFFFFFB0];
	_ =	sdelay $0x4  }
0x149: {  	[tilespmem:s0+$0x238] =	vst v1  }
0x14a: {  	v1 =	vld [tilespmem:s24+$0xFFFFFFC0];
	_ =	sdelay $0x4  }
0x14b: {  	[tilespmem:s0+$0x248] =	vst v1  }
0x14c: {  	v1 =	vld [tilespmem:s24+$0xFFFFFFD0];
	_ =	sdelay $0x4  }
0x14d: {  	[tilespmem:s0+$0x258] =	vst v1  }
0x14e: {  	v1 =	vld [tilespmem:s24+$0xFFFFFFE0];
	_ =	sdelay $0x4  }
0x14f: {  	[tilespmem:s0+$0x268] =	vst v1  }
0x150: {  	v1 =	vld [tilespmem:s24+$0xFFFFFFF0];
	_ =	sdelay $0x4  }
0x151: {  	[tilespmem:s0+$0x278] =	vst v1  }
0x152: {  	v1 =	vld [tilespmem:s24+$0x0];
	_ =	sdelay $0x4  }
0x153: {  	[tilespmem:s0+$0x288] =	vst v1  }
0x154: {  	v1 =	vld [tilespmem:s24+$0x10];
	_ =	sdelay $0x4  }
0x155: {  	[tilespmem:s0+$0x298] =	vst v1  }
0x156: {  	v1 =	vld [tilespmem:s24+$0x20];
	_ =	sdelay $0x4  }
0x157: {  	[tilespmem:s0+$0x2A8] =	vst v1  }
0x158: {  	v1 =	vld [tilespmem:s24+$0x30];
	_ =	sdelay $0x4  }
0x159: {  	[tilespmem:s0+$0x2B8] =	vst v1  }
0x15a: {  	v1 =	vld [tilespmem:s24+$0x40];
	_ =	sdelay $0x4  }
0x15b: {  	[tilespmem:s0+$0x2C8] =	vst v1  }
0x15c: {  	v1 =	vld [tilespmem:s24+$0x50];
	_ =	sdelay $0x4  }
0x15d: {  	[tilespmem:s0+$0x2D8] =	vst v1  }
0x15e: {  	v1 =	vld [tilespmem:s24+$0x60];
	_ =	sdelay $0x4  }
0x15f: {  	[tilespmem:s0+$0x2E8] =	vst v1  }
0x160: {  	v1 =	vld [tilespmem:s24+$0x70]  }
.Ltmp21:
0x161: {  	_ = 	snop;
	(pc) =	sbr.rel .LBB2_23-.Ltmp21, $2  }
0x162: {  	_ =	sdelay $0x2  }
0x163: {  	s26 =	sadd.s32 $0x1, s26;
	[tilespmem:s0+$0x2F8] =	vst v1  }
.LBB2_25:
.Ltmp22:
0x164: {  	(pc) =	sbr.rel .LBB2_26-.Ltmp22, $4  }
0x165: {  	_ = 	snop  }
0x166: {  	s0 =	simm.s32 $0x2  }
0x167: {  	_ =	swait.ge [sflag:s0], $0x0  }
0x168: {  	s29 =	smov.u32 s28;
	[sflag:s0] =	ssyncset.done $0x0;
	s0 =	simm.s32 $0x0  }
.LBB2_28:
0x169: {  	_ =	sfence.sel $0x180000  }
0x16a: {  	s0 =	simm.s32 $0x7;
	[bflag:$0x0] =	sbarrier.arrive $0xFFFF  }
0x16b: {  	s25 =	simm.s32 $0x8;
	[sflag:s0] =	ssyncpa.u1 $0x1  }
0x16c: {  	s26 =	simm.s32 $0x9;
	[sflag:s25] =	ssyncpa.u1 $0x1  }
0x16d: {  	s28 =	simm.s32 $0x2;
	[sflag:s26] =	ssyncpa.u1 $0x1  }
0x16e: {  	[sflag:s28] =	ssyncpa.u1 $0x1  }
0x16f: {  	v0 =	vld [tilespmem:$0xE408];
	_ =	sdelay $0x4  }
0x170: {  	(v2sf) =	vpush v0, $0x0  }
0x171: {  	(v2sf) =	vpush v0, $0x1;
	_ =	sdelay $0x1  }
0x172: {  	(v2sf) =	vpush v0, $0x2;
	_ =	sdelay $0xb  }
0x173: {  	s0 =	spop (v2sf)  }
0x174: {  	s2 =	spop (v2sf)  }
0x175: {  	s3 =	smov.u32 s0;
	p0 =	sne.s32 s0, s2  }
0x176: {  	s4 =	spop (v2sf);
	s3 =	simm.s32 @!p0 $0xFFFFFFFF  }
0x177: {  	v2 =	vimm.s32 $0x1;
	v3 =	vlaneseq.u32;
	p0 =	seq.s32 s4, $0xFFFFFFFF;
	v1 =	vmov s3  }
0x178: {  	s7 =	stileid.u32;
	v0 =	vperm.xlane v0, v2;
	p1 =	sne.s32 @!p0 s0, s2;
	v1 =	vperm.xlane v1, v3  }
0x179: {  	vm0 =	vcmask $0x3F04;
	s6 =	simm.s32 $0xE408;
	s0 =	simm.s32 @!p0 $0x1;
	p1 =	por !p1, p0  }
0x17a: {  	s3 =	sshll.u32 s7, $0x1;
	s2 =	sshll.u32 @!p0 s4, $0xA;
	s0 =	simm.s32 @p1 $0x0;
	v0 =	vsel vm0, v1, v0  }
0x17b: {  	s5 =	sor.u32 $0x2000, s3;
	s2 =	sshra.s32 @!p0 s2, $0x2;
	s0 =	sor.u32 @!p0 s0, s3;
	[tilespmem:$0xE408] =	vst v0  }
0x17c: {  	[spmem:s5] =	stream.linear.scatter [tilespmem:s6], [sflag:$0x1], $0x2, $0x38;
	[tilespmem:$0x1E668] =	vst v63  }
0x17d: {  	s2 =	sadd.s32 @!p0 $0x208, s2;
	s0 =	sshll.u32 @!p0 s0, $0x8  }
0x17e: {  	[spmem:s0] =	stream.linear.scatter @!p0 [tilespmem:s2], [sflag:$0x1], $0x100, $0x38;
	[tilespmem:$0x1E668] =	vst v63  }
0x17f: {  	s2 =	simm.s32 @!p0 $0x102  }
0x180: {  	s0 =	simm.s32 $0x1;
	s2 =	simm.s32 @p0 $0x2  }
0x181: {  	_ =	swait.ge [sflag:s0], s2  }
0x182: {  	s2 =	ssub.s32 $0x0, s2;
	[sflag:s0] =	ssyncset.done $0x0  }
0x183: {  	[sflag:s0] =	ssyncadd.s32 s2  }
0x184: {  	_ =	sfence.stream.spmem  }
0x185: {  	s29 =	simm.s32 $0x3;
	[bflag:$0x0] =	sbarrier.arrive $0xFFFF  }
0x186: {  	s30 =	simm.s32 $0x4;
	[sflag:s29] =	ssyncpa.u1 $0x1  }
0x187: {  	s31 =	simm.s32 $0x3C;
	[sflag:s30] =	ssyncpa.u1 $0x1  }
0x188: {  	p0 =	sne.s32 s7, $0x0;
	[sflag:s31] =	ssyncpa.u1 $0x1  }
0x189: {  	_ =	sfence @p0  }
0x18a: {  	[sflag:s0] =	ssyncpa.u1 @p0 $0x1  }
0x18b: {  	_ =	strace @p0 $0x90000056  }
0x18c: {  	[bflag:$0x2] =	sbarrier.arrive @p0 $0xFFFF  }
0x18d: {  	_ =	shalt @p0  }
.LBB2_29:
0x18e: {  	_ =	sfence.stream.spmem;
	s0 =	simm.s32 $0x5  }
0x18f: {  	s2 =	simm.s32 $0x2000;
	s3 =	simm.s32 $0xE418;
	[sflag:s0] =	ssyncpa.u1 $0x0  }
0x190: {  	[tilespmem:s3], [sflag:$0x5] =	stream.linear.gather [spmem:s2], $0x20, $0x38;
	[tilespmem:$0x1E668] =	vst v63  }
0x191: {  	s30 =	simm.s32 $0xE438;
	s2 =	simm.s32 $0x0  }
0x192: {  	[tilespmem:s30], [sflag:$0x5] =	stream.linear.gather [spmem:s2], $0x2000, $0x38;
	[tilespmem:$0x1E668] =	vst v63  }
.Ltmp23:
0x193: {  	_ = 	snop;
	(pc) =	sbr.rel .LBB2_30-.Ltmp23, $4  }
0x194: {  	_ =	swait.ge [sflag:s0], $0x2020  }
0x195: {  	[sflag:s0] =	ssyncset.done $0x0  }
0x196: {  	s31 =	simm.s32 $0x6;
	[sflag:s0] =	ssyncadd.s32 $0xFFFFDFE0  }
0x197: {  	s3 =	simm.s32 $0x0;
	[sflag:s31] =	ssyncpa.u1 $0x0  }
.LBB2_36:
0x198: {  	p0 =	slt.u32 s4, $0x46471  }
0x199: {  	s0 =	sand.u32 @p0 $0x7FFF8, s4  }
0x19a: {  	s5 =	sand.u32 @p0 $0x7, s4;
	s6 =	simm.s32 @p0 $0xE308;
	s0 =	sadd.s32 @p0 s1, s0  }
0x19b: {  	[tilespmem:s6], [sflag:$0x6] =	stream.linear.gather @p0 [hbm4b:s0+s5], $0x80, $0x38;
	[tilespmem:$0x1E668] =	vst v63  }
0x19c: {  	s0 =	sadd.s32 @p0 $0x80, s4  }
0x19d: {  	s0 =	sand.u32 @p0 $0xFFFF8, s0  }
0x19e: {  	s4 =	simm.s32 @p0 $0xE388;
	s0 =	sadd.s32 @p0 s1, s0  }
0x19f: {  	[tilespmem:s4], [sflag:$0x6] =	stream.linear.gather @p0 [hbm4b:s0+s5], $0x80, $0x38;
	[tilespmem:$0x1E668] =	vst v63  }
0x1a0: {  	s0 =	simm.s32 @p0 $0x6  }
0x1a1: {  	_ =	swait.ge @p0 [sflag:s0], $0x100  }
0x1a2: {  	[sflag:s0] =	ssyncset.done @p0 $0x0  }
0x1a3: {  	[sflag:s0] =	ssyncadd.s32 @p0 $0xFFFFFF00  }
0x1a4: {  	v1 =	vld @p0 [tilespmem:$0xE308];
	_ =	sdelay $0x2  }
0x1a5: {  	s0 =	sshll.u32 @p0 s3, $0xA  }
0x1a6: {  	s4 =	sshrl.u32 @p0 s0, $0x2  }
0x1a7: {  	[tilespmem:s4+$0xE438] =	vst.add.f32.msk @p0 $0xffff, v1  }
0x1a8: {  	v1 =	vld @p0 [tilespmem:$0xE318];
	_ =	sdelay $0x4  }
0x1a9: {  	[tilespmem:s4+$0xE448] =	vst.add.f32.msk @p0 $0xffff, v1  }
0x1aa: {  	v1 =	vld @p0 [tilespmem:$0xE328];
	_ =	sdelay $0x4  }
0x1ab: {  	[tilespmem:s4+$0xE458] =	vst.add.f32.msk @p0 $0xffff, v1  }
0x1ac: {  	v1 =	vld @p0 [tilespmem:$0xE338];
	_ =	sdelay $0x4  }
0x1ad: {  	[tilespmem:s4+$0xE468] =	vst.add.f32.msk @p0 $0xffff, v1  }
0x1ae: {  	v1 =	vld @p0 [tilespmem:$0xE348];
	_ =	sdelay $0x4  }
0x1af: {  	[tilespmem:s4+$0xE478] =	vst.add.f32.msk @p0 $0xffff, v1  }
0x1b0: {  	v1 =	vld @p0 [tilespmem:$0xE358];
	_ =	sdelay $0x4  }
0x1b1: {  	[tilespmem:s4+$0xE488] =	vst.add.f32.msk @p0 $0xffff, v1  }
0x1b2: {  	v1 =	vld @p0 [tilespmem:$0xE368];
	_ =	sdelay $0x4  }
0x1b3: {  	[tilespmem:s4+$0xE498] =	vst.add.f32.msk @p0 $0xffff, v1  }
0x1b4: {  	v1 =	vld @p0 [tilespmem:$0xE378];
	_ =	sdelay $0x4  }
0x1b5: {  	[tilespmem:s4+$0xE4A8] =	vst.add.f32.msk @p0 $0xffff, v1  }
0x1b6: {  	v1 =	vld @p0 [tilespmem:$0xE388];
	_ =	sdelay $0x4  }
0x1b7: {  	[tilespmem:s4+$0xE4B8] =	vst.add.f32.msk @p0 $0xffff, v1  }
0x1b8: {  	v1 =	vld @p0 [tilespmem:$0xE398];
	_ =	sdelay $0x4  }
0x1b9: {  	[tilespmem:s4+$0xE4C8] =	vst.add.f32.msk @p0 $0xffff, v1  }
0x1ba: {  	v1 =	vld @p0 [tilespmem:$0xE3A8];
	_ =	sdelay $0x4  }
0x1bb: {  	[tilespmem:s4+$0xE4D8] =	vst.add.f32.msk @p0 $0xffff, v1  }
0x1bc: {  	v1 =	vld @p0 [tilespmem:$0xE3B8];
	_ =	sdelay $0x4  }
0x1bd: {  	[tilespmem:s4+$0xE4E8] =	vst.add.f32.msk @p0 $0xffff, v1  }
0x1be: {  	v1 =	vld @p0 [tilespmem:$0xE3C8];
	_ =	sdelay $0x4  }
0x1bf: {  	[tilespmem:s4+$0xE4F8] =	vst.add.f32.msk @p0 $0xffff, v1  }
0x1c0: {  	v1 =	vld @p0 [tilespmem:$0xE3D8];
	_ =	sdelay $0x4  }
0x1c1: {  	[tilespmem:s4+$0xE508] =	vst.add.f32.msk @p0 $0xffff, v1  }
0x1c2: {  	v1 =	vld @p0 [tilespmem:$0xE3E8];
	_ =	sdelay $0x4  }
0x1c3: {  	[tilespmem:s4+$0xE518] =	vst.add.f32.msk @p0 $0xffff, v1  }
0x1c4: {  	v1 =	vld @p0 [tilespmem:$0xE3F8];
	_ =	sdelay $0x3  }
0x1c5: {  	s5 =	sshll.u32 @!p0 s3, $0xA  }
0x1c6: {  	s5 =	smov.u32 @p0 s0;
	[tilespmem:s4+$0xE528] =	vst.add.f32.msk @p0 $0xffff, v1  }
0x1c7: {  	s0 =	sshrl.u32 s5, $0x2;
	[tilespmem:s2+$0xE418] =	vst.msk $0x1, v0  }
0x1c8: {  	v0 =	vld [tilespmem:s0+$0xE438];
	_ =	sdelay $0x2  }
0x1c9: {  	s31 =	sshll.u32 s2, $0xA  }
0x1ca: {  	s4 =	sshra.s32 s31, $0x2  }
0x1cb: {  	[tilespmem:s4+$0xE438] =	vst v0  }
0x1cc: {  	v0 =	vld [tilespmem:s0+$0xE448];
	_ =	sdelay $0x4  }
0x1cd: {  	[tilespmem:s4+$0xE448] =	vst v0  }
0x1ce: {  	v0 =	vld [tilespmem:s0+$0xE458];
	_ =	sdelay $0x4  }
0x1cf: {  	[tilespmem:s4+$0xE458] =	vst v0  }
0x1d0: {  	v0 =	vld [tilespmem:s0+$0xE468];
	_ =	sdelay $0x4  }
0x1d1: {  	[tilespmem:s4+$0xE468] =	vst v0  }
0x1d2: {  	v0 =	vld [tilespmem:s0+$0xE478];
	_ =	sdelay $0x4  }
0x1d3: {  	[tilespmem:s4+$0xE478] =	vst v0  }
0x1d4: {  	v0 =	vld [tilespmem:s0+$0xE488];
	_ =	sdelay $0x4  }
0x1d5: {  	[tilespmem:s4+$0xE488] =	vst v0  }
0x1d6: {  	v0 =	vld [tilespmem:s0+$0xE498];
	_ =	sdelay $0x4  }
0x1d7: {  	[tilespmem:s4+$0xE498] =	vst v0  }
0x1d8: {  	v0 =	vld [tilespmem:s0+$0xE4A8];
	_ =	sdelay $0x4  }
0x1d9: {  	[tilespmem:s4+$0xE4A8] =	vst v0  }
0x1da: {  	v0 =	vld [tilespmem:s0+$0xE4B8];
	_ =	sdelay $0x4  }
0x1db: {  	[tilespmem:s4+$0xE4B8] =	vst v0  }
0x1dc: {  	v0 =	vld [tilespmem:s0+$0xE4C8];
	_ =	sdelay $0x4  }
0x1dd: {  	[tilespmem:s4+$0xE4C8] =	vst v0  }
0x1de: {  	v0 =	vld [tilespmem:s0+$0xE4D8];
	_ =	sdelay $0x4  }
0x1df: {  	[tilespmem:s4+$0xE4D8] =	vst v0  }
0x1e0: {  	v0 =	vld [tilespmem:s0+$0xE4E8];
	_ =	sdelay $0x4  }
0x1e1: {  	[tilespmem:s4+$0xE4E8] =	vst v0  }
0x1e2: {  	v0 =	vld [tilespmem:s0+$0xE4F8];
	_ =	sdelay $0x4  }
0x1e3: {  	[tilespmem:s4+$0xE4F8] =	vst v0  }
0x1e4: {  	v0 =	vld [tilespmem:s0+$0xE508];
	_ =	sdelay $0x4  }
0x1e5: {  	[tilespmem:s4+$0xE508] =	vst v0  }
0x1e6: {  	v0 =	vld [tilespmem:s0+$0xE518];
	_ =	sdelay $0x4  }
0x1e7: {  	[tilespmem:s4+$0xE518] =	vst v0  }
0x1e8: {  	v0 =	vld [tilespmem:s0+$0xE528];
	_ =	sdelay $0x4  }
0x1e9: {  	s2 =	sadd.s32 $0x1, s2;
	[tilespmem:s4+$0xE528] =	vst v0  }
.LBB2_37:
0x1ea: {  	s3 =	sadd.s32 $0x1, s3  }
0x1eb: {  	p0 =	sne.s32 s3, $0x20  }
.Ltmp24:
0x1ec: {  	_ = 	snop;
	(pc) =	sbr.rel @!p0 .LBB2_38-.Ltmp24, $1  }
0x1ed: {  	_ =	sdelay $0x3  }
.LBB2_30:
0x1ee: {  	v0 =	vld.msk [tilespmem:s3+$0xE418], $0x1;
	_ =	sdelay $0x4  }
0x1ef: {  	(v2sf) =	vpush v0, $0x0;
	_ =	sdelay $0xe  }
0x1f0: {  	s4 =	spop (v2sf)  }
0x1f1: {  	p0 =	seq.s32 s4, $0xFFFFFFFF  }
.Ltmp25:
0x1f2: {  	_ = 	snop;
	(pc) =	sbr.rel @p0 .LBB2_37-.Ltmp25, $1  }
0x1f3: {  	_ =	sdelay $0x3  }
0x1f4: {  	p0 =	slt.s32 s2, $0x1  }
.Ltmp26:
0x1f5: {  	_ = 	snop;
	(pc) =	sbr.rel @p0 .LBB2_36-.Ltmp26, $1  }
0x1f6: {  	_ =	sdelay $0x3  }
0x1f7: {  	s5 =	simm.s32 $0xE418;
	p0 =	por $0x0, $0x0  }
0x1f8: {  	v1 =	vld.msk @!p0 [tilespmem:s5+$0x0], $0x1;
	_ =	sdelay $0x4  }
0x1f9: {  	(v2sf) =	vpush @!p0 v1, $0x0;
	_ =	sdelay $0xd  }
0x1fa: {  	p2 =	sne.s32 s2, $0x1  }
.Ltmp27:
0x1fb: {  	s0 =	spop @!p0 (v2sf);
	(pc) =	sbr.rel @!p2 .LBB2_34-.Ltmp27, $4  }
0x1fc: {  	p1 =	seq.s32 @!p0 s4, s0  }
0x1fd: {  	s6 =	simm.s32 $0x0;
	p1 =	por !p1, p0  }
0x1fe: {  	s0 =	simm.s32 $0xFFFFFFFF;
	s6 =	simm.s32 @p1 $0xFFFFFFFF  }
0x1ff: {  	s7 =	simm.s32 $0x1;
	s6 =	smov.u32 @p0 s0  }
.LBB2_33:
0x200: {  	s0 =	smov.u32 s6;
	p0 =	sne.s32 s6, $0xFFFFFFFF  }
0x201: {  	s5 =	sadd.s32 $0x1, s5;
	s6 =	smov.u32 s7;
	s7 =	sadd.s32 $0x1, s7  }
0x202: {  	p1 =	sne.s32 s2, s7;
	v1 =	vld.msk @!p0 [tilespmem:s5+$0x0], $0x1;
	_ =	sdelay $0x4  }
0x203: {  	(v2sf) =	vpush @!p0 v1, $0x0;
	_ =	sdelay $0xe  }
.Ltmp28:
0x204: {  	s8 =	spop @!p0 (v2sf);
	(pc) =	sbr.rel @p1 .LBB2_33-.Ltmp28, $4  }
0x205: {  	p2 =	seq.s32 @!p0 s4, s8  }
0x206: {  	p2 =	por !p2, p0  }
0x207: {  	s6 =	simm.s32 @p2 $0xFFFFFFFF  }
0x208: {  	s6 =	smov.u32 @p0 s0  }
.LBB2_34:
0x209: {  	p0 =	seq.s32 s6, $0xFFFFFFFF  }
.Ltmp29:
0x20a: {  	_ = 	snop;
	(pc) =	sbr.rel @p0 .LBB2_36-.Ltmp29, $1  }
0x20b: {  	_ =	sdelay $0x3  }
0x20c: {  	s0 =	sshll.u32 s3, $0x8  }
0x20d: {  	s0 =	sand.u32 $0x3FFFFF00, s0  }
0x20e: {  	v0 =	vld [tilespmem:s0+$0xE438];
	_ =	sdelay $0x2  }
0x20f: {  	s4 =	sshll.u32 s6, $0xA  }
0x210: {  	s4 =	sshra.s32 s4, $0x2  }
0x211: {  	[tilespmem:s4+$0xE438] =	vst.add.f32.msk $0xffff, v0  }
0x212: {  	v0 =	vld [tilespmem:s0+$0xE448];
	_ =	sdelay $0x4  }
0x213: {  	[tilespmem:s4+$0xE448] =	vst.add.f32.msk $0xffff, v0  }
0x214: {  	v0 =	vld [tilespmem:s0+$0xE458];
	_ =	sdelay $0x4  }
0x215: {  	[tilespmem:s4+$0xE458] =	vst.add.f32.msk $0xffff, v0  }
0x216: {  	v0 =	vld [tilespmem:s0+$0xE468];
	_ =	sdelay $0x4  }
0x217: {  	[tilespmem:s4+$0xE468] =	vst.add.f32.msk $0xffff, v0  }
0x218: {  	v0 =	vld [tilespmem:s0+$0xE478];
	_ =	sdelay $0x4  }
0x219: {  	[tilespmem:s4+$0xE478] =	vst.add.f32.msk $0xffff, v0  }
0x21a: {  	v0 =	vld [tilespmem:s0+$0xE488];
	_ =	sdelay $0x4  }
0x21b: {  	[tilespmem:s4+$0xE488] =	vst.add.f32.msk $0xffff, v0  }
0x21c: {  	v0 =	vld [tilespmem:s0+$0xE498];
	_ =	sdelay $0x4  }
0x21d: {  	[tilespmem:s4+$0xE498] =	vst.add.f32.msk $0xffff, v0  }
0x21e: {  	v0 =	vld [tilespmem:s0+$0xE4A8];
	_ =	sdelay $0x4  }
0x21f: {  	[tilespmem:s4+$0xE4A8] =	vst.add.f32.msk $0xffff, v0  }
0x220: {  	v0 =	vld [tilespmem:s0+$0xE4B8];
	_ =	sdelay $0x4  }
0x221: {  	[tilespmem:s4+$0xE4B8] =	vst.add.f32.msk $0xffff, v0  }
0x222: {  	v0 =	vld [tilespmem:s0+$0xE4C8];
	_ =	sdelay $0x4  }
0x223: {  	[tilespmem:s4+$0xE4C8] =	vst.add.f32.msk $0xffff, v0  }
0x224: {  	v0 =	vld [tilespmem:s0+$0xE4D8];
	_ =	sdelay $0x4  }
0x225: {  	[tilespmem:s4+$0xE4D8] =	vst.add.f32.msk $0xffff, v0  }
0x226: {  	v0 =	vld [tilespmem:s0+$0xE4E8];
	_ =	sdelay $0x4  }
0x227: {  	[tilespmem:s4+$0xE4E8] =	vst.add.f32.msk $0xffff, v0  }
0x228: {  	v0 =	vld [tilespmem:s0+$0xE4F8];
	_ =	sdelay $0x4  }
0x229: {  	[tilespmem:s4+$0xE4F8] =	vst.add.f32.msk $0xffff, v0  }
0x22a: {  	v0 =	vld [tilespmem:s0+$0xE508];
	_ =	sdelay $0x4  }
0x22b: {  	[tilespmem:s4+$0xE508] =	vst.add.f32.msk $0xffff, v0  }
0x22c: {  	v0 =	vld [tilespmem:s0+$0xE518];
	_ =	sdelay $0x4  }
0x22d: {  	[tilespmem:s4+$0xE518] =	vst.add.f32.msk $0xffff, v0  }
0x22e: {  	v0 =	vld [tilespmem:s0+$0xE528]  }
.Ltmp30:
0x22f: {  	_ = 	snop;
	(pc) =	sbr.rel .LBB2_37-.Ltmp30, $2  }
0x230: {  	_ =	sdelay $0x2  }
0x231: {  	[tilespmem:s4+$0xE528] =	vst.add.f32.msk $0xffff, v0  }
.LBB2_38:
0x232: {  	p0 =	slt.s32 s2, $0x1  }
.Ltmp31:
0x233: {  	_ = 	snop;
	(pc) =	sbr.rel @p0 .LBB2_42-.Ltmp31, $3  }
0x234: {  	_ =	sdelay $0x1  }
0x235: {  	s0 =	simm.s32 $0x6  }
0x236: {  	[sflag:s0] =	ssyncpa.u1 $0x1;
	s0 =	simm.s32 $0x0  }
0x237: {  	s3 =	simm.s32 $0xE418  }
0x238: {  	v0 =	vld.msk [tilespmem:s3+$0x0], $0x1;
	_ =	sdelay $0x4  }
0x239: {  	(v2sf) =	vpush v0, $0x0;
	_ =	sdelay $0xe  }
0x23a: {  	s2 =	sadd.s32 $0xFFFFFFFF, s2;
	s4 =	spop (v2sf)  }
0x23b: {  	s5 =	simm.s32 $0xE438;
	p0 =	sne.s32 s2, $0x0;
	p1 =	sgt.u32 s4, $0x46470  }
.Ltmp32:
0x23c: {  	s3 =	simm.s32 $0xE538;
	s6 =	sand.u32 @!p1 $0x7FFF8, s4;
	(pc) =	sbr.rel @!p0 .LBB2_41-.Ltmp32, $4  }
0x23d: {  	s7 =	sadd.s32 @!p1 $0x80, s4;
	s8 =	sadd.s32 @!p1 s1, s6;
	s6 =	sand.u32 @!p1 $0x7, s4  }
0x23e: {  	[hbm4b:s8+s6] =	stream.linear.scatter @!p1 [tilespmem:s5], [sflag:$0x5], $0x80, $0x38;
	[tilespmem:$0x1E668] =	vst v63  }
0x23f: {  	s0 =	simm.s32 @!p1 $0x400;
	s4 =	simm.s32 $0xE419;
	s5 =	sand.u32 @!p1 $0xFFFF8, s7  }
0x240: {  	s7 =	simm.s32 @!p1 $0xE4B8;
	s8 =	sadd.s32 @!p1 s1, s5;
	s5 =	sadd.s32 $0x0, s0  }
.LBB2_40:
0x241: {  	[hbm4b:s8+s6] =	stream.linear.scatter @!p1 [tilespmem:s7], [sflag:$0x5], $0x80, $0x38;
	[tilespmem:$0x1E668] =	vst v63  }
0x242: {  	s2 =	sadd.s32 $0xFFFFFFFF, s2;
	s0 =	smov.u32 s3;
	v0 =	vld.msk [tilespmem:s4+$0x0], $0x1  }
0x243: {  	p0 =	sne.s32 s2, $0x0;
	_ =	sdelay $0x3  }
0x244: {  	(v2sf) =	vpush v0, $0x0;
	_ =	sdelay $0xe  }
0x245: {  	s3 =	sadd.s32 $0x100, s3;
	s9 =	simm.s32 $0x0;
	s6 =	spop (v2sf)  }
.Ltmp33:
0x246: {  	s4 =	sadd.s32 $0x1, s4;
	p1 =	sgt.u32 s6, $0x46470;
	(pc) =	sbr.rel @p0 .LBB2_40-.Ltmp33, $4  }
0x247: {  	s9 =	simm.s32 @!p1 $0x400;
	s7 =	sand.u32 @!p1 $0x7FFF8, s6;
	s8 =	sadd.s32 @!p1 $0x80, s6  }
0x248: {  	s6 =	sand.u32 @!p1 $0x7, s6;
	s7 =	sadd.s32 @!p1 s1, s7;
	s8 =	sand.u32 @!p1 $0xFFFF8, s8  }
0x249: {  	[hbm4b:s7+s6] =	stream.linear.scatter @!p1 [tilespmem:s0], [sflag:$0x5], $0x80, $0x38;
	[tilespmem:$0x1E668] =	vst v63  }
0x24a: {  	s5 =	sadd.s32 s5, s9;
	s7 =	sadd.s32 @!p1 $0x80, s0;
	s8 =	sadd.s32 @!p1 s1, s8  }
.LBB2_41:
0x24b: {  	[hbm4b:s8+s6] =	stream.linear.scatter @!p1 [tilespmem:s7], [sflag:$0x5], $0x80, $0x38;
	[tilespmem:$0x1E668] =	vst v63  }
0x24c: {  	s0 =	sshrl.u32 s5, $0x2  }
.LBB2_42:
0x24d: {  	s1 =	simm.s32 $0x5  }
0x24e: {  	_ =	swait.ge [sflag:s1], s0  }
0x24f: {  	s29 =	ssub.s32 $0x0, s0;
	[sflag:s1] =	ssyncset.done $0x0  }
0x250: {  	[sflag:s1] =	ssyncadd.s32 s29  }
0x251: {  	[sflag:s1] =	ssyncpa.u1 $0x1  }
0x252: {  	s30 =	simm.s32 $0x1;
	_ =	sfence  }
0x253: {  	[sflag:s30] =	ssyncpa.u1 $0x1  }
0x254: {  	_ =	strace $0x90000056  }
0x255: {  	[bflag:$0x2] =	sbarrier.arrive $0xFFFF  }
0x256: {  	s31 =	rddreg [dreg:$0x1]  }
0x257: {  	s0 =	sadd.s32 $0x100000, s31  }
0x258: {  	[sflag:s0] =	ssyncadd.tile.s32 $0x1;
	_ =	shalt  }
.Lfunc_end2:
_tile_overlayer_lowered:
.L_overlay_start_2:
0x259: {  	(tag) =	ssettag $0x2  }
0x25a: {  	s0 =	rddreg [dreg:$0x0];
	s2 =	stileid.u32  }
0x25b: {  	s1 =	rddreg [dreg:$0x1];
	p0 =	sne.s32 s2, $0x0  }
0x25c: {  	s3 =	rddreg [dreg:$0x2];
	[bflag:$0x3] =	sbarrier.arrive $0xFFFF;
	s2 =	simm.s32 @!p0 $0x1C01  }
0x25d: {  	[timem:s3], [sflag:s2] =	dma.local @!p0 [hbm:s0], s1  }
0x25e: {  	s0 =	simm.s32 @!p0 $0x1  }
0x25f: {  	_ =	swait.ge @!p0 [sflag:s0], s1  }
0x260: {  	s1 =	ssub.s32 @!p0 $0x0, s1;
	[sflag:s0] =	ssyncset.done @!p0 $0x0  }
0x261: {  	[sflag:s0] =	ssyncadd.s32 @!p0 s1  }
0x262: {  	[bflag:$0x3] =	sbarrier.arrive $0xFFFF  }
0x263: {  	_ =	shalt  }

// kernel: scatter_offload_async_start.5
scs
__scs_entry_jumppad:
0x0: {  	(pc) =	sbr.rel $0x88, $3  }
0x1: {  	(tag) =	ssettag $0x0;
	lr =	simm.s32 $0x1  }
0x2: {  	[smem:$0x3F8F] =	sst lr;
	_ =	strace $0xD0000000  }
0x3: {  	_ = 	snop  }
0x4: {  	_ = 	snop  }
0x5: {  	_ = 	snop  }
0x6: {  	_ = 	snop  }
0x7: {  	_ = 	snop  }
__scs_overlays_trampoline_lowered:
0x8: {  	[smem:$0x3F9E] =	sst s0  }
0x9: {  	[smem:$0x3F9F] =	sst s1  }
0xa: {  	[smem:$0x3FA0] =	sst s2  }
0xb: {  	[smem:$0x3FA1] =	sst s3  }
0xc: {  	[smem:$0x3FA2] =	sst s4  }
0xd: {  	[smem:$0x3FA3] =	sst s5  }
0xe: {  	[smem:$0x3FA4] =	sst s6  }
0xf: {  	[smem:$0x3FA5] =	sst s7  }
0x10: {  	[smem:$0x3FA6] =	sst s8  }
0x11: {  	[smem:$0x3FA7] =	sst s9;
	s0 =	simm.s32 @!p0 $0x0  }
0x12: {  	s1 =	sld [smem:$0x3F8D];
	s0 =	simm.s32 @p0 $0x1  }
0x13: {  	[smem:$0x3FA8] =	sst s0;
	s0 =	simm.s32 @!p1 $0x0  }
0x14: {  	s2 =	sld [smem:$0x3F8C];
	s0 =	simm.s32 @p1 $0x1  }
0x15: {  	[smem:$0x3FA9] =	sst s0;
	s0 =	simm.s32 @!p2 $0x0  }
0x16: {  	s3 =	sld [smem:$0x3FDB];
	s0 =	simm.s32 @p2 $0x1  }
0x17: {  	s4 =	simm.s32 $0x1BF5;
	[smem:$0x3FAB] =	sst s0  }
0x18: {  	s0 =	sld [smem:$0x3F8E];
	_ =	swait.ge [sflag:s4], $0x0  }
0x19: {  	s7 =	sld [smem:$0x3F8F]  }
0x1a: {  	s8 =	sadd.s32 $0xFFFFE003, lr  }
0x1b: {  	s9 =	sadd.s32 $0xFFFFFEF7, lr;
	s5 =	simm.s32 $0xFFFFFFFF;
	p2 =	slt.u32 s8, $0xFFFFF086  }
0x1c: {  	p1 =	slt.u32 s9, $0xF7A;
	s5 =	simm.s32 @!p2 $0x0  }
0x1d: {  	s5 =	simm.s32 @p1 $0x1;
	p0 =	seq.s32 s7, s2  }
0x1e: {  	s7 =	smul.u32 @!p0 $0xF7A, s2;
	p2 =	seq.s32 @!p0 s5, $0x0  }
0x1f: {  	s9 =	smul.u32 $0xF7A, s1;
	s8 =	simm.s32 @!p0 $0x1BF5;
	p2 =	por !p2, p0  }
0x20: {  	[sflag:s8] =	ssyncset.s32 @!p0 $0xFFFFF086;
	s6 =	sadd.s32 @!p0 s3, s7;
	s7 =	simm.s32 @!p0 $0x108  }
0x21: {  	s3 =	sadd.s32 s3, s9;
	s6 =	sadd.s32 @!p0 $0x88, s6;
	s7 =	simm.s32 @p2 $0x1082  }
0x22: {  	[simem:s7], [sflag:s8] =	dma.local @!p0 [hbm:s6], $0xF7A  }
0x23: {  	s9 =	sor.u32 $0xD0000000, s2;
	s6 =	simm.s32 $0x108;
	_ =	swait.ge @!p0 [sflag:s8], $0x0  }
0x24: {  	s3 =	sadd.s32 $0x88, s3;
	s6 =	simm.s32 @!p1 $0x1082;
	[sflag:s4] =	ssyncset.s32 $0xFFFFF086  }
0x25: {  	[simem:s6], [sflag:s4] =	dma.local [hbm:s3], $0xF7A  }
0x26: {  	[smem:$0x3F8F] =	sst s1;
	(tag) =	ssettag s2;
	_ =	strace s9  }
0x27: {  	s1 =	sld [smem:$0x3F9F]  }
0x28: {  	s2 =	sld [smem:$0x3FA0]  }
0x29: {  	s4 =	sld [smem:$0x3FA2]  }
0x2a: {  	p0 =	seq.s32 s5, $0x0;
	s5 =	sld [smem:$0x3FA3]  }
0x2b: {  	s6 =	sld [smem:$0x3FA4]  }
0x2c: {  	s7 =	sld [smem:$0x3FA5]  }
0x2d: {  	s3 =	simm.s32 $0x108;
	s8 =	sld [smem:$0x3FA6]  }
0x2e: {  	s3 =	simm.s32 @!p0 $0x1082;
	s9 =	sld [smem:$0x3FA7]  }
0x2f: {  	lr =	sadd.s32 s0, s3;
	s0 =	sld [smem:$0x3F9E]  }
0x30: {  	s3 =	sld [smem:$0x3FA1]  }
0x31: {  	[smem:$0x3FAA] =	sst s10  }
0x32: {  	s10 =	sld [smem:$0x3FA8];
	_ =	sdelay $0x3  }
0x33: {  	p0 =	seq.s32 s10, $0x1;
	s10 =	sld [smem:$0x3FAA];
	_ =	sdelay $0x3  }
0x34: {  	[smem:$0x3FAA] =	sst s10  }
0x35: {  	s10 =	sld [smem:$0x3FA9];
	_ =	sdelay $0x3  }
0x36: {  	p1 =	seq.s32 s10, $0x1;
	s10 =	sld [smem:$0x3FAA];
	_ =	sdelay $0x3  }
0x37: {  	[smem:$0x3FAA] =	sst s10  }
0x38: {  	s10 =	sld [smem:$0x3FAB]  }
0x39: {  	_ = 	snop;
	(pc) =	sbr.ind lr, $3  }
0x3a: {  	_ = 	snop  }
0x3b: {  	_ = 	snop  }
0x3c: {  	p2 =	seq.s32 s10, $0x1;
	s10 =	sld [smem:$0x3FAA]  }
0x3d: {  	_ =	shalt  }
0x3e: {  	_ =	shalt  }
0x3f: {  	_ =	shalt  }
0x40: {  	_ =	shalt  }
0x41: {  	_ =	shalt  }
0x42: {  	_ =	shalt  }
0x43: {  	_ =	shalt  }
0x44: {  	_ =	shalt  }
0x45: {  	_ =	shalt  }
0x46: {  	_ =	shalt  }
0x47: {  	_ =	shalt  }
0x48: {  	_ =	shalt  }
0x49: {  	_ =	shalt  }
0x4a: {  	_ =	shalt  }
0x4b: {  	_ =	shalt  }
0x4c: {  	_ =	shalt  }
0x4d: {  	_ =	shalt  }
0x4e: {  	_ =	shalt  }
0x4f: {  	_ =	shalt  }
0x50: {  	_ =	shalt  }
0x51: {  	_ =	shalt  }
0x52: {  	_ =	shalt  }
0x53: {  	_ =	shalt  }
0x54: {  	_ =	shalt  }
0x55: {  	_ =	shalt  }
0x56: {  	_ =	shalt  }
0x57: {  	_ =	shalt  }
0x58: {  	_ =	shalt  }
0x59: {  	_ =	shalt  }
0x5a: {  	_ =	shalt  }
0x5b: {  	_ =	shalt  }
0x5c: {  	_ =	shalt  }
0x5d: {  	_ =	shalt  }
0x5e: {  	_ =	shalt  }
0x5f: {  	_ =	shalt  }
0x60: {  	_ =	shalt  }
0x61: {  	_ =	shalt  }
0x62: {  	_ =	shalt  }
0x63: {  	_ =	shalt  }
0x64: {  	_ =	shalt  }
0x65: {  	_ =	shalt  }
0x66: {  	_ =	shalt  }
0x67: {  	_ =	shalt  }
0x68: {  	_ =	shalt  }
0x69: {  	_ =	shalt  }
0x6a: {  	_ =	shalt  }
0x6b: {  	_ =	shalt  }
0x6c: {  	_ =	shalt  }
0x6d: {  	_ =	shalt  }
0x6e: {  	_ =	shalt  }
0x6f: {  	_ =	shalt  }
0x70: {  	_ =	shalt  }
0x71: {  	_ =	shalt  }
0x72: {  	_ =	shalt  }
0x73: {  	_ =	shalt  }
0x74: {  	_ =	shalt  }
0x75: {  	_ =	shalt  }
0x76: {  	_ =	shalt  }
0x77: {  	_ =	shalt  }
0x78: {  	_ =	shalt  }
0x79: {  	_ =	shalt  }
0x7a: {  	_ =	shalt  }
0x7b: {  	_ =	shalt  }
0x7c: {  	_ =	shalt  }
0x7d: {  	_ =	shalt  }
0x7e: {  	_ =	shalt  }
0x7f: {  	_ =	shalt  }
0x80: {  	_ =	shalt  }
0x81: {  	_ =	shalt  }
0x82: {  	_ =	shalt  }
0x83: {  	_ =	shalt  }
0x84: {  	_ =	shalt  }
0x85: {  	_ =	shalt  }
0x86: {  	_ =	shalt  }
0x87: {  	_ =	shalt  }
.Lfunc_end0:
.L_simem_size_0:
called_computation.5_lowered:
.L_overlay_start_0:
0x88: {  	s0 =	sld [smem:$0x3FD9]  }
0x89: {  	s1 =	sld [smem:$0x3FFE];
	_ =	sdelay $0x3  }
0x8a: {  	s0 =	sadd.s32 s1, s0  }
0x8b: {  	[smem:$0x3FB6] =	sst s0  }
0x8c: {  	_ = 	snop  }
0x8d: {  	(tm) =	ssettm $0x1  }
0x8e: {  	s15 =	sld [smem:$0x3FFB];
	_ =	sdelay $0x3  }
0x8f: {  	_ =	strace s15  }
0x90: {  	s0 =	sld [smem:$0x3FFC];
	_ =	sdelay $0x3  }
0x91: {  	_ =	strace s0  }
0x92: {  	s0 =	sld [smem:$0x3FFD];
	_ =	sdelay $0x3  }
0x93: {  	_ =	strace s0  }
0x94: {  	_ =	strace $0x8FFFFFFF  }
0x95: {  	s16 =	sld [smem:$0x3FDB];
	_ =	sdelay $0x1  }
0x96: {  	s17 =	simm.s32 $_scs_section_size  }
0x97: {  	s2 =	simm.s32 $_size__tile_overlayer_lowered;
	s3 =	simm.s32 $_tile_overlayer_lowered  }
0x98: {  	s20 =	simm.s32 $0x1BFF;
	s19 =	sshll.u32 s3, $0x1;
	s0 =	sadd.s32 s17, s16  }
0x99: {  	s4 =	simm.s32 $0x0;
	s18 =	sshll.u32 s2, $0x1;
	s2 =	sadd.s32 s19, s0  }
0x9a: {  	[timem:s4], [sflag:s20] =	dma.local [hbm:s2], s18  }
0x9b: {  	_ =	swait.ge [sflag:s20], s18  }
0x9c: {  	s1 =	ssub.s32 $0x0, s18;
	[sflag:s20] =	ssyncset.done $0x0  }
0x9d: {  	[sflag:s20] =	ssyncadd.s32 s1;
	_ =	sdelay $0x1  }
0x9e: {  	s21 =	simm.s32 $0x1B8B  }
0x9f: {  	_ =	swait.ge [sflag:s21], $0x1  }
0xa0: {  	[sflag:s21] =	ssyncset.done $0x0  }
0xa1: {  	s23 =	simm.s32 $0x1B8E;
	s22 =	sld [smem:$0x3FFE];
	[sflag:s21] =	ssyncadd.s32 $0xFFFFFFFF  }
0xa2: {  	s24 =	simm.s32 $execute0_lowered;
	[smem:$0x3FD2] =	sst s23  }
0xa3: {  	s2 =	sshll.u32 s24, $0x1;
	_ =	strace $0x80000058;
	[dreg:$0x1] =	wrdreg $0xFFFFFFFF  }
0xa4: {  	s25 =	simm.s32 $_size_execute0_lowered;
	s0 =	sadd.s32 s0, s2;
	[dreg:$0x0] =	wrdreg $0x0  }
0xa5: {  	s2 =	sshll.u32 s25, $0x1;
	[dreg:$0x2] =	wrdreg s0  }
0xa6: {  	[dreg:$0x3] =	wrdreg s2  }
0xa7: {  	[dreg:$0x4] =	wrdreg $0xC0  }
0xa8: {  	_ =	task [dreg:s4], $0x5FFFF  }
0xa9: {  	[dreg:$0x1] =	wrdreg $0xFFFFFFFF  }
0xaa: {  	[dreg:$0x0] =	wrdreg $0x60  }
0xab: {  	[dreg:$0x2] =	wrdreg s22  }
0xac: {  	[dreg:$0x3] =	wrdreg $0x9  }
0xad: {  	_ =	task.clear_ibuf [dreg:s4], $0x4FFFF;
	_ =	strace $0x90000058  }
0xae: {  	s26 =	simm.s32 $0x9;
	_ =	strace $0x8000005A  }
0xaf: {  	_ =	swait.ge [sflag:s26], $0x1  }
0xb0: {  	[sflag:s26] =	ssyncadd.s32 $0xFFFFFFFF  }
0xb1: {  	_ =	strace $0x9000005A  }
0xb2: {  	_ =	sfence  }
0xb3: {  	s28 =	sld [smem:$0x0];
	_ =	sdelay $0x1  }
0xb4: {  	s29 =	srdreg.scid  }
0xb5: {  	s30 =	sshll.u32 s29, $0xD;
	s31 =	sshrl.u32 s29, $0x2  }
0xb6: {  	s1 =	sand.u32 $0x1, s29;
	s2 =	sand.u32 $0x4000, s30;
	s0 =	sadd.s32 s31, s28  }
0xb7: {  	s1 =	sor.u32 s2, s1;
	s0 =	sshll.u32 s0, $0x11  }
0xb8: {  	s0 =	sor.u32 s0, s1  }
0xb9: {  	s0 =	sadd.s32 $0x8F2B, s0  }
0xba: {  	[sflag:s0] =	ssyncadd.remote.s32 $0x1  }
0xbb: {  	_ =	sfence.sel $0xFFFF  }
0xbc: {  	[dreg:$0x0] =	wrdreg $0xFFFFFFFF;
	(pc) =	sbr.abs _section_cstart, $3  }
0xbd: {  	[dreg:$0x1] =	wrdreg $0xFFFFFFFF  }
0xbe: {  	_ =	task.clear_ibuf [dreg:s4], $0x2FFFF;
	_ =	strace $0x9FFFFFFF  }
0xbf: {  	(tm) =	ssettm $0x7FFFFFFF  }
tec
execute0_lowered:
.L_overlay_start_1:
0x0: {  	(tag) =	ssettag $0x1  }
0x1: {  	s4 =	rddreg [dreg:$0x0];
	_ =	strace $0x80000059;
	s0 =	simm.s32 $0x1  }
0x2: {  	v0 =	vimm.s32 $0x0;
	[sflag:s0] =	ssyncpa.u1 $0x0;
	s0 =	simm.s32 $0x408  }
0x3: {  	[tilespmem:s0+$0x70] =	vst v0  }
0x4: {  	[tilespmem:s0+$0x60] =	vst v0  }
0x5: {  	[tilespmem:s0+$0x50] =	vst v0  }
0x6: {  	[tilespmem:s0+$0x40] =	vst v0  }
0x7: {  	[tilespmem:s0+$0x30] =	vst v0  }
0x8: {  	s1 =	sadd.s32 $0x17000, s4;
	s11 =	sadd.s32 $0x11C00, s4;
	[tilespmem:s0+$0x20] =	vst v0  }
0x9: {  	s3 =	sadd.s32 $0xA3A00, s4;
	s7 =	sadd.s32 $0x2000, s4;
	s4 =	simm.s32 $0x40;
	[tilespmem:s0+$0x10] =	vst v0  }
.LBB2_1:
0xa: {  	s4 =	sadd.s32 $0x40, s4;
	[tilespmem:s0+$0x0] =	vst v0;
	s0 =	sadd.s32 $0x80, s0  }
0xb: {  	p0 =	slt.u32 s4, $0x3100;
	[tilespmem:s0+$0x70] =	vst v0  }
0xc: {  	[tilespmem:s0+$0x60] =	vst v0  }
.Ltmp0:
0xd: {  	[tilespmem:s0+$0x50] =	vst v0;
	(pc) =	sbr.rel @p0 .LBB2_1-.Ltmp0, $4  }
0xe: {  	[tilespmem:s0+$0x40] =	vst v0  }
0xf: {  	[tilespmem:s0+$0x30] =	vst v0  }
0x10: {  	[tilespmem:s0+$0x20] =	vst v0  }
0x11: {  	[tilespmem:s0+$0x10] =	vst v0  }
0x12: {  	s2 =	stileid.u32  }
0x13: {  	s4 =	simm.s32 $0x1;
	p0 =	sne.s32 s2, $0x0;
	s6 =	smul.u32 $0xDC, s2  }
0x14: {  	s4 =	simm.s32 @!p0 $0x0  }
0x15: {  	s4 =	sor.u32 s4, s6  }
0x16: {  	p1 =	seq.s32 s2, $0x0;
	s6 =	smul.u32 $0x30, s4;
	s4 =	simm.s32 $0x2970  }
0x17: {  	s4 =	simm.s32 @!p1 $0x2940  }
0x18: {  	s4 =	sadd.s32 s4, s6  }
0x19: {  	s12 =	smin.u32 s4, $0x29428  }
0x1a: {  	s4 =	ssub.s32 s12, s6  }
0x1b: {  	p1 =	sgt.s32 s4, $0x0  }
0x1c: {  	s29 =	simm.s32 $0x2;
	s5 =	simm.s32 $0x7;
	s4 =	simm.s32 @!p1 $0x0  }
0x1d: {  	s10 =	simm.s32 $0x1;
	s9 =	simm.s32 $0x8;
	s8 =	smulhi.u32 $0x2AAAAAAB, s4  }
0x1e: {  	s31 =	simm.s32 $0x9;
	s21 =	simm.s32 $0x0;
	p2 =	por $0x0, $0x0  }
0x1f: {  	s15 =	simm.s32 $0x80;
	s16 =	simm.s32 $0x400;
	s30 =	sshrl.u32 s8, $0x3  }
0x20: {  	[tilespmem:s0+$0x0] =	vst v0;
	v0 =	vimm.s32 $0xFFFFFFFF;
	s18 =	simm.s32 $0x0;
	[sflag:s29] =	ssyncpa.u1 $0x0;
	s8 =	smul.u32 $0x30, s30  }
0x21: {  	s20 =	simm.s32 $0x0;
	s13 =	sshll.u32 s2, $0xA;
	[tilespmem:$0xC808] =	vst v0;
	[sflag:s5] =	ssyncpa.u1 $0x0  }
.Ltmp1:
0x22: {  	p1 =	sne.s32 s4, s8;
	s4 =	simm.s32 $0x1;
	(pc) =	sbr.rel .LBB2_3-.Ltmp1, $4  }
0x23: {  	s5 =	simm.s32 $0xA;
	[dreg:$0x2] =	wrdreg s6;
	s4 =	simm.s32 @!p1 $0x0  }
0x24: {  	[sflag:s9] =	ssyncpa.u1 $0x0;
	[dreg:$0x3] =	wrdreg s12;
	s14 =	sadd.s32 s4, s30  }
0x25: {  	[sflag:s31] =	ssyncpa.u1 $0x0;
	s17 =	sadd.s32 $0x1, s14;
	[dreg:$0x4] =	wrdreg s14  }
0x26: {  	v0 =	vlaneseq.u32;
	s19 =	smov.u32 s6;
	p1 =	por $0x1, $0x1;
	[dreg:$0x5] =	wrdreg s17  }
.LBB2_30:
0x27: {  	s0 =	sshrl.u32 s29, $0x2;
	s5 =	simm.s32 $0xA  }
.LBB2_32:
0x28: {  	_ =	swait.ge [sflag:s5], s0  }
0x29: {  	s31 =	ssub.s32 $0x0, s0;
	v1 =	vmov s23;
	vm0 =	veq.s32 v0, $0x0;
	[sflag:s5] =	ssyncset.done $0x0  }
0x2a: {  	vm15 =	veq.s32 v0, $0x2;
	v1 =	vsel vm0, s28, v1;
	[sflag:s5] =	ssyncadd.s32 s31  }
0x2b: {  	v1 =	vsel vm15, s21, v1;
	[sflag:s5] =	ssyncpa.u1 $0x1  }
0x2c: {  	[tilespmem:$0xC808] =	vst v1  }
.LBB2_33:
0x2d: {  	s0 =	sadd.s32 $0x30, s19  }
0x2e: {  	s2 =	smov.u32 s6;
	p3 =	slt.s32 s0, s12  }
0x2f: {  	s2 =	smov.u32 @p3 s0;
	p3 =	sne.s32 s20, s17  }
.Ltmp2:
0x30: {  	_ = 	snop;
	(pc) =	sbr.rel @!p3 .LBB2_34-.Ltmp2, $4  }
0x31: {  	_ = 	snop  }
0x32: {  	s21 =	smov.u32 s18  }
0x33: {  	s31 =	sadd.s32 $0x1, s20;
	s18 =	smov.u32 s19;
	p1 =	por !p1, !p1  }
0x34: {  	p2 =	por !p2, !p2;
	s20 =	smov.u32 s31;
	s19 =	smov.u32 s2  }
.LBB2_3:
0x35: {  	p3 =	sge.u32 s20, s14  }
0x36: {  	s0 =	smulhi.u32 @!p3 $0xAAAAAAAB, s20  }
0x37: {  	s4 =	smov.u32 s19;
	p4 =	sgt.s32 @!p3 s19, $0x293F8  }
0x38: {  	s8 =	sshra.s32 @!p3 s19, $0x1F;
	p4 =	por !p4, p3;
	s0 =	sshrl.u32 @!p3 s0, $0x1  }
0x39: {  	s8 =	sand.u32 @!p3 s8, s19;
	s4 =	simm.s32 @p4 $0x293F8;
	s0 =	smul.u32 @!p3 $0x3, s0  }
0x3a: {  	s4 =	ssub.s32 @!p3 s4, s8  }
0x3b: {  	s4 =	sadd.s32 @!p3 $0xFFFD6C08, s4;
	s0 =	ssub.s32 @!p3 s20, s0  }
0x3c: {  	s8 =	sshll.u32 @!p3 s4, $0x2;
	p4 =	sgt.s32 @!p3 s4, $0x2F;
	s0 =	smul.u32 @!p3 $0xC0, s0  }
0x3d: {  	s9 =	sand.u32 @!p3 $0x7, s19;
	s4 =	ssub.s32 @!p3 $0xC0, s8;
	p4 =	por !p4, p3  }
0x3e: {  	s8 =	sshrl.u32 @!p3 s19, $0x3;
	s4 =	sshrl.u32 @!p3 s4, $0x2;
	s0 =	sshrl.u32 @!p3 s0, $0x2  }
0x3f: {  	s8 =	sadd.s32 @!p3 s7, s8;
	s4 =	simm.s32 @!p4 $0x0;
	s0 =	sadd.s32 @!p3 $0x10838, s0  }
0x40: {  	[tilespmem:s0], [sflag:$0x8] =	stream.linear.gather @!p3 [hbm4b:s8+s9], s4, $0x38;
	[tilespmem:$0x1C928] =	vst v63  }
0x41: {  	s4 =	sadd.s32 $0xFFFFFFFF, s20  }
0x42: {  	p3 =	sge.u32 s4, s14  }
0x43: {  	p4 =	sgt.s32 @!p3 s18, $0x293F8  }
0x44: {  	s0 =	smov.u32 s18;
	s8 =	sshra.s32 @!p3 s18, $0x1F;
	p4 =	por !p4, p3  }
0x45: {  	s8 =	sand.u32 @!p3 s8, s18;
	s0 =	simm.s32 @p4 $0x293F8  }
0x46: {  	s0 =	ssub.s32 @!p3 s0, s8  }
0x47: {  	s0 =	sadd.s32 @!p3 $0xFFFD6C08, s0  }
0x48: {  	s8 =	sshll.u32 @!p3 s0, $0x2  }
0x49: {  	p4 =	sgt.s32 @!p3 s0, $0x2F;
	s0 =	ssub.s32 @!p3 $0xC0, s8  }
0x4a: {  	p4 =	por !p4, p3;
	s0 =	sshrl.u32 @!p3 s0, $0x2  }
0x4b: {  	s9 =	simm.s32 @!p3 $0x8;
	s8 =	sand.u32 @!p3 $0x1, s4;
	s0 =	simm.s32 @!p4 $0x0  }
0x4c: {  	s8 =	smul.u32 @!p3 $0xC0, s8;
	_ =	swait.ge @!p3 [sflag:s9], s0  }
0x4d: {  	s22 =	ssub.s32 @!p3 $0x0, s0;
	[sflag:s9] =	ssyncset.done @!p3 $0x0  }
0x4e: {  	s8 =	sshrl.u32 @!p3 s8, $0x2;
	[sflag:s9] =	ssyncadd.s32 @!p3 s22;
	s9 =	sshrl.u32 @!p3 s18, $0x3  }
0x4f: {  	s8 =	sor.u32 @!p3 $0x108C8, s8;
	s22 =	sand.u32 @!p3 $0x7, s18;
	s9 =	sadd.s32 @!p3 s11, s9  }
0x50: {  	[tilespmem:s8], [sflag:$0x9] =	stream.linear.gather @!p3 [hbm4b:s9+s22], s0, $0x38;
	[tilespmem:$0x1C928] =	vst v63  }
0x51: {  	s0 =	ssub.s32 @!p3 $0x29428, s18  }
0x52: {  	p4 =	slt.s32 @!p3 s0, $0x1  }
0x53: {  	p4 =	por p3, p4  }
.Ltmp3:
0x54: {  	_ = 	snop;
	(pc) =	sbr.rel @p4 .LBB2_9-.Ltmp3, $1  }
0x55: {  	_ =	sdelay $0x3  }
0x56: {  	s8 =	smulhi.u32 $0xAAAAAAAB, s4;
	_ =	sdelay $0x1  }
0x57: {  	s8 =	sshrl.u32 s8, $0x1  }
0x58: {  	s8 =	smul.u32 $0x3, s8;
	_ =	sdelay $0x1  }
0x59: {  	s29 =	ssub.s32 s4, s8  }
0x5a: {  	s9 =	simm.s32 $0x1;
	s4 =	smul.u32 $0xC0, s29  }
.Ltmp4:
0x5b: {  	s9 =	simm.s32 @!p1 $0x0;
	(pc) =	sbr.rel .LBB2_6-.Ltmp4, $4  }
0x5c: {  	s30 =	smul.u32 $0x18000, s9  }
0x5d: {  	p4 =	slt.s32 @!p3 s0, $0x30;
	s4 =	sshrl.u32 s4, $0x2  }
0x5e: {  	p3 =	por !p4, p3;
	s8 =	sshrl.u32 s30, $0x2;
	s31 =	sadd.s32 $0x10838, s4  }
0x5f: {  	s0 =	simm.s32 @p3 $0x30;
	s22 =	sor.u32 $0x10928, s8;
	s4 =	simm.s32 $0x0;
	v1 =	vmov s31  }
.LBB2_5:
0x60: {  	p3 =	sge.s32 s4, s0  }
.Ltmp5:
0x61: {  	_ = 	snop;
	(pc) =	sbr.rel @p3 .LBB2_9-.Ltmp5, $2  }
0x62: {  	_ =	sdelay $0x2  }
0x63: {  	s22 =	sadd.s32 $0x2000, s22  }
.LBB2_6:
0x64: {  	p3 =	sle.s32 s0, s4  }
.Ltmp6:
0x65: {  	_ = 	snop;
	(pc) =	sbr.rel @p3 .LBB2_5-.Ltmp6, $2  }
0x66: {  	_ =	sdelay $0x2  }
0x67: {  	s8 =	smov.u32 s4;
	s4 =	sadd.s32 $0x10, s4  }
0x68: {  	s9 =	ssub.s32 s0, s8  }
0x69: {  	p3 =	slt.s32 s9, $0x10  }
0x6a: {  	s9 =	simm.s32 @!p3 $0x10  }
0x6b: {  	v2 =	vmov s9  }
0x6c: {  	vm0 =	vgt.s32 v2, v0;
	_ =	sdelay $0x5  }
0x6d: {  	v2 =	vld.idx.msk [tilespmem:v1+s8+$0x0 ss:$0x1], vm0;
	_ =	sdelay $0x2  }
0x6e: {  	s23 =	smov.u32 s0;
	p3 =	slt.s32 s4, s0  }
0x6f: {  	s24 =	smov.u32 s22;
	s25 =	simm.s32 $0x0;
	s23 =	smov.u32 @p3 s4  }
.LBB2_8:
0x70: {  	(v2sf) =	vpush v2, s25;
	_ =	sdelay $0xe  }
0x71: {  	s25 =	sadd.s32 $0x1, s25;
	s9 =	spop (v2sf)  }
0x72: {  	s31 =	sadd.s32 s25, s8;
	s26 =	sshll.u32 s9, $0x9;
	s9 =	sshll.u32 s9, $0x7  }
0x73: {  	p3 =	slt.s32 s31, s23;
	s26 =	sand.u32 $0xFFFFF000, s26;
	s9 =	sand.u32 $0x380, s9  }
.Ltmp7:
0x74: {  	s9 =	sor.u32 s9, s26;
	(pc) =	sbr.rel @p3 .LBB2_8-.Ltmp7, $4  }
0x75: {  	s9 =	sshrl.u32 s9, $0x3  }
0x76: {  	s9 =	sadd.s32 s3, s9  }
0x77: {  	[tilespmem:s24], [sflag:$0x7] =	stream.strided.gather [hbm4b:s9+s15], $0x200, s16, s15, $0x38;
	[tilespmem:$0x1C928] =	vst v63  }
0x78: {  	s24 =	sadd.s32 $0x200, s24  }
.Ltmp8:
0x79: {  	_ = 	snop;
	(pc) =	sbr.rel .LBB2_5-.Ltmp8, $1  }
0x7a: {  	_ =	sdelay $0x3  }
.LBB2_9:
0x7b: {  	p3 =	slt.u32 s20, $0x2  }
.Ltmp9:
0x7c: {  	_ = 	snop;
	(pc) =	sbr.rel @p3 .LBB2_33-.Ltmp9, $1  }
0x7d: {  	_ =	sdelay $0x3  }
0x7e: {  	p3 =	sgt.s32 s21, $0x293F8;
	s0 =	smov.u32 s21  }
0x7f: {  	s4 =	sshra.s32 s21, $0x1F;
	s8 =	ssub.s32 $0x29428, s21;
	s0 =	simm.s32 @!p3 $0x293F8  }
0x80: {  	s4 =	sand.u32 s4, s21;
	p3 =	slt.s32 s8, $0x30;
	s9 =	smov.u32 s8  }
0x81: {  	s0 =	ssub.s32 s0, s4;
	s9 =	simm.s32 @!p3 $0x30  }
0x82: {  	s0 =	sadd.s32 $0xFFFD6C08, s0;
	s25 =	sshll.u32 s9, $0x9  }
0x83: {  	s2 =	simm.s32 $0x7;
	s26 =	sshll.u32 s0, $0x2;
	s4 =	sand.u32 $0x3FFFFE00, s25  }
0x84: {  	p3 =	sgt.s32 s0, $0x2F;
	s28 =	ssub.s32 $0xC0, s26;
	_ =	swait.ge [sflag:s2], s4  }
0x85: {  	s4 =	ssub.s32 $0x0, s4;
	[sflag:s2] =	ssyncset.done $0x0;
	s0 =	sshrl.u32 s28, $0x2  }
0x86: {  	s30 =	simm.s32 $0x9;
	[sflag:s2] =	ssyncadd.s32 s4;
	s0 =	simm.s32 @p3 $0x0  }
0x87: {  	_ =	swait.ge [sflag:s30], s0  }
0x88: {  	s0 =	ssub.s32 $0x0, s0;
	[sflag:s30] =	ssyncset.done $0x0  }
0x89: {  	[sflag:s30] =	ssyncadd.s32 s0  }
0x8a: {  	v1 =	vld [tilespmem:$0xC808];
	_ =	sdelay $0x4  }
0x8b: {  	(v2sf) =	vpush v1, $0x0  }
0x8c: {  	(v2sf) =	vpush v1, $0x1  }
0x8d: {  	(v2sf) =	vpush v1, $0x2;
	_ =	sdelay $0x3  }
0x8e: {  	s0 =	sadd.s32 $0x30, s21  }
0x8f: {  	p3 =	slt.s32 s12, s0  }
0x90: {  	s0 =	smov.u32 @p3 s12;
	p3 =	sgt.s32 s8, $0x0  }
0x91: {  	s22 =	ssub.s32 s0, s21;
	s8 =	simm.s32 @!p3 $0x0  }
0x92: {  	p3 =	slt.s32 s8, s22  }
0x93: {  	s22 =	smov.u32 @p3 s8  }
0x94: {  	s24 =	simm.s32 $0x1;
	p3 =	slt.s32 s22, $0x1  }
.Ltmp10:
0x95: {  	s24 =	simm.s32 @!p2 $0x0;
	(pc) =	sbr.rel @p3 .LBB2_14-.Ltmp10, $4  }
0x96: {  	s31 =	smul.u32 $0xC0, s24  }
0x97: {  	s0 =	spop (v2sf)  }
0x98: {  	s4 =	sshrl.u32 s31, $0x2;
	s25 =	spop (v2sf)  }
0x99: {  	s29 =	sor.u32 $0x108C8, s4;
	s21 =	spop (v2sf)  }
0x9a: {  	s4 =	smin.u32 s22, $0x10  }
0x9b: {  	v1 =	vmov s4  }
0x9c: {  	vm1 =	vgt.u32 v1, v0  }
0x9d: {  	p4 =	sgt.s32 s22, $0x10  }
.Ltmp11:
0x9e: {  	_ = 	snop;
	(pc) =	sbr.rel @!p4 .LBB2_13-.Ltmp11, $2  }
0x9f: {  	_ =	sdelay $0x2  }
0xa0: {  	s8 =	simm.s32 $0x10;
	s23 =	sadd.s32 $0xFFFFFFF0, s22;
	s4 =	smov.u32 s29;
	vm0 =	vmmov vm1;
	v1 =	vld.msk [tilespmem:s29+$0x0 ss:$0x1], vm1  }
.LBB2_12:
0xa1: {  	s9 =	smin.u32 s23, $0x10;
	s8 =	sadd.s32 $0x10, s8  }
0xa2: {  	v2 =	vmov s9;
	p4 =	slt.s32 s8, s22  }
0xa3: {  	vm1 =	vgt.u32 v2, v0;
	_ =	sdelay $0x1  }
0xa4: {  	v2 =	vshll.u32 v1, $0x6;
	v1 =	vshll.u32 v1, $0x4  }
.Ltmp12:
0xa5: {  	v2 =	vand.u32 $0xFFFFFE00, v2;
	v1 =	vand.u32 $0x70, v1;
	(pc) =	sbr.rel @p4 .LBB2_12-.Ltmp12, $4  }
0xa6: {  	v1 =	vor.u32 v1, v2  }
0xa7: {  	[tilespmem:s4+$0x0] =	vst.msk vm0, v1;
	s4 =	sadd.s32 $0x10, s4;
	vm0 =	vmmov vm1  }
0xa8: {  	v1 =	vld.msk [tilespmem:s4+$0x0 ss:$0x1], vm1  }
0xa9: {  	s23 =	sadd.s32 $0xFFFFFFF0, s23  }
.LBB2_13:
0xaa: {  	_ =	sdelay $0x3  }
0xab: {  	v2 =	vshll.u32 v1, $0x6;
	v1 =	vshll.u32 v1, $0x4  }
0xac: {  	v2 =	vand.u32 $0xFFFFFE00, v2;
	v1 =	vand.u32 $0x70, v1  }
0xad: {  	v1 =	vor.u32 v1, v2  }
0xae: {  	[tilespmem:s4+$0x0] =	vst.msk vm0, v1  }
.LBB2_14:
0xaf: {  	s4 =	sand.u32 $0x1, s20  }
0xb0: {  	s4 =	smul.u32 $0x30, s4  }
0xb1: {  	p4 =	sne.s32 s25, $0xFFFFFFFF  }
0xb2: {  	v1 =	vld.msk @!p4 [tilespmem:s4+$0x108C8], $0x1;
	_ =	sdelay $0x4  }
0xb3: {  	(v2sf) =	vpush @!p4 v1, $0x0;
	_ =	sdelay $0xc  }
.Ltmp13:
0xb4: {  	_ = 	snop;
	(pc) =	sbr.rel @p3 .LBB2_31-.Ltmp13, $4  }
0xb5: {  	_ = 	snop  }
0xb6: {  	s26 =	spop @!p4 (v2sf)  }
0xb7: {  	s21 =	simm.s32 @!p4 $0x0;
	s23 =	smov.u32 s26  }
0xb8: {  	[sflag:s5] =	ssyncpa.u1 $0x0;
	s26 =	smov.u32 @p4 s0;
	s23 =	smov.u32 @p4 s25  }
0xb9: {  	v1 =	vld.msk [tilespmem:s29+$0x0], $0x1;
	_ =	sdelay $0x4  }
0xba: {  	(v2sf) =	vpush v1, $0x0;
	_ =	sdelay $0xe  }
0xbb: {  	s31 =	spop (v2sf)  }
0xbc: {  	s12 =	smov.u32 s7;
	s7 =	smov.u32 s11;
	p3 =	seq.s32 s26, s31  }
0xbd: {  	s0 =	smul.u32 $0x18000, s24;
	s28 =	sadd.s32 $0x108C8, s4;
	p4 =	sgt.s32 @!p3 s26, $0x0  }
0xbe: {  	s17 =	ssub.s32 $0x0, s22;
	s4 =	smov.u32 s26;
	p4 =	por !p4, p3  }
0xbf: {  	s25 =	simm.s32 $0x0;
	s29 =	sadd.s32 $0x1, s29;
	s4 =	simm.s32 @p4 $0x0  }
0xc0: {  	s30 =	sadd.s32 $0x1, s17;
	s8 =	simm.s32 @!p3 $0x6608;
	s9 =	smin.u32 @!p3 s4, $0x8C870  }
0xc1: {  	p4 =	seq.s32 s30, $0x0;
	s4 =	sand.u32 @!p3 $0xFFFF8, s9;
	s11 =	sadd.s32 @!p3 $0x80, s9  }
0xc2: {  	s5 =	sadd.s32 @!p3 s1, s4;
	s4 =	sand.u32 @!p3 $0x7, s9;
	s11 =	sand.u32 @!p3 $0x1FFFF8, s11  }
0xc3: {  	[tilespmem:s8], [sflag:$0x2] =	stream.linear.gather @!p3 [hbm4b:s5+s4], $0x80, $0x38;
	[tilespmem:$0x1C928] =	vst v63  }
0xc4: {  	s2 =	sadd.s32 @!p3 $0x100, s9;
	s5 =	simm.s32 @!p3 $0x6688;
	s8 =	sadd.s32 @!p3 s1, s11  }
0xc5: {  	[tilespmem:s5], [sflag:$0x2] =	stream.linear.gather @!p3 [hbm4b:s8+s4], $0x80, $0x38;
	[tilespmem:$0x1C928] =	vst v63  }
.Ltmp14:
0xc6: {  	s0 =	sshrl.u32 s0, $0x2;
	s2 =	sand.u32 @!p3 $0x1FFFF8, s2;
	(pc) =	sbr.rel @p4 .LBB2_17-.Ltmp14, $4  }
0xc7: {  	s2 =	sadd.s32 @!p3 s1, s2;
	s5 =	simm.s32 @!p3 $0x6708;
	s8 =	sadd.s32 @!p3 $0x180, s9  }
0xc8: {  	[tilespmem:s5], [sflag:$0x2] =	stream.linear.gather @!p3 [hbm4b:s2+s4], $0x80, $0x38;
	[tilespmem:$0x1C928] =	vst v63  }
0xc9: {  	s24 =	sor.u32 $0x10928, s0;
	s0 =	simm.s32 @!p3 $0x1;
	s2 =	sand.u32 @!p3 $0x1FFFF8, s8  }
0xca: {  	s0 =	smov.u32 @p3 s25;
	s8 =	simm.s32 @!p3 $0x6788;
	s9 =	sadd.s32 @!p3 s1, s2  }
.LBB2_16:
0xcb: {  	s2 =	smov.u32 s0  }
0xcc: {  	[tilespmem:s8], [sflag:$0x2] =	stream.linear.gather @!p3 [hbm4b:s9+s4], $0x80, $0x38;
	[tilespmem:$0x1C928] =	vst v63  }
0xcd: {  	s30 =	sadd.s32 $0x1, s30;
	s4 =	smov.u32 s31  }
0xce: {  	p4 =	seq.s32 s30, $0x0;
	v1 =	vld.msk [tilespmem:s29+$0x0], $0x1;
	_ =	sdelay $0x4  }
0xcf: {  	(v2sf) =	vpush v1, $0x0;
	_ =	sdelay $0xe  }
0xd0: {  	s31 =	spop (v2sf)  }
0xd1: {  	p3 =	seq.s32 s4, s31  }
0xd2: {  	p5 =	sgt.s32 @!p3 s4, $0x0;
	s5 =	sshll.u32 @!p3 s0, $0xB;
	s0 =	sadd.s32 @!p3 $0x1, s0  }
0xd3: {  	p5 =	por !p5, p3;
	s5 =	sshra.s32 @!p3 s5, $0x2;
	s0 =	smov.u32 @p3 s2  }
0xd4: {  	s4 =	simm.s32 @p5 $0x0;
	s2 =	sadd.s32 @!p3 $0x6608, s5;
	s9 =	sadd.s32 @!p3 $0x6688, s5  }
0xd5: {  	s14 =	sadd.s32 @!p3 $0x6708, s5;
	s8 =	sadd.s32 @!p3 $0x6788, s5;
	s11 =	smin.u32 @!p3 s4, $0x8C870  }
0xd6: {  	s4 =	sand.u32 @!p3 $0xFFFF8, s11;
	s5 =	sadd.s32 @!p3 $0x80, s11;
	s6 =	sadd.s32 @!p3 $0x100, s11  }
0xd7: {  	s17 =	sadd.s32 @!p3 s1, s4;
	s4 =	sand.u32 @!p3 $0x7, s11;
	s5 =	sand.u32 @!p3 $0x1FFFF8, s5  }
0xd8: {  	[tilespmem:s2], [sflag:$0x2] =	stream.linear.gather @!p3 [hbm4b:s17+s4], $0x80, $0x38;
	[tilespmem:$0x1C928] =	vst v63  }
0xd9: {  	s2 =	sadd.s32 @!p3 s1, s5  }
.Ltmp15:
0xda: {  	s5 =	sand.u32 @!p3 $0x1FFFF8, s6;
	s6 =	sadd.s32 @!p3 $0x180, s11;
	(pc) =	sbr.rel @!p4 .LBB2_16-.Ltmp15, $4  }
0xdb: {  	[tilespmem:s9], [sflag:$0x2] =	stream.linear.gather @!p3 [hbm4b:s2+s4], $0x80, $0x38;
	[tilespmem:$0x1C928] =	vst v63  }
0xdc: {  	s2 =	sadd.s32 @!p3 s1, s5;
	s5 =	sand.u32 @!p3 $0x1FFFF8, s6  }
0xdd: {  	[tilespmem:s14], [sflag:$0x2] =	stream.linear.gather @!p3 [hbm4b:s2+s4], $0x80, $0x38;
	[tilespmem:$0x1C928] =	vst v63  }
0xde: {  	s29 =	sadd.s32 $0x1, s29;
	s9 =	sadd.s32 @!p3 s1, s5  }
.LBB2_17:
0xdf: {  	[tilespmem:s8], [sflag:$0x2] =	stream.linear.gather @!p3 [hbm4b:s9+s4], $0x80, $0x38;
	[tilespmem:$0x1C928] =	vst v63  }
0xe0: {  	s0 =	sshll.u32 s0, $0x9  }
0xe1: {  	s2 =	simm.s32 $0x2;
	s0 =	sand.u32 $0x3FFFFE00, s0  }
.Ltmp16:
0xe2: {  	_ =	swait.ge [sflag:s2], s0;
	(pc) =	sbr.rel .LBB2_18-.Ltmp16, $4  }
0xe3: {  	s29 =	simm.s32 $0x0;
	s6 =	rddreg [dreg:$0x2]  }
0xe4: {  	s11 =	smov.u32 s7;
	s7 =	smov.u32 s12;
	s12 =	rddreg [dreg:$0x3]  }
0xe5: {  	s0 =	ssub.s32 $0x0, s0;
	[sflag:s2] =	ssyncset.done $0x0;
	s14 =	rddreg [dreg:$0x4]  }
0xe6: {  	v1 =	vmov s28;
	s30 =	simm.s32 $0x0;
	s17 =	rddreg [dreg:$0x5];
	[sflag:s2] =	ssyncadd.s32 s0  }
.LBB2_28:
0xe7: {  	[tilespmem:s0+$0x0] =	vst v2;
	s25 =	sadd.s32 $0x1, s25  }
.LBB2_29:
0xe8: {  	s30 =	sadd.s32 $0x1, s30  }
0xe9: {  	p3 =	sne.s32 s30, s22  }
.Ltmp17:
0xea: {  	_ = 	snop;
	(pc) =	sbr.rel @!p3 .LBB2_30-.Ltmp17, $2  }
0xeb: {  	_ =	sdelay $0x2  }
0xec: {  	s24 =	sadd.s32 $0x200, s24;
	s26 =	smov.u32 s28  }
.LBB2_18:
0xed: {  	_ =	sdelay $0x3  }
0xee: {  	v2 =	vld.idx.msk [tilespmem:v1+s30+$0x0 ss:$0x1], $0x1;
	_ =	sdelay $0x4  }
0xef: {  	(v2sf) =	vpush v2, $0x0;
	_ =	sdelay $0xe  }
0xf0: {  	s28 =	spop (v2sf)  }
0xf1: {  	p3 =	sne.s32 s26, s28  }
.Ltmp18:
0xf2: {  	_ = 	snop;
	(pc) =	sbr.rel @p3 .LBB2_22-.Ltmp18, $3  }
0xf3: {  	_ =	sdelay $0x1  }
0xf4: {  	s0 =	sshll.u32 s21, $0xB  }
0xf5: {  	s0 =	sshra.s32 s0, $0x2  }
0xf6: {  	s0 =	sadd.s32 $0x408, s0;
	s4 =	simm.s32 $0x0;
	v2 =	vld [tilespmem:s24+$0x0];
	s8 =	smov.u32 s24  }
.LBB2_20:
0xf7: {  	s4 =	sadd.s32 $0x10, s4  }
0xf8: {  	p3 =	slt.u32 s4, $0x1F0  }
.Ltmp19:
0xf9: {  	_ = 	snop;
	(pc) =	sbr.rel @p3 .LBB2_20-.Ltmp19, $3  }
0xfa: {  	_ =	sdelay $0x1  }
0xfb: {  	s8 =	sadd.s32 $0x10, s8;
	[tilespmem:s0+$0x0] =	vst.add.f32.msk $0xffff, v2;
	s0 =	sadd.s32 $0x10, s0  }
0xfc: {  	v2 =	vld [tilespmem:s8+$0x0]  }
.Ltmp20:
0xfd: {  	_ = 	snop;
	(pc) =	sbr.rel .LBB2_29-.Ltmp20, $2  }
0xfe: {  	_ =	sdelay $0x2  }
0xff: {  	[tilespmem:s0+$0x0] =	vst.add.f32.msk $0xffff, v2  }
.LBB2_22:
0x100: {  	p3 =	seq.s32 s26, s23  }
.Ltmp21:
0x101: {  	_ = 	snop;
	(pc) =	sbr.rel @!p3 .LBB2_23-.Ltmp21, $1  }
0x102: {  	_ =	sdelay $0x3  }
.Ltmp22:
0x103: {  	s0 =	sadd.s32 $0x408, s0;
	(pc) =	sbr.rel .LBB2_26-.Ltmp22, $4  }
0x104: {  	[spmem:s13] =	stream.linear.scatter [tilespmem:s0], [sflag:$0x1], $0x200, $0x38;
	[tilespmem:$0x1C928] =	vst v63  }
0x105: {  	_ =	swait.ge [sflag:s10], $0x200  }
0x106: {  	[sflag:s10] =	ssyncset.done $0x0  }
0x107: {  	[sflag:s10] =	ssyncadd.s32 $0xFFFFFE00  }
.LBB2_23:
0x108: {  	s2 =	sshll.u32 s25, $0xB  }
0x109: {  	s2 =	sshra.s32 s2, $0x2  }
0x10a: {  	s4 =	sadd.s32 $0x408, s0;
	s8 =	sadd.s32 $0x6608, s2  }
0x10b: {  	s9 =	simm.s32 $0x0;
	s31 =	smov.u32 s4;
	v2 =	vld [tilespmem:s8+$0x0]  }
.LBB2_24:
0x10c: {  	s9 =	sadd.s32 $0x10, s9  }
0x10d: {  	p3 =	slt.u32 s9, $0x1F0  }
.Ltmp23:
0x10e: {  	_ = 	snop;
	(pc) =	sbr.rel @p3 .LBB2_24-.Ltmp23, $3  }
0x10f: {  	_ =	sdelay $0x1  }
0x110: {  	s8 =	sadd.s32 $0x10, s8;
	[tilespmem:s31+$0x0] =	vst.add.f32.msk $0xffff, v2;
	s31 =	sadd.s32 $0x10, s31  }
0x111: {  	v2 =	vld [tilespmem:s8+$0x0]  }
0x112: {  	_ =	sdelay $0x1  }
0x113: {  	p3 =	sgt.u32 s26, $0x8C870  }
0x114: {  	s2 =	sand.u32 @!p3 $0xFFFF8, s26  }
0x115: {  	s5 =	sand.u32 @!p3 $0x7, s26;
	s2 =	sadd.s32 @!p3 s1, s2;
	[tilespmem:s31+$0x0] =	vst.add.f32.msk $0xffff, v2  }
0x116: {  	[hbm4b:s2+s5] =	stream.linear.scatter @!p3 [tilespmem:s4], [sflag:$0xA], $0x80, $0x38;
	[tilespmem:$0x1C928] =	vst v63  }
0x117: {  	s2 =	sadd.s32 @!p3 $0x80, s26  }
0x118: {  	s2 =	sand.u32 @!p3 $0x1FFFF8, s2  }
0x119: {  	s4 =	sadd.s32 @!p3 $0x488, s0;
	s2 =	sadd.s32 @!p3 s1, s2  }
0x11a: {  	[hbm4b:s2+s5] =	stream.linear.scatter @!p3 [tilespmem:s4], [sflag:$0xA], $0x80, $0x38;
	[tilespmem:$0x1C928] =	vst v63  }
0x11b: {  	s2 =	sadd.s32 @!p3 $0x100, s26  }
0x11c: {  	s2 =	sand.u32 @!p3 $0x1FFFF8, s2  }
0x11d: {  	s4 =	sadd.s32 @!p3 $0x508, s0;
	s2 =	sadd.s32 @!p3 s1, s2  }
0x11e: {  	[hbm4b:s2+s5] =	stream.linear.scatter @!p3 [tilespmem:s4], [sflag:$0xA], $0x80, $0x38;
	[tilespmem:$0x1C928] =	vst v63  }
0x11f: {  	s2 =	sadd.s32 @!p3 $0x180, s26;
	s4 =	simm.s32 $0x0  }
0x120: {  	s2 =	sand.u32 @!p3 $0x1FFFF8, s2;
	s4 =	simm.s32 @!p3 $0x800  }
0x121: {  	s0 =	sadd.s32 @!p3 $0x588, s0;
	s2 =	sadd.s32 @!p3 s1, s2;
	s29 =	sadd.s32 s4, s29  }
0x122: {  	[hbm4b:s2+s5] =	stream.linear.scatter @!p3 [tilespmem:s0], [sflag:$0xA], $0x80, $0x38;
	[tilespmem:$0x1C928] =	vst v63  }
.LBB2_26:
0x123: {  	s0 =	sadd.s32 $0x1, s21  }
0x124: {  	s2 =	smulhi.u32 $0xAAAAAAAB, s0;
	_ =	sdelay $0x1  }
0x125: {  	s2 =	sshrl.u32 s2, $0x5  }
0x126: {  	s2 =	smul.u32 $0x30, s2;
	_ =	sdelay $0x1  }
0x127: {  	s21 =	ssub.s32 s0, s2  }
0x128: {  	s0 =	sshll.u32 s21, $0x9  }
0x129: {  	s4 =	simm.s32 $0x0;
	v2 =	vld [tilespmem:s24+$0x0];
	s8 =	smov.u32 s24;
	s0 =	sadd.s32 $0x408, s0  }
.LBB2_27:
0x12a: {  	s4 =	sadd.s32 $0x10, s4  }
0x12b: {  	p3 =	slt.u32 s4, $0x1F0  }
.Ltmp24:
0x12c: {  	_ = 	snop;
	(pc) =	sbr.rel @p3 .LBB2_27-.Ltmp24, $3  }
0x12d: {  	_ =	sdelay $0x1  }
0x12e: {  	[tilespmem:s0+$0x0] =	vst v2;
	s0 =	sadd.s32 $0x10, s0;
	s8 =	sadd.s32 $0x10, s8  }
0x12f: {  	v2 =	vld [tilespmem:s8+$0x0]  }
.Ltmp25:
0x130: {  	_ = 	snop;
	(pc) =	sbr.rel .LBB2_28-.Ltmp25, $1  }
0x131: {  	_ =	sdelay $0x3  }
.LBB2_31:
.Ltmp26:
0x132: {  	(pc) =	sbr.rel .LBB2_32-.Ltmp26, $4  }
0x133: {  	_ = 	snop  }
0x134: {  	s0 =	simm.s32 $0x2  }
0x135: {  	_ =	swait.ge [sflag:s0], $0x0  }
0x136: {  	s28 =	smov.u32 s26;
	[sflag:s0] =	ssyncset.done $0x0;
	s0 =	simm.s32 $0x0  }
.LBB2_34:
0x137: {  	_ =	sfence.sel $0x180000  }
0x138: {  	s0 =	simm.s32 $0x7;
	[bflag:$0x0] =	sbarrier.arrive $0xFFFF  }
0x139: {  	s24 =	simm.s32 $0x8;
	[sflag:s0] =	ssyncpa.u1 $0x1  }
0x13a: {  	s25 =	simm.s32 $0x9;
	[sflag:s24] =	ssyncpa.u1 $0x1  }
0x13b: {  	s26 =	simm.s32 $0x2;
	[sflag:s25] =	ssyncpa.u1 $0x1  }
0x13c: {  	[sflag:s26] =	ssyncpa.u1 $0x1  }
0x13d: {  	v0 =	vld [tilespmem:$0xC808];
	_ =	sdelay $0x4  }
0x13e: {  	(v2sf) =	vpush v0, $0x0  }
0x13f: {  	(v2sf) =	vpush v0, $0x1;
	_ =	sdelay $0x1  }
0x140: {  	(v2sf) =	vpush v0, $0x2;
	_ =	sdelay $0xb  }
0x141: {  	s0 =	spop (v2sf)  }
0x142: {  	s2 =	spop (v2sf)  }
0x143: {  	s3 =	smov.u32 s0;
	p1 =	sne.s32 s0, s2  }
0x144: {  	s4 =	spop (v2sf);
	s3 =	simm.s32 @!p1 $0xFFFFFFFF  }
0x145: {  	v2 =	vimm.s32 $0x1;
	v3 =	vlaneseq.u32;
	p1 =	seq.s32 s4, $0xFFFFFFFF;
	v1 =	vmov s3  }
0x146: {  	s28 =	stileid.u32;
	v0 =	vperm.xlane v0, v2;
	p2 =	sne.s32 @!p1 s0, s2;
	v1 =	vperm.xlane v1, v3  }
0x147: {  	vm0 =	vcmask $0x3F04;
	s6 =	simm.s32 $0xC808;
	s0 =	simm.s32 @!p1 $0x1;
	p2 =	por !p2, p1  }
0x148: {  	s3 =	sshll.u32 s28, $0x1;
	s2 =	sshll.u32 @!p1 s4, $0xB;
	s0 =	simm.s32 @p2 $0x0;
	v0 =	vsel vm0, v1, v0  }
0x149: {  	s5 =	sor.u32 $0x4000, s3;
	s2 =	sshra.s32 @!p1 s2, $0x2;
	s0 =	sor.u32 @!p1 s0, s3;
	[tilespmem:$0xC808] =	vst v0  }
0x14a: {  	[spmem:s5] =	stream.linear.scatter [tilespmem:s6], [sflag:$0x1], $0x2, $0x38;
	[tilespmem:$0x1C928] =	vst v63  }
0x14b: {  	s2 =	sadd.s32 @!p1 $0x408, s2;
	s0 =	sshll.u32 @!p1 s0, $0x9  }
0x14c: {  	[spmem:s0] =	stream.linear.scatter @!p1 [tilespmem:s2], [sflag:$0x1], $0x200, $0x38;
	[tilespmem:$0x1C928] =	vst v63  }
0x14d: {  	s2 =	simm.s32 @!p1 $0x202  }
0x14e: {  	s0 =	simm.s32 $0x1;
	s2 =	simm.s32 @p1 $0x2  }
0x14f: {  	_ =	swait.ge [sflag:s0], s2  }
0x150: {  	s2 =	ssub.s32 $0x0, s2;
	[sflag:s0] =	ssyncset.done $0x0  }
0x151: {  	[sflag:s0] =	ssyncadd.s32 s2  }
0x152: {  	_ =	sfence.stream.spmem  }
0x153: {  	s29 =	simm.s32 $0x3;
	[bflag:$0x0] =	sbarrier.arrive $0xFFFF  }
0x154: {  	s30 =	simm.s32 $0x4;
	[sflag:s29] =	ssyncpa.u1 $0x1  }
0x155: {  	s31 =	simm.s32 $0x3C;
	[sflag:s30] =	ssyncpa.u1 $0x1  }
0x156: {  	[sflag:s31] =	ssyncpa.u1 $0x1  }
0x157: {  	_ =	sfence @p0  }
0x158: {  	[sflag:s0] =	ssyncpa.u1 @p0 $0x1  }
0x159: {  	_ =	strace @p0 $0x90000059  }
0x15a: {  	[bflag:$0x2] =	sbarrier.arrive @p0 $0xFFFF  }
0x15b: {  	_ =	shalt @p0  }
.LBB2_35:
0x15c: {  	_ =	sfence.stream.spmem;
	s0 =	simm.s32 $0x5  }
0x15d: {  	s2 =	simm.s32 $0x4000;
	s3 =	simm.s32 $0xC818;
	[sflag:s0] =	ssyncpa.u1 $0x0  }
0x15e: {  	[tilespmem:s3], [sflag:$0x5] =	stream.linear.gather [spmem:s2], $0x20, $0x38;
	[tilespmem:$0x1C928] =	vst v63  }
0x15f: {  	s2 =	simm.s32 $0x0;
	s3 =	simm.s32 $0xC838  }
0x160: {  	[tilespmem:s3], [sflag:$0x5] =	stream.linear.gather [spmem:s2], $0x4000, $0x38;
	[tilespmem:$0x1C928] =	vst v63  }
.Ltmp27:
0x161: {  	_ = 	snop;
	(pc) =	sbr.rel .LBB2_36-.Ltmp27, $4  }
0x162: {  	_ =	swait.ge [sflag:s0], $0x4020  }
0x163: {  	s4 =	simm.s32 $0x6;
	[sflag:s0] =	ssyncset.done $0x0  }
0x164: {  	s5 =	simm.s32 $0xC688;
	s6 =	simm.s32 $0xC708;
	[sflag:s0] =	ssyncadd.s32 $0xFFFFBFE0  }
0x165: {  	s7 =	simm.s32 $0xC788;
	s8 =	simm.s32 $0x0;
	[sflag:s4] =	ssyncpa.u1 $0x0  }
.LBB2_51:
0x166: {  	s8 =	sadd.s32 $0x1, s8  }
0x167: {  	p0 =	sne.s32 s8, $0x20  }
.Ltmp28:
0x168: {  	_ = 	snop;
	(pc) =	sbr.rel @!p0 .LBB2_52-.Ltmp28, $2  }
0x169: {  	_ =	sdelay $0x2  }
0x16a: {  	s3 =	sadd.s32 $0x200, s3  }
.LBB2_36:
0x16b: {  	v0 =	vld.msk [tilespmem:s8+$0xC818], $0x1;
	_ =	sdelay $0x4  }
0x16c: {  	(v2sf) =	vpush v0, $0x0;
	_ =	sdelay $0xe  }
0x16d: {  	s9 =	spop (v2sf)  }
0x16e: {  	p0 =	seq.s32 s9, $0xFFFFFFFF  }
.Ltmp29:
0x16f: {  	_ = 	snop;
	(pc) =	sbr.rel @p0 .LBB2_51-.Ltmp29, $1  }
0x170: {  	_ =	sdelay $0x3  }
0x171: {  	p0 =	slt.s32 s2, $0x1  }
.Ltmp30:
0x172: {  	_ = 	snop;
	(pc) =	sbr.rel @p0 .LBB2_44-.Ltmp30, $1  }
0x173: {  	_ =	sdelay $0x3  }
0x174: {  	s0 =	simm.s32 $0xC818;
	p0 =	por $0x0, $0x0  }
0x175: {  	v1 =	vld.msk @!p0 [tilespmem:s0+$0x0], $0x1;
	_ =	sdelay $0x4  }
0x176: {  	(v2sf) =	vpush @!p0 v1, $0x0;
	_ =	sdelay $0xd  }
0x177: {  	p2 =	sne.s32 s2, $0x1  }
.Ltmp31:
0x178: {  	s10 =	spop @!p0 (v2sf);
	(pc) =	sbr.rel @!p2 .LBB2_40-.Ltmp31, $4  }
0x179: {  	p1 =	seq.s32 @!p0 s9, s10  }
0x17a: {  	s10 =	simm.s32 $0x0;
	p1 =	por !p1, p0  }
0x17b: {  	s12 =	simm.s32 $0xFFFFFFFF;
	s10 =	simm.s32 @p1 $0xFFFFFFFF  }
0x17c: {  	s11 =	simm.s32 $0x1;
	s10 =	smov.u32 @p0 s12  }
.LBB2_39:
0x17d: {  	s12 =	smov.u32 s10;
	p0 =	sne.s32 s10, $0xFFFFFFFF  }
0x17e: {  	s0 =	sadd.s32 $0x1, s0;
	s10 =	smov.u32 s11;
	s11 =	sadd.s32 $0x1, s11  }
0x17f: {  	p1 =	sne.s32 s2, s11;
	v1 =	vld.msk @!p0 [tilespmem:s0+$0x0], $0x1;
	_ =	sdelay $0x4  }
0x180: {  	(v2sf) =	vpush @!p0 v1, $0x0;
	_ =	sdelay $0xe  }
.Ltmp32:
0x181: {  	s13 =	spop @!p0 (v2sf);
	(pc) =	sbr.rel @p1 .LBB2_39-.Ltmp32, $4  }
0x182: {  	p2 =	seq.s32 @!p0 s9, s13  }
0x183: {  	p2 =	por !p2, p0  }
0x184: {  	s10 =	simm.s32 @p2 $0xFFFFFFFF  }
0x185: {  	s10 =	smov.u32 @p0 s12  }
.LBB2_40:
0x186: {  	p0 =	seq.s32 s10, $0xFFFFFFFF  }
.Ltmp33:
0x187: {  	_ = 	snop;
	(pc) =	sbr.rel @p0 .LBB2_44-.Ltmp33, $1  }
0x188: {  	_ =	sdelay $0x3  }
0x189: {  	s0 =	sshll.u32 s10, $0xB  }
0x18a: {  	s0 =	sshra.s32 s0, $0x2  }
0x18b: {  	s9 =	simm.s32 $0x0;
	v0 =	vld [tilespmem:s3+$0x0];
	s10 =	smov.u32 s3;
	s0 =	sadd.s32 $0xC838, s0  }
.LBB2_42:
0x18c: {  	s9 =	sadd.s32 $0x10, s9  }
0x18d: {  	p0 =	slt.u32 s9, $0x1F0  }
.Ltmp34:
0x18e: {  	_ = 	snop;
	(pc) =	sbr.rel @p0 .LBB2_42-.Ltmp34, $3  }
0x18f: {  	_ =	sdelay $0x1  }
0x190: {  	s10 =	sadd.s32 $0x10, s10;
	[tilespmem:s0+$0x0] =	vst.add.f32.msk $0xffff, v0;
	s0 =	sadd.s32 $0x10, s0  }
0x191: {  	v0 =	vld [tilespmem:s10+$0x0]  }
.Ltmp35:
0x192: {  	_ = 	snop;
	(pc) =	sbr.rel .LBB2_51-.Ltmp35, $2  }
0x193: {  	_ =	sdelay $0x2  }
0x194: {  	[tilespmem:s0+$0x0] =	vst.add.f32.msk $0xffff, v0  }
.LBB2_44:
0x195: {  	p0 =	sgt.u32 s9, $0x8C870  }
.Ltmp36:
0x196: {  	_ = 	snop;
	(pc) =	sbr.rel @p0 .LBB2_48-.Ltmp36, $1  }
0x197: {  	_ =	sdelay $0x3  }
0x198: {  	s0 =	sand.u32 $0xFFFF8, s9;
	s11 =	sand.u32 $0x7, s9  }
0x199: {  	s29 =	sadd.s32 $0x80, s9;
	s10 =	sadd.s32 s1, s0;
	s0 =	simm.s32 $0xC608  }
0x19a: {  	[tilespmem:s0], [sflag:$0x6] =	stream.linear.gather [hbm4b:s10+s11], $0x80, $0x38;
	[tilespmem:$0x1C928] =	vst v63  }
0x19b: {  	s10 =	sand.u32 $0x1FFFF8, s29  }
0x19c: {  	s30 =	sadd.s32 $0x100, s9;
	s10 =	sadd.s32 s1, s10  }
0x19d: {  	[tilespmem:s5], [sflag:$0x6] =	stream.linear.gather [hbm4b:s10+s11], $0x80, $0x38;
	[tilespmem:$0x1C928] =	vst v63  }
0x19e: {  	s31 =	sadd.s32 $0x180, s9;
	s10 =	sand.u32 $0x1FFFF8, s30  }
0x19f: {  	s9 =	sand.u32 $0x1FFFF8, s31;
	s10 =	sadd.s32 s1, s10  }
0x1a0: {  	[tilespmem:s6], [sflag:$0x6] =	stream.linear.gather [hbm4b:s10+s11], $0x80, $0x38;
	[tilespmem:$0x1C928] =	vst v63  }
0x1a1: {  	s9 =	sadd.s32 s1, s9  }
0x1a2: {  	[tilespmem:s7], [sflag:$0x6] =	stream.linear.gather [hbm4b:s9+s11], $0x80, $0x38;
	[tilespmem:$0x1C928] =	vst v63  }
0x1a3: {  	_ =	swait.ge [sflag:s4], $0x200  }
0x1a4: {  	[sflag:s4] =	ssyncset.done $0x0  }
0x1a5: {  	[sflag:s4] =	ssyncadd.s32 $0xFFFFFE00  }
0x1a6: {  	s10 =	smov.u32 s3;
	s9 =	simm.s32 $0x0;
	v1 =	vld [tilespmem:s0+$0x0]  }
.LBB2_46:
0x1a7: {  	s9 =	sadd.s32 $0x10, s9  }
0x1a8: {  	p0 =	slt.u32 s9, $0x1F0  }
.Ltmp37:
0x1a9: {  	_ = 	snop;
	(pc) =	sbr.rel @p0 .LBB2_46-.Ltmp37, $3  }
0x1aa: {  	_ =	sdelay $0x1  }
0x1ab: {  	s0 =	sadd.s32 $0x10, s0;
	[tilespmem:s10+$0x0] =	vst.add.f32.msk $0xffff, v1;
	s10 =	sadd.s32 $0x10, s10  }
0x1ac: {  	v1 =	vld [tilespmem:s0+$0x0]  }
0x1ad: {  	_ =	sdelay $0x3  }
0x1ae: {  	[tilespmem:s10+$0x0] =	vst.add.f32.msk $0xffff, v1  }
.LBB2_48:
0x1af: {  	s0 =	sshll.u32 s2, $0xB  }
0x1b0: {  	[tilespmem:s2+$0xC818] =	vst.msk $0x1, v0;
	s0 =	sshra.s32 s0, $0x2  }
0x1b1: {  	s9 =	simm.s32 $0x0;
	s10 =	smov.u32 s3;
	v0 =	vld [tilespmem:s3+$0x0];
	s0 =	sadd.s32 $0xC838, s0  }
.LBB2_49:
0x1b2: {  	s9 =	sadd.s32 $0x10, s9  }
0x1b3: {  	p0 =	slt.u32 s9, $0x1F0  }
.Ltmp38:
0x1b4: {  	_ = 	snop;
	(pc) =	sbr.rel @p0 .LBB2_49-.Ltmp38, $3  }
0x1b5: {  	_ =	sdelay $0x1  }
0x1b6: {  	s10 =	sadd.s32 $0x10, s10;
	[tilespmem:s0+$0x0] =	vst v0;
	s0 =	sadd.s32 $0x10, s0  }
0x1b7: {  	v0 =	vld [tilespmem:s10+$0x0]  }
.Ltmp39:
0x1b8: {  	_ = 	snop;
	(pc) =	sbr.rel .LBB2_51-.Ltmp39, $2  }
0x1b9: {  	_ =	sdelay $0x2  }
0x1ba: {  	s2 =	sadd.s32 $0x1, s2;
	[tilespmem:s0+$0x0] =	vst v0  }
.LBB2_52:
0x1bb: {  	p0 =	slt.s32 s2, $0x1  }
.Ltmp40:
0x1bc: {  	_ = 	snop;
	(pc) =	sbr.rel @p0 .LBB2_56-.Ltmp40, $3  }
0x1bd: {  	_ =	sdelay $0x1  }
0x1be: {  	s0 =	simm.s32 $0x6  }
0x1bf: {  	s3 =	simm.s32 $0x0;
	[sflag:s0] =	ssyncpa.u1 $0x1  }
0x1c0: {  	s0 =	simm.s32 $0xC818  }
0x1c1: {  	v0 =	vld.msk [tilespmem:s0+$0x0], $0x1;
	_ =	sdelay $0x4  }
0x1c2: {  	(v2sf) =	vpush v0, $0x0;
	_ =	sdelay $0xe  }
0x1c3: {  	s7 =	spop (v2sf)  }
0x1c4: {  	s4 =	simm.s32 $0xC838;
	p0 =	sgt.u32 s7, $0x8C870  }
0x1c5: {  	s2 =	sadd.s32 $0xFFFFFFFF, s2;
	s0 =	sand.u32 @!p0 $0xFFFF8, s7;
	s5 =	sadd.s32 @!p0 $0x80, s7  }
0x1c6: {  	s9 =	sadd.s32 @!p0 s1, s0;
	s0 =	sand.u32 @!p0 $0x7, s7;
	s5 =	sand.u32 @!p0 $0x1FFFF8, s5  }
0x1c7: {  	[hbm4b:s9+s0] =	stream.linear.scatter @!p0 [tilespmem:s4], [sflag:$0x5], $0x80, $0x38;
	[tilespmem:$0x1C928] =	vst v63  }
0x1c8: {  	p1 =	sne.s32 s2, $0x0;
	s4 =	simm.s32 @!p0 $0xC8B8;
	s5 =	sadd.s32 @!p0 s1, s5  }
0x1c9: {  	[hbm4b:s5+s0] =	stream.linear.scatter @!p0 [tilespmem:s4], [sflag:$0x5], $0x80, $0x38;
	[tilespmem:$0x1C928] =	vst v63  }
.Ltmp41:
0x1ca: {  	s6 =	simm.s32 $0x0;
	s8 =	sadd.s32 @!p0 $0x100, s7;
	(pc) =	sbr.rel @!p1 .LBB2_55-.Ltmp41, $4  }
0x1cb: {  	s6 =	simm.s32 @!p0 $0x800;
	s8 =	sand.u32 @!p0 $0x1FFFF8, s8;
	s4 =	simm.s32 @!p0 $0xC938  }
0x1cc: {  	s5 =	sadd.s32 @!p0 s1, s8;
	s8 =	sadd.s32 @!p0 $0x180, s7;
	s7 =	simm.s32 @!p0 $0xC9B8  }
0x1cd: {  	[hbm4b:s5+s0] =	stream.linear.scatter @!p0 [tilespmem:s4], [sflag:$0x5], $0x80, $0x38;
	[tilespmem:$0x1C928] =	vst v63  }
0x1ce: {  	s8 =	sand.u32 @!p0 $0x1FFFF8, s8;
	s4 =	simm.s32 $0xC819;
	s5 =	simm.s32 $0xCA38  }
.LBB2_54:
0x1cf: {  	s2 =	sadd.s32 $0xFFFFFFFF, s2;
	s8 =	sadd.s32 @!p0 s1, s8;
	s3 =	sadd.s32 s3, s6  }
0x1d0: {  	[hbm4b:s8+s0] =	stream.linear.scatter @!p0 [tilespmem:s7], [sflag:$0x5], $0x80, $0x38;
	[tilespmem:$0x1C928] =	vst v63  }
0x1d1: {  	p1 =	sne.s32 s2, $0x0;
	s7 =	smov.u32 s5;
	v0 =	vld.msk [tilespmem:s4+$0x0], $0x1;
	_ =	sdelay $0x4  }
0x1d2: {  	(v2sf) =	vpush v0, $0x0;
	_ =	sdelay $0xe  }
0x1d3: {  	s6 =	spop (v2sf)  }
0x1d4: {  	s5 =	sadd.s32 $0x200, s5;
	s4 =	sadd.s32 $0x1, s4;
	p0 =	sgt.u32 s6, $0x8C870  }
0x1d5: {  	s0 =	sand.u32 @!p0 $0xFFFF8, s6;
	s8 =	sadd.s32 @!p0 $0x80, s6;
	s9 =	sadd.s32 @!p0 $0x100, s6  }
0x1d6: {  	s10 =	sadd.s32 @!p0 s1, s0;
	s0 =	sand.u32 @!p0 $0x7, s6;
	s8 =	sand.u32 @!p0 $0x1FFFF8, s8  }
0x1d7: {  	[hbm4b:s10+s0] =	stream.linear.scatter @!p0 [tilespmem:s7], [sflag:$0x5], $0x80, $0x38;
	[tilespmem:$0x1C928] =	vst v63  }
0x1d8: {  	s9 =	sand.u32 @!p0 $0x1FFFF8, s9;
	s10 =	sadd.s32 @!p0 $0x80, s7  }
.Ltmp42:
0x1d9: {  	s8 =	sadd.s32 @!p0 s1, s8;
	s9 =	sadd.s32 @!p0 s1, s9;
	(pc) =	sbr.rel @p1 .LBB2_54-.Ltmp42, $4  }
0x1da: {  	[hbm4b:s8+s0] =	stream.linear.scatter @!p0 [tilespmem:s10], [sflag:$0x5], $0x80, $0x38;
	[tilespmem:$0x1C928] =	vst v63  }
0x1db: {  	s8 =	sadd.s32 @!p0 $0x100, s7;
	s10 =	sadd.s32 @!p0 $0x180, s6;
	s6 =	simm.s32 $0x0  }
0x1dc: {  	[hbm4b:s9+s0] =	stream.linear.scatter @!p0 [tilespmem:s8], [sflag:$0x5], $0x80, $0x38;
	[tilespmem:$0x1C928] =	vst v63  }
0x1dd: {  	s7 =	sadd.s32 @!p0 $0x180, s7;
	s6 =	simm.s32 @!p0 $0x800;
	s8 =	sand.u32 @!p0 $0x1FFFF8, s10  }
.LBB2_55:
0x1de: {  	s1 =	sadd.s32 @!p0 s1, s8;
	s31 =	sadd.s32 s3, s6  }
0x1df: {  	[hbm4b:s1+s0] =	stream.linear.scatter @!p0 [tilespmem:s7], [sflag:$0x5], $0x80, $0x38;
	[tilespmem:$0x1C928] =	vst v63  }
0x1e0: {  	s3 =	sshrl.u32 s31, $0x2  }
.LBB2_56:
0x1e1: {  	s0 =	simm.s32 $0x5  }
0x1e2: {  	_ =	swait.ge [sflag:s0], s3  }
0x1e3: {  	s1 =	ssub.s32 $0x0, s3;
	[sflag:s0] =	ssyncset.done $0x0  }
0x1e4: {  	[sflag:s0] =	ssyncadd.s32 s1  }
0x1e5: {  	[sflag:s0] =	ssyncpa.u1 $0x1  }
0x1e6: {  	s30 =	simm.s32 $0x1;
	_ =	sfence  }
0x1e7: {  	[sflag:s30] =	ssyncpa.u1 $0x1  }
0x1e8: {  	_ =	strace $0x90000059  }
0x1e9: {  	[bflag:$0x2] =	sbarrier.arrive $0xFFFF  }
0x1ea: {  	s31 =	rddreg [dreg:$0x1]  }
0x1eb: {  	s0 =	sadd.s32 $0x100000, s31  }
0x1ec: {  	[sflag:s0] =	ssyncadd.tile.s32 $0x1;
	_ =	shalt  }
.Lfunc_end2:
_tile_overlayer_lowered:
.L_overlay_start_2:
0x1ed: {  	(tag) =	ssettag $0x2  }
0x1ee: {  	s0 =	rddreg [dreg:$0x0];
	s2 =	stileid.u32  }
0x1ef: {  	s1 =	rddreg [dreg:$0x1];
	p0 =	sne.s32 s2, $0x0  }
0x1f0: {  	s3 =	rddreg [dreg:$0x2];
	[bflag:$0x3] =	sbarrier.arrive $0xFFFF;
	s2 =	simm.s32 @!p0 $0x1C01  }
0x1f1: {  	[timem:s3], [sflag:s2] =	dma.local @!p0 [hbm:s0], s1  }
0x1f2: {  	s0 =	simm.s32 @!p0 $0x1  }
0x1f3: {  	_ =	swait.ge @!p0 [sflag:s0], s1  }
0x1f4: {  	s1 =	ssub.s32 @!p0 $0x0, s1;
	[sflag:s0] =	ssyncset.done @!p0 $0x0  }
0x1f5: {  	[sflag:s0] =	ssyncadd.s32 @!p0 s1  }
0x1f6: {  	[bflag:$0x3] =	sbarrier.arrive $0xFFFF  }
0x1f7: {  	_ =	shalt  }

// kernel: scatter_offload_async_start
scs
__scs_entry_jumppad:
0x0: {  	(pc) =	sbr.rel $0x88, $3  }
0x1: {  	(tag) =	ssettag $0x0;
	lr =	simm.s32 $0x1  }
0x2: {  	[smem:$0x3F8F] =	sst lr;
	_ =	strace $0xD0000000  }
0x3: {  	_ = 	snop  }
0x4: {  	_ = 	snop  }
0x5: {  	_ = 	snop  }
0x6: {  	_ = 	snop  }
0x7: {  	_ = 	snop  }
__scs_overlays_trampoline_lowered:
0x8: {  	[smem:$0x3F9E] =	sst s0  }
0x9: {  	[smem:$0x3F9F] =	sst s1  }
0xa: {  	[smem:$0x3FA0] =	sst s2  }
0xb: {  	[smem:$0x3FA1] =	sst s3  }
0xc: {  	[smem:$0x3FA2] =	sst s4  }
0xd: {  	[smem:$0x3FA3] =	sst s5  }
0xe: {  	[smem:$0x3FA4] =	sst s6  }
0xf: {  	[smem:$0x3FA5] =	sst s7  }
0x10: {  	[smem:$0x3FA6] =	sst s8  }
0x11: {  	[smem:$0x3FA7] =	sst s9;
	s0 =	simm.s32 @!p0 $0x0  }
0x12: {  	s1 =	sld [smem:$0x3F8D];
	s0 =	simm.s32 @p0 $0x1  }
0x13: {  	[smem:$0x3FA8] =	sst s0;
	s0 =	simm.s32 @!p1 $0x0  }
0x14: {  	s2 =	sld [smem:$0x3F8C];
	s0 =	simm.s32 @p1 $0x1  }
0x15: {  	[smem:$0x3FA9] =	sst s0;
	s0 =	simm.s32 @!p2 $0x0  }
0x16: {  	s3 =	sld [smem:$0x3FDB];
	s0 =	simm.s32 @p2 $0x1  }
0x17: {  	s4 =	simm.s32 $0x1BF5;
	[smem:$0x3FAB] =	sst s0  }
0x18: {  	s0 =	sld [smem:$0x3F8E];
	_ =	swait.ge [sflag:s4], $0x0  }
0x19: {  	s7 =	sld [smem:$0x3F8F]  }
0x1a: {  	s8 =	sadd.s32 $0xFFFFE003, lr  }
0x1b: {  	s9 =	sadd.s32 $0xFFFFFEF7, lr;
	s5 =	simm.s32 $0xFFFFFFFF;
	p2 =	slt.u32 s8, $0xFFFFF086  }
0x1c: {  	p1 =	slt.u32 s9, $0xF7A;
	s5 =	simm.s32 @!p2 $0x0  }
0x1d: {  	s5 =	simm.s32 @p1 $0x1;
	p0 =	seq.s32 s7, s2  }
0x1e: {  	s7 =	smul.u32 @!p0 $0xF7A, s2;
	p2 =	seq.s32 @!p0 s5, $0x0  }
0x1f: {  	s9 =	smul.u32 $0xF7A, s1;
	s8 =	simm.s32 @!p0 $0x1BF5;
	p2 =	por !p2, p0  }
0x20: {  	[sflag:s8] =	ssyncset.s32 @!p0 $0xFFFFF086;
	s6 =	sadd.s32 @!p0 s3, s7;
	s7 =	simm.s32 @!p0 $0x108  }
0x21: {  	s3 =	sadd.s32 s3, s9;
	s6 =	sadd.s32 @!p0 $0x88, s6;
	s7 =	simm.s32 @p2 $0x1082  }
0x22: {  	[simem:s7], [sflag:s8] =	dma.local @!p0 [hbm:s6], $0xF7A  }
0x23: {  	s9 =	sor.u32 $0xD0000000, s2;
	s6 =	simm.s32 $0x108;
	_ =	swait.ge @!p0 [sflag:s8], $0x0  }
0x24: {  	s3 =	sadd.s32 $0x88, s3;
	s6 =	simm.s32 @!p1 $0x1082;
	[sflag:s4] =	ssyncset.s32 $0xFFFFF086  }
0x25: {  	[simem:s6], [sflag:s4] =	dma.local [hbm:s3], $0xF7A  }
0x26: {  	[smem:$0x3F8F] =	sst s1;
	(tag) =	ssettag s2;
	_ =	strace s9  }
0x27: {  	s1 =	sld [smem:$0x3F9F]  }
0x28: {  	s2 =	sld [smem:$0x3FA0]  }
0x29: {  	s4 =	sld [smem:$0x3FA2]  }
0x2a: {  	p0 =	seq.s32 s5, $0x0;
	s5 =	sld [smem:$0x3FA3]  }
0x2b: {  	s6 =	sld [smem:$0x3FA4]  }
0x2c: {  	s7 =	sld [smem:$0x3FA5]  }
0x2d: {  	s3 =	simm.s32 $0x108;
	s8 =	sld [smem:$0x3FA6]  }
0x2e: {  	s3 =	simm.s32 @!p0 $0x1082;
	s9 =	sld [smem:$0x3FA7]  }
0x2f: {  	lr =	sadd.s32 s0, s3;
	s0 =	sld [smem:$0x3F9E]  }
0x30: {  	s3 =	sld [smem:$0x3FA1]  }
0x31: {  	[smem:$0x3FAA] =	sst s10  }
0x32: {  	s10 =	sld [smem:$0x3FA8];
	_ =	sdelay $0x3  }
0x33: {  	p0 =	seq.s32 s10, $0x1;
	s10 =	sld [smem:$0x3FAA];
	_ =	sdelay $0x3  }
0x34: {  	[smem:$0x3FAA] =	sst s10  }
0x35: {  	s10 =	sld [smem:$0x3FA9];
	_ =	sdelay $0x3  }
0x36: {  	p1 =	seq.s32 s10, $0x1;
	s10 =	sld [smem:$0x3FAA];
	_ =	sdelay $0x3  }
0x37: {  	[smem:$0x3FAA] =	sst s10  }
0x38: {  	s10 =	sld [smem:$0x3FAB]  }
0x39: {  	_ = 	snop;
	(pc) =	sbr.ind lr, $3  }
0x3a: {  	_ = 	snop  }
0x3b: {  	_ = 	snop  }
0x3c: {  	p2 =	seq.s32 s10, $0x1;
	s10 =	sld [smem:$0x3FAA]  }
0x3d: {  	_ =	shalt  }
0x3e: {  	_ =	shalt  }
0x3f: {  	_ =	shalt  }
0x40: {  	_ =	shalt  }
0x41: {  	_ =	shalt  }
0x42: {  	_ =	shalt  }
0x43: {  	_ =	shalt  }
0x44: {  	_ =	shalt  }
0x45: {  	_ =	shalt  }
0x46: {  	_ =	shalt  }
0x47: {  	_ =	shalt  }
0x48: {  	_ =	shalt  }
0x49: {  	_ =	shalt  }
0x4a: {  	_ =	shalt  }
0x4b: {  	_ =	shalt  }
0x4c: {  	_ =	shalt  }
0x4d: {  	_ =	shalt  }
0x4e: {  	_ =	shalt  }
0x4f: {  	_ =	shalt  }
0x50: {  	_ =	shalt  }
0x51: {  	_ =	shalt  }
0x52: {  	_ =	shalt  }
0x53: {  	_ =	shalt  }
0x54: {  	_ =	shalt  }
0x55: {  	_ =	shalt  }
0x56: {  	_ =	shalt  }
0x57: {  	_ =	shalt  }
0x58: {  	_ =	shalt  }
0x59: {  	_ =	shalt  }
0x5a: {  	_ =	shalt  }
0x5b: {  	_ =	shalt  }
0x5c: {  	_ =	shalt  }
0x5d: {  	_ =	shalt  }
0x5e: {  	_ =	shalt  }
0x5f: {  	_ =	shalt  }
0x60: {  	_ =	shalt  }
0x61: {  	_ =	shalt  }
0x62: {  	_ =	shalt  }
0x63: {  	_ =	shalt  }
0x64: {  	_ =	shalt  }
0x65: {  	_ =	shalt  }
0x66: {  	_ =	shalt  }
0x67: {  	_ =	shalt  }
0x68: {  	_ =	shalt  }
0x69: {  	_ =	shalt  }
0x6a: {  	_ =	shalt  }
0x6b: {  	_ =	shalt  }
0x6c: {  	_ =	shalt  }
0x6d: {  	_ =	shalt  }
0x6e: {  	_ =	shalt  }
0x6f: {  	_ =	shalt  }
0x70: {  	_ =	shalt  }
0x71: {  	_ =	shalt  }
0x72: {  	_ =	shalt  }
0x73: {  	_ =	shalt  }
0x74: {  	_ =	shalt  }
0x75: {  	_ =	shalt  }
0x76: {  	_ =	shalt  }
0x77: {  	_ =	shalt  }
0x78: {  	_ =	shalt  }
0x79: {  	_ =	shalt  }
0x7a: {  	_ =	shalt  }
0x7b: {  	_ =	shalt  }
0x7c: {  	_ =	shalt  }
0x7d: {  	_ =	shalt  }
0x7e: {  	_ =	shalt  }
0x7f: {  	_ =	shalt  }
0x80: {  	_ =	shalt  }
0x81: {  	_ =	shalt  }
0x82: {  	_ =	shalt  }
0x83: {  	_ =	shalt  }
0x84: {  	_ =	shalt  }
0x85: {  	_ =	shalt  }
0x86: {  	_ =	shalt  }
0x87: {  	_ =	shalt  }
.Lfunc_end0:
.L_simem_size_0:
called_computation_lowered:
.L_overlay_start_0:
0x88: {  	s0 =	sld [smem:$0x3FD9]  }
0x89: {  	s1 =	sld [smem:$0x3FFE];
	_ =	sdelay $0x3  }
0x8a: {  	s0 =	sadd.s32 s1, s0  }
0x8b: {  	[smem:$0x3FB6] =	sst s0  }
0x8c: {  	_ = 	snop  }
0x8d: {  	(tm) =	ssettm $0x1  }
0x8e: {  	s15 =	sld [smem:$0x3FFB];
	_ =	sdelay $0x3  }
0x8f: {  	_ =	strace s15  }
0x90: {  	s0 =	sld [smem:$0x3FFC];
	_ =	sdelay $0x3  }
0x91: {  	_ =	strace s0  }
0x92: {  	s0 =	sld [smem:$0x3FFD];
	_ =	sdelay $0x3  }
0x93: {  	_ =	strace s0  }
0x94: {  	_ =	strace $0x8FFFFFFF  }
0x95: {  	s16 =	sld [smem:$0x3FDB];
	_ =	sdelay $0x1  }
0x96: {  	s17 =	simm.s32 $_scs_section_size  }
0x97: {  	s2 =	simm.s32 $_size__tile_overlayer_lowered;
	s3 =	simm.s32 $_tile_overlayer_lowered  }
0x98: {  	s20 =	simm.s32 $0x1BFF;
	s19 =	sshll.u32 s3, $0x1;
	s0 =	sadd.s32 s17, s16  }
0x99: {  	s4 =	simm.s32 $0x0;
	s18 =	sshll.u32 s2, $0x1;
	s2 =	sadd.s32 s19, s0  }
0x9a: {  	[timem:s4], [sflag:s20] =	dma.local [hbm:s2], s18  }
0x9b: {  	_ =	swait.ge [sflag:s20], s18  }
0x9c: {  	s1 =	ssub.s32 $0x0, s18;
	[sflag:s20] =	ssyncset.done $0x0  }
0x9d: {  	[sflag:s20] =	ssyncadd.s32 s1;
	_ =	sdelay $0x1  }
0x9e: {  	s21 =	simm.s32 $0x1B8B  }
0x9f: {  	_ =	swait.ge [sflag:s21], $0x1  }
0xa0: {  	[sflag:s21] =	ssyncset.done $0x0  }
0xa1: {  	s23 =	simm.s32 $0x1B8E;
	s22 =	sld [smem:$0x3FFE];
	[sflag:s21] =	ssyncadd.s32 $0xFFFFFFFF  }
0xa2: {  	s24 =	simm.s32 $execute0_lowered;
	[smem:$0x3FD2] =	sst s23  }
0xa3: {  	s2 =	sshll.u32 s24, $0x1;
	_ =	strace $0x80000046;
	[dreg:$0x1] =	wrdreg $0xFFFFFFFF  }
0xa4: {  	s25 =	simm.s32 $_size_execute0_lowered;
	s0 =	sadd.s32 s0, s2;
	[dreg:$0x0] =	wrdreg $0x0  }
0xa5: {  	s2 =	sshll.u32 s25, $0x1;
	[dreg:$0x2] =	wrdreg s0  }
0xa6: {  	[dreg:$0x3] =	wrdreg s2  }
0xa7: {  	[dreg:$0x4] =	wrdreg $0xC0  }
0xa8: {  	_ =	task [dreg:s4], $0x5FFFF  }
0xa9: {  	[dreg:$0x1] =	wrdreg $0xFFFFFFFF  }
0xaa: {  	[dreg:$0x0] =	wrdreg $0x60  }
0xab: {  	[dreg:$0x2] =	wrdreg s22  }
0xac: {  	[dreg:$0x3] =	wrdreg $0x9  }
0xad: {  	_ =	task.clear_ibuf [dreg:s4], $0x4FFFF;
	_ =	strace $0x90000046  }
0xae: {  	s26 =	simm.s32 $0x9;
	_ =	strace $0x80000048  }
0xaf: {  	_ =	swait.ge [sflag:s26], $0x1  }
0xb0: {  	[sflag:s26] =	ssyncadd.s32 $0xFFFFFFFF  }
0xb1: {  	_ =	strace $0x90000048  }
0xb2: {  	_ =	sfence  }
0xb3: {  	s28 =	sld [smem:$0x0];
	_ =	sdelay $0x1  }
0xb4: {  	s29 =	srdreg.scid  }
0xb5: {  	s30 =	sshll.u32 s29, $0xD;
	s31 =	sshrl.u32 s29, $0x2  }
0xb6: {  	s1 =	sand.u32 $0x1, s29;
	s2 =	sand.u32 $0x4000, s30;
	s0 =	sadd.s32 s31, s28  }
0xb7: {  	s1 =	sor.u32 s2, s1;
	s0 =	sshll.u32 s0, $0x11  }
0xb8: {  	s0 =	sor.u32 s0, s1  }
0xb9: {  	s0 =	sadd.s32 $0x8F2B, s0  }
0xba: {  	[sflag:s0] =	ssyncadd.remote.s32 $0x1  }
0xbb: {  	_ =	sfence.sel $0xFFFF  }
0xbc: {  	[dreg:$0x0] =	wrdreg $0xFFFFFFFF;
	(pc) =	sbr.abs _section_cstart, $3  }
0xbd: {  	[dreg:$0x1] =	wrdreg $0xFFFFFFFF  }
0xbe: {  	_ =	task.clear_ibuf [dreg:s4], $0x2FFFF;
	_ =	strace $0x9FFFFFFF  }
0xbf: {  	(tm) =	ssettm $0x7FFFFFFF  }
tec
execute0_lowered:
.L_overlay_start_1:
0x0: {  	(tag) =	ssettag $0x1  }
0x1: {  	s0 =	rddreg [dreg:$0x0]  }
0x2: {  	s6 =	stileid.u32;
	_ =	strace $0x80000047;
	s2 =	simm.s32 $0x1  }
0x3: {  	v1 =	vimm.s32 $0xFFFFFFFF;
	s1 =	smin.u32 s6, $0x9;
	[sflag:s2] =	ssyncpa.u1 $0x0  }
0x4: {  	s1 =	sadd.s32 s6, s1;
	[tilespmem:$0x10] =	vst v1  }
0x5: {  	v0 =	vimm.f32 $0.0e+00;
	p0 =	slt.u32 s6, $0x9;
	[tilespmem:$0x20] =	vst v1;
	s3 =	smul.u32 $0x1A90, s1;
	s1 =	simm.s32 $0x3520  }
0x6: {  	[tilespmem:$0x30] =	vst v0;
	s1 =	simm.s32 @!p0 $0x1A90  }
0x7: {  	[tilespmem:$0x40] =	vst v0;
	s1 =	sadd.s32 s1, s3  }
0x8: {  	[tilespmem:$0x50] =	vst v0;
	s4 =	smin.u32 s1, $0x29810  }
0x9: {  	s7 =	simm.s32 $0x2;
	[tilespmem:$0x60] =	vst v1;
	s9 =	ssub.s32 s4, s3  }
0xa: {  	s8 =	simm.s32 $0x8;
	s31 =	simm.s32 $0x9;
	[tilespmem:$0x70] =	vst v1;
	p0 =	sgt.s32 s9, $0x0  }
0xb: {  	s16 =	simm.s32 $0x0;
	s17 =	simm.s32 $0xF0;
	[tilespmem:$0x80] =	vst v1;
	s9 =	simm.s32 @!p0 $0x0  }
0xc: {  	s18 =	simm.s32 $0xFFFFFFFF;
	s19 =	simm.s32 $0xFFFFCBE0;
	v1 =	vimm.s32 $0x0;
	[tilespmem:$0xB0] =	vst v0;
	s5 =	smulhi.u32 $0x134679AD, s9  }
0xd: {  	s20 =	simm.s32 $0xFFFFFFFE;
	s21 =	simm.s32 $0xF;
	s25 =	simm.s32 $0x0;
	[tilespmem:$0x90] =	vst v1  }
0xe: {  	[tilespmem:$0xA0] =	vst v1;
	[sflag:s7] =	ssyncpa.u1 $0x0;
	s7 =	simm.s32 $0x7;
	s10 =	sshrl.u32 s5, $0x9  }
0xf: {  	s24 =	simm.s32 $0x0;
	[sflag:s7] =	ssyncpa.u1 $0x0;
	s11 =	smul.u32 $0x1A90, s10  }
0x10: {  	s14 =	sshllo.u32 s6, $0x1;
	[sflag:s8] =	ssyncpa.u1 $0x0;
	s23 =	smov.u32 s3  }
.Ltmp0:
0x11: {  	s1 =	sadd.s32 $0x4BA00, s0;
	p0 =	sne.s32 s9, s11;
	(pc) =	sbr.rel .LBB2_1-.Ltmp0, $4  }
0x12: {  	s5 =	sadd.s32 $0x5000, s0;
	s0 =	sadd.s32 $0xA400, s0;
	s2 =	simm.s32 @!p0 $0x0  }
0x13: {  	[sflag:s31] =	ssyncpa.u1 $0x0;
	[dreg:$0x2] =	wrdreg s0;
	s9 =	sadd.s32 s2, s10  }
0x14: {  	vm0 =	vmmov $0xffff;
	v2 =	vlaneseq.u32;
	p0 =	por $0x0, $0x0;
	s10 =	sshll.u32 s6, $0x1;
	s11 =	sadd.s32 $0x1, s9  }
0x15: {  	vm1 =	vmxor vm1, vm1;
	vm2 =	vmmov $0x1;
	vm3 =	vcmask $0x3F3C;
	s12 =	sadd.s32 $0x2, s9;
	s13 =	sor.u32 $0x81, s10;
	s15 =	sor.u32 $0x80, s10  }
.LBB2_9:
0x16: {  	p1 =	slt.u32 s24, $0x3  }
0x17: {  	s0 =	simm.s32 @!p1 $0x2  }
0x18: {  	_ =	swait.ge @!p1 [sflag:s0], $0x1A90  }
0x19: {  	[sflag:s0] =	ssyncset.done @!p1 $0x0  }
0x1a: {  	[sflag:s0] =	ssyncadd.s32 @!p1 $0xFFFFE570;
	s0 =	simm.s32 @!p1 $0x9  }
0x1b: {  	_ =	swait.ge @!p1 [sflag:s0], $0x10  }
0x1c: {  	[sflag:s0] =	ssyncset.done @!p1 $0x0  }
0x1d: {  	[sflag:s0] =	ssyncadd.s32 @!p1 $0xFFFFFFF0;
	p1 =	sne.s32 s24, s12  }
.Ltmp1:
0x1e: {  	s2 =	sadd.s32 $0x1A90, s23;
	(pc) =	sbr.rel @!p1 .LBB2_10-.Ltmp1, $4  }
0x1f: {  	s6 =	smov.u32 s3;
	s31 =	sadd.s32 $0x1, s24;
	s17 =	sadd.s32 $0x1A90, s17  }
0x20: {  	s18 =	sadd.s32 $0x1, s18;
	s25 =	smov.u32 s23;
	p2 =	slt.s32 s2, s4  }
0x21: {  	p0 =	por !p0, !p0;
	s19 =	sadd.s32 $0x1A90, s19;
	s6 =	smov.u32 @p2 s2  }
0x22: {  	s20 =	sadd.s32 $0x1, s20;
	s23 =	smov.u32 s6;
	s24 =	smov.u32 s31  }
.LBB2_1:
0x23: {  	p1 =	sge.u32 s24, s9  }
0x24: {  	s0 =	smulhi.u32 @!p1 $0xAAAAAAAB, s24;
	_ =	sdelay $0x1  }
0x25: {  	s0 =	sshrl.u32 @!p1 s0, $0x1  }
0x26: {  	s0 =	smul.u32 @!p1 $0x3, s0;
	_ =	sdelay $0x1  }
0x27: {  	s0 =	ssub.s32 @!p1 s24, s0  }
0x28: {  	s0 =	smul.u32 @!p1 $0x6A40, s0;
	_ =	sdelay $0x1  }
0x29: {  	s2 =	sshrl.u32 @!p1 s23, $0x3;
	s0 =	sshrl.u32 @!p1 s0, $0x2  }
0x2a: {  	s22 =	sand.u32 @!p1 $0x7, s23;
	s2 =	sadd.s32 @!p1 s5, s2;
	s0 =	sadd.s32 @!p1 $0x100, s0  }
0x2b: {  	[tilespmem:s0], [sflag:$0x7] =	stream.linear.gather @!p1 [hbm4b:s2+s22], $0x1A90, $0x38;
	[tilespmem:$0xF030] =	vst v63  }
0x2c: {  	s0 =	sadd.s32 $0xFFFFFFFF, s24  }
0x2d: {  	p1 =	sge.u32 s0, s9  }
.Ltmp2:
0x2e: {  	_ = 	snop;
	(pc) =	sbr.rel @p1 .LBB2_5-.Ltmp2, $1  }
0x2f: {  	_ =	sdelay $0x3  }
0x30: {  	s2 =	smulhi.u32 $0xAAAAAAAB, s0;
	_ =	sdelay $0x1  }
0x31: {  	s2 =	sshrl.u32 s2, $0x1  }
0x32: {  	s2 =	smul.u32 $0x3, s2;
	_ =	sdelay $0x1  }
0x33: {  	s2 =	ssub.s32 s0, s2  }
0x34: {  	s2 =	smul.u32 $0x6A40, s2  }
0x35: {  	_ =	swait.ge [sflag:s7], $0x1A90  }
0x36: {  	[sflag:s7] =	ssyncset.done $0x0;
	s2 =	sshrl.u32 s2, $0x2  }
0x37: {  	[sflag:s7] =	ssyncadd.s32 $0xFFFFE570;
	(ifvalue) =	ssetifvalue $0xFFFFFFFF;
	v3 =	vld.msk [tilespmem:s2+$0x100 ss:$0x1], $0xffff;
	_ =	sdelay $0x2  }
0x38: {  	s30 =	smulhi.u32 $0xAAAAAAAB, s18;
	p1 =	sne.s32 s24, $0x1  }
0x39: {  	v4 =	vimm.s32 @!p1 $0x0  }
0x3a: {  	s2 =	sshrl.u32 s30, $0x1;
	v4 =	vperm.xlane @!p1 v3, v4  }
0x3b: {  	s22 =	sshll.u32 s24, $0x4;
	s2 =	smul.u32 $0xFFFEC140, s2;
	vm4 =	vlt.u32 v3, $0x2800  }
0x3c: {  	s22 =	sand.u32 $0x10, s22;
	v3 =	vnsel vm4, $0xFFFFFFFE, v3;
	vm4 =	vlt.u32 @!p1 v4, $0x2800  }
0x3d: {  	s2 =	sshra.s32 s2, $0x2;
	[tilespmem:s22+$0x60] =	vst v3;
	v3 =	vnsel @!p1 vm4, $0xFFFFFFFE, v4  }
0x3e: {  	s28 =	sadd.s32 s2, s17;
	[tilespmem:$0x80] =	vst @!p1 v3  }
0x3f: {  	v3 =	vld.msk [tilespmem:s28+$0x0 ss:$0x1], $0xffff;
	_ =	sdelay $0x4  }
0x40: {  	(xrf1) =	vunique.msk.u32 $0xffff, v3;
	_ =	sdelay $0xd  }
0x41: {  	v4 =	vimm.s32 $0xFFFFFFFF;
	v5, _, _ =	vpop (xrf1)  }
0x42: {  	vm5 =	vne.s32 v3, v4;
	vm4 =	veq.s32 v5, v2  }
0x43: {  	vm6 =	vlt.u32 v3, $0x2800;
	vm4 =	vmand vm5, vm4  }
0x44: {  	vm4 =	vmand vm6, vm4  }
0x45: {  	v4 =	vnsel vm4, $0xFFFFFFFF, v3  }
0x46: {  	s31 =	sand.u32 $0x1, s0  }
0x47: {  	s0 =	simm.s32 $0x1A90;
	p1 =	seq.s32 s31, $0x1  }
0x48: {  	s0 =	simm.s32 @!p1 $0x0  }
0x49: {  	s26 =	sadd.s32 $0x6B30, s0;
	(ifvalue) =	ssetifvalue $0xFFFFFFFF  }
0x4a: {  	v3 =	vperm.xlane v3, v1;
	[tilespmem:s26], [sflag:$0x8] =	stream.indirect_vreg.gather [hbm4b:s1+s16], $0x1, v4, vm0, $0x4038;
	v4 =	vnsel vm6, $0xFFFFFFFE, v4;
	[tilespmem:$0xF030] =	vst v63  }
0x4b: {  	s2 =	simm.s32 $0x0;
	s22 =	sadd.s32 $0xFFFFFFF0, s28;
	[tilespmem:s28+$0x0] =	vst v4  }
.LBB2_3:
0x4c: {  	v4 =	vld.msk [tilespmem:s22+$0x0 ss:$0x1], $0xffff;
	s2 =	sadd.s32 $0x10, s2;
	v5 =	vmov v3;
	s28 =	smov.u32 s22  }
0x4d: {  	p1 =	slt.u32 s2, $0x1A80;
	_ =	sdelay $0x4  }
0x4e: {  	v3 =	vperm.xlane v4, v1;
	(xrf1) =	vunique.msk.u32 $0xffff, v4;
	_ =	sdelay $0xd  }
0x4f: {  	v6, _, _ =	vpop (xrf1)  }
0x50: {  	vm5 =	vne.s32 v4, v5;
	vm4 =	veq.s32 v6, v2  }
0x51: {  	vm6 =	vlt.u32 v4, $0x2800;
	vm4 =	vmand vm5, vm4  }
0x52: {  	vm4 =	vmand vm6, vm4  }
0x53: {  	v4 =	vnsel vm4, $0xFFFFFFFF, v4  }
.Ltmp3:
0x54: {  	v5 =	vnsel vm6, $0xFFFFFFFE, v4;
	(pc) =	sbr.rel @p1 .LBB2_3-.Ltmp3, $3  }
0x55: {  	_ =	sdelay $0x1  }
0x56: {  	s22 =	sadd.s32 $0xFFFFFFF0, s22;
	s26 =	sadd.s32 $0xFFFFFFF0, s26;
	(ifvalue) =	ssetifvalue $0xFFFFFFFF  }
0x57: {  	[tilespmem:s26], [sflag:$0x8] =	stream.indirect_vreg.gather [hbm4b:s1+s16], $0x1, v4, vm0, $0x4038;
	[tilespmem:s28+$0x0] =	vst v5  }
0x58: {  	s2 =	sshrl.u32 s25, $0x3;
	s6 =	rddreg [dreg:$0x2]  }
0x59: {  	s0 =	sadd.s32 $0x85D0, s0;
	s2 =	sadd.s32 s6, s2  }
0x5a: {  	[tilespmem:s0], [sflag:$0x8] =	stream.linear.gather [hbm:s2], $0x1A90, $0x38;
	[tilespmem:$0xF030] =	vst v63  }
.LBB2_5:
0x5b: {  	p1 =	slt.u32 s24, $0x2  }
0x5c: {  	p2 =	sge.u32 @!p1 s24, s12  }
0x5d: {  	p1 =	por p1, p2  }
.Ltmp4:
0x5e: {  	_ = 	snop;
	(pc) =	sbr.rel @p1 .LBB2_9-.Ltmp4, $1  }
0x5f: {  	_ =	sdelay $0x3  }
0x60: {  	s0 =	sadd.s32 $0xFFFFFFFE, s24  }
0x61: {  	s2 =	smulhi.u32 $0xAAAAAAAB, s0;
	_ =	sdelay $0x1  }
0x62: {  	s2 =	sshrl.u32 s2, $0x1  }
0x63: {  	s2 =	smul.u32 $0x3, s2;
	_ =	sdelay $0x1  }
0x64: {  	s0 =	ssub.s32 s0, s2  }
0x65: {  	_ =	swait.ge [sflag:s8], $0x3520;
	s0 =	smul.u32 $0x1A90, s0  }
0x66: {  	p1 =	sne.s32 s24, s11;
	[sflag:s8] =	ssyncset.done $0x0  }
0x67: {  	[sflag:s8] =	ssyncadd.s32 $0xFFFFCAE0;
	s2 =	sadd.s32 @!p1 $0x1B8F, s0  }
0x68: {  	[spmem:s13] =	stream.linear.scatter @!p1 [tilespmem:s2], [sflag:$0x1], $0x1, $0x38;
	[tilespmem:$0xF030] =	vst v63  }
0x69: {  	s2 =	simm.s32 @!p1 $0x1  }
0x6a: {  	_ =	swait.ge @!p1 [sflag:s2], $0x1  }
0x6b: {  	s22 =	sshll.u32 s24, $0x4;
	[sflag:s2] =	ssyncset.done @!p1 $0x0  }
0x6c: {  	s25 =	sand.u32 $0x10, s22;
	[sflag:s2] =	ssyncadd.s32 @!p1 $0xFFFFFFFF  }
0x6d: {  	s2 =	sxor.u32 $0x10, s25;
	v4 =	vld [tilespmem:s25+$0x10]  }
0x6e: {  	v5 =	vld [tilespmem:s2+$0x60]  }
0x6f: {  	v3 =	vld [tilespmem:$0x80];
	_ =	sdelay $0x2  }
0x70: {  	(v2sf) =	vpush v4, $0x0  }
0x71: {  	(v2sf) =	vpush v5, $0x0  }
0x72: {  	(v2sf) =	vpush v3, $0x0;
	_ =	sdelay $0xc  }
0x73: {  	s6 =	spop (v2sf)  }
0x74: {  	s28 =	spop (v2sf)  }
0x75: {  	s26 =	spop (v2sf)  }
0x76: {  	p2 =	seq.s32 s6, s28;
	p3 =	seq.s32 s26, s6  }
0x77: {  	p3 =	por p2, p3  }
0x78: {  	s6 =	sand.u32 $0x1, s24;
	v4 =	vpsel p3, $0xFFFFFFFF, v4  }
0x79: {  	s28 =	smul.u32 $0x1A90, s6;
	[tilespmem:s25+$0x10] =	vst.msk $0x1, v4  }
0x7a: {  	v4 =	vld [tilespmem:$0x30]  }
0x7b: {  	v5 =	vld [tilespmem:s28+$0x85D0]  }
0x7c: {  	v6 =	vld [tilespmem:s25+$0x40];
	_ =	sdelay $0x3  }
0x7d: {  	vm4 =	vmmov vm1;
	v5 =	vadd.f32 v5, v4  }
0x7e: {  	vm5 =	vmmov vm2;
	vm4 =	vmmov @p2 vm2;
	v4 =	vadd.f32 v6, v4  }
0x7f: {  	s22 =	sshll.u32 s6, $0x4;
	vm5 =	vmmov @p3 vm1;
	[tilespmem:s28+$0x85D0] =	vst.msk vm4, v5  }
0x80: {  	[tilespmem:s22+$0xF010] =	vst.msk vm5, v4  }
0x81: {  	v4 =	vld [tilespmem:s28+$0x6B30];
	_ =	sdelay $0x3  }
0x82: {  	v5 =	vimm.f32 $0.0e+00  }
0x83: {  	v4 =	vshift.insert v4, v5, s21  }
0x84: {  	s29 =	sor.u32 $0x40, s2  }
0x85: {  	[tilespmem:s29+$0x0] =	vst.msk $0x1, v4  }
0x86: {  	[tilespmem:s28+$0x6B3F] =	vst.msk $0x1, v5  }
0x87: {  	v4 =	vld [tilespmem:s0+$0x1B80];
	_ =	sdelay $0x1  }
0x88: {  	s29 =	smulhi.u32 $0xAAAAAAAB, s20;
	s0 =	simm.s32 $0x1  }
0x89: {  	s0 =	simm.s32 @!p0 $0x0  }
0x8a: {  	s29 =	sshrl.u32 s29, $0x1;
	s0 =	smul.u32 $0x6A40, s0  }
0x8b: {  	s29 =	smul.u32 $0xFFFEC140, s29;
	v4 =	vshift.insert v4, v1, s21  }
0x8c: {  	s0 =	sshrl.u32 s0, $0x2  }
0x8d: {  	s29 =	sshra.s32 s29, $0x2;
	s30 =	sadd.s32 $0x85D0, s0;
	[tilespmem:s2+$0x10] =	vst.msk $0x1, v4  }
0x8e: {  	s6 =	sadd.s32 s29, s19;
	v6 =	vld [tilespmem:s30+$0x0]  }
0x8f: {  	v7 =	vld [tilespmem:s6+$0x0];
	_ =	sdelay $0x3  }
0x90: {  	v5 =	vadd.f32 v6, v5  }
0x91: {  	vm4 =	vne.s32 v7, $0xFFFFFFFF  }
0x92: {  	(xrf2) =	vadd.seg.scan.f32 vm4, v5;
	_ =	sdelay $0x3  }
0x93: {  	s31 =	sadd.s32 $0x50B0, s0;
	v5 =	vperm.xlane v4, v1  }
0x94: {  	v6 =	vld [tilespmem:s31+$0x0]  }
0x95: {  	vm5 =	veq.s32 v7, v3;
	vm6 =	veq.s32 v7, v5  }
0x96: {  	vm7 =	vgt.u32 v7, $0xFFFFFFFD;
	vm6 =	vmor vm6, vm5  }
0x97: {  	vm6 =	vmor vm6, vm7  }
0x98: {  	v9 =	vld [tilespmem:$0xA0];
	v7 =	vsel vm6, $0xFFFFFFFF, v7  }
0x99: {  	v10 =	vld [tilespmem:$0x90];
	v6 =	vsel vm5, $0x0, v6;
	v8, _, _ =	vpop (xrf2)  }
0x9a: {  	v6 =	vadd.f32 v8, v6  }
0x9b: {  	s0 =	sadd.s32 $0xBAF0, s0  }
0x9c: {  	vm4 =	vmand vm4, vm3;
	[tilespmem:s0+$0x0] =	vst v6;
	(ifvalue) =	ssetifvalue $0xFFFFFFFF  }
0x9d: {  	vm6 =	veq.s32 v9, $0x1;
	[hbm4b:s1+s16] =	stream.indirect_vreg.scatter [tilespmem:s0], [sflag:$0x2], $0x1, v7, vm0, $0x4038;
	v7 =	vsel vm4, $0x0, v8;
	[tilespmem:$0xF030] =	vst v63  }
0x9e: {  	s29 =	sadd.s32 $0xF010, s22;
	s22 =	sadd.s32 $0x10, s6;
	s2 =	simm.s32 $0x0;
	vm4 =	vmor vm6, vm5;
	v6 =	vsel vm5, v8, v10;
	v7 =	vshift.insert v7, v0, s21  }
.LBB2_7:
0x9f: {  	v8 =	vld [tilespmem:s22+$0x0];
	s30 =	sadd.s32 $0x10, s30  }
0xa0: {  	s31 =	sadd.s32 $0x10, s31;
	v9 =	vld [tilespmem:s30+$0x0]  }
0xa1: {  	s2 =	sadd.s32 $0x10, s2;
	v10 =	vld [tilespmem:s31+$0x0]  }
0xa2: {  	p2 =	slt.u32 s2, $0x1A80;
	_ =	sdelay $0x2  }
0xa3: {  	v7 =	vadd.f32 v9, v7  }
0xa4: {  	vm5 =	vne.s32 v8, $0xFFFFFFFF  }
0xa5: {  	vm6 =	vmand vm5, vm3;
	(xrf2) =	vadd.seg.scan.f32 vm5, v7;
	_ =	sdelay $0x5  }
0xa6: {  	vm7 =	veq.s32 v8, v5;
	vm5 =	veq.s32 v8, v3  }
0xa7: {  	vm8 =	vgt.u32 v8, $0xFFFFFFFD;
	vm4 =	vmor vm4, vm5;
	vm7 =	vmor vm7, vm5  }
0xa8: {  	vm7 =	vmor vm7, vm8  }
0xa9: {  	v8 =	vsel vm7, $0xFFFFFFFF, v8  }
.Ltmp5:
0xaa: {  	v7 =	vsel vm5, $0x0, v10;
	v9, _, _ =	vpop (xrf2);
	(pc) =	sbr.rel @p2 .LBB2_7-.Ltmp5, $4  }
0xab: {  	v6 =	vsel vm5, v9, v6;
	v10 =	vadd.f32 v9, v7;
	v7 =	vsel vm6, $0x0, v9  }
0xac: {  	s0 =	sadd.s32 $0x10, s0;
	v7 =	vshift.insert v7, v0, s21  }
0xad: {  	s22 =	sadd.s32 $0x10, s22;
	[tilespmem:s0+$0x0] =	vst v10;
	(ifvalue) =	ssetifvalue $0xFFFFFFFF  }
0xae: {  	[hbm4b:s1+s16] =	stream.indirect_vreg.scatter [tilespmem:s0], [sflag:$0x2], $0x1, v8, vm0, $0x4038;
	[tilespmem:$0xF030] =	vst v63  }
0xaf: {  	v3 =	vld [tilespmem:s28+$0xD570];
	_ =	sdelay $0x4  }
0xb0: {  	v3 =	vshift.insert v3, v0, s21  }
0xb1: {  	s0 =	simm.s32 $0x30  }
0xb2: {  	[tilespmem:s0+$0x0] =	vst.msk $0x1, v3  }
0xb3: {  	v3 =	vsel vm4, $0x1, v1;
	[tilespmem:$0x90] =	vst v6  }
0xb4: {  	s0 =	sadd.s32 @!p1 $0xD57F, s28;
	[tilespmem:$0xA0] =	vst v3  }
0xb5: {  	[spmem:s14] =	stream.linear.scatter @!p1 [tilespmem:s0], [sflag:$0x1], $0x1, $0x38;
	[tilespmem:$0xF030] =	vst v63  }
0xb6: {  	s0 =	simm.s32 @!p1 $0x1  }
0xb7: {  	v3 =	vmctz.xlane @!p1 vm4;
	_ =	swait.ge @!p1 [sflag:s0], $0x1  }
0xb8: {  	(v2sf) =	vpush @!p1 v4, $0x0  }
0xb9: {  	(v2sf) =	vpush @!p1 v3, $0x0;
	_ =	sdelay $0xd  }
0xba: {  	s2 =	spop @!p1 (v2sf)  }
0xbb: {  	s6 =	spop @!p1 (v2sf)  }
0xbc: {  	p2 =	sne.s32 @!p1 s26, s2;
	p3 =	slt.s32 @!p1 s6, $0xF  }
0xbd: {  	[sflag:s0] =	ssyncset.done @!p1 $0x0;
	p2 =	por p2, p1;
	p3 =	por !p3, p1  }
0xbe: {  	[sflag:s0] =	ssyncadd.s32 @!p1 $0xFFFFFFFF;
	v3 =	vimm.s32 @!p2 $0xFFFFFFFF;
	s6 =	simm.s32 @p3 $0xF  }
0xbf: {  	[tilespmem:$0x80] =	vst @!p2 v3;
	s2 =	sadd.s32 @!p1 $0x90, s6  }
0xc0: {  	[spmem:s10] =	stream.linear.scatter @!p1 [tilespmem:s2], [sflag:$0x1], $0x1, $0x38;
	[tilespmem:$0xF030] =	vst v63  }
0xc1: {  	_ =	swait.ge @!p1 [sflag:s0], $0x1  }
0xc2: {  	[sflag:s0] =	ssyncset.done @!p1 $0x0  }
0xc3: {  	s2 =	simm.s32 @!p1 $0x80;
	[sflag:s0] =	ssyncadd.s32 @!p1 $0xFFFFFFFF  }
0xc4: {  	[spmem:s15] =	stream.linear.scatter @!p1 [tilespmem:s2], [sflag:$0x1], $0x1, $0x38;
	[tilespmem:$0xF030] =	vst v63  }
0xc5: {  	_ =	swait.ge @!p1 [sflag:s0], $0x1  }
0xc6: {  	[sflag:s0] =	ssyncset.done @!p1 $0x0  }
0xc7: {  	[sflag:s0] =	ssyncadd.s32 @!p1 $0xFFFFFFFF;
	(ifvalue) =	ssetifvalue $0xFFFFFFFF;
	v3 =	vld [tilespmem:s25+$0x10];
	_ =	sdelay $0x3  }
.Ltmp6:
0xc8: {  	_ = 	snop;
	(pc) =	sbr.rel .LBB2_9-.Ltmp6, $3  }
0xc9: {  	_ =	sdelay $0x1  }
0xca: {  	(ifvalue) =	ssetifvalue $0xFFFFFFFF  }
0xcb: {  	[hbm4b:s1+s16] =	stream.indirect_vreg.scatter [tilespmem:s29], [sflag:$0x9], $0x1, v3, vm0, $0x4038;
	[tilespmem:$0xF030] =	vst v63  }
.LBB2_10:
0xcc: {  	_ =	sfence.sel $0x180000  }
0xcd: {  	s0 =	simm.s32 $0x7;
	[bflag:$0x0] =	sbarrier.arrive $0xFFFF  }
0xce: {  	s26 =	simm.s32 $0x8;
	[sflag:s0] =	ssyncpa.u1 $0x1  }
0xcf: {  	s28 =	simm.s32 $0x9;
	[sflag:s26] =	ssyncpa.u1 $0x1  }
0xd0: {  	[sflag:s28] =	ssyncpa.u1 $0x1  }
0xd1: {  	_ =	sfence.stream.spmem  }
0xd2: {  	s29 =	simm.s32 $0x3;
	[bflag:$0x0] =	sbarrier.arrive $0xFFFF  }
0xd3: {  	s30 =	simm.s32 $0x4;
	[sflag:s29] =	ssyncpa.u1 $0x1  }
0xd4: {  	s31 =	simm.s32 $0x3C;
	s2 =	stileid.u32;
	[sflag:s30] =	ssyncpa.u1 $0x1  }
0xd5: {  	p0 =	sne.s32 s2, $0x0;
	[sflag:s31] =	ssyncpa.u1 $0x1  }
0xd6: {  	s0 =	simm.s32 @p0 $0x1;
	_ =	sfence @p0  }
0xd7: {  	[sflag:s0] =	ssyncpa.u1 @p0 $0x1;
	s0 =	simm.s32 @p0 $0x2  }
0xd8: {  	[sflag:s0] =	ssyncpa.u1 @p0 $0x1  }
0xd9: {  	_ =	strace @p0 $0x90000047  }
0xda: {  	[bflag:$0x2] =	sbarrier.arrive @p0 $0xFFFF  }
0xdb: {  	_ =	shalt @p0  }
.LBB2_11:
0xdc: {  	_ =	sfence.stream.spmem;
	s0 =	simm.s32 $0x5  }
0xdd: {  	s2 =	simm.s32 $0x80;
	s3 =	simm.s32 $0xC0;
	[sflag:s0] =	ssyncpa.u1 $0x0  }
0xde: {  	[tilespmem:s3], [sflag:$0x5] =	stream.linear.gather [spmem:s2], $0x20, $0x38;
	[tilespmem:$0xF030] =	vst v63  }
0xdf: {  	s2 =	simm.s32 $0x0;
	s3 =	simm.s32 $0xE0  }
0xe0: {  	[tilespmem:s3], [sflag:$0x5] =	stream.linear.gather [spmem:s2], $0x20, $0x38;
	[tilespmem:$0xF030] =	vst v63  }
.Ltmp7:
0xe1: {  	_ = 	snop;
	(pc) =	sbr.rel .LBB2_12-.Ltmp7, $4  }
0xe2: {  	_ =	swait.ge [sflag:s0], $0x40  }
0xe3: {  	[sflag:s0] =	ssyncset.done $0x0  }
0xe4: {  	s31 =	simm.s32 $0x6;
	[sflag:s0] =	ssyncadd.s32 $0xFFFFFFC0  }
0xe5: {  	s4 =	simm.s32 $0x0;
	[sflag:s31] =	ssyncpa.u1 $0x0  }
.LBB2_17:
0xe6: {  	p0 =	sgt.u32 s5, $0x27FF  }
0xe7: {  	s0 =	sshrl.u32 @!p0 s5, $0x3  }
0xe8: {  	s5 =	sand.u32 @!p0 $0x7, s5;
	s6 =	simm.s32 @!p0 $0xB0;
	s0 =	sadd.s32 @!p0 s1, s0  }
0xe9: {  	[tilespmem:s6], [sflag:$0x6] =	stream.linear.gather @!p0 [hbm4b:s0+s5], $0x1, $0x38;
	[tilespmem:$0xF030] =	vst v63  }
0xea: {  	s0 =	simm.s32 @!p0 $0x6  }
0xeb: {  	_ =	swait.ge @!p0 [sflag:s0], $0x1  }
0xec: {  	[sflag:s0] =	ssyncset.done @!p0 $0x0  }
0xed: {  	[sflag:s0] =	ssyncadd.s32 @!p0 $0xFFFFFFFF  }
0xee: {  	v2 =	vmov @!p0 s4;
	v1 =	vld.msk @!p0 [tilespmem:$0xB0], $0x1;
	_ =	sdelay $0x3  }
0xef: {  	s0 =	simm.s32 @!p0 $0xE0  }
0xf0: {  	[tilespmem:v2+s0+$0x0], v1 =	vst.idx.ret.add.f32.msk @!p0 $0x1, v1  }
0xf1: {  	[tilespmem:s2+$0xC0] =	vst.msk $0x1, v0  }
0xf2: {  	v0 =	vld.msk [tilespmem:s4+$0xE0], $0x1;
	_ =	sdelay $0x4  }
0xf3: {  	[tilespmem:s2+$0xE0] =	vst.msk $0x1, v0;
	s2 =	sadd.s32 $0x1, s2  }
.LBB2_19:
0xf4: {  	s4 =	sadd.s32 $0x1, s4  }
0xf5: {  	p0 =	sne.s32 s4, $0x20  }
.Ltmp8:
0xf6: {  	_ = 	snop;
	(pc) =	sbr.rel @!p0 .LBB2_20-.Ltmp8, $1  }
0xf7: {  	_ =	sdelay $0x3  }
.LBB2_12:
0xf8: {  	v0 =	vld.msk [tilespmem:s4+$0xC0], $0x1;
	_ =	sdelay $0x4  }
0xf9: {  	(v2sf) =	vpush v0, $0x0;
	_ =	sdelay $0xe  }
0xfa: {  	s5 =	spop (v2sf)  }
0xfb: {  	p0 =	seq.s32 s5, $0xFFFFFFFF  }
.Ltmp9:
0xfc: {  	_ = 	snop;
	(pc) =	sbr.rel @p0 .LBB2_19-.Ltmp9, $1  }
0xfd: {  	_ =	sdelay $0x3  }
0xfe: {  	p0 =	slt.s32 s2, $0x1  }
.Ltmp10:
0xff: {  	_ = 	snop;
	(pc) =	sbr.rel @p0 .LBB2_17-.Ltmp10, $1  }
0x100: {  	_ =	sdelay $0x3  }
0x101: {  	s0 =	simm.s32 $0xC0;
	p0 =	por $0x0, $0x0  }
0x102: {  	v1 =	vld.msk @!p0 [tilespmem:s0+$0x0], $0x1;
	_ =	sdelay $0x4  }
0x103: {  	(v2sf) =	vpush @!p0 v1, $0x0;
	_ =	sdelay $0xd  }
0x104: {  	p2 =	sne.s32 s2, $0x1  }
.Ltmp11:
0x105: {  	s6 =	spop @!p0 (v2sf);
	(pc) =	sbr.rel @!p2 .LBB2_16-.Ltmp11, $4  }
0x106: {  	p1 =	seq.s32 @!p0 s5, s6  }
0x107: {  	s6 =	simm.s32 $0x0;
	p1 =	por !p1, p0  }
0x108: {  	s8 =	simm.s32 $0xFFFFFFFF;
	s6 =	simm.s32 @p1 $0xFFFFFFFF  }
0x109: {  	s7 =	simm.s32 $0x1;
	s6 =	smov.u32 @p0 s8  }
.LBB2_15:
0x10a: {  	s8 =	smov.u32 s6;
	p0 =	sne.s32 s6, $0xFFFFFFFF  }
0x10b: {  	s0 =	sadd.s32 $0x1, s0;
	s6 =	smov.u32 s7;
	s7 =	sadd.s32 $0x1, s7  }
0x10c: {  	p1 =	sne.s32 s2, s7;
	v1 =	vld.msk @!p0 [tilespmem:s0+$0x0], $0x1;
	_ =	sdelay $0x4  }
0x10d: {  	(v2sf) =	vpush @!p0 v1, $0x0;
	_ =	sdelay $0xe  }
.Ltmp12:
0x10e: {  	s9 =	spop @!p0 (v2sf);
	(pc) =	sbr.rel @p1 .LBB2_15-.Ltmp12, $4  }
0x10f: {  	p2 =	seq.s32 @!p0 s5, s9  }
0x110: {  	p2 =	por !p2, p0  }
0x111: {  	s6 =	simm.s32 @p2 $0xFFFFFFFF  }
0x112: {  	s6 =	smov.u32 @p0 s8  }
.LBB2_16:
0x113: {  	p0 =	sne.s32 s6, $0xFFFFFFFF  }
.Ltmp13:
0x114: {  	_ = 	snop;
	(pc) =	sbr.rel @!p0 .LBB2_17-.Ltmp13, $1  }
0x115: {  	_ =	sdelay $0x3  }
0x116: {  	v0 =	vld.msk [tilespmem:s4+$0xE0], $0x1;
	v1 =	vmov s6  }
.Ltmp14:
0x117: {  	_ = 	snop;
	(pc) =	sbr.rel .LBB2_19-.Ltmp14, $2  }
0x118: {  	_ =	sdelay $0x2  }
0x119: {  	[tilespmem:v1+s3+$0x0], v0 =	vst.idx.ret.add.f32.msk $0x1, v0  }
.LBB2_20:
0x11a: {  	p0 =	slt.s32 s2, $0x1  }
.Ltmp15:
0x11b: {  	_ = 	snop;
	(pc) =	sbr.rel @p0 .LBB2_24-.Ltmp15, $3  }
0x11c: {  	_ =	sdelay $0x1  }
0x11d: {  	s0 =	simm.s32 $0x6  }
0x11e: {  	s3 =	simm.s32 $0x0;
	[sflag:s0] =	ssyncpa.u1 $0x1  }
0x11f: {  	s0 =	simm.s32 $0xC0  }
0x120: {  	v0 =	vld.msk [tilespmem:s0+$0x0], $0x1;
	_ =	sdelay $0x4  }
0x121: {  	(v2sf) =	vpush v0, $0x0;
	_ =	sdelay $0xe  }
0x122: {  	s2 =	sadd.s32 $0xFFFFFFFF, s2;
	s4 =	spop (v2sf)  }
0x123: {  	p1 =	sne.s32 s2, $0x0;
	p0 =	sgt.u32 s4, $0x27FF  }
.Ltmp16:
0x124: {  	s5 =	sshrl.u32 @!p0 s4, $0x3;
	(pc) =	sbr.rel @!p1 .LBB2_23-.Ltmp16, $4  }
0x125: {  	s0 =	simm.s32 $0xE0;
	s4 =	sand.u32 @!p0 $0x7, s4;
	s5 =	sadd.s32 @!p0 s1, s5  }
0x126: {  	[hbm4b:s5+s4] =	stream.linear.scatter @!p0 [tilespmem:s0], [sflag:$0x5], $0x1, $0x38;
	[tilespmem:$0xF030] =	vst v63  }
0x127: {  	s5 =	simm.s32 $0x0  }
0x128: {  	s4 =	simm.s32 $0xC1;
	s5 =	simm.s32 @!p0 $0x4  }
.LBB2_22:
0x129: {  	v0 =	vld.msk [tilespmem:s4+$0x0], $0x1;
	s2 =	sadd.s32 $0xFFFFFFFF, s2;
	s3 =	sadd.s32 s3, s5  }
0x12a: {  	p0 =	sne.s32 s2, $0x0;
	_ =	sdelay $0x3  }
0x12b: {  	(v2sf) =	vpush v0, $0x0;
	_ =	sdelay $0xe  }
.Ltmp17:
0x12c: {  	s6 =	spop (v2sf);
	(pc) =	sbr.rel @p0 .LBB2_22-.Ltmp17, $4  }
0x12d: {  	s5 =	simm.s32 $0x0;
	p1 =	sgt.u32 s6, $0x27FF  }
0x12e: {  	s0 =	sadd.s32 $0x1, s0;
	s5 =	simm.s32 @!p1 $0x4;
	s7 =	sshrl.u32 @!p1 s6, $0x3  }
0x12f: {  	s4 =	sadd.s32 $0x1, s4;
	s6 =	sand.u32 @!p1 $0x7, s6;
	s7 =	sadd.s32 @!p1 s1, s7  }
0x130: {  	[hbm4b:s7+s6] =	stream.linear.scatter @!p1 [tilespmem:s0], [sflag:$0x5], $0x1, $0x38;
	[tilespmem:$0xF030] =	vst v63  }
.LBB2_23:
0x131: {  	s0 =	sadd.s32 s3, s5  }
0x132: {  	s3 =	sshrl.u32 s0, $0x2  }
.LBB2_24:
0x133: {  	s0 =	simm.s32 $0x5  }
0x134: {  	_ =	swait.ge [sflag:s0], s3  }
0x135: {  	s1 =	ssub.s32 $0x0, s3;
	[sflag:s0] =	ssyncset.done $0x0  }
0x136: {  	[sflag:s0] =	ssyncadd.s32 s1  }
0x137: {  	[sflag:s0] =	ssyncpa.u1 $0x1  }
0x138: {  	s29 =	simm.s32 $0x1;
	_ =	sfence  }
0x139: {  	s30 =	simm.s32 $0x2;
	[sflag:s29] =	ssyncpa.u1 $0x1  }
0x13a: {  	[sflag:s30] =	ssyncpa.u1 $0x1  }
0x13b: {  	_ =	strace $0x90000047  }
0x13c: {  	[bflag:$0x2] =	sbarrier.arrive $0xFFFF  }
0x13d: {  	s31 =	rddreg [dreg:$0x1]  }
0x13e: {  	s0 =	sadd.s32 $0x100000, s31  }
0x13f: {  	[sflag:s0] =	ssyncadd.tile.s32 $0x1;
	_ =	shalt  }
.Lfunc_end2:
_tile_overlayer_lowered:
.L_overlay_start_2:
0x140: {  	(tag) =	ssettag $0x2  }
0x141: {  	s0 =	rddreg [dreg:$0x0];
	s2 =	stileid.u32  }
0x142: {  	s1 =	rddreg [dreg:$0x1];
	p0 =	sne.s32 s2, $0x0  }
0x143: {  	s3 =	rddreg [dreg:$0x2];
	[bflag:$0x3] =	sbarrier.arrive $0xFFFF;
	s2 =	simm.s32 @!p0 $0x1C01  }
0x144: {  	[timem:s3], [sflag:s2] =	dma.local @!p0 [hbm:s0], s1  }
0x145: {  	s0 =	simm.s32 @!p0 $0x1  }
0x146: {  	_ =	swait.ge @!p0 [sflag:s0], s1  }
0x147: {  	s1 =	ssub.s32 @!p0 $0x0, s1;
	[sflag:s0] =	ssyncset.done @!p0 $0x0  }
0x148: {  	[sflag:s0] =	ssyncadd.s32 @!p0 s1  }
0x149: {  	[bflag:$0x3] =	sbarrier.arrive $0xFFFF  }
0x14a: {  	_ =	shalt  }

</sc_bundles>
